<compile_context>
chip_gen: v7x
topology: tpu7x:2x2x1
jax: 0.10.2.dev20260603
libtpu: 0.0.44.dev20260713+nightly
codegen_flags: <defaults>
</compile_context>

<pallas_src>
import functools

import jax
import jax.numpy as jnp
from jax import lax
from jax.experimental import pallas as pl
from jax.experimental.pallas import tpu as pltpu
from jax.experimental.pallas import tpu_sc as plsc

B = 8
C = 21
HW = 384 * 384
NPAIR = B * C
KBINS = 2048
BH = 96
NBH = 384 // BH
CHUNK = 16384
NCHUNK = HW // CHUNK
NWORK = 32
PAIRS_PER_W = (NPAIR + NWORK - 1) // NWORK
BHALF = B
NPAIR_H = NPAIR
PAIRS_PER_W_H = PAIRS_PER_W

COEF_CE = 0.6
COEF_IOU = 0.4


def _dense_body(lg_ref, lab_ref, w_ref, ev_ref, ce_ref):
    x = lg_ref[0]
    lab = lab_ref[0]
    cls = lax.broadcasted_iota(jnp.int32, (C, BH, 384), 0)
    onehot = cls == lab
    m = jnp.max(x, axis=0, keepdims=True)
    ex = jnp.exp(x - m)
    z = jnp.sum(ex, axis=0, keepdims=True)
    p = ex * (1.0 / z)
    logz = jnp.log(z) + m
    ev = jnp.where(onehot, p - 1.0, p)
    for t in range(3):
        ev_ref[:, t] = ev[:, :, t * 128:(t + 1) * 128]
    xt = jnp.sum(jnp.where(onehot, x, 0.0), axis=0, keepdims=True)
    wv = jnp.sum(jnp.where(onehot, w_ref[...].reshape(C, 1, 1), 0.0),
                 axis=0, keepdims=True)
    nll = logz - xt
    s0 = jnp.sum(wv * nll)
    s1 = jnp.sum(wv)
    r = lax.broadcasted_iota(jnp.int32, (8, 128), 0)
    l = lax.broadcasted_iota(jnp.int32, (8, 128), 1)
    ce_ref[0, 0] = jnp.where(
        (r == 0) & (l == 0), s0, jnp.where((r == 0) & (l == 1), s1, 0.0))


def _dense_pass(lg4, lab4, w2, b0):
    return pl.pallas_call(
        _dense_body,
        grid=(BHALF, NBH),
        in_specs=[
            pl.BlockSpec((1, C, BH, 384), lambda b, j: (b + b0, 0, j, 0)),
            pl.BlockSpec((1, 1, BH, 384), lambda b, j: (b + b0, 0, j, 0)),
            pl.BlockSpec((C, 1), lambda b, j: (0, 0)),
        ],
        out_specs=[
            pl.BlockSpec((C, 3, BH, 128), lambda b, j: (b, 0, j, 0)),
            pl.BlockSpec((1, 1, 8, 128), lambda b, j: (b, j, 0, 0)),
        ],
        out_shape=[
            jax.ShapeDtypeStruct((NPAIR_H, 3, 384, 128), jnp.float32),
            jax.ShapeDtypeStruct((BHALF, NBH, 8, 128), jnp.float32),
        ],
    )(lg4, lab4, w2)


UNROLL = 16


def _sc_hist_body(ev_hbm, out_hbm, buf0, buf1, eh, dh, stg, sem0, sem1):
    wid = lax.axis_index("s") * 2 + lax.axis_index("c")
    lane = lax.iota(jnp.int32, 16)
    zeros = jnp.zeros((16,), jnp.float32)
    ones = jnp.ones((16,), jnp.float32)
    bufs = (buf0, buf1)
    sems = (sem0, sem1)

    def _copy(pair, c, slot):
        return pltpu.make_async_copy(
            ev_hbm.at[pair, pl.ds(c * CHUNK, CHUNK)], bufs[slot], sems[slot])

    def pair_body(i, carry):
        pair = wid + i * NWORK

        @pl.when(pair < NPAIR_H)
        def _():
            _copy(pair, 0, 0).start()

            def zbody(j, c2):
                for k in range(4):
                    eh[pl.ds(j * 64 + k * 16, 16)] = zeros
                    dh[pl.ds(j * 64 + k * 16, 16)] = zeros
                return c2
            lax.fori_loop(0, KBINS // 64, zbody, 0)

            for c in range(NCHUNK):
                slot = c % 2
                _copy(pair, c, slot).wait()
                if c + 1 < NCHUNK:
                    _copy(pair, c + 1, 1 - slot).start()
                cur = bufs[slot]

                def vbody(j, c2, cur=cur):
                    vs = [cur[pl.ds(j * (16 * UNROLL) + k * 16, 16)]
                          for k in range(UNROLL)]
                    es = [jnp.abs(v) for v in vs]
                    bins = [(e * (KBINS - 0.5)).astype(jnp.int32) for e in es]
                    fgs = [v < 0.0 for v in vs]
                    for k in range(UNROLL):
                        plsc.addupdate_scatter(eh, [bins[k]], es[k])
                        plsc.addupdate_scatter(dh, [bins[k]], ones,
                                               mask=fgs[k])
                    return c2
                lax.fori_loop(0, CHUNK // (16 * UNROLL), vbody, 0)

            def comb_body(j, carry2):
                carry_e, sacc, cacc = carry2
                for k in range(2):
                    e_v = eh[pl.ds(j * 32 + k * 16, 16)]
                    d_v = dh[pl.ds(j * 32 + k * 16, 16)]
                    cum = plsc.cumsum(e_v)
                    cum_ex = carry_e + cum - e_v
                    t = ((j * 32 + k * 16 + lane).astype(jnp.float32) + 0.5) \
                        * (1.0 / (KBINS - 0.5))
                    sacc = sacc + d_v * cum_ex + 0.5 * (d_v * e_v + t * d_v)
                    cacc = cacc + d_v
                    carry_e = carry_e + jnp.sum(e_v)
                return carry_e, sacc, cacc

            _, sacc, cacc = lax.fori_loop(
                0, KBINS // 32, comb_body, (0.0, zeros, zeros))
            total = jnp.sum(sacc)
            cnt = jnp.sum(cacc)
            stg[...] = jnp.where(lane == 0, total,
                                 jnp.where(lane == 1, cnt, 0.0))
            pltpu.sync_copy(stg, out_hbm.at[pair])
        return carry

    lax.fori_loop(0, PAIRS_PER_W_H, pair_body, 0)


@functools.cache
def _sc_hist():
    mesh = plsc.VectorSubcoreMesh(
        core_axis_name="c", subcore_axis_name="s",
        num_cores=2, num_subcores=16)
    return pl.kernel(
        _sc_hist_body,
        out_type=jax.ShapeDtypeStruct((NPAIR_H, 16), jnp.float32),
        mesh=mesh,
        compiler_params=pltpu.CompilerParams(needs_layout_passes=False),
        scratch_types=[
            pltpu.VMEM((CHUNK,), jnp.float32),
            pltpu.VMEM((CHUNK,), jnp.float32),
            pltpu.VMEM((KBINS,), jnp.float32),
            pltpu.VMEM((KBINS,), jnp.float32),
            pltpu.VMEM((16,), jnp.float32),
            pltpu.SemaphoreType.DMA,
            pltpu.SemaphoreType.DMA,
        ],
    )


def kernel(logits, target, weight):
    lab4 = target.astype(jnp.int32)
    w2 = weight.reshape(C, 1)
    ev, ce = _dense_pass(logits, lab4, w2, 0)
    parts = _sc_hist()(ev.reshape(NPAIR, HW))
    totals = parts[:, 0].reshape(B, C)
    cnts = parts[:, 1].reshape(B, C)
    loss_bc = totals / jnp.maximum(cnts, 1.0)
    per_class = jnp.mean(loss_bc, axis=0) / float(B * HW)
    present = (jnp.sum(cnts, axis=0) > 0.0).astype(jnp.float32)
    n_present = jnp.sum(present)
    loss_iou = jnp.where(
        n_present > 0.0,
        jnp.sum(per_class * present) / jnp.maximum(n_present, 1.0),
        0.0)
    loss_ce = jnp.sum(ce[:, :, 0, 0]) / jnp.sum(ce[:, :, 0, 1])
    return COEF_CE * loss_ce + COEF_IOU * loss_iou

# --- scband reference (transcript-rebuilt; emitter-appended) ---
"""Pipeline reference for scband-uniform-cbce-lovasz-1958505087337 (READ-ONLY COPY).

The authoritative reference and input builder live on the scoring server;
editing this copy changes nothing except your own understanding.
"""

import jax, jax.numpy as jnp
import numpy as np

NUM_CLASSES = 21
BG_FACTOR = 0.01
COEF_CE = 0.6
COEF_IOU = 0.4


def setup_inputs(seed: int = 0) -> dict:
    key = jax.random.key(seed)
    k1, k2 = jax.random.split(key)
    logits = jax.random.normal(k1, (8, NUM_CLASSES, 384, 384), dtype=jnp.float32)
    target = jax.random.randint(k2, (8, 1, 384, 384), 0, NUM_CLASSES, dtype=jnp.int32)
    weight = jnp.ones((NUM_CLASSES,), dtype=jnp.float32).at[0].set(BG_FACTOR)
    return {"logits": logits, "target": target, "weight": weight}


def _lovasz_softmax(probs, labels):
    # faithful translation of UniformCBCE_Lovasz.lovasz_softmax (classes='present')
    B, C = probs.shape[0], probs.shape[1]
    losses = []
    present = []
    for c in range(C):
        fg = (labels == c).astype(jnp.float32)  # [B, H, W]
        has_fg = fg.sum() > 0.0
        pc = probs[:, c]  # [B, H, W]
        errors = jnp.abs(fg - pc).reshape(B, -1)
        perm = jnp.argsort(-errors, axis=1)  # descending sort permutation
        errors_sorted = jnp.take_along_axis(errors, perm, axis=1)
        fg_flat = fg.reshape(B, -1)
        fg_sorted = jnp.take_along_axis(fg_flat, perm, axis=1)
        denom = jnp.clip(fg_sorted.sum(axis=1, keepdims=True), 1.0, None)
        grad = jnp.cumsum(fg_sorted, axis=1) / denom
        loss = (errors_sorted * grad).sum(axis=1)
        pixel_cnt = fg.size  # fg.numel() in torch: B*H*W
        loss = (loss / pixel_cnt).mean()
        losses.append(jnp.where(has_fg, loss, jnp.asarray(0.0, dtype=probs.dtype)))
        present.append(has_fg.astype(probs.dtype))
    total = jnp.stack(losses).sum()
    cnt = jnp.stack(present).sum()
    return jnp.where(cnt > 0.0, total / jnp.maximum(cnt, 1.0), jnp.asarray(0.0, dtype=probs.dtype))


def reference(logits, target, weight):
    labels = jnp.squeeze(target, axis=1).astype(jnp.int32)  # [B, H, W]
    # weighted CrossEntropyLoss (reduction='mean' with class weights)
    logp = jax.nn.log_softmax(logits, axis=1)
    nll = -jnp.take_along_axis(logp, labels[:, None, :, :], axis=1)[:, 0]  # [B, H, W]
    w = weight[labels]  # [B, H, W]
    loss_ce = (w * nll).sum() / w.sum()
    probs = jax.nn.softmax(logits, axis=1)
    loss_iou = _lovasz_softmax(probs, labels)
    return COEF_CE * loss_ce + COEF_IOU * loss_iou

if __name__ == "__main__":
    import jax
    _d = setup_inputs()
    print(jax.jit(kernel)(*tuple(_d.values())))

</pallas_src>

<mosaic_0001>
#map = affine_map<(d0, d1) -> (0, 0)>
module attributes {stable_mosaic.version = 14 : i64} {
  func.func @_sc_hist_body(%arg0: i32, %arg1: i32, %arg2: memref<168x147456xf32, #tpu.memory_space<hbm>>, %arg3: memref<168x16xf32, #tpu.memory_space<hbm>>, %arg4: memref<16384xf32, #tpu.memory_space<vmem>>, %arg5: memref<16384xf32, #tpu.memory_space<vmem>>, %arg6: memref<2048xf32, #tpu.memory_space<vmem>>, %arg7: memref<2048xf32, #tpu.memory_space<vmem>>, %arg8: memref<16xf32, #tpu.memory_space<vmem>>, %arg9: memref<!tpu.dma_semaphore, #tpu.memory_space<semaphore_mem>>, %arg10: memref<!tpu.dma_semaphore, #tpu.memory_space<semaphore_mem>>) attributes {dimension_semantics = [#tpu.dimension_semantics<core_parallel>, #tpu.dimension_semantics<subcore_parallel>], iteration_bounds = array<i64: 2, 16>, scalar_prefetch = 0 : i64, scratch_operands = 7 : i64, tpu.core_type = #tpu.core_type<sc_vector_subcore>, window_params = [{transform_indices = #map}, {transform_indices = #map}]} {
    %mul3A = arith.constant 2 : i32
    %mul3A_0 = arith.muli %arg1, %mul3A : i32
    %add3A = arith.addi %mul3A_0, %arg0 : i32
    %iota3A = tpu.iota {dimensions = array<i32: 0>} : vector<16xi32>
    %broadcast_in_dim3A = arith.constant 0.000000e+00 : f32
    %broadcast_in_dim3A_1 = vector.broadcast %broadcast_in_dim3A : f32 to vector<16xf32>
    %broadcast_in_dim3A_2 = arith.constant 1.000000e+00 : f32
    %broadcast_in_dim3A_3 = vector.broadcast %broadcast_in_dim3A_2 : f32 to vector<16xf32>
    %scan3A = arith.constant 0 : i32
    %scan3A_4 = arith.constant 0 : i32
    %scan3A_5 = arith.constant 6 : i32
    %scan3A_6 = arith.addi %scan3A_4, %scan3A_5 : i32
    %scan3A_7 = arith.constant 1 : i32
    scf.for %scan3A_9 = %scan3A_4 to %scan3A_6 step %scan3A_7  : i32 {
      %mul3A_10 = arith.constant 32 : i32
      %mul3A_11 = arith.muli %scan3A_9, %mul3A_10 : i32
      %add3A_12 = arith.addi %add3A, %mul3A_11 : i32
      %lt3A = arith.constant 168 : i32
      %lt3A_13 = arith.cmpi slt, %add3A_12, %lt3A : i32
      %convert_element_type3A = arith.extui %lt3A_13 : i1 to i32
      %cond3A = arith.constant 0 : i32
      %cond3A_14 = arith.cmpi ne, %convert_element_type3A, %cond3A : i32
      scf.if %cond3A_14 {
        %dma_start3A = arith.constant 0 : i32
        %dma_start3A_15 = tpu.memref_slice %arg2[%add3A_12, %dma_start3A] : memref<168x147456xf32, #tpu.memory_space<hbm>> -> memref<1x16384xf32, #tpu.memory_space<hbm>>
        %dma_start3A_16 = tpu.memref_squeeze %dma_start3A_15 : memref<1x16384xf32, #tpu.memory_space<hbm>> -> memref<16384xf32, #tpu.memory_space<hbm>>
        %dma_start3A_17 = arith.constant 0 : i32
        %dma_start3A_18 = tpu.memref_slice %arg2[%add3A_12, %dma_start3A_17] : memref<168x147456xf32, #tpu.memory_space<hbm>> -> memref<1x16384xf32, #tpu.memory_space<hbm>>
        %dma_start3A_19 = tpu.memref_squeeze %dma_start3A_18 : memref<1x16384xf32, #tpu.memory_space<hbm>> -> memref<16384xf32, #tpu.memory_space<hbm>>
        tpu.enqueue_dma source(%dma_start3A_19 : memref<16384xf32, #tpu.memory_space<hbm>>) target(%arg4 : memref<16384xf32, #tpu.memory_space<vmem>>) target_semaphore(%arg9 : memref<!tpu.dma_semaphore, #tpu.memory_space<semaphore_mem>>)
        %scan3A_20 = arith.constant 0 : i32
        %scan3A_21 = arith.constant 0 : i32
        %scan3A_22 = arith.constant 32 : i32
        %scan3A_23 = arith.addi %scan3A_21, %scan3A_22 : i32
        %scan3A_24 = arith.constant 1 : i32
        scf.for %scan3A_205 = %scan3A_21 to %scan3A_23 step %scan3A_24  : i32 {
          %mul3A_206 = arith.constant 64 : i32
          %mul3A_207 = arith.muli %scan3A_205, %mul3A_206 : i32
          %add3A_208 = arith.constant 0 : i32
          %add3A_209 = arith.addi %mul3A_207, %add3A_208 : i32
          %swap3A_210 = arith.index_cast %add3A_209 : i32 to index
          %swap3A_211 = tpu.vector_load %arg6[%swap3A_210] {strides = array<i32>} : memref<2048xf32, #tpu.memory_space<vmem>>, vector<16xf32>,
          tpu.vector_store %arg6[%swap3A_210], %broadcast_in_dim3A_1 {strides = array<i32>} : memref<2048xf32, #tpu.memory_space<vmem>>, vector<16xf32>,
          %mul3A_212 = arith.constant 64 : i32
          %mul3A_213 = arith.muli %scan3A_205, %mul3A_212 : i32
          %add3A_214 = arith.constant 0 : i32
          %add3A_215 = arith.addi %mul3A_213, %add3A_214 : i32
          %swap3A_216 = arith.index_cast %add3A_215 : i32 to index
          %swap3A_217 = tpu.vector_load %arg7[%swap3A_216] {strides = array<i32>} : memref<2048xf32, #tpu.memory_space<vmem>>, vector<16xf32>,
          tpu.vector_store %arg7[%swap3A_216], %broadcast_in_dim3A_1 {strides = array<i32>} : memref<2048xf32, #tpu.memory_space<vmem>>, vector<16xf32>,
          %mul3A_218 = arith.constant 64 : i32
          %mul3A_219 = arith.muli %scan3A_205, %mul3A_218 : i32
          %add3A_220 = arith.constant 16 : i32
          %add3A_221 = arith.addi %mul3A_219, %add3A_220 : i32
          %swap3A_222 = arith.index_cast %add3A_221 : i32 to index
          %swap3A_223 = tpu.vector_load %arg6[%swap3A_222] {strides = array<i32>} : memref<2048xf32, #tpu.memory_space<vmem>>, vector<16xf32>,
          tpu.vector_store %arg6[%swap3A_222], %broadcast_in_dim3A_1 {strides = array<i32>} : memref<2048xf32, #tpu.memory_space<vmem>>, vector<16xf32>,
          %mul3A_224 = arith.constant 64 : i32
          %mul3A_225 = arith.muli %scan3A_205, %mul3A_224 : i32
          %add3A_226 = arith.constant 16 : i32
          %add3A_227 = arith.addi %mul3A_225, %add3A_226 : i32
          %swap3A_228 = arith.index_cast %add3A_227 : i32 to index
          %swap3A_229 = tpu.vector_load %arg7[%swap3A_228] {strides = array<i32>} : memref<2048xf32, #tpu.memory_space<vmem>>, vector<16xf32>,
          tpu.vector_store %arg7[%swap3A_228], %broadcast_in_dim3A_1 {strides = array<i32>} : memref<2048xf32, #tpu.memory_space<vmem>>, vector<16xf32>,
          %mul3A_230 = arith.constant 64 : i32
          %mul3A_231 = arith.muli %scan3A_205, %mul3A_230 : i32
          %add3A_232 = arith.constant 32 : i32
          %add3A_233 = arith.addi %mul3A_231, %add3A_232 : i32
          %swap3A_234 = arith.index_cast %add3A_233 : i32 to index
          %swap3A_235 = tpu.vector_load %arg6[%swap3A_234] {strides = array<i32>} : memref<2048xf32, #tpu.memory_space<vmem>>, vector<16xf32>,
          tpu.vector_store %arg6[%swap3A_234], %broadcast_in_dim3A_1 {strides = array<i32>} : memref<2048xf32, #tpu.memory_space<vmem>>, vector<16xf32>,
          %mul3A_236 = arith.constant 64 : i32
          %mul3A_237 = arith.muli %scan3A_205, %mul3A_236 : i32
          %add3A_238 = arith.constant 32 : i32
          %add3A_239 = arith.addi %mul3A_237, %add3A_238 : i32
          %swap3A_240 = arith.index_cast %add3A_239 : i32 to index
          %swap3A_241 = tpu.vector_load %arg7[%swap3A_240] {strides = array<i32>} : memref<2048xf32, #tpu.memory_space<vmem>>, vector<16xf32>,
          tpu.vector_store %arg7[%swap3A_240], %broadcast_in_dim3A_1 {strides = array<i32>} : memref<2048xf32, #tpu.memory_space<vmem>>, vector<16xf32>,
          %mul3A_242 = arith.constant 64 : i32
          %mul3A_243 = arith.muli %scan3A_205, %mul3A_242 : i32
          %add3A_244 = arith.constant 48 : i32
          %add3A_245 = arith.addi %mul3A_243, %add3A_244 : i32
          %swap3A_246 = arith.index_cast %add3A_245 : i32 to index
          %swap3A_247 = tpu.vector_load %arg6[%swap3A_246] {strides = array<i32>} : memref<2048xf32, #tpu.memory_space<vmem>>, vector<16xf32>,
          tpu.vector_store %arg6[%swap3A_246], %broadcast_in_dim3A_1 {strides = array<i32>} : memref<2048xf32, #tpu.memory_space<vmem>>, vector<16xf32>,
          %mul3A_248 = arith.constant 64 : i32
          %mul3A_249 = arith.muli %scan3A_205, %mul3A_248 : i32
          %add3A_250 = arith.constant 48 : i32
          %add3A_251 = arith.addi %mul3A_249, %add3A_250 : i32
          %swap3A_252 = arith.index_cast %add3A_251 : i32 to index
          %swap3A_253 = tpu.vector_load %arg7[%swap3A_252] {strides = array<i32>} : memref<2048xf32, #tpu.memory_space<vmem>>, vector<16xf32>,
          tpu.vector_store %arg7[%swap3A_252], %broadcast_in_dim3A_1 {strides = array<i32>} : memref<2048xf32, #tpu.memory_space<vmem>>, vector<16xf32>,
        }
        %scan3A_25 = arith.constant 32 : i32
        %dma_wait3A = arith.constant 0 : i32
        %dma_wait3A_26 = tpu.memref_slice %arg2[%add3A_12, %dma_wait3A] : memref<168x147456xf32, #tpu.memory_space<hbm>> -> memref<1x16384xf32, #tpu.memory_space<hbm>>
        %dma_wait3A_27 = tpu.memref_squeeze %dma_wait3A_26 : memref<1x16384xf32, #tpu.memory_space<hbm>> -> memref<16384xf32, #tpu.memory_space<hbm>>
        %dma_wait3A_28 = arith.constant 0 : i32
        %dma_wait3A_29 = tpu.memref_slice %arg2[%add3A_12, %dma_wait3A_28] : memref<168x147456xf32, #tpu.memory_space<hbm>> -> memref<1x16384xf32, #tpu.memory_space<hbm>>
        %dma_wait3A_30 = tpu.memref_squeeze %dma_wait3A_29 : memref<1x16384xf32, #tpu.memory_space<hbm>> -> memref<16384xf32, #tpu.memory_space<hbm>>
        tpu.wait_dma2 semaphore(%arg9 : memref<!tpu.dma_semaphore, #tpu.memory_space<semaphore_mem>>) src(%dma_wait3A_30 : memref<16384xf32, #tpu.memory_space<hbm>>) dst(%arg4 : memref<16384xf32, #tpu.memory_space<vmem>>)
        %dma_start3A_31 = arith.constant 16384 : i32
        %dma_start3A_32 = tpu.memref_slice %arg2[%add3A_12, %dma_start3A_31] : memref<168x147456xf32, #tpu.memory_space<hbm>> -> memref<1x16384xf32, #tpu.memory_space<hbm>>
        %dma_start3A_33 = tpu.memref_squeeze %dma_start3A_32 : memref<1x16384xf32, #tpu.memory_space<hbm>> -> memref<16384xf32, #tpu.memory_space<hbm>>
        %dma_start3A_34 = arith.constant 16384 : i32
        %dma_start3A_35 = tpu.memref_slice %arg2[%add3A_12, %dma_start3A_34] : memref<168x147456xf32, #tpu.memory_space<hbm>> -> memref<1x16384xf32, #tpu.memory_space<hbm>>
        %dma_start3A_36 = tpu.memref_squeeze %dma_start3A_35 : memref<1x16384xf32, #tpu.memory_space<hbm>> -> memref<16384xf32, #tpu.memory_space<hbm>>
        tpu.enqueue_dma source(%dma_start3A_36 : memref<16384xf32, #tpu.memory_space<hbm>>) target(%arg5 : memref<16384xf32, #tpu.memory_space<vmem>>) target_semaphore(%arg10 : memref<!tpu.dma_semaphore, #tpu.memory_space<semaphore_mem>>)
        %scan3A_37 = arith.constant 0 : i32
        %scan3A_38 = arith.constant 0 : i32
        %scan3A_39 = arith.constant 64 : i32
        %scan3A_40 = arith.addi %scan3A_38, %scan3A_39 : i32
        %scan3A_41 = arith.constant 1 : i32
        scf.for %scan3A_205 = %scan3A_38 to %scan3A_40 step %scan3A_41  : i32 {
          %mul3A_206 = arith.constant 256 : i32
          %mul3A_207 = arith.muli %scan3A_205, %mul3A_206 : i32
          %add3A_208 = arith.constant 0 : i32
          %add3A_209 = arith.addi %mul3A_207, %add3A_208 : i32
          %get3A = arith.index_cast %add3A_209 : i32 to index
          %get3A_210 = tpu.vector_load %arg4[%get3A] {strides = array<i32>} : memref<16384xf32, #tpu.memory_space<vmem>>, vector<16xf32>,
          %mul3A_211 = arith.constant 256 : i32
          %mul3A_212 = arith.muli %scan3A_205, %mul3A_211 : i32
          %add3A_213 = arith.constant 16 : i32
          %add3A_214 = arith.addi %mul3A_212, %add3A_213 : i32
          %get3A_215 = arith.index_cast %add3A_214 : i32 to index
          %get3A_216 = tpu.vector_load %arg4[%get3A_215] {strides = array<i32>} : memref<16384xf32, #tpu.memory_space<vmem>>, vector<16xf32>,
          %mul3A_217 = arith.constant 256 : i32
          %mul3A_218 = arith.muli %scan3A_205, %mul3A_217 : i32
          %add3A_219 = arith.constant 32 : i32
          %add3A_220 = arith.addi %mul3A_218, %add3A_219 : i32
          %get3A_221 = arith.index_cast %add3A_220 : i32 to index
          %get3A_222 = tpu.vector_load %arg4[%get3A_221] {strides = array<i32>} : memref<16384xf32, #tpu.memory_space<vmem>>, vector<16xf32>,
          %mul3A_223 = arith.constant 256 : i32
          %mul3A_224 = arith.muli %scan3A_205, %mul3A_223 : i32
          %add3A_225 = arith.constant 48 : i32
          %add3A_226 = arith.addi %mul3A_224, %add3A_225 : i32
          %get3A_227 = arith.index_cast %add3A_226 : i32 to index
          %get3A_228 = tpu.vector_load %arg4[%get3A_227] {strides = array<i32>} : memref<16384xf32, #tpu.memory_space<vmem>>, vector<16xf32>,
          %mul3A_229 = arith.constant 256 : i32
          %mul3A_230 = arith.muli %scan3A_205, %mul3A_229 : i32
          %add3A_231 = arith.constant 64 : i32
          %add3A_232 = arith.addi %mul3A_230, %add3A_231 : i32
          %get3A_233 = arith.index_cast %add3A_232 : i32 to index
          %get3A_234 = tpu.vector_load %arg4[%get3A_233] {strides = array<i32>} : memref<16384xf32, #tpu.memory_space<vmem>>, vector<16xf32>,
          %mul3A_235 = arith.constant 256 : i32
          %mul3A_236 = arith.muli %scan3A_205, %mul3A_235 : i32
          %add3A_237 = arith.constant 80 : i32
          %add3A_238 = arith.addi %mul3A_236, %add3A_237 : i32
          %get3A_239 = arith.index_cast %add3A_238 : i32 to index
          %get3A_240 = tpu.vector_load %arg4[%get3A_239] {strides = array<i32>} : memref<16384xf32, #tpu.memory_space<vmem>>, vector<16xf32>,
          %mul3A_241 = arith.constant 256 : i32
          %mul3A_242 = arith.muli %scan3A_205, %mul3A_241 : i32
          %add3A_243 = arith.constant 96 : i32
          %add3A_244 = arith.addi %mul3A_242, %add3A_243 : i32
          %get3A_245 = arith.index_cast %add3A_244 : i32 to index
          %get3A_246 = tpu.vector_load %arg4[%get3A_245] {strides = array<i32>} : memref<16384xf32, #tpu.memory_space<vmem>>, vector<16xf32>,
          %mul3A_247 = arith.constant 256 : i32
          %mul3A_248 = arith.muli %scan3A_205, %mul3A_247 : i32
          %add3A_249 = arith.constant 112 : i32
          %add3A_250 = arith.addi %mul3A_248, %add3A_249 : i32
          %get3A_251 = arith.index_cast %add3A_250 : i32 to index
          %get3A_252 = tpu.vector_load %arg4[%get3A_251] {strides = array<i32>} : memref<16384xf32, #tpu.memory_space<vmem>>, vector<16xf32>,
          %mul3A_253 = arith.constant 256 : i32
          %mul3A_254 = arith.muli %scan3A_205, %mul3A_253 : i32
          %add3A_255 = arith.constant 128 : i32
          %add3A_256 = arith.addi %mul3A_254, %add3A_255 : i32
          %get3A_257 = arith.index_cast %add3A_256 : i32 to index
          %get3A_258 = tpu.vector_load %arg4[%get3A_257] {strides = array<i32>} : memref<16384xf32, #tpu.memory_space<vmem>>, vector<16xf32>,
          %mul3A_259 = arith.constant 256 : i32
          %mul3A_260 = arith.muli %scan3A_205, %mul3A_259 : i32
          %add3A_261 = arith.constant 144 : i32
          %add3A_262 = arith.addi %mul3A_260, %add3A_261 : i32
          %get3A_263 = arith.index_cast %add3A_262 : i32 to index
          %get3A_264 = tpu.vector_load %arg4[%get3A_263] {strides = array<i32>} : memref<16384xf32, #tpu.memory_space<vmem>>, vector<16xf32>,
          %mul3A_265 = arith.constant 256 : i32
          %mul3A_266 = arith.muli %scan3A_205, %mul3A_265 : i32
          %add3A_267 = arith.constant 160 : i32
          %add3A_268 = arith.addi %mul3A_266, %add3A_267 : i32
          %get3A_269 = arith.index_cast %add3A_268 : i32 to index
          %get3A_270 = tpu.vector_load %arg4[%get3A_269] {strides = array<i32>} : memref<16384xf32, #tpu.memory_space<vmem>>, vector<16xf32>,
          %mul3A_271 = arith.constant 256 : i32
          %mul3A_272 = arith.muli %scan3A_205, %mul3A_271 : i32
          %add3A_273 = arith.constant 176 : i32
          %add3A_274 = arith.addi %mul3A_272, %add3A_273 : i32
          %get3A_275 = arith.index_cast %add3A_274 : i32 to index
          %get3A_276 = tpu.vector_load %arg4[%get3A_275] {strides = array<i32>} : memref<16384xf32, #tpu.memory_space<vmem>>, vector<16xf32>,
          %mul3A_277 = arith.constant 256 : i32
          %mul3A_278 = arith.muli %scan3A_205, %mul3A_277 : i32
          %add3A_279 = arith.constant 192 : i32
          %add3A_280 = arith.addi %mul3A_278, %add3A_279 : i32
          %get3A_281 = arith.index_cast %add3A_280 : i32 to index
          %get3A_282 = tpu.vector_load %arg4[%get3A_281] {strides = array<i32>} : memref<16384xf32, #tpu.memory_space<vmem>>, vector<16xf32>,
          %mul3A_283 = arith.constant 256 : i32
          %mul3A_284 = arith.muli %scan3A_205, %mul3A_283 : i32
          %add3A_285 = arith.constant 208 : i32
          %add3A_286 = arith.addi %mul3A_284, %add3A_285 : i32
          %get3A_287 = arith.index_cast %add3A_286 : i32 to index
          %get3A_288 = tpu.vector_load %arg4[%get3A_287] {strides = array<i32>} : memref<16384xf32, #tpu.memory_space<vmem>>, vector<16xf32>,
          %mul3A_289 = arith.constant 256 : i32
          %mul3A_290 = arith.muli %scan3A_205, %mul3A_289 : i32
          %add3A_291 = arith.constant 224 : i32
          %add3A_292 = arith.addi %mul3A_290, %add3A_291 : i32
          %get3A_293 = arith.index_cast %add3A_292 : i32 to index
          %get3A_294 = tpu.vector_load %arg4[%get3A_293] {strides = array<i32>} : memref<16384xf32, #tpu.memory_space<vmem>>, vector<16xf32>,
          %mul3A_295 = arith.constant 256 : i32
          %mul3A_296 = arith.muli %scan3A_205, %mul3A_295 : i32
          %add3A_297 = arith.constant 240 : i32
          %add3A_298 = arith.addi %mul3A_296, %add3A_297 : i32
          %get3A_299 = arith.index_cast %add3A_298 : i32 to index
          %get3A_300 = tpu.vector_load %arg4[%get3A_299] {strides = array<i32>} : memref<16384xf32, #tpu.memory_space<vmem>>, vector<16xf32>,
          %abs3A = math.absf %get3A_210 : vector<16xf32>
          %abs3A_301 = math.absf %get3A_216 : vector<16xf32>
          %abs3A_302 = math.absf %get3A_222 : vector<16xf32>
          %abs3A_303 = math.absf %get3A_228 : vector<16xf32>
          %abs3A_304 = math.absf %get3A_234 : vector<16xf32>
          %abs3A_305 = math.absf %get3A_240 : vector<16xf32>
          %abs3A_306 = math.absf %get3A_246 : vector<16xf32>
          %abs3A_307 = math.absf %get3A_252 : vector<16xf32>
          %abs3A_308 = math.absf %get3A_258 : vector<16xf32>
          %abs3A_309 = math.absf %get3A_264 : vector<16xf32>
          %abs3A_310 = math.absf %get3A_270 : vector<16xf32>
          %abs3A_311 = math.absf %get3A_276 : vector<16xf32>
          %abs3A_312 = math.absf %get3A_282 : vector<16xf32>
          %abs3A_313 = math.absf %get3A_288 : vector<16xf32>
          %abs3A_314 = math.absf %get3A_294 : vector<16xf32>
          %abs3A_315 = math.absf %get3A_300 : vector<16xf32>
          %mul3A_316 = arith.constant 2.047500e+03 : f32
          %mul3A_317 = vector.broadcast %mul3A_316 : f32 to vector<16xf32>
          %mul3A_318 = arith.mulf %abs3A, %mul3A_317 : vector<16xf32>
          %convert_element_type3A_319 = arith.fptosi %mul3A_318 : vector<16xf32> to vector<16xi32>
          %mul3A_320 = arith.constant 2.047500e+03 : f32
          %mul3A_321 = vector.broadcast %mul3A_320 : f32 to vector<16xf32>
          %mul3A_322 = arith.mulf %abs3A_301, %mul3A_321 : vector<16xf32>
          %convert_element_type3A_323 = arith.fptosi %mul3A_322 : vector<16xf32> to vector<16xi32>
          %mul3A_324 = arith.constant 2.047500e+03 : f32
          %mul3A_325 = vector.broadcast %mul3A_324 : f32 to vector<16xf32>
          %mul3A_326 = arith.mulf %abs3A_302, %mul3A_325 : vector<16xf32>
          %convert_element_type3A_327 = arith.fptosi %mul3A_326 : vector<16xf32> to vector<16xi32>
          %mul3A_328 = arith.constant 2.047500e+03 : f32
          %mul3A_329 = vector.broadcast %mul3A_328 : f32 to vector<16xf32>
          %mul3A_330 = arith.mulf %abs3A_303, %mul3A_329 : vector<16xf32>
          %convert_element_type3A_331 = arith.fptosi %mul3A_330 : vector<16xf32> to vector<16xi32>
          %mul3A_332 = arith.constant 2.047500e+03 : f32
          %mul3A_333 = vector.broadcast %mul3A_332 : f32 to vector<16xf32>
          %mul3A_334 = arith.mulf %abs3A_304, %mul3A_333 : vector<16xf32>
          %convert_element_type3A_335 = arith.fptosi %mul3A_334 : vector<16xf32> to vector<16xi32>
          %mul3A_336 = arith.constant 2.047500e+03 : f32
          %mul3A_337 = vector.broadcast %mul3A_336 : f32 to vector<16xf32>
          %mul3A_338 = arith.mulf %abs3A_305, %mul3A_337 : vector<16xf32>
          %convert_element_type3A_339 = arith.fptosi %mul3A_338 : vector<16xf32> to vector<16xi32>
          %mul3A_340 = arith.constant 2.047500e+03 : f32
          %mul3A_341 = vector.broadcast %mul3A_340 : f32 to vector<16xf32>
          %mul3A_342 = arith.mulf %abs3A_306, %mul3A_341 : vector<16xf32>
          %convert_element_type3A_343 = arith.fptosi %mul3A_342 : vector<16xf32> to vector<16xi32>
          %mul3A_344 = arith.constant 2.047500e+03 : f32
          %mul3A_345 = vector.broadcast %mul3A_344 : f32 to vector<16xf32>
          %mul3A_346 = arith.mulf %abs3A_307, %mul3A_345 : vector<16xf32>
          %convert_element_type3A_347 = arith.fptosi %mul3A_346 : vector<16xf32> to vector<16xi32>
          %mul3A_348 = arith.constant 2.047500e+03 : f32
          %mul3A_349 = vector.broadcast %mul3A_348 : f32 to vector<16xf32>
          %mul3A_350 = arith.mulf %abs3A_308, %mul3A_349 : vector<16xf32>
          %convert_element_type3A_351 = arith.fptosi %mul3A_350 : vector<16xf32> to vector<16xi32>
          %mul3A_352 = arith.constant 2.047500e+03 : f32
          %mul3A_353 = vector.broadcast %mul3A_352 : f32 to vector<16xf32>
          %mul3A_354 = arith.mulf %abs3A_309, %mul3A_353 : vector<16xf32>
          %convert_element_type3A_355 = arith.fptosi %mul3A_354 : vector<16xf32> to vector<16xi32>
          %mul3A_356 = arith.constant 2.047500e+03 : f32
          %mul3A_357 = vector.broadcast %mul3A_356 : f32 to vector<16xf32>
          %mul3A_358 = arith.mulf %abs3A_310, %mul3A_357 : vector<16xf32>
          %convert_element_type3A_359 = arith.fptosi %mul3A_358 : vector<16xf32> to vector<16xi32>
          %mul3A_360 = arith.constant 2.047500e+03 : f32
          %mul3A_361 = vector.broadcast %mul3A_360 : f32 to vector<16xf32>
          %mul3A_362 = arith.mulf %abs3A_311, %mul3A_361 : vector<16xf32>
          %convert_element_type3A_363 = arith.fptosi %mul3A_362 : vector<16xf32> to vector<16xi32>
          %mul3A_364 = arith.constant 2.047500e+03 : f32
          %mul3A_365 = vector.broadcast %mul3A_364 : f32 to vector<16xf32>
          %mul3A_366 = arith.mulf %abs3A_312, %mul3A_365 : vector<16xf32>
          %convert_element_type3A_367 = arith.fptosi %mul3A_366 : vector<16xf32> to vector<16xi32>
          %mul3A_368 = arith.constant 2.047500e+03 : f32
          %mul3A_369 = vector.broadcast %mul3A_368 : f32 to vector<16xf32>
          %mul3A_370 = arith.mulf %abs3A_313, %mul3A_369 : vector<16xf32>
          %convert_element_type3A_371 = arith.fptosi %mul3A_370 : vector<16xf32> to vector<16xi32>
          %mul3A_372 = arith.constant 2.047500e+03 : f32
          %mul3A_373 = vector.broadcast %mul3A_372 : f32 to vector<16xf32>
          %mul3A_374 = arith.mulf %abs3A_314, %mul3A_373 : vector<16xf32>
          %convert_element_type3A_375 = arith.fptosi %mul3A_374 : vector<16xf32> to vector<16xi32>
          %mul3A_376 = arith.constant 2.047500e+03 : f32
          %mul3A_377 = vector.broadcast %mul3A_376 : f32 to vector<16xf32>
          %mul3A_378 = arith.mulf %abs3A_315, %mul3A_377 : vector<16xf32>
          %convert_element_type3A_379 = arith.fptosi %mul3A_378 : vector<16xf32> to vector<16xi32>
          %lt3A_380 = arith.constant 0.000000e+00 : f32
          %lt3A_381 = vector.broadcast %lt3A_380 : f32 to vector<16xf32>
          %lt3A_382 = arith.cmpf olt, %get3A_210, %lt3A_381 : vector<16xf32>
          %lt3A_383 = arith.constant 0.000000e+00 : f32
          %lt3A_384 = vector.broadcast %lt3A_383 : f32 to vector<16xf32>
          %lt3A_385 = arith.cmpf olt, %get3A_216, %lt3A_384 : vector<16xf32>
          %lt3A_386 = arith.constant 0.000000e+00 : f32
          %lt3A_387 = vector.broadcast %lt3A_386 : f32 to vector<16xf32>
          %lt3A_388 = arith.cmpf olt, %get3A_222, %lt3A_387 : vector<16xf32>
          %lt3A_389 = arith.constant 0.000000e+00 : f32
          %lt3A_390 = vector.broadcast %lt3A_389 : f32 to vector<16xf32>
          %lt3A_391 = arith.cmpf olt, %get3A_228, %lt3A_390 : vector<16xf32>
          %lt3A_392 = arith.constant 0.000000e+00 : f32
          %lt3A_393 = vector.broadcast %lt3A_392 : f32 to vector<16xf32>
          %lt3A_394 = arith.cmpf olt, %get3A_234, %lt3A_393 : vector<16xf32>
          %lt3A_395 = arith.constant 0.000000e+00 : f32
          %lt3A_396 = vector.broadcast %lt3A_395 : f32 to vector<16xf32>
          %lt3A_397 = arith.cmpf olt, %get3A_240, %lt3A_396 : vector<16xf32>
          %lt3A_398 = arith.constant 0.000000e+00 : f32
          %lt3A_399 = vector.broadcast %lt3A_398 : f32 to vector<16xf32>
          %lt3A_400 = arith.cmpf olt, %get3A_246, %lt3A_399 : vector<16xf32>
          %lt3A_401 = arith.constant 0.000000e+00 : f32
          %lt3A_402 = vector.broadcast %lt3A_401 : f32 to vector<16xf32>
          %lt3A_403 = arith.cmpf olt, %get3A_252, %lt3A_402 : vector<16xf32>
          %lt3A_404 = arith.constant 0.000000e+00 : f32
          %lt3A_405 = vector.broadcast %lt3A_404 : f32 to vector<16xf32>
          %lt3A_406 = arith.cmpf olt, %get3A_258, %lt3A_405 : vector<16xf32>
          %lt3A_407 = arith.constant 0.000000e+00 : f32
          %lt3A_408 = vector.broadcast %lt3A_407 : f32 to vector<16xf32>
          %lt3A_409 = arith.cmpf olt, %get3A_264, %lt3A_408 : vector<16xf32>
          %lt3A_410 = arith.constant 0.000000e+00 : f32
          %lt3A_411 = vector.broadcast %lt3A_410 : f32 to vector<16xf32>
          %lt3A_412 = arith.cmpf olt, %get3A_270, %lt3A_411 : vector<16xf32>
          %lt3A_413 = arith.constant 0.000000e+00 : f32
          %lt3A_414 = vector.broadcast %lt3A_413 : f32 to vector<16xf32>
          %lt3A_415 = arith.cmpf olt, %get3A_276, %lt3A_414 : vector<16xf32>
          %lt3A_416 = arith.constant 0.000000e+00 : f32
          %lt3A_417 = vector.broadcast %lt3A_416 : f32 to vector<16xf32>
          %lt3A_418 = arith.cmpf olt, %get3A_282, %lt3A_417 : vector<16xf32>
          %lt3A_419 = arith.constant 0.000000e+00 : f32
          %lt3A_420 = vector.broadcast %lt3A_419 : f32 to vector<16xf32>
          %lt3A_421 = arith.cmpf olt, %get3A_288, %lt3A_420 : vector<16xf32>
          %lt3A_422 = arith.constant 0.000000e+00 : f32
          %lt3A_423 = vector.broadcast %lt3A_422 : f32 to vector<16xf32>
          %lt3A_424 = arith.cmpf olt, %get3A_294, %lt3A_423 : vector<16xf32>
          %lt3A_425 = arith.constant 0.000000e+00 : f32
          %lt3A_426 = vector.broadcast %lt3A_425 : f32 to vector<16xf32>
          %lt3A_427 = arith.cmpf olt, %get3A_300, %lt3A_426 : vector<16xf32>
          tpu.vector_store_idx %arg6[%convert_element_type3A_319], %abs3A {add = true} : memref<2048xf32, #tpu.memory_space<vmem>>[vector<16xi32>], vector<16xf32>,
          tpu.vector_store_idx %arg7[%convert_element_type3A_319], %broadcast_in_dim3A_3 masked %lt3A_382 {add = true} : memref<2048xf32, #tpu.memory_space<vmem>>[vector<16xi32>], vector<16xf32>, vector<16xi1>
          tpu.vector_store_idx %arg6[%convert_element_type3A_323], %abs3A_301 {add = true} : memref<2048xf32, #tpu.memory_space<vmem>>[vector<16xi32>], vector<16xf32>,
          tpu.vector_store_idx %arg7[%convert_element_type3A_323], %broadcast_in_dim3A_3 masked %lt3A_385 {add = true} : memref<2048xf32, #tpu.memory_space<vmem>>[vector<16xi32>], vector<16xf32>, vector<16xi1>
          tpu.vector_store_idx %arg6[%convert_element_type3A_327], %abs3A_302 {add = true} : memref<2048xf32, #tpu.memory_space<vmem>>[vector<16xi32>], vector<16xf32>,
          tpu.vector_store_idx %arg7[%convert_element_type3A_327], %broadcast_in_dim3A_3 masked %lt3A_388 {add = true} : memref<2048xf32, #tpu.memory_space<vmem>>[vector<16xi32>], vector<16xf32>, vector<16xi1>
          tpu.vector_store_idx %arg6[%convert_element_type3A_331], %abs3A_303 {add = true} : memref<2048xf32, #tpu.memory_space<vmem>>[vector<16xi32>], vector<16xf32>,
          tpu.vector_store_idx %arg7[%convert_element_type3A_331], %broadcast_in_dim3A_3 masked %lt3A_391 {add = true} : memref<2048xf32, #tpu.memory_space<vmem>>[vector<16xi32>], vector<16xf32>, vector<16xi1>
          tpu.vector_store_idx %arg6[%convert_element_type3A_335], %abs3A_304 {add = true} : memref<2048xf32, #tpu.memory_space<vmem>>[vector<16xi32>], vector<16xf32>,
          tpu.vector_store_idx %arg7[%convert_element_type3A_335], %broadcast_in_dim3A_3 masked %lt3A_394 {add = true} : memref<2048xf32, #tpu.memory_space<vmem>>[vector<16xi32>], vector<16xf32>, vector<16xi1>
          tpu.vector_store_idx %arg6[%convert_element_type3A_339], %abs3A_305 {add = true} : memref<2048xf32, #tpu.memory_space<vmem>>[vector<16xi32>], vector<16xf32>,
          tpu.vector_store_idx %arg7[%convert_element_type3A_339], %broadcast_in_dim3A_3 masked %lt3A_397 {add = true} : memref<2048xf32, #tpu.memory_space<vmem>>[vector<16xi32>], vector<16xf32>, vector<16xi1>
          tpu.vector_store_idx %arg6[%convert_element_type3A_343], %abs3A_306 {add = true} : memref<2048xf32, #tpu.memory_space<vmem>>[vector<16xi32>], vector<16xf32>,
          tpu.vector_store_idx %arg7[%convert_element_type3A_343], %broadcast_in_dim3A_3 masked %lt3A_400 {add = true} : memref<2048xf32, #tpu.memory_space<vmem>>[vector<16xi32>], vector<16xf32>, vector<16xi1>
          tpu.vector_store_idx %arg6[%convert_element_type3A_347], %abs3A_307 {add = true} : memref<2048xf32, #tpu.memory_space<vmem>>[vector<16xi32>], vector<16xf32>,
          tpu.vector_store_idx %arg7[%convert_element_type3A_347], %broadcast_in_dim3A_3 masked %lt3A_403 {add = true} : memref<2048xf32, #tpu.memory_space<vmem>>[vector<16xi32>], vector<16xf32>, vector<16xi1>
          tpu.vector_store_idx %arg6[%convert_element_type3A_351], %abs3A_308 {add = true} : memref<2048xf32, #tpu.memory_space<vmem>>[vector<16xi32>], vector<16xf32>,
          tpu.vector_store_idx %arg7[%convert_element_type3A_351], %broadcast_in_dim3A_3 masked %lt3A_406 {add = true} : memref<2048xf32, #tpu.memory_space<vmem>>[vector<16xi32>], vector<16xf32>, vector<16xi1>
          tpu.vector_store_idx %arg6[%convert_element_type3A_355], %abs3A_309 {add = true} : memref<2048xf32, #tpu.memory_space<vmem>>[vector<16xi32>], vector<16xf32>,
          tpu.vector_store_idx %arg7[%convert_element_type3A_355], %broadcast_in_dim3A_3 masked %lt3A_409 {add = true} : memref<2048xf32, #tpu.memory_space<vmem>>[vector<16xi32>], vector<16xf32>, vector<16xi1>
          tpu.vector_store_idx %arg6[%convert_element_type3A_359], %abs3A_310 {add = true} : memref<2048xf32, #tpu.memory_space<vmem>>[vector<16xi32>], vector<16xf32>,
          tpu.vector_store_idx %arg7[%convert_element_type3A_359], %broadcast_in_dim3A_3 masked %lt3A_412 {add = true} : memref<2048xf32, #tpu.memory_space<vmem>>[vector<16xi32>], vector<16xf32>, vector<16xi1>
          tpu.vector_store_idx %arg6[%convert_element_type3A_363], %abs3A_311 {add = true} : memref<2048xf32, #tpu.memory_space<vmem>>[vector<16xi32>], vector<16xf32>,
          tpu.vector_store_idx %arg7[%convert_element_type3A_363], %broadcast_in_dim3A_3 masked %lt3A_415 {add = true} : memref<2048xf32, #tpu.memory_space<vmem>>[vector<16xi32>], vector<16xf32>, vector<16xi1>
          tpu.vector_store_idx %arg6[%convert_element_type3A_367], %abs3A_312 {add = true} : memref<2048xf32, #tpu.memory_space<vmem>>[vector<16xi32>], vector<16xf32>,
          tpu.vector_store_idx %arg7[%convert_element_type3A_367], %broadcast_in_dim3A_3 masked %lt3A_418 {add = true} : memref<2048xf32, #tpu.memory_space<vmem>>[vector<16xi32>], vector<16xf32>, vector<16xi1>
          tpu.vector_store_idx %arg6[%convert_element_type3A_371], %abs3A_313 {add = true} : memref<2048xf32, #tpu.memory_space<vmem>>[vector<16xi32>], vector<16xf32>,
          tpu.vector_store_idx %arg7[%convert_element_type3A_371], %broadcast_in_dim3A_3 masked %lt3A_421 {add = true} : memref<2048xf32, #tpu.memory_space<vmem>>[vector<16xi32>], vector<16xf32>, vector<16xi1>
          tpu.vector_store_idx %arg6[%convert_element_type3A_375], %abs3A_314 {add = true} : memref<2048xf32, #tpu.memory_space<vmem>>[vector<16xi32>], vector<16xf32>,
          tpu.vector_store_idx %arg7[%convert_element_type3A_375], %broadcast_in_dim3A_3 masked %lt3A_424 {add = true} : memref<2048xf32, #tpu.memory_space<vmem>>[vector<16xi32>], vector<16xf32>, vector<16xi1>
          tpu.vector_store_idx %arg6[%convert_element_type3A_379], %abs3A_315 {add = true} : memref<2048xf32, #tpu.memory_space<vmem>>[vector<16xi32>], vector<16xf32>,
          tpu.vector_store_idx %arg7[%convert_element_type3A_379], %broadcast_in_dim3A_3 masked %lt3A_427 {add = true} : memref<2048xf32, #tpu.memory_space<vmem>>[vector<16xi32>], vector<16xf32>, vector<16xi1>
        }
        %scan3A_42 = arith.constant 64 : i32
        %dma_wait3A_43 = arith.constant 16384 : i32
        %dma_wait3A_44 = tpu.memref_slice %arg2[%add3A_12, %dma_wait3A_43] : memref<168x147456xf32, #tpu.memory_space<hbm>> -> memref<1x16384xf32, #tpu.memory_space<hbm>>
        %dma_wait3A_45 = tpu.memref_squeeze %dma_wait3A_44 : memref<1x16384xf32, #tpu.memory_space<hbm>> -> memref<16384xf32, #tpu.memory_space<hbm>>
        %dma_wait3A_46 = arith.constant 16384 : i32
        %dma_wait3A_47 = tpu.memref_slice %arg2[%add3A_12, %dma_wait3A_46] : memref<168x147456xf32, #tpu.memory_space<hbm>> -> memref<1x16384xf32, #tpu.memory_space<hbm>>
        %dma_wait3A_48 = tpu.memref_squeeze %dma_wait3A_47 : memref<1x16384xf32, #tpu.memory_space<hbm>> -> memref<16384xf32, #tpu.memory_space<hbm>>
        tpu.wait_dma2 semaphore(%arg10 : memref<!tpu.dma_semaphore, #tpu.memory_space<semaphore_mem>>) src(%dma_wait3A_48 : memref<16384xf32, #tpu.memory_space<hbm>>) dst(%arg5 : memref<16384xf32, #tpu.memory_space<vmem>>)
        %dma_start3A_49 = arith.constant 32768 : i32
        %dma_start3A_50 = tpu.memref_slice %arg2[%add3A_12, %dma_start3A_49] : memref<168x147456xf32, #tpu.memory_space<hbm>> -> memref<1x16384xf32, #tpu.memory_space<hbm>>
        %dma_start3A_51 = tpu.memref_squeeze %dma_start3A_50 : memref<1x16384xf32, #tpu.memory_space<hbm>> -> memref<16384xf32, #tpu.memory_space<hbm>>
        %dma_start3A_52 = arith.constant 32768 : i32
        %dma_start3A_53 = tpu.memref_slice %arg2[%add3A_12, %dma_start3A_52] : memref<168x147456xf32, #tpu.memory_space<hbm>> -> memref<1x16384xf32, #tpu.memory_space<hbm>>
        %dma_start3A_54 = tpu.memref_squeeze %dma_start3A_53 : memref<1x16384xf32, #tpu.memory_space<hbm>> -> memref<16384xf32, #tpu.memory_space<hbm>>
        tpu.enqueue_dma source(%dma_start3A_54 : memref<16384xf32, #tpu.memory_space<hbm>>) target(%arg4 : memref<16384xf32, #tpu.memory_space<vmem>>) target_semaphore(%arg9 : memref<!tpu.dma_semaphore, #tpu.memory_space<semaphore_mem>>)
        %scan3A_55 = arith.constant 0 : i32
        %scan3A_56 = arith.constant 0 : i32
        %scan3A_57 = arith.constant 64 : i32
        %scan3A_58 = arith.addi %scan3A_56, %scan3A_57 : i32
        %scan3A_59 = arith.constant 1 : i32
        scf.for %scan3A_205 = %scan3A_56 to %scan3A_58 step %scan3A_59  : i32 {
          %mul3A_206 = arith.constant 256 : i32
          %mul3A_207 = arith.muli %scan3A_205, %mul3A_206 : i32
          %add3A_208 = arith.constant 0 : i32
          %add3A_209 = arith.addi %mul3A_207, %add3A_208 : i32
          %get3A = arith.index_cast %add3A_209 : i32 to index
          %get3A_210 = tpu.vector_load %arg5[%get3A] {strides = array<i32>} : memref<16384xf32, #tpu.memory_space<vmem>>, vector<16xf32>,
          %mul3A_211 = arith.constant 256 : i32
          %mul3A_212 = arith.muli %scan3A_205, %mul3A_211 : i32
          %add3A_213 = arith.constant 16 : i32
          %add3A_214 = arith.addi %mul3A_212, %add3A_213 : i32
          %get3A_215 = arith.index_cast %add3A_214 : i32 to index
          %get3A_216 = tpu.vector_load %arg5[%get3A_215] {strides = array<i32>} : memref<16384xf32, #tpu.memory_space<vmem>>, vector<16xf32>,
          %mul3A_217 = arith.constant 256 : i32
          %mul3A_218 = arith.muli %scan3A_205, %mul3A_217 : i32
          %add3A_219 = arith.constant 32 : i32
          %add3A_220 = arith.addi %mul3A_218, %add3A_219 : i32
          %get3A_221 = arith.index_cast %add3A_220 : i32 to index
          %get3A_222 = tpu.vector_load %arg5[%get3A_221] {strides = array<i32>} : memref<16384xf32, #tpu.memory_space<vmem>>, vector<16xf32>,
          %mul3A_223 = arith.constant 256 : i32
          %mul3A_224 = arith.muli %scan3A_205, %mul3A_223 : i32
          %add3A_225 = arith.constant 48 : i32
          %add3A_226 = arith.addi %mul3A_224, %add3A_225 : i32
          %get3A_227 = arith.index_cast %add3A_226 : i32 to index
          %get3A_228 = tpu.vector_load %arg5[%get3A_227] {strides = array<i32>} : memref<16384xf32, #tpu.memory_space<vmem>>, vector<16xf32>,
          %mul3A_229 = arith.constant 256 : i32
          %mul3A_230 = arith.muli %scan3A_205, %mul3A_229 : i32
          %add3A_231 = arith.constant 64 : i32
          %add3A_232 = arith.addi %mul3A_230, %add3A_231 : i32
          %get3A_233 = arith.index_cast %add3A_232 : i32 to index
          %get3A_234 = tpu.vector_load %arg5[%get3A_233] {strides = array<i32>} : memref<16384xf32, #tpu.memory_space<vmem>>, vector<16xf32>,
          %mul3A_235 = arith.constant 256 : i32
          %mul3A_236 = arith.muli %scan3A_205, %mul3A_235 : i32
          %add3A_237 = arith.constant 80 : i32
          %add3A_238 = arith.addi %mul3A_236, %add3A_237 : i32
          %get3A_239 = arith.index_cast %add3A_238 : i32 to index
          %get3A_240 = tpu.vector_load %arg5[%get3A_239] {strides = array<i32>} : memref<16384xf32, #tpu.memory_space<vmem>>, vector<16xf32>,
          %mul3A_241 = arith.constant 256 : i32
          %mul3A_242 = arith.muli %scan3A_205, %mul3A_241 : i32
          %add3A_243 = arith.constant 96 : i32
          %add3A_244 = arith.addi %mul3A_242, %add3A_243 : i32
          %get3A_245 = arith.index_cast %add3A_244 : i32 to index
          %get3A_246 = tpu.vector_load %arg5[%get3A_245] {strides = array<i32>} : memref<16384xf32, #tpu.memory_space<vmem>>, vector<16xf32>,
          %mul3A_247 = arith.constant 256 : i32
          %mul3A_248 = arith.muli %scan3A_205, %mul3A_247 : i32
          %add3A_249 = arith.constant 112 : i32
          %add3A_250 = arith.addi %mul3A_248, %add3A_249 : i32
          %get3A_251 = arith.index_cast %add3A_250 : i32 to index
          %get3A_252 = tpu.vector_load %arg5[%get3A_251] {strides = array<i32>} : memref<16384xf32, #tpu.memory_space<vmem>>, vector<16xf32>,
          %mul3A_253 = arith.constant 256 : i32
          %mul3A_254 = arith.muli %scan3A_205, %mul3A_253 : i32
          %add3A_255 = arith.constant 128 : i32
          %add3A_256 = arith.addi %mul3A_254, %add3A_255 : i32
          %get3A_257 = arith.index_cast %add3A_256 : i32 to index
          %get3A_258 = tpu.vector_load %arg5[%get3A_257] {strides = array<i32>} : memref<16384xf32, #tpu.memory_space<vmem>>, vector<16xf32>,
          %mul3A_259 = arith.constant 256 : i32
          %mul3A_260 = arith.muli %scan3A_205, %mul3A_259 : i32
          %add3A_261 = arith.constant 144 : i32
          %add3A_262 = arith.addi %mul3A_260, %add3A_261 : i32
          %get3A_263 = arith.index_cast %add3A_262 : i32 to index
          %get3A_264 = tpu.vector_load %arg5[%get3A_263] {strides = array<i32>} : memref<16384xf32, #tpu.memory_space<vmem>>, vector<16xf32>,
          %mul3A_265 = arith.constant 256 : i32
          %mul3A_266 = arith.muli %scan3A_205, %mul3A_265 : i32
          %add3A_267 = arith.constant 160 : i32
          %add3A_268 = arith.addi %mul3A_266, %add3A_267 : i32
          %get3A_269 = arith.index_cast %add3A_268 : i32 to index
          %get3A_270 = tpu.vector_load %arg5[%get3A_269] {strides = array<i32>} : memref<16384xf32, #tpu.memory_space<vmem>>, vector<16xf32>,
          %mul3A_271 = arith.constant 256 : i32
          %mul3A_272 = arith.muli %scan3A_205, %mul3A_271 : i32
          %add3A_273 = arith.constant 176 : i32
          %add3A_274 = arith.addi %mul3A_272, %add3A_273 : i32
          %get3A_275 = arith.index_cast %add3A_274 : i32 to index
          %get3A_276 = tpu.vector_load %arg5[%get3A_275] {strides = array<i32>} : memref<16384xf32, #tpu.memory_space<vmem>>, vector<16xf32>,
          %mul3A_277 = arith.constant 256 : i32
          %mul3A_278 = arith.muli %scan3A_205, %mul3A_277 : i32
          %add3A_279 = arith.constant 192 : i32
          %add3A_280 = arith.addi %mul3A_278, %add3A_279 : i32
          %get3A_281 = arith.index_cast %add3A_280 : i32 to index
          %get3A_282 = tpu.vector_load %arg5[%get3A_281] {strides = array<i32>} : memref<16384xf32, #tpu.memory_space<vmem>>, vector<16xf32>,
          %mul3A_283 = arith.constant 256 : i32
          %mul3A_284 = arith.muli %scan3A_205, %mul3A_283 : i32
          %add3A_285 = arith.constant 208 : i32
          %add3A_286 = arith.addi %mul3A_284, %add3A_285 : i32
          %get3A_287 = arith.index_cast %add3A_286 : i32 to index
          %get3A_288 = tpu.vector_load %arg5[%get3A_287] {strides = array<i32>} : memref<16384xf32, #tpu.memory_space<vmem>>, vector<16xf32>,
          %mul3A_289 = arith.constant 256 : i32
          %mul3A_290 = arith.muli %scan3A_205, %mul3A_289 : i32
          %add3A_291 = arith.constant 224 : i32
          %add3A_292 = arith.addi %mul3A_290, %add3A_291 : i32
          %get3A_293 = arith.index_cast %add3A_292 : i32 to index
          %get3A_294 = tpu.vector_load %arg5[%get3A_293] {strides = array<i32>} : memref<16384xf32, #tpu.memory_space<vmem>>, vector<16xf32>,
          %mul3A_295 = arith.constant 256 : i32
          %mul3A_296 = arith.muli %scan3A_205, %mul3A_295 : i32
          %add3A_297 = arith.constant 240 : i32
          %add3A_298 = arith.addi %mul3A_296, %add3A_297 : i32
          %get3A_299 = arith.index_cast %add3A_298 : i32 to index
          %get3A_300 = tpu.vector_load %arg5[%get3A_299] {strides = array<i32>} : memref<16384xf32, #tpu.memory_space<vmem>>, vector<16xf32>,
          %abs3A = math.absf %get3A_210 : vector<16xf32>
          %abs3A_301 = math.absf %get3A_216 : vector<16xf32>
          %abs3A_302 = math.absf %get3A_222 : vector<16xf32>
          %abs3A_303 = math.absf %get3A_228 : vector<16xf32>
          %abs3A_304 = math.absf %get3A_234 : vector<16xf32>
          %abs3A_305 = math.absf %get3A_240 : vector<16xf32>
          %abs3A_306 = math.absf %get3A_246 : vector<16xf32>
          %abs3A_307 = math.absf %get3A_252 : vector<16xf32>
          %abs3A_308 = math.absf %get3A_258 : vector<16xf32>
          %abs3A_309 = math.absf %get3A_264 : vector<16xf32>
          %abs3A_310 = math.absf %get3A_270 : vector<16xf32>
          %abs3A_311 = math.absf %get3A_276 : vector<16xf32>
          %abs3A_312 = math.absf %get3A_282 : vector<16xf32>
          %abs3A_313 = math.absf %get3A_288 : vector<16xf32>
          %abs3A_314 = math.absf %get3A_294 : vector<16xf32>
          %abs3A_315 = math.absf %get3A_300 : vector<16xf32>
          %mul3A_316 = arith.constant 2.047500e+03 : f32
          %mul3A_317 = vector.broadcast %mul3A_316 : f32 to vector<16xf32>
          %mul3A_318 = arith.mulf %abs3A, %mul3A_317 : vector<16xf32>
          %convert_element_type3A_319 = arith.fptosi %mul3A_318 : vector<16xf32> to vector<16xi32>
          %mul3A_320 = arith.constant 2.047500e+03 : f32
          %mul3A_321 = vector.broadcast %mul3A_320 : f32 to vector<16xf32>
          %mul3A_322 = arith.mulf %abs3A_301, %mul3A_321 : vector<16xf32>
          %convert_element_type3A_323 = arith.fptosi %mul3A_322 : vector<16xf32> to vector<16xi32>
          %mul3A_324 = arith.constant 2.047500e+03 : f32
          %mul3A_325 = vector.broadcast %mul3A_324 : f32 to vector<16xf32>
          %mul3A_326 = arith.mulf %abs3A_302, %mul3A_325 : vector<16xf32>
          %convert_element_type3A_327 = arith.fptosi %mul3A_326 : vector<16xf32> to vector<16xi32>
          %mul3A_328 = arith.constant 2.047500e+03 : f32
          %mul3A_329 = vector.broadcast %mul3A_328 : f32 to vector<16xf32>
          %mul3A_330 = arith.mulf %abs3A_303, %mul3A_329 : vector<16xf32>
          %convert_element_type3A_331 = arith.fptosi %mul3A_330 : vector<16xf32> to vector<16xi32>
          %mul3A_332 = arith.constant 2.047500e+03 : f32
          %mul3A_333 = vector.broadcast %mul3A_332 : f32 to vector<16xf32>
          %mul3A_334 = arith.mulf %abs3A_304, %mul3A_333 : vector<16xf32>
          %convert_element_type3A_335 = arith.fptosi %mul3A_334 : vector<16xf32> to vector<16xi32>
          %mul3A_336 = arith.constant 2.047500e+03 : f32
          %mul3A_337 = vector.broadcast %mul3A_336 : f32 to vector<16xf32>
          %mul3A_338 = arith.mulf %abs3A_305, %mul3A_337 : vector<16xf32>
          %convert_element_type3A_339 = arith.fptosi %mul3A_338 : vector<16xf32> to vector<16xi32>
          %mul3A_340 = arith.constant 2.047500e+03 : f32
          %mul3A_341 = vector.broadcast %mul3A_340 : f32 to vector<16xf32>
          %mul3A_342 = arith.mulf %abs3A_306, %mul3A_341 : vector<16xf32>
          %convert_element_type3A_343 = arith.fptosi %mul3A_342 : vector<16xf32> to vector<16xi32>
          %mul3A_344 = arith.constant 2.047500e+03 : f32
          %mul3A_345 = vector.broadcast %mul3A_344 : f32 to vector<16xf32>
          %mul3A_346 = arith.mulf %abs3A_307, %mul3A_345 : vector<16xf32>
          %convert_element_type3A_347 = arith.fptosi %mul3A_346 : vector<16xf32> to vector<16xi32>
          %mul3A_348 = arith.constant 2.047500e+03 : f32
          %mul3A_349 = vector.broadcast %mul3A_348 : f32 to vector<16xf32>
          %mul3A_350 = arith.mulf %abs3A_308, %mul3A_349 : vector<16xf32>
          %convert_element_type3A_351 = arith.fptosi %mul3A_350 : vector<16xf32> to vector<16xi32>
          %mul3A_352 = arith.constant 2.047500e+03 : f32
          %mul3A_353 = vector.broadcast %mul3A_352 : f32 to vector<16xf32>
          %mul3A_354 = arith.mulf %abs3A_309, %mul3A_353 : vector<16xf32>
          %convert_element_type3A_355 = arith.fptosi %mul3A_354 : vector<16xf32> to vector<16xi32>
          %mul3A_356 = arith.constant 2.047500e+03 : f32
          %mul3A_357 = vector.broadcast %mul3A_356 : f32 to vector<16xf32>
          %mul3A_358 = arith.mulf %abs3A_310, %mul3A_357 : vector<16xf32>
          %convert_element_type3A_359 = arith.fptosi %mul3A_358 : vector<16xf32> to vector<16xi32>
          %mul3A_360 = arith.constant 2.047500e+03 : f32
          %mul3A_361 = vector.broadcast %mul3A_360 : f32 to vector<16xf32>
          %mul3A_362 = arith.mulf %abs3A_311, %mul3A_361 : vector<16xf32>
          %convert_element_type3A_363 = arith.fptosi %mul3A_362 : vector<16xf32> to vector<16xi32>
          %mul3A_364 = arith.constant 2.047500e+03 : f32
          %mul3A_365 = vector.broadcast %mul3A_364 : f32 to vector<16xf32>
          %mul3A_366 = arith.mulf %abs3A_312, %mul3A_365 : vector<16xf32>
          %convert_element_type3A_367 = arith.fptosi %mul3A_366 : vector<16xf32> to vector<16xi32>
          %mul3A_368 = arith.constant 2.047500e+03 : f32
          %mul3A_369 = vector.broadcast %mul3A_368 : f32 to vector<16xf32>
          %mul3A_370 = arith.mulf %abs3A_313, %mul3A_369 : vector<16xf32>
          %convert_element_type3A_371 = arith.fptosi %mul3A_370 : vector<16xf32> to vector<16xi32>
          %mul3A_372 = arith.constant 2.047500e+03 : f32
          %mul3A_373 = vector.broadcast %mul3A_372 : f32 to vector<16xf32>
          %mul3A_374 = arith.mulf %abs3A_314, %mul3A_373 : vector<16xf32>
          %convert_element_type3A_375 = arith.fptosi %mul3A_374 : vector<16xf32> to vector<16xi32>
          %mul3A_376 = arith.constant 2.047500e+03 : f32
          %mul3A_377 = vector.broadcast %mul3A_376 : f32 to vector<16xf32>
          %mul3A_378 = arith.mulf %abs3A_315, %mul3A_377 : vector<16xf32>
          %convert_element_type3A_379 = arith.fptosi %mul3A_378 : vector<16xf32> to vector<16xi32>
          %lt3A_380 = arith.constant 0.000000e+00 : f32
          %lt3A_381 = vector.broadcast %lt3A_380 : f32 to vector<16xf32>
          %lt3A_382 = arith.cmpf olt, %get3A_210, %lt3A_381 : vector<16xf32>
          %lt3A_383 = arith.constant 0.000000e+00 : f32
          %lt3A_384 = vector.broadcast %lt3A_383 : f32 to vector<16xf32>
          %lt3A_385 = arith.cmpf olt, %get3A_216, %lt3A_384 : vector<16xf32>
          %lt3A_386 = arith.constant 0.000000e+00 : f32
          %lt3A_387 = vector.broadcast %lt3A_386 : f32 to vector<16xf32>
          %lt3A_388 = arith.cmpf olt, %get3A_222, %lt3A_387 : vector<16xf32>
          %lt3A_389 = arith.constant 0.000000e+00 : f32
          %lt3A_390 = vector.broadcast %lt3A_389 : f32 to vector<16xf32>
          %lt3A_391 = arith.cmpf olt, %get3A_228, %lt3A_390 : vector<16xf32>
          %lt3A_392 = arith.constant 0.000000e+00 : f32
          %lt3A_393 = vector.broadcast %lt3A_392 : f32 to vector<16xf32>
          %lt3A_394 = arith.cmpf olt, %get3A_234, %lt3A_393 : vector<16xf32>
          %lt3A_395 = arith.constant 0.000000e+00 : f32
          %lt3A_396 = vector.broadcast %lt3A_395 : f32 to vector<16xf32>
          %lt3A_397 = arith.cmpf olt, %get3A_240, %lt3A_396 : vector<16xf32>
          %lt3A_398 = arith.constant 0.000000e+00 : f32
          %lt3A_399 = vector.broadcast %lt3A_398 : f32 to vector<16xf32>
          %lt3A_400 = arith.cmpf olt, %get3A_246, %lt3A_399 : vector<16xf32>
          %lt3A_401 = arith.constant 0.000000e+00 : f32
          %lt3A_402 = vector.broadcast %lt3A_401 : f32 to vector<16xf32>
          %lt3A_403 = arith.cmpf olt, %get3A_252, %lt3A_402 : vector<16xf32>
          %lt3A_404 = arith.constant 0.000000e+00 : f32
          %lt3A_405 = vector.broadcast %lt3A_404 : f32 to vector<16xf32>
          %lt3A_406 = arith.cmpf olt, %get3A_258, %lt3A_405 : vector<16xf32>
          %lt3A_407 = arith.constant 0.000000e+00 : f32
          %lt3A_408 = vector.broadcast %lt3A_407 : f32 to vector<16xf32>
          %lt3A_409 = arith.cmpf olt, %get3A_264, %lt3A_408 : vector<16xf32>
          %lt3A_410 = arith.constant 0.000000e+00 : f32
          %lt3A_411 = vector.broadcast %lt3A_410 : f32 to vector<16xf32>
          %lt3A_412 = arith.cmpf olt, %get3A_270, %lt3A_411 : vector<16xf32>
          %lt3A_413 = arith.constant 0.000000e+00 : f32
          %lt3A_414 = vector.broadcast %lt3A_413 : f32 to vector<16xf32>
          %lt3A_415 = arith.cmpf olt, %get3A_276, %lt3A_414 : vector<16xf32>
          %lt3A_416 = arith.constant 0.000000e+00 : f32
          %lt3A_417 = vector.broadcast %lt3A_416 : f32 to vector<16xf32>
          %lt3A_418 = arith.cmpf olt, %get3A_282, %lt3A_417 : vector<16xf32>
          %lt3A_419 = arith.constant 0.000000e+00 : f32
          %lt3A_420 = vector.broadcast %lt3A_419 : f32 to vector<16xf32>
          %lt3A_421 = arith.cmpf olt, %get3A_288, %lt3A_420 : vector<16xf32>
          %lt3A_422 = arith.constant 0.000000e+00 : f32
          %lt3A_423 = vector.broadcast %lt3A_422 : f32 to vector<16xf32>
          %lt3A_424 = arith.cmpf olt, %get3A_294, %lt3A_423 : vector<16xf32>
          %lt3A_425 = arith.constant 0.000000e+00 : f32
          %lt3A_426 = vector.broadcast %lt3A_425 : f32 to vector<16xf32>
          %lt3A_427 = arith.cmpf olt, %get3A_300, %lt3A_426 : vector<16xf32>
          tpu.vector_store_idx %arg6[%convert_element_type3A_319], %abs3A {add = true} : memref<2048xf32, #tpu.memory_space<vmem>>[vector<16xi32>], vector<16xf32>,
          tpu.vector_store_idx %arg7[%convert_element_type3A_319], %broadcast_in_dim3A_3 masked %lt3A_382 {add = true} : memref<2048xf32, #tpu.memory_space<vmem>>[vector<16xi32>], vector<16xf32>, vector<16xi1>
          tpu.vector_store_idx %arg6[%convert_element_type3A_323], %abs3A_301 {add = true} : memref<2048xf32, #tpu.memory_space<vmem>>[vector<16xi32>], vector<16xf32>,
          tpu.vector_store_idx %arg7[%convert_element_type3A_323], %broadcast_in_dim3A_3 masked %lt3A_385 {add = true} : memref<2048xf32, #tpu.memory_space<vmem>>[vector<16xi32>], vector<16xf32>, vector<16xi1>
          tpu.vector_store_idx %arg6[%convert_element_type3A_327], %abs3A_302 {add = true} : memref<2048xf32, #tpu.memory_space<vmem>>[vector<16xi32>], vector<16xf32>,
          tpu.vector_store_idx %arg7[%convert_element_type3A_327], %broadcast_in_dim3A_3 masked %lt3A_388 {add = true} : memref<2048xf32, #tpu.memory_space<vmem>>[vector<16xi32>], vector<16xf32>, vector<16xi1>
          tpu.vector_store_idx %arg6[%convert_element_type3A_331], %abs3A_303 {add = true} : memref<2048xf32, #tpu.memory_space<vmem>>[vector<16xi32>], vector<16xf32>,
          tpu.vector_store_idx %arg7[%convert_element_type3A_331], %broadcast_in_dim3A_3 masked %lt3A_391 {add = true} : memref<2048xf32, #tpu.memory_space<vmem>>[vector<16xi32>], vector<16xf32>, vector<16xi1>
          tpu.vector_store_idx %arg6[%convert_element_type3A_335], %abs3A_304 {add = true} : memref<2048xf32, #tpu.memory_space<vmem>>[vector<16xi32>], vector<16xf32>,
          tpu.vector_store_idx %arg7[%convert_element_type3A_335], %broadcast_in_dim3A_3 masked %lt3A_394 {add = true} : memref<2048xf32, #tpu.memory_space<vmem>>[vector<16xi32>], vector<16xf32>, vector<16xi1>
          tpu.vector_store_idx %arg6[%convert_element_type3A_339], %abs3A_305 {add = true} : memref<2048xf32, #tpu.memory_space<vmem>>[vector<16xi32>], vector<16xf32>,
          tpu.vector_store_idx %arg7[%convert_element_type3A_339], %broadcast_in_dim3A_3 masked %lt3A_397 {add = true} : memref<2048xf32, #tpu.memory_space<vmem>>[vector<16xi32>], vector<16xf32>, vector<16xi1>
          tpu.vector_store_idx %arg6[%convert_element_type3A_343], %abs3A_306 {add = true} : memref<2048xf32, #tpu.memory_space<vmem>>[vector<16xi32>], vector<16xf32>,
          tpu.vector_store_idx %arg7[%convert_element_type3A_343], %broadcast_in_dim3A_3 masked %lt3A_400 {add = true} : memref<2048xf32, #tpu.memory_space<vmem>>[vector<16xi32>], vector<16xf32>, vector<16xi1>
          tpu.vector_store_idx %arg6[%convert_element_type3A_347], %abs3A_307 {add = true} : memref<2048xf32, #tpu.memory_space<vmem>>[vector<16xi32>], vector<16xf32>,
          tpu.vector_store_idx %arg7[%convert_element_type3A_347], %broadcast_in_dim3A_3 masked %lt3A_403 {add = true} : memref<2048xf32, #tpu.memory_space<vmem>>[vector<16xi32>], vector<16xf32>, vector<16xi1>
          tpu.vector_store_idx %arg6[%convert_element_type3A_351], %abs3A_308 {add = true} : memref<2048xf32, #tpu.memory_space<vmem>>[vector<16xi32>], vector<16xf32>,
          tpu.vector_store_idx %arg7[%convert_element_type3A_351], %broadcast_in_dim3A_3 masked %lt3A_406 {add = true} : memref<2048xf32, #tpu.memory_space<vmem>>[vector<16xi32>], vector<16xf32>, vector<16xi1>
          tpu.vector_store_idx %arg6[%convert_element_type3A_355], %abs3A_309 {add = true} : memref<2048xf32, #tpu.memory_space<vmem>>[vector<16xi32>], vector<16xf32>,
          tpu.vector_store_idx %arg7[%convert_element_type3A_355], %broadcast_in_dim3A_3 masked %lt3A_409 {add = true} : memref<2048xf32, #tpu.memory_space<vmem>>[vector<16xi32>], vector<16xf32>, vector<16xi1>
          tpu.vector_store_idx %arg6[%convert_element_type3A_359], %abs3A_310 {add = true} : memref<2048xf32, #tpu.memory_space<vmem>>[vector<16xi32>], vector<16xf32>,
          tpu.vector_store_idx %arg7[%convert_element_type3A_359], %broadcast_in_dim3A_3 masked %lt3A_412 {add = true} : memref<2048xf32, #tpu.memory_space<vmem>>[vector<16xi32>], vector<16xf32>, vector<16xi1>
          tpu.vector_store_idx %arg6[%convert_element_type3A_363], %abs3A_311 {add = true} : memref<2048xf32, #tpu.memory_space<vmem>>[vector<16xi32>], vector<16xf32>,
          tpu.vector_store_idx %arg7[%convert_element_type3A_363], %broadcast_in_dim3A_3 masked %lt3A_415 {add = true} : memref<2048xf32, #tpu.memory_space<vmem>>[vector<16xi32>], vector<16xf32>, vector<16xi1>
          tpu.vector_store_idx %arg6[%convert_element_type3A_367], %abs3A_312 {add = true} : memref<2048xf32, #tpu.memory_space<vmem>>[vector<16xi32>], vector<16xf32>,
          tpu.vector_store_idx %arg7[%convert_element_type3A_367], %broadcast_in_dim3A_3 masked %lt3A_418 {add = true} : memref<2048xf32, #tpu.memory_space<vmem>>[vector<16xi32>], vector<16xf32>, vector<16xi1>
          tpu.vector_store_idx %arg6[%convert_element_type3A_371], %abs3A_313 {add = true} : memref<2048xf32, #tpu.memory_space<vmem>>[vector<16xi32>], vector<16xf32>,
          tpu.vector_store_idx %arg7[%convert_element_type3A_371], %broadcast_in_dim3A_3 masked %lt3A_421 {add = true} : memref<2048xf32, #tpu.memory_space<vmem>>[vector<16xi32>], vector<16xf32>, vector<16xi1>
          tpu.vector_store_idx %arg6[%convert_element_type3A_375], %abs3A_314 {add = true} : memref<2048xf32, #tpu.memory_space<vmem>>[vector<16xi32>], vector<16xf32>,
          tpu.vector_store_idx %arg7[%convert_element_type3A_375], %broadcast_in_dim3A_3 masked %lt3A_424 {add = true} : memref<2048xf32, #tpu.memory_space<vmem>>[vector<16xi32>], vector<16xf32>, vector<16xi1>
          tpu.vector_store_idx %arg6[%convert_element_type3A_379], %abs3A_315 {add = true} : memref<2048xf32, #tpu.memory_space<vmem>>[vector<16xi32>], vector<16xf32>,
          tpu.vector_store_idx %arg7[%convert_element_type3A_379], %broadcast_in_dim3A_3 masked %lt3A_427 {add = true} : memref<2048xf32, #tpu.memory_space<vmem>>[vector<16xi32>], vector<16xf32>, vector<16xi1>
        }
        %scan3A_60 = arith.constant 64 : i32
        %dma_wait3A_61 = arith.constant 32768 : i32
        %dma_wait3A_62 = tpu.memref_slice %arg2[%add3A_12, %dma_wait3A_61] : memref<168x147456xf32, #tpu.memory_space<hbm>> -> memref<1x16384xf32, #tpu.memory_space<hbm>>
        %dma_wait3A_63 = tpu.memref_squeeze %dma_wait3A_62 : memref<1x16384xf32, #tpu.memory_space<hbm>> -> memref<16384xf32, #tpu.memory_space<hbm>>
        %dma_wait3A_64 = arith.constant 32768 : i32
        %dma_wait3A_65 = tpu.memref_slice %arg2[%add3A_12, %dma_wait3A_64] : memref<168x147456xf32, #tpu.memory_space<hbm>> -> memref<1x16384xf32, #tpu.memory_space<hbm>>
        %dma_wait3A_66 = tpu.memref_squeeze %dma_wait3A_65 : memref<1x16384xf32, #tpu.memory_space<hbm>> -> memref<16384xf32, #tpu.memory_space<hbm>>
        tpu.wait_dma2 semaphore(%arg9 : memref<!tpu.dma_semaphore, #tpu.memory_space<semaphore_mem>>) src(%dma_wait3A_66 : memref<16384xf32, #tpu.memory_space<hbm>>) dst(%arg4 : memref<16384xf32, #tpu.memory_space<vmem>>)
        %dma_start3A_67 = arith.constant 49152 : i32
        %dma_start3A_68 = tpu.memref_slice %arg2[%add3A_12, %dma_start3A_67] : memref<168x147456xf32, #tpu.memory_space<hbm>> -> memref<1x16384xf32, #tpu.memory_space<hbm>>
        %dma_start3A_69 = tpu.memref_squeeze %dma_start3A_68 : memref<1x16384xf32, #tpu.memory_space<hbm>> -> memref<16384xf32, #tpu.memory_space<hbm>>
        %dma_start3A_70 = arith.constant 49152 : i32
        %dma_start3A_71 = tpu.memref_slice %arg2[%add3A_12, %dma_start3A_70] : memref<168x147456xf32, #tpu.memory_space<hbm>> -> memref<1x16384xf32, #tpu.memory_space<hbm>>
        %dma_start3A_72 = tpu.memref_squeeze %dma_start3A_71 : memref<1x16384xf32, #tpu.memory_space<hbm>> -> memref<16384xf32, #tpu.memory_space<hbm>>
        tpu.enqueue_dma source(%dma_start3A_72 : memref<16384xf32, #tpu.memory_space<hbm>>) target(%arg5 : memref<16384xf32, #tpu.memory_space<vmem>>) target_semaphore(%arg10 : memref<!tpu.dma_semaphore, #tpu.memory_space<semaphore_mem>>)
        %scan3A_73 = arith.constant 0 : i32
        %scan3A_74 = arith.constant 0 : i32
        %scan3A_75 = arith.constant 64 : i32
        %scan3A_76 = arith.addi %scan3A_74, %scan3A_75 : i32
        %scan3A_77 = arith.constant 1 : i32
        scf.for %scan3A_205 = %scan3A_74 to %scan3A_76 step %scan3A_77  : i32 {
          %mul3A_206 = arith.constant 256 : i32
          %mul3A_207 = arith.muli %scan3A_205, %mul3A_206 : i32
          %add3A_208 = arith.constant 0 : i32
          %add3A_209 = arith.addi %mul3A_207, %add3A_208 : i32
          %get3A = arith.index_cast %add3A_209 : i32 to index
          %get3A_210 = tpu.vector_load %arg4[%get3A] {strides = array<i32>} : memref<16384xf32, #tpu.memory_space<vmem>>, vector<16xf32>,
          %mul3A_211 = arith.constant 256 : i32
          %mul3A_212 = arith.muli %scan3A_205, %mul3A_211 : i32
          %add3A_213 = arith.constant 16 : i32
          %add3A_214 = arith.addi %mul3A_212, %add3A_213 : i32
          %get3A_215 = arith.index_cast %add3A_214 : i32 to index
          %get3A_216 = tpu.vector_load %arg4[%get3A_215] {strides = array<i32>} : memref<16384xf32, #tpu.memory_space<vmem>>, vector<16xf32>,
          %mul3A_217 = arith.constant 256 : i32
          %mul3A_218 = arith.muli %scan3A_205, %mul3A_217 : i32
          %add3A_219 = arith.constant 32 : i32
          %add3A_220 = arith.addi %mul3A_218, %add3A_219 : i32
          %get3A_221 = arith.index_cast %add3A_220 : i32 to index
          %get3A_222 = tpu.vector_load %arg4[%get3A_221] {strides = array<i32>} : memref<16384xf32, #tpu.memory_space<vmem>>, vector<16xf32>,
          %mul3A_223 = arith.constant 256 : i32
          %mul3A_224 = arith.muli %scan3A_205, %mul3A_223 : i32
          %add3A_225 = arith.constant 48 : i32
          %add3A_226 = arith.addi %mul3A_224, %add3A_225 : i32
          %get3A_227 = arith.index_cast %add3A_226 : i32 to index
          %get3A_228 = tpu.vector_load %arg4[%get3A_227] {strides = array<i32>} : memref<16384xf32, #tpu.memory_space<vmem>>, vector<16xf32>,
          %mul3A_229 = arith.constant 256 : i32
          %mul3A_230 = arith.muli %scan3A_205, %mul3A_229 : i32
          %add3A_231 = arith.constant 64 : i32
          %add3A_232 = arith.addi %mul3A_230, %add3A_231 : i32
          %get3A_233 = arith.index_cast %add3A_232 : i32 to index
          %get3A_234 = tpu.vector_load %arg4[%get3A_233] {strides = array<i32>} : memref<16384xf32, #tpu.memory_space<vmem>>, vector<16xf32>,
          %mul3A_235 = arith.constant 256 : i32
          %mul3A_236 = arith.muli %scan3A_205, %mul3A_235 : i32
          %add3A_237 = arith.constant 80 : i32
          %add3A_238 = arith.addi %mul3A_236, %add3A_237 : i32
          %get3A_239 = arith.index_cast %add3A_238 : i32 to index
          %get3A_240 = tpu.vector_load %arg4[%get3A_239] {strides = array<i32>} : memref<16384xf32, #tpu.memory_space<vmem>>, vector<16xf32>,
          %mul3A_241 = arith.constant 256 : i32
          %mul3A_242 = arith.muli %scan3A_205, %mul3A_241 : i32
          %add3A_243 = arith.constant 96 : i32
          %add3A_244 = arith.addi %mul3A_242, %add3A_243 : i32
          %get3A_245 = arith.index_cast %add3A_244 : i32 to index
          %get3A_246 = tpu.vector_load %arg4[%get3A_245] {strides = array<i32>} : memref<16384xf32, #tpu.memory_space<vmem>>, vector<16xf32>,
          %mul3A_247 = arith.constant 256 : i32
          %mul3A_248 = arith.muli %scan3A_205, %mul3A_247 : i32
          %add3A_249 = arith.constant 112 : i32
          %add3A_250 = arith.addi %mul3A_248, %add3A_249 : i32
          %get3A_251 = arith.index_cast %add3A_250 : i32 to index
          %get3A_252 = tpu.vector_load %arg4[%get3A_251] {strides = array<i32>} : memref<16384xf32, #tpu.memory_space<vmem>>, vector<16xf32>,
          %mul3A_253 = arith.constant 256 : i32
          %mul3A_254 = arith.muli %scan3A_205, %mul3A_253 : i32
          %add3A_255 = arith.constant 128 : i32
          %add3A_256 = arith.addi %mul3A_254, %add3A_255 : i32
          %get3A_257 = arith.index_cast %add3A_256 : i32 to index
          %get3A_258 = tpu.vector_load %arg4[%get3A_257] {strides = array<i32>} : memref<16384xf32, #tpu.memory_space<vmem>>, vector<16xf32>,
          %mul3A_259 = arith.constant 256 : i32
          %mul3A_260 = arith.muli %scan3A_205, %mul3A_259 : i32
          %add3A_261 = arith.constant 144 : i32
          %add3A_262 = arith.addi %mul3A_260, %add3A_261 : i32
          %get3A_263 = arith.index_cast %add3A_262 : i32 to index
          %get3A_264 = tpu.vector_load %arg4[%get3A_263] {strides = array<i32>} : memref<16384xf32, #tpu.memory_space<vmem>>, vector<16xf32>,
          %mul3A_265 = arith.constant 256 : i32
          %mul3A_266 = arith.muli %scan3A_205, %mul3A_265 : i32
          %add3A_267 = arith.constant 160 : i32
          %add3A_268 = arith.addi %mul3A_266, %add3A_267 : i32
          %get3A_269 = arith.index_cast %add3A_268 : i32 to index
          %get3A_270 = tpu.vector_load %arg4[%get3A_269] {strides = array<i32>} : memref<16384xf32, #tpu.memory_space<vmem>>, vector<16xf32>,
          %mul3A_271 = arith.constant 256 : i32
          %mul3A_272 = arith.muli %scan3A_205, %mul3A_271 : i32
          %add3A_273 = arith.constant 176 : i32
          %add3A_274 = arith.addi %mul3A_272, %add3A_273 : i32
          %get3A_275 = arith.index_cast %add3A_274 : i32 to index
          %get3A_276 = tpu.vector_load %arg4[%get3A_275] {strides = array<i32>} : memref<16384xf32, #tpu.memory_space<vmem>>, vector<16xf32>,
          %mul3A_277 = arith.constant 256 : i32
          %mul3A_278 = arith.muli %scan3A_205, %mul3A_277 : i32
          %add3A_279 = arith.constant 192 : i32
          %add3A_280 = arith.addi %mul3A_278, %add3A_279 : i32
          %get3A_281 = arith.index_cast %add3A_280 : i32 to index
          %get3A_282 = tpu.vector_load %arg4[%get3A_281] {strides = array<i32>} : memref<16384xf32, #tpu.memory_space<vmem>>, vector<16xf32>,
          %mul3A_283 = arith.constant 256 : i32
          %mul3A_284 = arith.muli %scan3A_205, %mul3A_283 : i32
          %add3A_285 = arith.constant 208 : i32
          %add3A_286 = arith.addi %mul3A_284, %add3A_285 : i32
          %get3A_287 = arith.index_cast %add3A_286 : i32 to index
          %get3A_288 = tpu.vector_load %arg4[%get3A_287] {strides = array<i32>} : memref<16384xf32, #tpu.memory_space<vmem>>, vector<16xf32>,
          %mul3A_289 = arith.constant 256 : i32
          %mul3A_290 = arith.muli %scan3A_205, %mul3A_289 : i32
          %add3A_291 = arith.constant 224 : i32
          %add3A_292 = arith.addi %mul3A_290, %add3A_291 : i32
          %get3A_293 = arith.index_cast %add3A_292 : i32 to index
          %get3A_294 = tpu.vector_load %arg4[%get3A_293] {strides = array<i32>} : memref<16384xf32, #tpu.memory_space<vmem>>, vector<16xf32>,
          %mul3A_295 = arith.constant 256 : i32
          %mul3A_296 = arith.muli %scan3A_205, %mul3A_295 : i32
          %add3A_297 = arith.constant 240 : i32
          %add3A_298 = arith.addi %mul3A_296, %add3A_297 : i32
          %get3A_299 = arith.index_cast %add3A_298 : i32 to index
          %get3A_300 = tpu.vector_load %arg4[%get3A_299] {strides = array<i32>} : memref<16384xf32, #tpu.memory_space<vmem>>, vector<16xf32>,
          %abs3A = math.absf %get3A_210 : vector<16xf32>
          %abs3A_301 = math.absf %get3A_216 : vector<16xf32>
          %abs3A_302 = math.absf %get3A_222 : vector<16xf32>
          %abs3A_303 = math.absf %get3A_228 : vector<16xf32>
          %abs3A_304 = math.absf %get3A_234 : vector<16xf32>
          %abs3A_305 = math.absf %get3A_240 : vector<16xf32>
          %abs3A_306 = math.absf %get3A_246 : vector<16xf32>
          %abs3A_307 = math.absf %get3A_252 : vector<16xf32>
          %abs3A_308 = math.absf %get3A_258 : vector<16xf32>
          %abs3A_309 = math.absf %get3A_264 : vector<16xf32>
          %abs3A_310 = math.absf %get3A_270 : vector<16xf32>
          %abs3A_311 = math.absf %get3A_276 : vector<16xf32>
          %abs3A_312 = math.absf %get3A_282 : vector<16xf32>
          %abs3A_313 = math.absf %get3A_288 : vector<16xf32>
          %abs3A_314 = math.absf %get3A_294 : vector<16xf32>
          %abs3A_315 = math.absf %get3A_300 : vector<16xf32>
          %mul3A_316 = arith.constant 2.047500e+03 : f32
          %mul3A_317 = vector.broadcast %mul3A_316 : f32 to vector<16xf32>
          %mul3A_318 = arith.mulf %abs3A, %mul3A_317 : vector<16xf32>
          %convert_element_type3A_319 = arith.fptosi %mul3A_318 : vector<16xf32> to vector<16xi32>
          %mul3A_320 = arith.constant 2.047500e+03 : f32
          %mul3A_321 = vector.broadcast %mul3A_320 : f32 to vector<16xf32>
          %mul3A_322 = arith.mulf %abs3A_301, %mul3A_321 : vector<16xf32>
          %convert_element_type3A_323 = arith.fptosi %mul3A_322 : vector<16xf32> to vector<16xi32>
          %mul3A_324 = arith.constant 2.047500e+03 : f32
          %mul3A_325 = vector.broadcast %mul3A_324 : f32 to vector<16xf32>
          %mul3A_326 = arith.mulf %abs3A_302, %mul3A_325 : vector<16xf32>
          %convert_element_type3A_327 = arith.fptosi %mul3A_326 : vector<16xf32> to vector<16xi32>
          %mul3A_328 = arith.constant 2.047500e+03 : f32
          %mul3A_329 = vector.broadcast %mul3A_328 : f32 to vector<16xf32>
          %mul3A_330 = arith.mulf %abs3A_303, %mul3A_329 : vector<16xf32>
          %convert_element_type3A_331 = arith.fptosi %mul3A_330 : vector<16xf32> to vector<16xi32>
          %mul3A_332 = arith.constant 2.047500e+03 : f32
          %mul3A_333 = vector.broadcast %mul3A_332 : f32 to vector<16xf32>
          %mul3A_334 = arith.mulf %abs3A_304, %mul3A_333 : vector<16xf32>
          %convert_element_type3A_335 = arith.fptosi %mul3A_334 : vector<16xf32> to vector<16xi32>
          %mul3A_336 = arith.constant 2.047500e+03 : f32
          %mul3A_337 = vector.broadcast %mul3A_336 : f32 to vector<16xf32>
          %mul3A_338 = arith.mulf %abs3A_305, %mul3A_337 : vector<16xf32>
          %convert_element_type3A_339 = arith.fptosi %mul3A_338 : vector<16xf32> to vector<16xi32>
          %mul3A_340 = arith.constant 2.047500e+03 : f32
          %mul3A_341 = vector.broadcast %mul3A_340 : f32 to vector<16xf32>
          %mul3A_342 = arith.mulf %abs3A_306, %mul3A_341 : vector<16xf32>
          %convert_element_type3A_343 = arith.fptosi %mul3A_342 : vector<16xf32> to vector<16xi32>
          %mul3A_344 = arith.constant 2.047500e+03 : f32
          %mul3A_345 = vector.broadcast %mul3A_344 : f32 to vector<16xf32>
          %mul3A_346 = arith.mulf %abs3A_307, %mul3A_345 : vector<16xf32>
          %convert_element_type3A_347 = arith.fptosi %mul3A_346 : vector<16xf32> to vector<16xi32>
          %mul3A_348 = arith.constant 2.047500e+03 : f32
          %mul3A_349 = vector.broadcast %mul3A_348 : f32 to vector<16xf32>
          %mul3A_350 = arith.mulf %abs3A_308, %mul3A_349 : vector<16xf32>
          %convert_element_type3A_351 = arith.fptosi %mul3A_350 : vector<16xf32> to vector<16xi32>
          %mul3A_352 = arith.constant 2.047500e+03 : f32
          %mul3A_353 = vector.broadcast %mul3A_352 : f32 to vector<16xf32>
          %mul3A_354 = arith.mulf %abs3A_309, %mul3A_353 : vector<16xf32>
          %convert_element_type3A_355 = arith.fptosi %mul3A_354 : vector<16xf32> to vector<16xi32>
          %mul3A_356 = arith.constant 2.047500e+03 : f32
          %mul3A_357 = vector.broadcast %mul3A_356 : f32 to vector<16xf32>
          %mul3A_358 = arith.mulf %abs3A_310, %mul3A_357 : vector<16xf32>
          %convert_element_type3A_359 = arith.fptosi %mul3A_358 : vector<16xf32> to vector<16xi32>
          %mul3A_360 = arith.constant 2.047500e+03 : f32
          %mul3A_361 = vector.broadcast %mul3A_360 : f32 to vector<16xf32>
          %mul3A_362 = arith.mulf %abs3A_311, %mul3A_361 : vector<16xf32>
          %convert_element_type3A_363 = arith.fptosi %mul3A_362 : vector<16xf32> to vector<16xi32>
          %mul3A_364 = arith.constant 2.047500e+03 : f32
          %mul3A_365 = vector.broadcast %mul3A_364 : f32 to vector<16xf32>
          %mul3A_366 = arith.mulf %abs3A_312, %mul3A_365 : vector<16xf32>
          %convert_element_type3A_367 = arith.fptosi %mul3A_366 : vector<16xf32> to vector<16xi32>
          %mul3A_368 = arith.constant 2.047500e+03 : f32
          %mul3A_369 = vector.broadcast %mul3A_368 : f32 to vector<16xf32>
          %mul3A_370 = arith.mulf %abs3A_313, %mul3A_369 : vector<16xf32>
          %convert_element_type3A_371 = arith.fptosi %mul3A_370 : vector<16xf32> to vector<16xi32>
          %mul3A_372 = arith.constant 2.047500e+03 : f32
          %mul3A_373 = vector.broadcast %mul3A_372 : f32 to vector<16xf32>
          %mul3A_374 = arith.mulf %abs3A_314, %mul3A_373 : vector<16xf32>
          %convert_element_type3A_375 = arith.fptosi %mul3A_374 : vector<16xf32> to vector<16xi32>
          %mul3A_376 = arith.constant 2.047500e+03 : f32
          %mul3A_377 = vector.broadcast %mul3A_376 : f32 to vector<16xf32>
          %mul3A_378 = arith.mulf %abs3A_315, %mul3A_377 : vector<16xf32>
          %convert_element_type3A_379 = arith.fptosi %mul3A_378 : vector<16xf32> to vector<16xi32>
          %lt3A_380 = arith.constant 0.000000e+00 : f32
          %lt3A_381 = vector.broadcast %lt3A_380 : f32 to vector<16xf32>
          %lt3A_382 = arith.cmpf olt, %get3A_210, %lt3A_381 : vector<16xf32>
          %lt3A_383 = arith.constant 0.000000e+00 : f32
          %lt3A_384 = vector.broadcast %lt3A_383 : f32 to vector<16xf32>
          %lt3A_385 = arith.cmpf olt, %get3A_216, %lt3A_384 : vector<16xf32>
          %lt3A_386 = arith.constant 0.000000e+00 : f32
          %lt3A_387 = vector.broadcast %lt3A_386 : f32 to vector<16xf32>
          %lt3A_388 = arith.cmpf olt, %get3A_222, %lt3A_387 : vector<16xf32>
          %lt3A_389 = arith.constant 0.000000e+00 : f32
          %lt3A_390 = vector.broadcast %lt3A_389 : f32 to vector<16xf32>
          %lt3A_391 = arith.cmpf olt, %get3A_228, %lt3A_390 : vector<16xf32>
          %lt3A_392 = arith.constant 0.000000e+00 : f32
          %lt3A_393 = vector.broadcast %lt3A_392 : f32 to vector<16xf32>
          %lt3A_394 = arith.cmpf olt, %get3A_234, %lt3A_393 : vector<16xf32>
          %lt3A_395 = arith.constant 0.000000e+00 : f32
          %lt3A_396 = vector.broadcast %lt3A_395 : f32 to vector<16xf32>
          %lt3A_397 = arith.cmpf olt, %get3A_240, %lt3A_396 : vector<16xf32>
          %lt3A_398 = arith.constant 0.000000e+00 : f32
          %lt3A_399 = vector.broadcast %lt3A_398 : f32 to vector<16xf32>
          %lt3A_400 = arith.cmpf olt, %get3A_246, %lt3A_399 : vector<16xf32>
          %lt3A_401 = arith.constant 0.000000e+00 : f32
          %lt3A_402 = vector.broadcast %lt3A_401 : f32 to vector<16xf32>
          %lt3A_403 = arith.cmpf olt, %get3A_252, %lt3A_402 : vector<16xf32>
          %lt3A_404 = arith.constant 0.000000e+00 : f32
          %lt3A_405 = vector.broadcast %lt3A_404 : f32 to vector<16xf32>
          %lt3A_406 = arith.cmpf olt, %get3A_258, %lt3A_405 : vector<16xf32>
          %lt3A_407 = arith.constant 0.000000e+00 : f32
          %lt3A_408 = vector.broadcast %lt3A_407 : f32 to vector<16xf32>
          %lt3A_409 = arith.cmpf olt, %get3A_264, %lt3A_408 : vector<16xf32>
          %lt3A_410 = arith.constant 0.000000e+00 : f32
          %lt3A_411 = vector.broadcast %lt3A_410 : f32 to vector<16xf32>
          %lt3A_412 = arith.cmpf olt, %get3A_270, %lt3A_411 : vector<16xf32>
          %lt3A_413 = arith.constant 0.000000e+00 : f32
          %lt3A_414 = vector.broadcast %lt3A_413 : f32 to vector<16xf32>
          %lt3A_415 = arith.cmpf olt, %get3A_276, %lt3A_414 : vector<16xf32>
          %lt3A_416 = arith.constant 0.000000e+00 : f32
          %lt3A_417 = vector.broadcast %lt3A_416 : f32 to vector<16xf32>
          %lt3A_418 = arith.cmpf olt, %get3A_282, %lt3A_417 : vector<16xf32>
          %lt3A_419 = arith.constant 0.000000e+00 : f32
          %lt3A_420 = vector.broadcast %lt3A_419 : f32 to vector<16xf32>
          %lt3A_421 = arith.cmpf olt, %get3A_288, %lt3A_420 : vector<16xf32>
          %lt3A_422 = arith.constant 0.000000e+00 : f32
          %lt3A_423 = vector.broadcast %lt3A_422 : f32 to vector<16xf32>
          %lt3A_424 = arith.cmpf olt, %get3A_294, %lt3A_423 : vector<16xf32>
          %lt3A_425 = arith.constant 0.000000e+00 : f32
          %lt3A_426 = vector.broadcast %lt3A_425 : f32 to vector<16xf32>
          %lt3A_427 = arith.cmpf olt, %get3A_300, %lt3A_426 : vector<16xf32>
          tpu.vector_store_idx %arg6[%convert_element_type3A_319], %abs3A {add = true} : memref<2048xf32, #tpu.memory_space<vmem>>[vector<16xi32>], vector<16xf32>,
          tpu.vector_store_idx %arg7[%convert_element_type3A_319], %broadcast_in_dim3A_3 masked %lt3A_382 {add = true} : memref<2048xf32, #tpu.memory_space<vmem>>[vector<16xi32>], vector<16xf32>, vector<16xi1>
          tpu.vector_store_idx %arg6[%convert_element_type3A_323], %abs3A_301 {add = true} : memref<2048xf32, #tpu.memory_space<vmem>>[vector<16xi32>], vector<16xf32>,
          tpu.vector_store_idx %arg7[%convert_element_type3A_323], %broadcast_in_dim3A_3 masked %lt3A_385 {add = true} : memref<2048xf32, #tpu.memory_space<vmem>>[vector<16xi32>], vector<16xf32>, vector<16xi1>
          tpu.vector_store_idx %arg6[%convert_element_type3A_327], %abs3A_302 {add = true} : memref<2048xf32, #tpu.memory_space<vmem>>[vector<16xi32>], vector<16xf32>,
          tpu.vector_store_idx %arg7[%convert_element_type3A_327], %broadcast_in_dim3A_3 masked %lt3A_388 {add = true} : memref<2048xf32, #tpu.memory_space<vmem>>[vector<16xi32>], vector<16xf32>, vector<16xi1>
          tpu.vector_store_idx %arg6[%convert_element_type3A_331], %abs3A_303 {add = true} : memref<2048xf32, #tpu.memory_space<vmem>>[vector<16xi32>], vector<16xf32>,
          tpu.vector_store_idx %arg7[%convert_element_type3A_331], %broadcast_in_dim3A_3 masked %lt3A_391 {add = true} : memref<2048xf32, #tpu.memory_space<vmem>>[vector<16xi32>], vector<16xf32>, vector<16xi1>
          tpu.vector_store_idx %arg6[%convert_element_type3A_335], %abs3A_304 {add = true} : memref<2048xf32, #tpu.memory_space<vmem>>[vector<16xi32>], vector<16xf32>,
          tpu.vector_store_idx %arg7[%convert_element_type3A_335], %broadcast_in_dim3A_3 masked %lt3A_394 {add = true} : memref<2048xf32, #tpu.memory_space<vmem>>[vector<16xi32>], vector<16xf32>, vector<16xi1>
          tpu.vector_store_idx %arg6[%convert_element_type3A_339], %abs3A_305 {add = true} : memref<2048xf32, #tpu.memory_space<vmem>>[vector<16xi32>], vector<16xf32>,
          tpu.vector_store_idx %arg7[%convert_element_type3A_339], %broadcast_in_dim3A_3 masked %lt3A_397 {add = true} : memref<2048xf32, #tpu.memory_space<vmem>>[vector<16xi32>], vector<16xf32>, vector<16xi1>
          tpu.vector_store_idx %arg6[%convert_element_type3A_343], %abs3A_306 {add = true} : memref<2048xf32, #tpu.memory_space<vmem>>[vector<16xi32>], vector<16xf32>,
          tpu.vector_store_idx %arg7[%convert_element_type3A_343], %broadcast_in_dim3A_3 masked %lt3A_400 {add = true} : memref<2048xf32, #tpu.memory_space<vmem>>[vector<16xi32>], vector<16xf32>, vector<16xi1>
          tpu.vector_store_idx %arg6[%convert_element_type3A_347], %abs3A_307 {add = true} : memref<2048xf32, #tpu.memory_space<vmem>>[vector<16xi32>], vector<16xf32>,
          tpu.vector_store_idx %arg7[%convert_element_type3A_347], %broadcast_in_dim3A_3 masked %lt3A_403 {add = true} : memref<2048xf32, #tpu.memory_space<vmem>>[vector<16xi32>], vector<16xf32>, vector<16xi1>
          tpu.vector_store_idx %arg6[%convert_element_type3A_351], %abs3A_308 {add = true} : memref<2048xf32, #tpu.memory_space<vmem>>[vector<16xi32>], vector<16xf32>,
          tpu.vector_store_idx %arg7[%convert_element_type3A_351], %broadcast_in_dim3A_3 masked %lt3A_406 {add = true} : memref<2048xf32, #tpu.memory_space<vmem>>[vector<16xi32>], vector<16xf32>, vector<16xi1>
          tpu.vector_store_idx %arg6[%convert_element_type3A_355], %abs3A_309 {add = true} : memref<2048xf32, #tpu.memory_space<vmem>>[vector<16xi32>], vector<16xf32>,
          tpu.vector_store_idx %arg7[%convert_element_type3A_355], %broadcast_in_dim3A_3 masked %lt3A_409 {add = true} : memref<2048xf32, #tpu.memory_space<vmem>>[vector<16xi32>], vector<16xf32>, vector<16xi1>
          tpu.vector_store_idx %arg6[%convert_element_type3A_359], %abs3A_310 {add = true} : memref<2048xf32, #tpu.memory_space<vmem>>[vector<16xi32>], vector<16xf32>,
          tpu.vector_store_idx %arg7[%convert_element_type3A_359], %broadcast_in_dim3A_3 masked %lt3A_412 {add = true} : memref<2048xf32, #tpu.memory_space<vmem>>[vector<16xi32>], vector<16xf32>, vector<16xi1>
          tpu.vector_store_idx %arg6[%convert_element_type3A_363], %abs3A_311 {add = true} : memref<2048xf32, #tpu.memory_space<vmem>>[vector<16xi32>], vector<16xf32>,
          tpu.vector_store_idx %arg7[%convert_element_type3A_363], %broadcast_in_dim3A_3 masked %lt3A_415 {add = true} : memref<2048xf32, #tpu.memory_space<vmem>>[vector<16xi32>], vector<16xf32>, vector<16xi1>
          tpu.vector_store_idx %arg6[%convert_element_type3A_367], %abs3A_312 {add = true} : memref<2048xf32, #tpu.memory_space<vmem>>[vector<16xi32>], vector<16xf32>,
          tpu.vector_store_idx %arg7[%convert_element_type3A_367], %broadcast_in_dim3A_3 masked %lt3A_418 {add = true} : memref<2048xf32, #tpu.memory_space<vmem>>[vector<16xi32>], vector<16xf32>, vector<16xi1>
          tpu.vector_store_idx %arg6[%convert_element_type3A_371], %abs3A_313 {add = true} : memref<2048xf32, #tpu.memory_space<vmem>>[vector<16xi32>], vector<16xf32>,
          tpu.vector_store_idx %arg7[%convert_element_type3A_371], %broadcast_in_dim3A_3 masked %lt3A_421 {add = true} : memref<2048xf32, #tpu.memory_space<vmem>>[vector<16xi32>], vector<16xf32>, vector<16xi1>
          tpu.vector_store_idx %arg6[%convert_element_type3A_375], %abs3A_314 {add = true} : memref<2048xf32, #tpu.memory_space<vmem>>[vector<16xi32>], vector<16xf32>,
          tpu.vector_store_idx %arg7[%convert_element_type3A_375], %broadcast_in_dim3A_3 masked %lt3A_424 {add = true} : memref<2048xf32, #tpu.memory_space<vmem>>[vector<16xi32>], vector<16xf32>, vector<16xi1>
          tpu.vector_store_idx %arg6[%convert_element_type3A_379], %abs3A_315 {add = true} : memref<2048xf32, #tpu.memory_space<vmem>>[vector<16xi32>], vector<16xf32>,
          tpu.vector_store_idx %arg7[%convert_element_type3A_379], %broadcast_in_dim3A_3 masked %lt3A_427 {add = true} : memref<2048xf32, #tpu.memory_space<vmem>>[vector<16xi32>], vector<16xf32>, vector<16xi1>
        }
        %scan3A_78 = arith.constant 64 : i32
        %dma_wait3A_79 = arith.constant 49152 : i32
        %dma_wait3A_80 = tpu.memref_slice %arg2[%add3A_12, %dma_wait3A_79] : memref<168x147456xf32, #tpu.memory_space<hbm>> -> memref<1x16384xf32, #tpu.memory_space<hbm>>
        %dma_wait3A_81 = tpu.memref_squeeze %dma_wait3A_80 : memref<1x16384xf32, #tpu.memory_space<hbm>> -> memref<16384xf32, #tpu.memory_space<hbm>>
        %dma_wait3A_82 = arith.constant 49152 : i32
        %dma_wait3A_83 = tpu.memref_slice %arg2[%add3A_12, %dma_wait3A_82] : memref<168x147456xf32, #tpu.memory_space<hbm>> -> memref<1x16384xf32, #tpu.memory_space<hbm>>
        %dma_wait3A_84 = tpu.memref_squeeze %dma_wait3A_83 : memref<1x16384xf32, #tpu.memory_space<hbm>> -> memref<16384xf32, #tpu.memory_space<hbm>>
        tpu.wait_dma2 semaphore(%arg10 : memref<!tpu.dma_semaphore, #tpu.memory_space<semaphore_mem>>) src(%dma_wait3A_84 : memref<16384xf32, #tpu.memory_space<hbm>>) dst(%arg5 : memref<16384xf32, #tpu.memory_space<vmem>>)
        %dma_start3A_85 = arith.constant 65536 : i32
        %dma_start3A_86 = tpu.memref_slice %arg2[%add3A_12, %dma_start3A_85] : memref<168x147456xf32, #tpu.memory_space<hbm>> -> memref<1x16384xf32, #tpu.memory_space<hbm>>
        %dma_start3A_87 = tpu.memref_squeeze %dma_start3A_86 : memref<1x16384xf32, #tpu.memory_space<hbm>> -> memref<16384xf32, #tpu.memory_space<hbm>>
        %dma_start3A_88 = arith.constant 65536 : i32
        %dma_start3A_89 = tpu.memref_slice %arg2[%add3A_12, %dma_start3A_88] : memref<168x147456xf32, #tpu.memory_space<hbm>> -> memref<1x16384xf32, #tpu.memory_space<hbm>>
        %dma_start3A_90 = tpu.memref_squeeze %dma_start3A_89 : memref<1x16384xf32, #tpu.memory_space<hbm>> -> memref<16384xf32, #tpu.memory_space<hbm>>
        tpu.enqueue_dma source(%dma_start3A_90 : memref<16384xf32, #tpu.memory_space<hbm>>) target(%arg4 : memref<16384xf32, #tpu.memory_space<vmem>>) target_semaphore(%arg9 : memref<!tpu.dma_semaphore, #tpu.memory_space<semaphore_mem>>)
        %scan3A_91 = arith.constant 0 : i32
        %scan3A_92 = arith.constant 0 : i32
        %scan3A_93 = arith.constant 64 : i32
        %scan3A_94 = arith.addi %scan3A_92, %scan3A_93 : i32
        %scan3A_95 = arith.constant 1 : i32
        scf.for %scan3A_205 = %scan3A_92 to %scan3A_94 step %scan3A_95  : i32 {
          %mul3A_206 = arith.constant 256 : i32
          %mul3A_207 = arith.muli %scan3A_205, %mul3A_206 : i32
          %add3A_208 = arith.constant 0 : i32
          %add3A_209 = arith.addi %mul3A_207, %add3A_208 : i32
          %get3A = arith.index_cast %add3A_209 : i32 to index
          %get3A_210 = tpu.vector_load %arg5[%get3A] {strides = array<i32>} : memref<16384xf32, #tpu.memory_space<vmem>>, vector<16xf32>,
          %mul3A_211 = arith.constant 256 : i32
          %mul3A_212 = arith.muli %scan3A_205, %mul3A_211 : i32
          %add3A_213 = arith.constant 16 : i32
          %add3A_214 = arith.addi %mul3A_212, %add3A_213 : i32
          %get3A_215 = arith.index_cast %add3A_214 : i32 to index
          %get3A_216 = tpu.vector_load %arg5[%get3A_215] {strides = array<i32>} : memref<16384xf32, #tpu.memory_space<vmem>>, vector<16xf32>,
          %mul3A_217 = arith.constant 256 : i32
          %mul3A_218 = arith.muli %scan3A_205, %mul3A_217 : i32
          %add3A_219 = arith.constant 32 : i32
          %add3A_220 = arith.addi %mul3A_218, %add3A_219 : i32
          %get3A_221 = arith.index_cast %add3A_220 : i32 to index
          %get3A_222 = tpu.vector_load %arg5[%get3A_221] {strides = array<i32>} : memref<16384xf32, #tpu.memory_space<vmem>>, vector<16xf32>,
          %mul3A_223 = arith.constant 256 : i32
          %mul3A_224 = arith.muli %scan3A_205, %mul3A_223 : i32
          %add3A_225 = arith.constant 48 : i32
          %add3A_226 = arith.addi %mul3A_224, %add3A_225 : i32
          %get3A_227 = arith.index_cast %add3A_226 : i32 to index
          %get3A_228 = tpu.vector_load %arg5[%get3A_227] {strides = array<i32>} : memref<16384xf32, #tpu.memory_space<vmem>>, vector<16xf32>,
          %mul3A_229 = arith.constant 256 : i32
          %mul3A_230 = arith.muli %scan3A_205, %mul3A_229 : i32
          %add3A_231 = arith.constant 64 : i32
          %add3A_232 = arith.addi %mul3A_230, %add3A_231 : i32
          %get3A_233 = arith.index_cast %add3A_232 : i32 to index
          %get3A_234 = tpu.vector_load %arg5[%get3A_233] {strides = array<i32>} : memref<16384xf32, #tpu.memory_space<vmem>>, vector<16xf32>,
          %mul3A_235 = arith.constant 256 : i32
          %mul3A_236 = arith.muli %scan3A_205, %mul3A_235 : i32
          %add3A_237 = arith.constant 80 : i32
          %add3A_238 = arith.addi %mul3A_236, %add3A_237 : i32
          %get3A_239 = arith.index_cast %add3A_238 : i32 to index
          %get3A_240 = tpu.vector_load %arg5[%get3A_239] {strides = array<i32>} : memref<16384xf32, #tpu.memory_space<vmem>>, vector<16xf32>,
          %mul3A_241 = arith.constant 256 : i32
          %mul3A_242 = arith.muli %scan3A_205, %mul3A_241 : i32
          %add3A_243 = arith.constant 96 : i32
          %add3A_244 = arith.addi %mul3A_242, %add3A_243 : i32
          %get3A_245 = arith.index_cast %add3A_244 : i32 to index
          %get3A_246 = tpu.vector_load %arg5[%get3A_245] {strides = array<i32>} : memref<16384xf32, #tpu.memory_space<vmem>>, vector<16xf32>,
          %mul3A_247 = arith.constant 256 : i32
          %mul3A_248 = arith.muli %scan3A_205, %mul3A_247 : i32
          %add3A_249 = arith.constant 112 : i32
          %add3A_250 = arith.addi %mul3A_248, %add3A_249 : i32
          %get3A_251 = arith.index_cast %add3A_250 : i32 to index
          %get3A_252 = tpu.vector_load %arg5[%get3A_251] {strides = array<i32>} : memref<16384xf32, #tpu.memory_space<vmem>>, vector<16xf32>,
          %mul3A_253 = arith.constant 256 : i32
          %mul3A_254 = arith.muli %scan3A_205, %mul3A_253 : i32
          %add3A_255 = arith.constant 128 : i32
          %add3A_256 = arith.addi %mul3A_254, %add3A_255 : i32
          %get3A_257 = arith.index_cast %add3A_256 : i32 to index
          %get3A_258 = tpu.vector_load %arg5[%get3A_257] {strides = array<i32>} : memref<16384xf32, #tpu.memory_space<vmem>>, vector<16xf32>,
          %mul3A_259 = arith.constant 256 : i32
          %mul3A_260 = arith.muli %scan3A_205, %mul3A_259 : i32
          %add3A_261 = arith.constant 144 : i32
          %add3A_262 = arith.addi %mul3A_260, %add3A_261 : i32
          %get3A_263 = arith.index_cast %add3A_262 : i32 to index
          %get3A_264 = tpu.vector_load %arg5[%get3A_263] {strides = array<i32>} : memref<16384xf32, #tpu.memory_space<vmem>>, vector<16xf32>,
          %mul3A_265 = arith.constant 256 : i32
          %mul3A_266 = arith.muli %scan3A_205, %mul3A_265 : i32
          %add3A_267 = arith.constant 160 : i32
          %add3A_268 = arith.addi %mul3A_266, %add3A_267 : i32
          %get3A_269 = arith.index_cast %add3A_268 : i32 to index
          %get3A_270 = tpu.vector_load %arg5[%get3A_269] {strides = array<i32>} : memref<16384xf32, #tpu.memory_space<vmem>>, vector<16xf32>,
          %mul3A_271 = arith.constant 256 : i32
          %mul3A_272 = arith.muli %scan3A_205, %mul3A_271 : i32
          %add3A_273 = arith.constant 176 : i32
          %add3A_274 = arith.addi %mul3A_272, %add3A_273 : i32
          %get3A_275 = arith.index_cast %add3A_274 : i32 to index
          %get3A_276 = tpu.vector_load %arg5[%get3A_275] {strides = array<i32>} : memref<16384xf32, #tpu.memory_space<vmem>>, vector<16xf32>,
          %mul3A_277 = arith.constant 256 : i32
          %mul3A_278 = arith.muli %scan3A_205, %mul3A_277 : i32
          %add3A_279 = arith.constant 192 : i32
          %add3A_280 = arith.addi %mul3A_278, %add3A_279 : i32
          %get3A_281 = arith.index_cast %add3A_280 : i32 to index
          %get3A_282 = tpu.vector_load %arg5[%get3A_281] {strides = array<i32>} : memref<16384xf32, #tpu.memory_space<vmem>>, vector<16xf32>,
          %mul3A_283 = arith.constant 256 : i32
          %mul3A_284 = arith.muli %scan3A_205, %mul3A_283 : i32
          %add3A_285 = arith.constant 208 : i32
          %add3A_286 = arith.addi %mul3A_284, %add3A_285 : i32
          %get3A_287 = arith.index_cast %add3A_286 : i32 to index
          %get3A_288 = tpu.vector_load %arg5[%get3A_287] {strides = array<i32>} : memref<16384xf32, #tpu.memory_space<vmem>>, vector<16xf32>,
          %mul3A_289 = arith.constant 256 : i32
          %mul3A_290 = arith.muli %scan3A_205, %mul3A_289 : i32
          %add3A_291 = arith.constant 224 : i32
          %add3A_292 = arith.addi %mul3A_290, %add3A_291 : i32
          %get3A_293 = arith.index_cast %add3A_292 : i32 to index
          %get3A_294 = tpu.vector_load %arg5[%get3A_293] {strides = array<i32>} : memref<16384xf32, #tpu.memory_space<vmem>>, vector<16xf32>,
          %mul3A_295 = arith.constant 256 : i32
          %mul3A_296 = arith.muli %scan3A_205, %mul3A_295 : i32
          %add3A_297 = arith.constant 240 : i32
          %add3A_298 = arith.addi %mul3A_296, %add3A_297 : i32
          %get3A_299 = arith.index_cast %add3A_298 : i32 to index
          %get3A_300 = tpu.vector_load %arg5[%get3A_299] {strides = array<i32>} : memref<16384xf32, #tpu.memory_space<vmem>>, vector<16xf32>,
          %abs3A = math.absf %get3A_210 : vector<16xf32>
          %abs3A_301 = math.absf %get3A_216 : vector<16xf32>
          %abs3A_302 = math.absf %get3A_222 : vector<16xf32>
          %abs3A_303 = math.absf %get3A_228 : vector<16xf32>
          %abs3A_304 = math.absf %get3A_234 : vector<16xf32>
          %abs3A_305 = math.absf %get3A_240 : vector<16xf32>
          %abs3A_306 = math.absf %get3A_246 : vector<16xf32>
          %abs3A_307 = math.absf %get3A_252 : vector<16xf32>
          %abs3A_308 = math.absf %get3A_258 : vector<16xf32>
          %abs3A_309 = math.absf %get3A_264 : vector<16xf32>
          %abs3A_310 = math.absf %get3A_270 : vector<16xf32>
          %abs3A_311 = math.absf %get3A_276 : vector<16xf32>
          %abs3A_312 = math.absf %get3A_282 : vector<16xf32>
          %abs3A_313 = math.absf %get3A_288 : vector<16xf32>
          %abs3A_314 = math.absf %get3A_294 : vector<16xf32>
          %abs3A_315 = math.absf %get3A_300 : vector<16xf32>
          %mul3A_316 = arith.constant 2.047500e+03 : f32
          %mul3A_317 = vector.broadcast %mul3A_316 : f32 to vector<16xf32>
          %mul3A_318 = arith.mulf %abs3A, %mul3A_317 : vector<16xf32>
          %convert_element_type3A_319 = arith.fptosi %mul3A_318 : vector<16xf32> to vector<16xi32>
          %mul3A_320 = arith.constant 2.047500e+03 : f32
          %mul3A_321 = vector.broadcast %mul3A_320 : f32 to vector<16xf32>
          %mul3A_322 = arith.mulf %abs3A_301, %mul3A_321 : vector<16xf32>
          %convert_element_type3A_323 = arith.fptosi %mul3A_322 : vector<16xf32> to vector<16xi32>
          %mul3A_324 = arith.constant 2.047500e+03 : f32
          %mul3A_325 = vector.broadcast %mul3A_324 : f32 to vector<16xf32>
          %mul3A_326 = arith.mulf %abs3A_302, %mul3A_325 : vector<16xf32>
          %convert_element_type3A_327 = arith.fptosi %mul3A_326 : vector<16xf32> to vector<16xi32>
          %mul3A_328 = arith.constant 2.047500e+03 : f32
          %mul3A_329 = vector.broadcast %mul3A_328 : f32 to vector<16xf32>
          %mul3A_330 = arith.mulf %abs3A_303, %mul3A_329 : vector<16xf32>
          %convert_element_type3A_331 = arith.fptosi %mul3A_330 : vector<16xf32> to vector<16xi32>
          %mul3A_332 = arith.constant 2.047500e+03 : f32
          %mul3A_333 = vector.broadcast %mul3A_332 : f32 to vector<16xf32>
          %mul3A_334 = arith.mulf %abs3A_304, %mul3A_333 : vector<16xf32>
          %convert_element_type3A_335 = arith.fptosi %mul3A_334 : vector<16xf32> to vector<16xi32>
          %mul3A_336 = arith.constant 2.047500e+03 : f32
          %mul3A_337 = vector.broadcast %mul3A_336 : f32 to vector<16xf32>
          %mul3A_338 = arith.mulf %abs3A_305, %mul3A_337 : vector<16xf32>
          %convert_element_type3A_339 = arith.fptosi %mul3A_338 : vector<16xf32> to vector<16xi32>
          %mul3A_340 = arith.constant 2.047500e+03 : f32
          %mul3A_341 = vector.broadcast %mul3A_340 : f32 to vector<16xf32>
          %mul3A_342 = arith.mulf %abs3A_306, %mul3A_341 : vector<16xf32>
          %convert_element_type3A_343 = arith.fptosi %mul3A_342 : vector<16xf32> to vector<16xi32>
          %mul3A_344 = arith.constant 2.047500e+03 : f32
          %mul3A_345 = vector.broadcast %mul3A_344 : f32 to vector<16xf32>
          %mul3A_346 = arith.mulf %abs3A_307, %mul3A_345 : vector<16xf32>
          %convert_element_type3A_347 = arith.fptosi %mul3A_346 : vector<16xf32> to vector<16xi32>
          %mul3A_348 = arith.constant 2.047500e+03 : f32
          %mul3A_349 = vector.broadcast %mul3A_348 : f32 to vector<16xf32>
          %mul3A_350 = arith.mulf %abs3A_308, %mul3A_349 : vector<16xf32>
          %convert_element_type3A_351 = arith.fptosi %mul3A_350 : vector<16xf32> to vector<16xi32>
          %mul3A_352 = arith.constant 2.047500e+03 : f32
          %mul3A_353 = vector.broadcast %mul3A_352 : f32 to vector<16xf32>
          %mul3A_354 = arith.mulf %abs3A_309, %mul3A_353 : vector<16xf32>
          %convert_element_type3A_355 = arith.fptosi %mul3A_354 : vector<16xf32> to vector<16xi32>
          %mul3A_356 = arith.constant 2.047500e+03 : f32
          %mul3A_357 = vector.broadcast %mul3A_356 : f32 to vector<16xf32>
          %mul3A_358 = arith.mulf %abs3A_310, %mul3A_357 : vector<16xf32>
          %convert_element_type3A_359 = arith.fptosi %mul3A_358 : vector<16xf32> to vector<16xi32>
          %mul3A_360 = arith.constant 2.047500e+03 : f32
          %mul3A_361 = vector.broadcast %mul3A_360 : f32 to vector<16xf32>
          %mul3A_362 = arith.mulf %abs3A_311, %mul3A_361 : vector<16xf32>
          %convert_element_type3A_363 = arith.fptosi %mul3A_362 : vector<16xf32> to vector<16xi32>
          %mul3A_364 = arith.constant 2.047500e+03 : f32
          %mul3A_365 = vector.broadcast %mul3A_364 : f32 to vector<16xf32>
          %mul3A_366 = arith.mulf %abs3A_312, %mul3A_365 : vector<16xf32>
          %convert_element_type3A_367 = arith.fptosi %mul3A_366 : vector<16xf32> to vector<16xi32>
          %mul3A_368 = arith.constant 2.047500e+03 : f32
          %mul3A_369 = vector.broadcast %mul3A_368 : f32 to vector<16xf32>
          %mul3A_370 = arith.mulf %abs3A_313, %mul3A_369 : vector<16xf32>
          %convert_element_type3A_371 = arith.fptosi %mul3A_370 : vector<16xf32> to vector<16xi32>
          %mul3A_372 = arith.constant 2.047500e+03 : f32
          %mul3A_373 = vector.broadcast %mul3A_372 : f32 to vector<16xf32>
          %mul3A_374 = arith.mulf %abs3A_314, %mul3A_373 : vector<16xf32>
          %convert_element_type3A_375 = arith.fptosi %mul3A_374 : vector<16xf32> to vector<16xi32>
          %mul3A_376 = arith.constant 2.047500e+03 : f32
          %mul3A_377 = vector.broadcast %mul3A_376 : f32 to vector<16xf32>
          %mul3A_378 = arith.mulf %abs3A_315, %mul3A_377 : vector<16xf32>
          %convert_element_type3A_379 = arith.fptosi %mul3A_378 : vector<16xf32> to vector<16xi32>
          %lt3A_380 = arith.constant 0.000000e+00 : f32
          %lt3A_381 = vector.broadcast %lt3A_380 : f32 to vector<16xf32>
          %lt3A_382 = arith.cmpf olt, %get3A_210, %lt3A_381 : vector<16xf32>
          %lt3A_383 = arith.constant 0.000000e+00 : f32
          %lt3A_384 = vector.broadcast %lt3A_383 : f32 to vector<16xf32>
          %lt3A_385 = arith.cmpf olt, %get3A_216, %lt3A_384 : vector<16xf32>
          %lt3A_386 = arith.constant 0.000000e+00 : f32
          %lt3A_387 = vector.broadcast %lt3A_386 : f32 to vector<16xf32>
          %lt3A_388 = arith.cmpf olt, %get3A_222, %lt3A_387 : vector<16xf32>
          %lt3A_389 = arith.constant 0.000000e+00 : f32
          %lt3A_390 = vector.broadcast %lt3A_389 : f32 to vector<16xf32>
          %lt3A_391 = arith.cmpf olt, %get3A_228, %lt3A_390 : vector<16xf32>
          %lt3A_392 = arith.constant 0.000000e+00 : f32
          %lt3A_393 = vector.broadcast %lt3A_392 : f32 to vector<16xf32>
          %lt3A_394 = arith.cmpf olt, %get3A_234, %lt3A_393 : vector<16xf32>
          %lt3A_395 = arith.constant 0.000000e+00 : f32
          %lt3A_396 = vector.broadcast %lt3A_395 : f32 to vector<16xf32>
          %lt3A_397 = arith.cmpf olt, %get3A_240, %lt3A_396 : vector<16xf32>
          %lt3A_398 = arith.constant 0.000000e+00 : f32
          %lt3A_399 = vector.broadcast %lt3A_398 : f32 to vector<16xf32>
          %lt3A_400 = arith.cmpf olt, %get3A_246, %lt3A_399 : vector<16xf32>
          %lt3A_401 = arith.constant 0.000000e+00 : f32
          %lt3A_402 = vector.broadcast %lt3A_401 : f32 to vector<16xf32>
          %lt3A_403 = arith.cmpf olt, %get3A_252, %lt3A_402 : vector<16xf32>
          %lt3A_404 = arith.constant 0.000000e+00 : f32
          %lt3A_405 = vector.broadcast %lt3A_404 : f32 to vector<16xf32>
          %lt3A_406 = arith.cmpf olt, %get3A_258, %lt3A_405 : vector<16xf32>
          %lt3A_407 = arith.constant 0.000000e+00 : f32
          %lt3A_408 = vector.broadcast %lt3A_407 : f32 to vector<16xf32>
          %lt3A_409 = arith.cmpf olt, %get3A_264, %lt3A_408 : vector<16xf32>
          %lt3A_410 = arith.constant 0.000000e+00 : f32
          %lt3A_411 = vector.broadcast %lt3A_410 : f32 to vector<16xf32>
          %lt3A_412 = arith.cmpf olt, %get3A_270, %lt3A_411 : vector<16xf32>
          %lt3A_413 = arith.constant 0.000000e+00 : f32
          %lt3A_414 = vector.broadcast %lt3A_413 : f32 to vector<16xf32>
          %lt3A_415 = arith.cmpf olt, %get3A_276, %lt3A_414 : vector<16xf32>
          %lt3A_416 = arith.constant 0.000000e+00 : f32
          %lt3A_417 = vector.broadcast %lt3A_416 : f32 to vector<16xf32>
          %lt3A_418 = arith.cmpf olt, %get3A_282, %lt3A_417 : vector<16xf32>
          %lt3A_419 = arith.constant 0.000000e+00 : f32
          %lt3A_420 = vector.broadcast %lt3A_419 : f32 to vector<16xf32>
          %lt3A_421 = arith.cmpf olt, %get3A_288, %lt3A_420 : vector<16xf32>
          %lt3A_422 = arith.constant 0.000000e+00 : f32
          %lt3A_423 = vector.broadcast %lt3A_422 : f32 to vector<16xf32>
          %lt3A_424 = arith.cmpf olt, %get3A_294, %lt3A_423 : vector<16xf32>
          %lt3A_425 = arith.constant 0.000000e+00 : f32
          %lt3A_426 = vector.broadcast %lt3A_425 : f32 to vector<16xf32>
          %lt3A_427 = arith.cmpf olt, %get3A_300, %lt3A_426 : vector<16xf32>
          tpu.vector_store_idx %arg6[%convert_element_type3A_319], %abs3A {add = true} : memref<2048xf32, #tpu.memory_space<vmem>>[vector<16xi32>], vector<16xf32>,
          tpu.vector_store_idx %arg7[%convert_element_type3A_319], %broadcast_in_dim3A_3 masked %lt3A_382 {add = true} : memref<2048xf32, #tpu.memory_space<vmem>>[vector<16xi32>], vector<16xf32>, vector<16xi1>
          tpu.vector_store_idx %arg6[%convert_element_type3A_323], %abs3A_301 {add = true} : memref<2048xf32, #tpu.memory_space<vmem>>[vector<16xi32>], vector<16xf32>,
          tpu.vector_store_idx %arg7[%convert_element_type3A_323], %broadcast_in_dim3A_3 masked %lt3A_385 {add = true} : memref<2048xf32, #tpu.memory_space<vmem>>[vector<16xi32>], vector<16xf32>, vector<16xi1>
          tpu.vector_store_idx %arg6[%convert_element_type3A_327], %abs3A_302 {add = true} : memref<2048xf32, #tpu.memory_space<vmem>>[vector<16xi32>], vector<16xf32>,
          tpu.vector_store_idx %arg7[%convert_element_type3A_327], %broadcast_in_dim3A_3 masked %lt3A_388 {add = true} : memref<2048xf32, #tpu.memory_space<vmem>>[vector<16xi32>], vector<16xf32>, vector<16xi1>
          tpu.vector_store_idx %arg6[%convert_element_type3A_331], %abs3A_303 {add = true} : memref<2048xf32, #tpu.memory_space<vmem>>[vector<16xi32>], vector<16xf32>,
          tpu.vector_store_idx %arg7[%convert_element_type3A_331], %broadcast_in_dim3A_3 masked %lt3A_391 {add = true} : memref<2048xf32, #tpu.memory_space<vmem>>[vector<16xi32>], vector<16xf32>, vector<16xi1>
          tpu.vector_store_idx %arg6[%convert_element_type3A_335], %abs3A_304 {add = true} : memref<2048xf32, #tpu.memory_space<vmem>>[vector<16xi32>], vector<16xf32>,
          tpu.vector_store_idx %arg7[%convert_element_type3A_335], %broadcast_in_dim3A_3 masked %lt3A_394 {add = true} : memref<2048xf32, #tpu.memory_space<vmem>>[vector<16xi32>], vector<16xf32>, vector<16xi1>
          tpu.vector_store_idx %arg6[%convert_element_type3A_339], %abs3A_305 {add = true} : memref<2048xf32, #tpu.memory_space<vmem>>[vector<16xi32>], vector<16xf32>,
          tpu.vector_store_idx %arg7[%convert_element_type3A_339], %broadcast_in_dim3A_3 masked %lt3A_397 {add = true} : memref<2048xf32, #tpu.memory_space<vmem>>[vector<16xi32>], vector<16xf32>, vector<16xi1>
          tpu.vector_store_idx %arg6[%convert_element_type3A_343], %abs3A_306 {add = true} : memref<2048xf32, #tpu.memory_space<vmem>>[vector<16xi32>], vector<16xf32>,
          tpu.vector_store_idx %arg7[%convert_element_type3A_343], %broadcast_in_dim3A_3 masked %lt3A_400 {add = true} : memref<2048xf32, #tpu.memory_space<vmem>>[vector<16xi32>], vector<16xf32>, vector<16xi1>
          tpu.vector_store_idx %arg6[%convert_element_type3A_347], %abs3A_307 {add = true} : memref<2048xf32, #tpu.memory_space<vmem>>[vector<16xi32>], vector<16xf32>,
          tpu.vector_store_idx %arg7[%convert_element_type3A_347], %broadcast_in_dim3A_3 masked %lt3A_403 {add = true} : memref<2048xf32, #tpu.memory_space<vmem>>[vector<16xi32>], vector<16xf32>, vector<16xi1>
          tpu.vector_store_idx %arg6[%convert_element_type3A_351], %abs3A_308 {add = true} : memref<2048xf32, #tpu.memory_space<vmem>>[vector<16xi32>], vector<16xf32>,
          tpu.vector_store_idx %arg7[%convert_element_type3A_351], %broadcast_in_dim3A_3 masked %lt3A_406 {add = true} : memref<2048xf32, #tpu.memory_space<vmem>>[vector<16xi32>], vector<16xf32>, vector<16xi1>
          tpu.vector_store_idx %arg6[%convert_element_type3A_355], %abs3A_309 {add = true} : memref<2048xf32, #tpu.memory_space<vmem>>[vector<16xi32>], vector<16xf32>,
          tpu.vector_store_idx %arg7[%convert_element_type3A_355], %broadcast_in_dim3A_3 masked %lt3A_409 {add = true} : memref<2048xf32, #tpu.memory_space<vmem>>[vector<16xi32>], vector<16xf32>, vector<16xi1>
          tpu.vector_store_idx %arg6[%convert_element_type3A_359], %abs3A_310 {add = true} : memref<2048xf32, #tpu.memory_space<vmem>>[vector<16xi32>], vector<16xf32>,
          tpu.vector_store_idx %arg7[%convert_element_type3A_359], %broadcast_in_dim3A_3 masked %lt3A_412 {add = true} : memref<2048xf32, #tpu.memory_space<vmem>>[vector<16xi32>], vector<16xf32>, vector<16xi1>
          tpu.vector_store_idx %arg6[%convert_element_type3A_363], %abs3A_311 {add = true} : memref<2048xf32, #tpu.memory_space<vmem>>[vector<16xi32>], vector<16xf32>,
          tpu.vector_store_idx %arg7[%convert_element_type3A_363], %broadcast_in_dim3A_3 masked %lt3A_415 {add = true} : memref<2048xf32, #tpu.memory_space<vmem>>[vector<16xi32>], vector<16xf32>, vector<16xi1>
          tpu.vector_store_idx %arg6[%convert_element_type3A_367], %abs3A_312 {add = true} : memref<2048xf32, #tpu.memory_space<vmem>>[vector<16xi32>], vector<16xf32>,
          tpu.vector_store_idx %arg7[%convert_element_type3A_367], %broadcast_in_dim3A_3 masked %lt3A_418 {add = true} : memref<2048xf32, #tpu.memory_space<vmem>>[vector<16xi32>], vector<16xf32>, vector<16xi1>
          tpu.vector_store_idx %arg6[%convert_element_type3A_371], %abs3A_313 {add = true} : memref<2048xf32, #tpu.memory_space<vmem>>[vector<16xi32>], vector<16xf32>,
          tpu.vector_store_idx %arg7[%convert_element_type3A_371], %broadcast_in_dim3A_3 masked %lt3A_421 {add = true} : memref<2048xf32, #tpu.memory_space<vmem>>[vector<16xi32>], vector<16xf32>, vector<16xi1>
          tpu.vector_store_idx %arg6[%convert_element_type3A_375], %abs3A_314 {add = true} : memref<2048xf32, #tpu.memory_space<vmem>>[vector<16xi32>], vector<16xf32>,
          tpu.vector_store_idx %arg7[%convert_element_type3A_375], %broadcast_in_dim3A_3 masked %lt3A_424 {add = true} : memref<2048xf32, #tpu.memory_space<vmem>>[vector<16xi32>], vector<16xf32>, vector<16xi1>
          tpu.vector_store_idx %arg6[%convert_element_type3A_379], %abs3A_315 {add = true} : memref<2048xf32, #tpu.memory_space<vmem>>[vector<16xi32>], vector<16xf32>,
          tpu.vector_store_idx %arg7[%convert_element_type3A_379], %broadcast_in_dim3A_3 masked %lt3A_427 {add = true} : memref<2048xf32, #tpu.memory_space<vmem>>[vector<16xi32>], vector<16xf32>, vector<16xi1>
        }
        %scan3A_96 = arith.constant 64 : i32
        %dma_wait3A_97 = arith.constant 65536 : i32
        %dma_wait3A_98 = tpu.memref_slice %arg2[%add3A_12, %dma_wait3A_97] : memref<168x147456xf32, #tpu.memory_space<hbm>> -> memref<1x16384xf32, #tpu.memory_space<hbm>>
        %dma_wait3A_99 = tpu.memref_squeeze %dma_wait3A_98 : memref<1x16384xf32, #tpu.memory_space<hbm>> -> memref<16384xf32, #tpu.memory_space<hbm>>
        %dma_wait3A_100 = arith.constant 65536 : i32
        %dma_wait3A_101 = tpu.memref_slice %arg2[%add3A_12, %dma_wait3A_100] : memref<168x147456xf32, #tpu.memory_space<hbm>> -> memref<1x16384xf32, #tpu.memory_space<hbm>>
        %dma_wait3A_102 = tpu.memref_squeeze %dma_wait3A_101 : memref<1x16384xf32, #tpu.memory_space<hbm>> -> memref<16384xf32, #tpu.memory_space<hbm>>
        tpu.wait_dma2 semaphore(%arg9 : memref<!tpu.dma_semaphore, #tpu.memory_space<semaphore_mem>>) src(%dma_wait3A_102 : memref<16384xf32, #tpu.memory_space<hbm>>) dst(%arg4 : memref<16384xf32, #tpu.memory_space<vmem>>)
        %dma_start3A_103 = arith.constant 81920 : i32
        %dma_start3A_104 = tpu.memref_slice %arg2[%add3A_12, %dma_start3A_103] : memref<168x147456xf32, #tpu.memory_space<hbm>> -> memref<1x16384xf32, #tpu.memory_space<hbm>>
        %dma_start3A_105 = tpu.memref_squeeze %dma_start3A_104 : memref<1x16384xf32, #tpu.memory_space<hbm>> -> memref<16384xf32, #tpu.memory_space<hbm>>
        %dma_start3A_106 = arith.constant 81920 : i32
        %dma_start3A_107 = tpu.memref_slice %arg2[%add3A_12, %dma_start3A_106] : memref<168x147456xf32, #tpu.memory_space<hbm>> -> memref<1x16384xf32, #tpu.memory_space<hbm>>
        %dma_start3A_108 = tpu.memref_squeeze %dma_start3A_107 : memref<1x16384xf32, #tpu.memory_space<hbm>> -> memref<16384xf32, #tpu.memory_space<hbm>>
        tpu.enqueue_dma source(%dma_start3A_108 : memref<16384xf32, #tpu.memory_space<hbm>>) target(%arg5 : memref<16384xf32, #tpu.memory_space<vmem>>) target_semaphore(%arg10 : memref<!tpu.dma_semaphore, #tpu.memory_space<semaphore_mem>>)
        %scan3A_109 = arith.constant 0 : i32
        %scan3A_110 = arith.constant 0 : i32
        %scan3A_111 = arith.constant 64 : i32
        %scan3A_112 = arith.addi %scan3A_110, %scan3A_111 : i32
        %scan3A_113 = arith.constant 1 : i32
        scf.for %scan3A_205 = %scan3A_110 to %scan3A_112 step %scan3A_113  : i32 {
          %mul3A_206 = arith.constant 256 : i32
          %mul3A_207 = arith.muli %scan3A_205, %mul3A_206 : i32
          %add3A_208 = arith.constant 0 : i32
          %add3A_209 = arith.addi %mul3A_207, %add3A_208 : i32
          %get3A = arith.index_cast %add3A_209 : i32 to index
          %get3A_210 = tpu.vector_load %arg4[%get3A] {strides = array<i32>} : memref<16384xf32, #tpu.memory_space<vmem>>, vector<16xf32>,
          %mul3A_211 = arith.constant 256 : i32
          %mul3A_212 = arith.muli %scan3A_205, %mul3A_211 : i32
          %add3A_213 = arith.constant 16 : i32
          %add3A_214 = arith.addi %mul3A_212, %add3A_213 : i32
          %get3A_215 = arith.index_cast %add3A_214 : i32 to index
          %get3A_216 = tpu.vector_load %arg4[%get3A_215] {strides = array<i32>} : memref<16384xf32, #tpu.memory_space<vmem>>, vector<16xf32>,
          %mul3A_217 = arith.constant 256 : i32
          %mul3A_218 = arith.muli %scan3A_205, %mul3A_217 : i32
          %add3A_219 = arith.constant 32 : i32
          %add3A_220 = arith.addi %mul3A_218, %add3A_219 : i32
          %get3A_221 = arith.index_cast %add3A_220 : i32 to index
          %get3A_222 = tpu.vector_load %arg4[%get3A_221] {strides = array<i32>} : memref<16384xf32, #tpu.memory_space<vmem>>, vector<16xf32>,
          %mul3A_223 = arith.constant 256 : i32
          %mul3A_224 = arith.muli %scan3A_205, %mul3A_223 : i32
          %add3A_225 = arith.constant 48 : i32
          %add3A_226 = arith.addi %mul3A_224, %add3A_225 : i32
          %get3A_227 = arith.index_cast %add3A_226 : i32 to index
          %get3A_228 = tpu.vector_load %arg4[%get3A_227] {strides = array<i32>} : memref<16384xf32, #tpu.memory_space<vmem>>, vector<16xf32>,
          %mul3A_229 = arith.constant 256 : i32
          %mul3A_230 = arith.muli %scan3A_205, %mul3A_229 : i32
          %add3A_231 = arith.constant 64 : i32
          %add3A_232 = arith.addi %mul3A_230, %add3A_231 : i32
          %get3A_233 = arith.index_cast %add3A_232 : i32 to index
          %get3A_234 = tpu.vector_load %arg4[%get3A_233] {strides = array<i32>} : memref<16384xf32, #tpu.memory_space<vmem>>, vector<16xf32>,
          %mul3A_235 = arith.constant 256 : i32
          %mul3A_236 = arith.muli %scan3A_205, %mul3A_235 : i32
          %add3A_237 = arith.constant 80 : i32
          %add3A_238 = arith.addi %mul3A_236, %add3A_237 : i32
          %get3A_239 = arith.index_cast %add3A_238 : i32 to index
          %get3A_240 = tpu.vector_load %arg4[%get3A_239] {strides = array<i32>} : memref<16384xf32, #tpu.memory_space<vmem>>, vector<16xf32>,
          %mul3A_241 = arith.constant 256 : i32
          %mul3A_242 = arith.muli %scan3A_205, %mul3A_241 : i32
          %add3A_243 = arith.constant 96 : i32
          %add3A_244 = arith.addi %mul3A_242, %add3A_243 : i32
          %get3A_245 = arith.index_cast %add3A_244 : i32 to index
          %get3A_246 = tpu.vector_load %arg4[%get3A_245] {strides = array<i32>} : memref<16384xf32, #tpu.memory_space<vmem>>, vector<16xf32>,
          %mul3A_247 = arith.constant 256 : i32
          %mul3A_248 = arith.muli %scan3A_205, %mul3A_247 : i32
          %add3A_249 = arith.constant 112 : i32
          %add3A_250 = arith.addi %mul3A_248, %add3A_249 : i32
          %get3A_251 = arith.index_cast %add3A_250 : i32 to index
          %get3A_252 = tpu.vector_load %arg4[%get3A_251] {strides = array<i32>} : memref<16384xf32, #tpu.memory_space<vmem>>, vector<16xf32>,
          %mul3A_253 = arith.constant 256 : i32
          %mul3A_254 = arith.muli %scan3A_205, %mul3A_253 : i32
          %add3A_255 = arith.constant 128 : i32
          %add3A_256 = arith.addi %mul3A_254, %add3A_255 : i32
          %get3A_257 = arith.index_cast %add3A_256 : i32 to index
          %get3A_258 = tpu.vector_load %arg4[%get3A_257] {strides = array<i32>} : memref<16384xf32, #tpu.memory_space<vmem>>, vector<16xf32>,
          %mul3A_259 = arith.constant 256 : i32
          %mul3A_260 = arith.muli %scan3A_205, %mul3A_259 : i32
          %add3A_261 = arith.constant 144 : i32
          %add3A_262 = arith.addi %mul3A_260, %add3A_261 : i32
          %get3A_263 = arith.index_cast %add3A_262 : i32 to index
          %get3A_264 = tpu.vector_load %arg4[%get3A_263] {strides = array<i32>} : memref<16384xf32, #tpu.memory_space<vmem>>, vector<16xf32>,
          %mul3A_265 = arith.constant 256 : i32
          %mul3A_266 = arith.muli %scan3A_205, %mul3A_265 : i32
          %add3A_267 = arith.constant 160 : i32
          %add3A_268 = arith.addi %mul3A_266, %add3A_267 : i32
          %get3A_269 = arith.index_cast %add3A_268 : i32 to index
          %get3A_270 = tpu.vector_load %arg4[%get3A_269] {strides = array<i32>} : memref<16384xf32, #tpu.memory_space<vmem>>, vector<16xf32>,
          %mul3A_271 = arith.constant 256 : i32
          %mul3A_272 = arith.muli %scan3A_205, %mul3A_271 : i32
          %add3A_273 = arith.constant 176 : i32
          %add3A_274 = arith.addi %mul3A_272, %add3A_273 : i32
          %get3A_275 = arith.index_cast %add3A_274 : i32 to index
          %get3A_276 = tpu.vector_load %arg4[%get3A_275] {strides = array<i32>} : memref<16384xf32, #tpu.memory_space<vmem>>, vector<16xf32>,
          %mul3A_277 = arith.constant 256 : i32
          %mul3A_278 = arith.muli %scan3A_205, %mul3A_277 : i32
          %add3A_279 = arith.constant 192 : i32
          %add3A_280 = arith.addi %mul3A_278, %add3A_279 : i32
          %get3A_281 = arith.index_cast %add3A_280 : i32 to index
          %get3A_282 = tpu.vector_load %arg4[%get3A_281] {strides = array<i32>} : memref<16384xf32, #tpu.memory_space<vmem>>, vector<16xf32>,
          %mul3A_283 = arith.constant 256 : i32
          %mul3A_284 = arith.muli %scan3A_205, %mul3A_283 : i32
          %add3A_285 = arith.constant 208 : i32
          %add3A_286 = arith.addi %mul3A_284, %add3A_285 : i32
          %get3A_287 = arith.index_cast %add3A_286 : i32 to index
          %get3A_288 = tpu.vector_load %arg4[%get3A_287] {strides = array<i32>} : memref<16384xf32, #tpu.memory_space<vmem>>, vector<16xf32>,
          %mul3A_289 = arith.constant 256 : i32
          %mul3A_290 = arith.muli %scan3A_205, %mul3A_289 : i32
          %add3A_291 = arith.constant 224 : i32
          %add3A_292 = arith.addi %mul3A_290, %add3A_291 : i32
          %get3A_293 = arith.index_cast %add3A_292 : i32 to index
          %get3A_294 = tpu.vector_load %arg4[%get3A_293] {strides = array<i32>} : memref<16384xf32, #tpu.memory_space<vmem>>, vector<16xf32>,
          %mul3A_295 = arith.constant 256 : i32
          %mul3A_296 = arith.muli %scan3A_205, %mul3A_295 : i32
          %add3A_297 = arith.constant 240 : i32
          %add3A_298 = arith.addi %mul3A_296, %add3A_297 : i32
          %get3A_299 = arith.index_cast %add3A_298 : i32 to index
          %get3A_300 = tpu.vector_load %arg4[%get3A_299] {strides = array<i32>} : memref<16384xf32, #tpu.memory_space<vmem>>, vector<16xf32>,
          %abs3A = math.absf %get3A_210 : vector<16xf32>
          %abs3A_301 = math.absf %get3A_216 : vector<16xf32>
          %abs3A_302 = math.absf %get3A_222 : vector<16xf32>
          %abs3A_303 = math.absf %get3A_228 : vector<16xf32>
          %abs3A_304 = math.absf %get3A_234 : vector<16xf32>
          %abs3A_305 = math.absf %get3A_240 : vector<16xf32>
          %abs3A_306 = math.absf %get3A_246 : vector<16xf32>
          %abs3A_307 = math.absf %get3A_252 : vector<16xf32>
          %abs3A_308 = math.absf %get3A_258 : vector<16xf32>
          %abs3A_309 = math.absf %get3A_264 : vector<16xf32>
          %abs3A_310 = math.absf %get3A_270 : vector<16xf32>
          %abs3A_311 = math.absf %get3A_276 : vector<16xf32>
          %abs3A_312 = math.absf %get3A_282 : vector<16xf32>
          %abs3A_313 = math.absf %get3A_288 : vector<16xf32>
          %abs3A_314 = math.absf %get3A_294 : vector<16xf32>
          %abs3A_315 = math.absf %get3A_300 : vector<16xf32>
          %mul3A_316 = arith.constant 2.047500e+03 : f32
          %mul3A_317 = vector.broadcast %mul3A_316 : f32 to vector<16xf32>
          %mul3A_318 = arith.mulf %abs3A, %mul3A_317 : vector<16xf32>
          %convert_element_type3A_319 = arith.fptosi %mul3A_318 : vector<16xf32> to vector<16xi32>
          %mul3A_320 = arith.constant 2.047500e+03 : f32
          %mul3A_321 = vector.broadcast %mul3A_320 : f32 to vector<16xf32>
          %mul3A_322 = arith.mulf %abs3A_301, %mul3A_321 : vector<16xf32>
          %convert_element_type3A_323 = arith.fptosi %mul3A_322 : vector<16xf32> to vector<16xi32>
          %mul3A_324 = arith.constant 2.047500e+03 : f32
          %mul3A_325 = vector.broadcast %mul3A_324 : f32 to vector<16xf32>
          %mul3A_326 = arith.mulf %abs3A_302, %mul3A_325 : vector<16xf32>
          %convert_element_type3A_327 = arith.fptosi %mul3A_326 : vector<16xf32> to vector<16xi32>
          %mul3A_328 = arith.constant 2.047500e+03 : f32
          %mul3A_329 = vector.broadcast %mul3A_328 : f32 to vector<16xf32>
          %mul3A_330 = arith.mulf %abs3A_303, %mul3A_329 : vector<16xf32>
          %convert_element_type3A_331 = arith.fptosi %mul3A_330 : vector<16xf32> to vector<16xi32>
          %mul3A_332 = arith.constant 2.047500e+03 : f32
          %mul3A_333 = vector.broadcast %mul3A_332 : f32 to vector<16xf32>
          %mul3A_334 = arith.mulf %abs3A_304, %mul3A_333 : vector<16xf32>
          %convert_element_type3A_335 = arith.fptosi %mul3A_334 : vector<16xf32> to vector<16xi32>
          %mul3A_336 = arith.constant 2.047500e+03 : f32
          %mul3A_337 = vector.broadcast %mul3A_336 : f32 to vector<16xf32>
          %mul3A_338 = arith.mulf %abs3A_305, %mul3A_337 : vector<16xf32>
          %convert_element_type3A_339 = arith.fptosi %mul3A_338 : vector<16xf32> to vector<16xi32>
          %mul3A_340 = arith.constant 2.047500e+03 : f32
          %mul3A_341 = vector.broadcast %mul3A_340 : f32 to vector<16xf32>
          %mul3A_342 = arith.mulf %abs3A_306, %mul3A_341 : vector<16xf32>
          %convert_element_type3A_343 = arith.fptosi %mul3A_342 : vector<16xf32> to vector<16xi32>
          %mul3A_344 = arith.constant 2.047500e+03 : f32
          %mul3A_345 = vector.broadcast %mul3A_344 : f32 to vector<16xf32>
          %mul3A_346 = arith.mulf %abs3A_307, %mul3A_345 : vector<16xf32>
          %convert_element_type3A_347 = arith.fptosi %mul3A_346 : vector<16xf32> to vector<16xi32>
          %mul3A_348 = arith.constant 2.047500e+03 : f32
          %mul3A_349 = vector.broadcast %mul3A_348 : f32 to vector<16xf32>
          %mul3A_350 = arith.mulf %abs3A_308, %mul3A_349 : vector<16xf32>
          %convert_element_type3A_351 = arith.fptosi %mul3A_350 : vector<16xf32> to vector<16xi32>
          %mul3A_352 = arith.constant 2.047500e+03 : f32
          %mul3A_353 = vector.broadcast %mul3A_352 : f32 to vector<16xf32>
          %mul3A_354 = arith.mulf %abs3A_309, %mul3A_353 : vector<16xf32>
          %convert_element_type3A_355 = arith.fptosi %mul3A_354 : vector<16xf32> to vector<16xi32>
          %mul3A_356 = arith.constant 2.047500e+03 : f32
          %mul3A_357 = vector.broadcast %mul3A_356 : f32 to vector<16xf32>
          %mul3A_358 = arith.mulf %abs3A_310, %mul3A_357 : vector<16xf32>
          %convert_element_type3A_359 = arith.fptosi %mul3A_358 : vector<16xf32> to vector<16xi32>
          %mul3A_360 = arith.constant 2.047500e+03 : f32
          %mul3A_361 = vector.broadcast %mul3A_360 : f32 to vector<16xf32>
          %mul3A_362 = arith.mulf %abs3A_311, %mul3A_361 : vector<16xf32>
          %convert_element_type3A_363 = arith.fptosi %mul3A_362 : vector<16xf32> to vector<16xi32>
          %mul3A_364 = arith.constant 2.047500e+03 : f32
          %mul3A_365 = vector.broadcast %mul3A_364 : f32 to vector<16xf32>
          %mul3A_366 = arith.mulf %abs3A_312, %mul3A_365 : vector<16xf32>
          %convert_element_type3A_367 = arith.fptosi %mul3A_366 : vector<16xf32> to vector<16xi32>
          %mul3A_368 = arith.constant 2.047500e+03 : f32
          %mul3A_369 = vector.broadcast %mul3A_368 : f32 to vector<16xf32>
          %mul3A_370 = arith.mulf %abs3A_313, %mul3A_369 : vector<16xf32>
          %convert_element_type3A_371 = arith.fptosi %mul3A_370 : vector<16xf32> to vector<16xi32>
          %mul3A_372 = arith.constant 2.047500e+03 : f32
          %mul3A_373 = vector.broadcast %mul3A_372 : f32 to vector<16xf32>
          %mul3A_374 = arith.mulf %abs3A_314, %mul3A_373 : vector<16xf32>
          %convert_element_type3A_375 = arith.fptosi %mul3A_374 : vector<16xf32> to vector<16xi32>
          %mul3A_376 = arith.constant 2.047500e+03 : f32
          %mul3A_377 = vector.broadcast %mul3A_376 : f32 to vector<16xf32>
          %mul3A_378 = arith.mulf %abs3A_315, %mul3A_377 : vector<16xf32>
          %convert_element_type3A_379 = arith.fptosi %mul3A_378 : vector<16xf32> to vector<16xi32>
          %lt3A_380 = arith.constant 0.000000e+00 : f32
          %lt3A_381 = vector.broadcast %lt3A_380 : f32 to vector<16xf32>
          %lt3A_382 = arith.cmpf olt, %get3A_210, %lt3A_381 : vector<16xf32>
          %lt3A_383 = arith.constant 0.000000e+00 : f32
          %lt3A_384 = vector.broadcast %lt3A_383 : f32 to vector<16xf32>
          %lt3A_385 = arith.cmpf olt, %get3A_216, %lt3A_384 : vector<16xf32>
          %lt3A_386 = arith.constant 0.000000e+00 : f32
          %lt3A_387 = vector.broadcast %lt3A_386 : f32 to vector<16xf32>
          %lt3A_388 = arith.cmpf olt, %get3A_222, %lt3A_387 : vector<16xf32>
          %lt3A_389 = arith.constant 0.000000e+00 : f32
          %lt3A_390 = vector.broadcast %lt3A_389 : f32 to vector<16xf32>
          %lt3A_391 = arith.cmpf olt, %get3A_228, %lt3A_390 : vector<16xf32>
          %lt3A_392 = arith.constant 0.000000e+00 : f32
          %lt3A_393 = vector.broadcast %lt3A_392 : f32 to vector<16xf32>
          %lt3A_394 = arith.cmpf olt, %get3A_234, %lt3A_393 : vector<16xf32>
          %lt3A_395 = arith.constant 0.000000e+00 : f32
          %lt3A_396 = vector.broadcast %lt3A_395 : f32 to vector<16xf32>
          %lt3A_397 = arith.cmpf olt, %get3A_240, %lt3A_396 : vector<16xf32>
          %lt3A_398 = arith.constant 0.000000e+00 : f32
          %lt3A_399 = vector.broadcast %lt3A_398 : f32 to vector<16xf32>
          %lt3A_400 = arith.cmpf olt, %get3A_246, %lt3A_399 : vector<16xf32>
          %lt3A_401 = arith.constant 0.000000e+00 : f32
          %lt3A_402 = vector.broadcast %lt3A_401 : f32 to vector<16xf32>
          %lt3A_403 = arith.cmpf olt, %get3A_252, %lt3A_402 : vector<16xf32>
          %lt3A_404 = arith.constant 0.000000e+00 : f32
          %lt3A_405 = vector.broadcast %lt3A_404 : f32 to vector<16xf32>
          %lt3A_406 = arith.cmpf olt, %get3A_258, %lt3A_405 : vector<16xf32>
          %lt3A_407 = arith.constant 0.000000e+00 : f32
          %lt3A_408 = vector.broadcast %lt3A_407 : f32 to vector<16xf32>
          %lt3A_409 = arith.cmpf olt, %get3A_264, %lt3A_408 : vector<16xf32>
          %lt3A_410 = arith.constant 0.000000e+00 : f32
          %lt3A_411 = vector.broadcast %lt3A_410 : f32 to vector<16xf32>
          %lt3A_412 = arith.cmpf olt, %get3A_270, %lt3A_411 : vector<16xf32>
          %lt3A_413 = arith.constant 0.000000e+00 : f32
          %lt3A_414 = vector.broadcast %lt3A_413 : f32 to vector<16xf32>
          %lt3A_415 = arith.cmpf olt, %get3A_276, %lt3A_414 : vector<16xf32>
          %lt3A_416 = arith.constant 0.000000e+00 : f32
          %lt3A_417 = vector.broadcast %lt3A_416 : f32 to vector<16xf32>
          %lt3A_418 = arith.cmpf olt, %get3A_282, %lt3A_417 : vector<16xf32>
          %lt3A_419 = arith.constant 0.000000e+00 : f32
          %lt3A_420 = vector.broadcast %lt3A_419 : f32 to vector<16xf32>
          %lt3A_421 = arith.cmpf olt, %get3A_288, %lt3A_420 : vector<16xf32>
          %lt3A_422 = arith.constant 0.000000e+00 : f32
          %lt3A_423 = vector.broadcast %lt3A_422 : f32 to vector<16xf32>
          %lt3A_424 = arith.cmpf olt, %get3A_294, %lt3A_423 : vector<16xf32>
          %lt3A_425 = arith.constant 0.000000e+00 : f32
          %lt3A_426 = vector.broadcast %lt3A_425 : f32 to vector<16xf32>
          %lt3A_427 = arith.cmpf olt, %get3A_300, %lt3A_426 : vector<16xf32>
          tpu.vector_store_idx %arg6[%convert_element_type3A_319], %abs3A {add = true} : memref<2048xf32, #tpu.memory_space<vmem>>[vector<16xi32>], vector<16xf32>,
          tpu.vector_store_idx %arg7[%convert_element_type3A_319], %broadcast_in_dim3A_3 masked %lt3A_382 {add = true} : memref<2048xf32, #tpu.memory_space<vmem>>[vector<16xi32>], vector<16xf32>, vector<16xi1>
          tpu.vector_store_idx %arg6[%convert_element_type3A_323], %abs3A_301 {add = true} : memref<2048xf32, #tpu.memory_space<vmem>>[vector<16xi32>], vector<16xf32>,
          tpu.vector_store_idx %arg7[%convert_element_type3A_323], %broadcast_in_dim3A_3 masked %lt3A_385 {add = true} : memref<2048xf32, #tpu.memory_space<vmem>>[vector<16xi32>], vector<16xf32>, vector<16xi1>
          tpu.vector_store_idx %arg6[%convert_element_type3A_327], %abs3A_302 {add = true} : memref<2048xf32, #tpu.memory_space<vmem>>[vector<16xi32>], vector<16xf32>,
          tpu.vector_store_idx %arg7[%convert_element_type3A_327], %broadcast_in_dim3A_3 masked %lt3A_388 {add = true} : memref<2048xf32, #tpu.memory_space<vmem>>[vector<16xi32>], vector<16xf32>, vector<16xi1>
          tpu.vector_store_idx %arg6[%convert_element_type3A_331], %abs3A_303 {add = true} : memref<2048xf32, #tpu.memory_space<vmem>>[vector<16xi32>], vector<16xf32>,
          tpu.vector_store_idx %arg7[%convert_element_type3A_331], %broadcast_in_dim3A_3 masked %lt3A_391 {add = true} : memref<2048xf32, #tpu.memory_space<vmem>>[vector<16xi32>], vector<16xf32>, vector<16xi1>
          tpu.vector_store_idx %arg6[%convert_element_type3A_335], %abs3A_304 {add = true} : memref<2048xf32, #tpu.memory_space<vmem>>[vector<16xi32>], vector<16xf32>,
          tpu.vector_store_idx %arg7[%convert_element_type3A_335], %broadcast_in_dim3A_3 masked %lt3A_394 {add = true} : memref<2048xf32, #tpu.memory_space<vmem>>[vector<16xi32>], vector<16xf32>, vector<16xi1>
          tpu.vector_store_idx %arg6[%convert_element_type3A_339], %abs3A_305 {add = true} : memref<2048xf32, #tpu.memory_space<vmem>>[vector<16xi32>], vector<16xf32>,
          tpu.vector_store_idx %arg7[%convert_element_type3A_339], %broadcast_in_dim3A_3 masked %lt3A_397 {add = true} : memref<2048xf32, #tpu.memory_space<vmem>>[vector<16xi32>], vector<16xf32>, vector<16xi1>
          tpu.vector_store_idx %arg6[%convert_element_type3A_343], %abs3A_306 {add = true} : memref<2048xf32, #tpu.memory_space<vmem>>[vector<16xi32>], vector<16xf32>,
          tpu.vector_store_idx %arg7[%convert_element_type3A_343], %broadcast_in_dim3A_3 masked %lt3A_400 {add = true} : memref<2048xf32, #tpu.memory_space<vmem>>[vector<16xi32>], vector<16xf32>, vector<16xi1>
          tpu.vector_store_idx %arg6[%convert_element_type3A_347], %abs3A_307 {add = true} : memref<2048xf32, #tpu.memory_space<vmem>>[vector<16xi32>], vector<16xf32>,
          tpu.vector_store_idx %arg7[%convert_element_type3A_347], %broadcast_in_dim3A_3 masked %lt3A_403 {add = true} : memref<2048xf32, #tpu.memory_space<vmem>>[vector<16xi32>], vector<16xf32>, vector<16xi1>
          tpu.vector_store_idx %arg6[%convert_element_type3A_351], %abs3A_308 {add = true} : memref<2048xf32, #tpu.memory_space<vmem>>[vector<16xi32>], vector<16xf32>,
          tpu.vector_store_idx %arg7[%convert_element_type3A_351], %broadcast_in_dim3A_3 masked %lt3A_406 {add = true} : memref<2048xf32, #tpu.memory_space<vmem>>[vector<16xi32>], vector<16xf32>, vector<16xi1>
          tpu.vector_store_idx %arg6[%convert_element_type3A_355], %abs3A_309 {add = true} : memref<2048xf32, #tpu.memory_space<vmem>>[vector<16xi32>], vector<16xf32>,
          tpu.vector_store_idx %arg7[%convert_element_type3A_355], %broadcast_in_dim3A_3 masked %lt3A_409 {add = true} : memref<2048xf32, #tpu.memory_space<vmem>>[vector<16xi32>], vector<16xf32>, vector<16xi1>
          tpu.vector_store_idx %arg6[%convert_element_type3A_359], %abs3A_310 {add = true} : memref<2048xf32, #tpu.memory_space<vmem>>[vector<16xi32>], vector<16xf32>,
          tpu.vector_store_idx %arg7[%convert_element_type3A_359], %broadcast_in_dim3A_3 masked %lt3A_412 {add = true} : memref<2048xf32, #tpu.memory_space<vmem>>[vector<16xi32>], vector<16xf32>, vector<16xi1>
          tpu.vector_store_idx %arg6[%convert_element_type3A_363], %abs3A_311 {add = true} : memref<2048xf32, #tpu.memory_space<vmem>>[vector<16xi32>], vector<16xf32>,
          tpu.vector_store_idx %arg7[%convert_element_type3A_363], %broadcast_in_dim3A_3 masked %lt3A_415 {add = true} : memref<2048xf32, #tpu.memory_space<vmem>>[vector<16xi32>], vector<16xf32>, vector<16xi1>
          tpu.vector_store_idx %arg6[%convert_element_type3A_367], %abs3A_312 {add = true} : memref<2048xf32, #tpu.memory_space<vmem>>[vector<16xi32>], vector<16xf32>,
          tpu.vector_store_idx %arg7[%convert_element_type3A_367], %broadcast_in_dim3A_3 masked %lt3A_418 {add = true} : memref<2048xf32, #tpu.memory_space<vmem>>[vector<16xi32>], vector<16xf32>, vector<16xi1>
          tpu.vector_store_idx %arg6[%convert_element_type3A_371], %abs3A_313 {add = true} : memref<2048xf32, #tpu.memory_space<vmem>>[vector<16xi32>], vector<16xf32>,
          tpu.vector_store_idx %arg7[%convert_element_type3A_371], %broadcast_in_dim3A_3 masked %lt3A_421 {add = true} : memref<2048xf32, #tpu.memory_space<vmem>>[vector<16xi32>], vector<16xf32>, vector<16xi1>
          tpu.vector_store_idx %arg6[%convert_element_type3A_375], %abs3A_314 {add = true} : memref<2048xf32, #tpu.memory_space<vmem>>[vector<16xi32>], vector<16xf32>,
          tpu.vector_store_idx %arg7[%convert_element_type3A_375], %broadcast_in_dim3A_3 masked %lt3A_424 {add = true} : memref<2048xf32, #tpu.memory_space<vmem>>[vector<16xi32>], vector<16xf32>, vector<16xi1>
          tpu.vector_store_idx %arg6[%convert_element_type3A_379], %abs3A_315 {add = true} : memref<2048xf32, #tpu.memory_space<vmem>>[vector<16xi32>], vector<16xf32>,
          tpu.vector_store_idx %arg7[%convert_element_type3A_379], %broadcast_in_dim3A_3 masked %lt3A_427 {add = true} : memref<2048xf32, #tpu.memory_space<vmem>>[vector<16xi32>], vector<16xf32>, vector<16xi1>
        }
        %scan3A_114 = arith.constant 64 : i32
        %dma_wait3A_115 = arith.constant 81920 : i32
        %dma_wait3A_116 = tpu.memref_slice %arg2[%add3A_12, %dma_wait3A_115] : memref<168x147456xf32, #tpu.memory_space<hbm>> -> memref<1x16384xf32, #tpu.memory_space<hbm>>
        %dma_wait3A_117 = tpu.memref_squeeze %dma_wait3A_116 : memref<1x16384xf32, #tpu.memory_space<hbm>> -> memref<16384xf32, #tpu.memory_space<hbm>>
        %dma_wait3A_118 = arith.constant 81920 : i32
        %dma_wait3A_119 = tpu.memref_slice %arg2[%add3A_12, %dma_wait3A_118] : memref<168x147456xf32, #tpu.memory_space<hbm>> -> memref<1x16384xf32, #tpu.memory_space<hbm>>
        %dma_wait3A_120 = tpu.memref_squeeze %dma_wait3A_119 : memref<1x16384xf32, #tpu.memory_space<hbm>> -> memref<16384xf32, #tpu.memory_space<hbm>>
        tpu.wait_dma2 semaphore(%arg10 : memref<!tpu.dma_semaphore, #tpu.memory_space<semaphore_mem>>) src(%dma_wait3A_120 : memref<16384xf32, #tpu.memory_space<hbm>>) dst(%arg5 : memref<16384xf32, #tpu.memory_space<vmem>>)
        %dma_start3A_121 = arith.constant 98304 : i32
        %dma_start3A_122 = tpu.memref_slice %arg2[%add3A_12, %dma_start3A_121] : memref<168x147456xf32, #tpu.memory_space<hbm>> -> memref<1x16384xf32, #tpu.memory_space<hbm>>
        %dma_start3A_123 = tpu.memref_squeeze %dma_start3A_122 : memref<1x16384xf32, #tpu.memory_space<hbm>> -> memref<16384xf32, #tpu.memory_space<hbm>>
        %dma_start3A_124 = arith.constant 98304 : i32
        %dma_start3A_125 = tpu.memref_slice %arg2[%add3A_12, %dma_start3A_124] : memref<168x147456xf32, #tpu.memory_space<hbm>> -> memref<1x16384xf32, #tpu.memory_space<hbm>>
        %dma_start3A_126 = tpu.memref_squeeze %dma_start3A_125 : memref<1x16384xf32, #tpu.memory_space<hbm>> -> memref<16384xf32, #tpu.memory_space<hbm>>
        tpu.enqueue_dma source(%dma_start3A_126 : memref<16384xf32, #tpu.memory_space<hbm>>) target(%arg4 : memref<16384xf32, #tpu.memory_space<vmem>>) target_semaphore(%arg9 : memref<!tpu.dma_semaphore, #tpu.memory_space<semaphore_mem>>)
        %scan3A_127 = arith.constant 0 : i32
        %scan3A_128 = arith.constant 0 : i32
        %scan3A_129 = arith.constant 64 : i32
        %scan3A_130 = arith.addi %scan3A_128, %scan3A_129 : i32
        %scan3A_131 = arith.constant 1 : i32
        scf.for %scan3A_205 = %scan3A_128 to %scan3A_130 step %scan3A_131  : i32 {
          %mul3A_206 = arith.constant 256 : i32
          %mul3A_207 = arith.muli %scan3A_205, %mul3A_206 : i32
          %add3A_208 = arith.constant 0 : i32
          %add3A_209 = arith.addi %mul3A_207, %add3A_208 : i32
          %get3A = arith.index_cast %add3A_209 : i32 to index
          %get3A_210 = tpu.vector_load %arg5[%get3A] {strides = array<i32>} : memref<16384xf32, #tpu.memory_space<vmem>>, vector<16xf32>,
          %mul3A_211 = arith.constant 256 : i32
          %mul3A_212 = arith.muli %scan3A_205, %mul3A_211 : i32
          %add3A_213 = arith.constant 16 : i32
          %add3A_214 = arith.addi %mul3A_212, %add3A_213 : i32
          %get3A_215 = arith.index_cast %add3A_214 : i32 to index
          %get3A_216 = tpu.vector_load %arg5[%get3A_215] {strides = array<i32>} : memref<16384xf32, #tpu.memory_space<vmem>>, vector<16xf32>,
          %mul3A_217 = arith.constant 256 : i32
          %mul3A_218 = arith.muli %scan3A_205, %mul3A_217 : i32
          %add3A_219 = arith.constant 32 : i32
          %add3A_220 = arith.addi %mul3A_218, %add3A_219 : i32
          %get3A_221 = arith.index_cast %add3A_220 : i32 to index
          %get3A_222 = tpu.vector_load %arg5[%get3A_221] {strides = array<i32>} : memref<16384xf32, #tpu.memory_space<vmem>>, vector<16xf32>,
          %mul3A_223 = arith.constant 256 : i32
          %mul3A_224 = arith.muli %scan3A_205, %mul3A_223 : i32
          %add3A_225 = arith.constant 48 : i32
          %add3A_226 = arith.addi %mul3A_224, %add3A_225 : i32
          %get3A_227 = arith.index_cast %add3A_226 : i32 to index
          %get3A_228 = tpu.vector_load %arg5[%get3A_227] {strides = array<i32>} : memref<16384xf32, #tpu.memory_space<vmem>>, vector<16xf32>,
          %mul3A_229 = arith.constant 256 : i32
          %mul3A_230 = arith.muli %scan3A_205, %mul3A_229 : i32
          %add3A_231 = arith.constant 64 : i32
          %add3A_232 = arith.addi %mul3A_230, %add3A_231 : i32
          %get3A_233 = arith.index_cast %add3A_232 : i32 to index
          %get3A_234 = tpu.vector_load %arg5[%get3A_233] {strides = array<i32>} : memref<16384xf32, #tpu.memory_space<vmem>>, vector<16xf32>,
          %mul3A_235 = arith.constant 256 : i32
          %mul3A_236 = arith.muli %scan3A_205, %mul3A_235 : i32
          %add3A_237 = arith.constant 80 : i32
          %add3A_238 = arith.addi %mul3A_236, %add3A_237 : i32
          %get3A_239 = arith.index_cast %add3A_238 : i32 to index
          %get3A_240 = tpu.vector_load %arg5[%get3A_239] {strides = array<i32>} : memref<16384xf32, #tpu.memory_space<vmem>>, vector<16xf32>,
          %mul3A_241 = arith.constant 256 : i32
          %mul3A_242 = arith.muli %scan3A_205, %mul3A_241 : i32
          %add3A_243 = arith.constant 96 : i32
          %add3A_244 = arith.addi %mul3A_242, %add3A_243 : i32
          %get3A_245 = arith.index_cast %add3A_244 : i32 to index
          %get3A_246 = tpu.vector_load %arg5[%get3A_245] {strides = array<i32>} : memref<16384xf32, #tpu.memory_space<vmem>>, vector<16xf32>,
          %mul3A_247 = arith.constant 256 : i32
          %mul3A_248 = arith.muli %scan3A_205, %mul3A_247 : i32
          %add3A_249 = arith.constant 112 : i32
          %add3A_250 = arith.addi %mul3A_248, %add3A_249 : i32
          %get3A_251 = arith.index_cast %add3A_250 : i32 to index
          %get3A_252 = tpu.vector_load %arg5[%get3A_251] {strides = array<i32>} : memref<16384xf32, #tpu.memory_space<vmem>>, vector<16xf32>,
          %mul3A_253 = arith.constant 256 : i32
          %mul3A_254 = arith.muli %scan3A_205, %mul3A_253 : i32
          %add3A_255 = arith.constant 128 : i32
          %add3A_256 = arith.addi %mul3A_254, %add3A_255 : i32
          %get3A_257 = arith.index_cast %add3A_256 : i32 to index
          %get3A_258 = tpu.vector_load %arg5[%get3A_257] {strides = array<i32>} : memref<16384xf32, #tpu.memory_space<vmem>>, vector<16xf32>,
          %mul3A_259 = arith.constant 256 : i32
          %mul3A_260 = arith.muli %scan3A_205, %mul3A_259 : i32
          %add3A_261 = arith.constant 144 : i32
          %add3A_262 = arith.addi %mul3A_260, %add3A_261 : i32
          %get3A_263 = arith.index_cast %add3A_262 : i32 to index
          %get3A_264 = tpu.vector_load %arg5[%get3A_263] {strides = array<i32>} : memref<16384xf32, #tpu.memory_space<vmem>>, vector<16xf32>,
          %mul3A_265 = arith.constant 256 : i32
          %mul3A_266 = arith.muli %scan3A_205, %mul3A_265 : i32
          %add3A_267 = arith.constant 160 : i32
          %add3A_268 = arith.addi %mul3A_266, %add3A_267 : i32
          %get3A_269 = arith.index_cast %add3A_268 : i32 to index
          %get3A_270 = tpu.vector_load %arg5[%get3A_269] {strides = array<i32>} : memref<16384xf32, #tpu.memory_space<vmem>>, vector<16xf32>,
          %mul3A_271 = arith.constant 256 : i32
          %mul3A_272 = arith.muli %scan3A_205, %mul3A_271 : i32
          %add3A_273 = arith.constant 176 : i32
          %add3A_274 = arith.addi %mul3A_272, %add3A_273 : i32
          %get3A_275 = arith.index_cast %add3A_274 : i32 to index
          %get3A_276 = tpu.vector_load %arg5[%get3A_275] {strides = array<i32>} : memref<16384xf32, #tpu.memory_space<vmem>>, vector<16xf32>,
          %mul3A_277 = arith.constant 256 : i32
          %mul3A_278 = arith.muli %scan3A_205, %mul3A_277 : i32
          %add3A_279 = arith.constant 192 : i32
          %add3A_280 = arith.addi %mul3A_278, %add3A_279 : i32
          %get3A_281 = arith.index_cast %add3A_280 : i32 to index
          %get3A_282 = tpu.vector_load %arg5[%get3A_281] {strides = array<i32>} : memref<16384xf32, #tpu.memory_space<vmem>>, vector<16xf32>,
          %mul3A_283 = arith.constant 256 : i32
          %mul3A_284 = arith.muli %scan3A_205, %mul3A_283 : i32
          %add3A_285 = arith.constant 208 : i32
          %add3A_286 = arith.addi %mul3A_284, %add3A_285 : i32
          %get3A_287 = arith.index_cast %add3A_286 : i32 to index
          %get3A_288 = tpu.vector_load %arg5[%get3A_287] {strides = array<i32>} : memref<16384xf32, #tpu.memory_space<vmem>>, vector<16xf32>,
          %mul3A_289 = arith.constant 256 : i32
          %mul3A_290 = arith.muli %scan3A_205, %mul3A_289 : i32
          %add3A_291 = arith.constant 224 : i32
          %add3A_292 = arith.addi %mul3A_290, %add3A_291 : i32
          %get3A_293 = arith.index_cast %add3A_292 : i32 to index
          %get3A_294 = tpu.vector_load %arg5[%get3A_293] {strides = array<i32>} : memref<16384xf32, #tpu.memory_space<vmem>>, vector<16xf32>,
          %mul3A_295 = arith.constant 256 : i32
          %mul3A_296 = arith.muli %scan3A_205, %mul3A_295 : i32
          %add3A_297 = arith.constant 240 : i32
          %add3A_298 = arith.addi %mul3A_296, %add3A_297 : i32
          %get3A_299 = arith.index_cast %add3A_298 : i32 to index
          %get3A_300 = tpu.vector_load %arg5[%get3A_299] {strides = array<i32>} : memref<16384xf32, #tpu.memory_space<vmem>>, vector<16xf32>,
          %abs3A = math.absf %get3A_210 : vector<16xf32>
          %abs3A_301 = math.absf %get3A_216 : vector<16xf32>
          %abs3A_302 = math.absf %get3A_222 : vector<16xf32>
          %abs3A_303 = math.absf %get3A_228 : vector<16xf32>
          %abs3A_304 = math.absf %get3A_234 : vector<16xf32>
          %abs3A_305 = math.absf %get3A_240 : vector<16xf32>
          %abs3A_306 = math.absf %get3A_246 : vector<16xf32>
          %abs3A_307 = math.absf %get3A_252 : vector<16xf32>
          %abs3A_308 = math.absf %get3A_258 : vector<16xf32>
          %abs3A_309 = math.absf %get3A_264 : vector<16xf32>
          %abs3A_310 = math.absf %get3A_270 : vector<16xf32>
          %abs3A_311 = math.absf %get3A_276 : vector<16xf32>
          %abs3A_312 = math.absf %get3A_282 : vector<16xf32>
          %abs3A_313 = math.absf %get3A_288 : vector<16xf32>
          %abs3A_314 = math.absf %get3A_294 : vector<16xf32>
          %abs3A_315 = math.absf %get3A_300 : vector<16xf32>
          %mul3A_316 = arith.constant 2.047500e+03 : f32
          %mul3A_317 = vector.broadcast %mul3A_316 : f32 to vector<16xf32>
          %mul3A_318 = arith.mulf %abs3A, %mul3A_317 : vector<16xf32>
          %convert_element_type3A_319 = arith.fptosi %mul3A_318 : vector<16xf32> to vector<16xi32>
          %mul3A_320 = arith.constant 2.047500e+03 : f32
          %mul3A_321 = vector.broadcast %mul3A_320 : f32 to vector<16xf32>
          %mul3A_322 = arith.mulf %abs3A_301, %mul3A_321 : vector<16xf32>
          %convert_element_type3A_323 = arith.fptosi %mul3A_322 : vector<16xf32> to vector<16xi32>
          %mul3A_324 = arith.constant 2.047500e+03 : f32
          %mul3A_325 = vector.broadcast %mul3A_324 : f32 to vector<16xf32>
          %mul3A_326 = arith.mulf %abs3A_302, %mul3A_325 : vector<16xf32>
          %convert_element_type3A_327 = arith.fptosi %mul3A_326 : vector<16xf32> to vector<16xi32>
          %mul3A_328 = arith.constant 2.047500e+03 : f32
          %mul3A_329 = vector.broadcast %mul3A_328 : f32 to vector<16xf32>
          %mul3A_330 = arith.mulf %abs3A_303, %mul3A_329 : vector<16xf32>
          %convert_element_type3A_331 = arith.fptosi %mul3A_330 : vector<16xf32> to vector<16xi32>
          %mul3A_332 = arith.constant 2.047500e+03 : f32
          %mul3A_333 = vector.broadcast %mul3A_332 : f32 to vector<16xf32>
          %mul3A_334 = arith.mulf %abs3A_304, %mul3A_333 : vector<16xf32>
          %convert_element_type3A_335 = arith.fptosi %mul3A_334 : vector<16xf32> to vector<16xi32>
          %mul3A_336 = arith.constant 2.047500e+03 : f32
          %mul3A_337 = vector.broadcast %mul3A_336 : f32 to vector<16xf32>
          %mul3A_338 = arith.mulf %abs3A_305, %mul3A_337 : vector<16xf32>
          %convert_element_type3A_339 = arith.fptosi %mul3A_338 : vector<16xf32> to vector<16xi32>
          %mul3A_340 = arith.constant 2.047500e+03 : f32
          %mul3A_341 = vector.broadcast %mul3A_340 : f32 to vector<16xf32>
          %mul3A_342 = arith.mulf %abs3A_306, %mul3A_341 : vector<16xf32>
          %convert_element_type3A_343 = arith.fptosi %mul3A_342 : vector<16xf32> to vector<16xi32>
          %mul3A_344 = arith.constant 2.047500e+03 : f32
          %mul3A_345 = vector.broadcast %mul3A_344 : f32 to vector<16xf32>
          %mul3A_346 = arith.mulf %abs3A_307, %mul3A_345 : vector<16xf32>
          %convert_element_type3A_347 = arith.fptosi %mul3A_346 : vector<16xf32> to vector<16xi32>
          %mul3A_348 = arith.constant 2.047500e+03 : f32
          %mul3A_349 = vector.broadcast %mul3A_348 : f32 to vector<16xf32>
          %mul3A_350 = arith.mulf %abs3A_308, %mul3A_349 : vector<16xf32>
          %convert_element_type3A_351 = arith.fptosi %mul3A_350 : vector<16xf32> to vector<16xi32>
          %mul3A_352 = arith.constant 2.047500e+03 : f32
          %mul3A_353 = vector.broadcast %mul3A_352 : f32 to vector<16xf32>
          %mul3A_354 = arith.mulf %abs3A_309, %mul3A_353 : vector<16xf32>
          %convert_element_type3A_355 = arith.fptosi %mul3A_354 : vector<16xf32> to vector<16xi32>
          %mul3A_356 = arith.constant 2.047500e+03 : f32
          %mul3A_357 = vector.broadcast %mul3A_356 : f32 to vector<16xf32>
          %mul3A_358 = arith.mulf %abs3A_310, %mul3A_357 : vector<16xf32>
          %convert_element_type3A_359 = arith.fptosi %mul3A_358 : vector<16xf32> to vector<16xi32>
          %mul3A_360 = arith.constant 2.047500e+03 : f32
          %mul3A_361 = vector.broadcast %mul3A_360 : f32 to vector<16xf32>
          %mul3A_362 = arith.mulf %abs3A_311, %mul3A_361 : vector<16xf32>
          %convert_element_type3A_363 = arith.fptosi %mul3A_362 : vector<16xf32> to vector<16xi32>
          %mul3A_364 = arith.constant 2.047500e+03 : f32
          %mul3A_365 = vector.broadcast %mul3A_364 : f32 to vector<16xf32>
          %mul3A_366 = arith.mulf %abs3A_312, %mul3A_365 : vector<16xf32>
          %convert_element_type3A_367 = arith.fptosi %mul3A_366 : vector<16xf32> to vector<16xi32>
          %mul3A_368 = arith.constant 2.047500e+03 : f32
          %mul3A_369 = vector.broadcast %mul3A_368 : f32 to vector<16xf32>
          %mul3A_370 = arith.mulf %abs3A_313, %mul3A_369 : vector<16xf32>
          %convert_element_type3A_371 = arith.fptosi %mul3A_370 : vector<16xf32> to vector<16xi32>
          %mul3A_372 = arith.constant 2.047500e+03 : f32
          %mul3A_373 = vector.broadcast %mul3A_372 : f32 to vector<16xf32>
          %mul3A_374 = arith.mulf %abs3A_314, %mul3A_373 : vector<16xf32>
          %convert_element_type3A_375 = arith.fptosi %mul3A_374 : vector<16xf32> to vector<16xi32>
          %mul3A_376 = arith.constant 2.047500e+03 : f32
          %mul3A_377 = vector.broadcast %mul3A_376 : f32 to vector<16xf32>
          %mul3A_378 = arith.mulf %abs3A_315, %mul3A_377 : vector<16xf32>
          %convert_element_type3A_379 = arith.fptosi %mul3A_378 : vector<16xf32> to vector<16xi32>
          %lt3A_380 = arith.constant 0.000000e+00 : f32
          %lt3A_381 = vector.broadcast %lt3A_380 : f32 to vector<16xf32>
          %lt3A_382 = arith.cmpf olt, %get3A_210, %lt3A_381 : vector<16xf32>
          %lt3A_383 = arith.constant 0.000000e+00 : f32
          %lt3A_384 = vector.broadcast %lt3A_383 : f32 to vector<16xf32>
          %lt3A_385 = arith.cmpf olt, %get3A_216, %lt3A_384 : vector<16xf32>
          %lt3A_386 = arith.constant 0.000000e+00 : f32
          %lt3A_387 = vector.broadcast %lt3A_386 : f32 to vector<16xf32>
          %lt3A_388 = arith.cmpf olt, %get3A_222, %lt3A_387 : vector<16xf32>
          %lt3A_389 = arith.constant 0.000000e+00 : f32
          %lt3A_390 = vector.broadcast %lt3A_389 : f32 to vector<16xf32>
          %lt3A_391 = arith.cmpf olt, %get3A_228, %lt3A_390 : vector<16xf32>
          %lt3A_392 = arith.constant 0.000000e+00 : f32
          %lt3A_393 = vector.broadcast %lt3A_392 : f32 to vector<16xf32>
          %lt3A_394 = arith.cmpf olt, %get3A_234, %lt3A_393 : vector<16xf32>
          %lt3A_395 = arith.constant 0.000000e+00 : f32
          %lt3A_396 = vector.broadcast %lt3A_395 : f32 to vector<16xf32>
          %lt3A_397 = arith.cmpf olt, %get3A_240, %lt3A_396 : vector<16xf32>
          %lt3A_398 = arith.constant 0.000000e+00 : f32
          %lt3A_399 = vector.broadcast %lt3A_398 : f32 to vector<16xf32>
          %lt3A_400 = arith.cmpf olt, %get3A_246, %lt3A_399 : vector<16xf32>
          %lt3A_401 = arith.constant 0.000000e+00 : f32
          %lt3A_402 = vector.broadcast %lt3A_401 : f32 to vector<16xf32>
          %lt3A_403 = arith.cmpf olt, %get3A_252, %lt3A_402 : vector<16xf32>
          %lt3A_404 = arith.constant 0.000000e+00 : f32
          %lt3A_405 = vector.broadcast %lt3A_404 : f32 to vector<16xf32>
          %lt3A_406 = arith.cmpf olt, %get3A_258, %lt3A_405 : vector<16xf32>
          %lt3A_407 = arith.constant 0.000000e+00 : f32
          %lt3A_408 = vector.broadcast %lt3A_407 : f32 to vector<16xf32>
          %lt3A_409 = arith.cmpf olt, %get3A_264, %lt3A_408 : vector<16xf32>
          %lt3A_410 = arith.constant 0.000000e+00 : f32
          %lt3A_411 = vector.broadcast %lt3A_410 : f32 to vector<16xf32>
          %lt3A_412 = arith.cmpf olt, %get3A_270, %lt3A_411 : vector<16xf32>
          %lt3A_413 = arith.constant 0.000000e+00 : f32
          %lt3A_414 = vector.broadcast %lt3A_413 : f32 to vector<16xf32>
          %lt3A_415 = arith.cmpf olt, %get3A_276, %lt3A_414 : vector<16xf32>
          %lt3A_416 = arith.constant 0.000000e+00 : f32
          %lt3A_417 = vector.broadcast %lt3A_416 : f32 to vector<16xf32>
          %lt3A_418 = arith.cmpf olt, %get3A_282, %lt3A_417 : vector<16xf32>
          %lt3A_419 = arith.constant 0.000000e+00 : f32
          %lt3A_420 = vector.broadcast %lt3A_419 : f32 to vector<16xf32>
          %lt3A_421 = arith.cmpf olt, %get3A_288, %lt3A_420 : vector<16xf32>
          %lt3A_422 = arith.constant 0.000000e+00 : f32
          %lt3A_423 = vector.broadcast %lt3A_422 : f32 to vector<16xf32>
          %lt3A_424 = arith.cmpf olt, %get3A_294, %lt3A_423 : vector<16xf32>
          %lt3A_425 = arith.constant 0.000000e+00 : f32
          %lt3A_426 = vector.broadcast %lt3A_425 : f32 to vector<16xf32>
          %lt3A_427 = arith.cmpf olt, %get3A_300, %lt3A_426 : vector<16xf32>
          tpu.vector_store_idx %arg6[%convert_element_type3A_319], %abs3A {add = true} : memref<2048xf32, #tpu.memory_space<vmem>>[vector<16xi32>], vector<16xf32>,
          tpu.vector_store_idx %arg7[%convert_element_type3A_319], %broadcast_in_dim3A_3 masked %lt3A_382 {add = true} : memref<2048xf32, #tpu.memory_space<vmem>>[vector<16xi32>], vector<16xf32>, vector<16xi1>
          tpu.vector_store_idx %arg6[%convert_element_type3A_323], %abs3A_301 {add = true} : memref<2048xf32, #tpu.memory_space<vmem>>[vector<16xi32>], vector<16xf32>,
          tpu.vector_store_idx %arg7[%convert_element_type3A_323], %broadcast_in_dim3A_3 masked %lt3A_385 {add = true} : memref<2048xf32, #tpu.memory_space<vmem>>[vector<16xi32>], vector<16xf32>, vector<16xi1>
          tpu.vector_store_idx %arg6[%convert_element_type3A_327], %abs3A_302 {add = true} : memref<2048xf32, #tpu.memory_space<vmem>>[vector<16xi32>], vector<16xf32>,
          tpu.vector_store_idx %arg7[%convert_element_type3A_327], %broadcast_in_dim3A_3 masked %lt3A_388 {add = true} : memref<2048xf32, #tpu.memory_space<vmem>>[vector<16xi32>], vector<16xf32>, vector<16xi1>
          tpu.vector_store_idx %arg6[%convert_element_type3A_331], %abs3A_303 {add = true} : memref<2048xf32, #tpu.memory_space<vmem>>[vector<16xi32>], vector<16xf32>,
          tpu.vector_store_idx %arg7[%convert_element_type3A_331], %broadcast_in_dim3A_3 masked %lt3A_391 {add = true} : memref<2048xf32, #tpu.memory_space<vmem>>[vector<16xi32>], vector<16xf32>, vector<16xi1>
          tpu.vector_store_idx %arg6[%convert_element_type3A_335], %abs3A_304 {add = true} : memref<2048xf32, #tpu.memory_space<vmem>>[vector<16xi32>], vector<16xf32>,
          tpu.vector_store_idx %arg7[%convert_element_type3A_335], %broadcast_in_dim3A_3 masked %lt3A_394 {add = true} : memref<2048xf32, #tpu.memory_space<vmem>>[vector<16xi32>], vector<16xf32>, vector<16xi1>
          tpu.vector_store_idx %arg6[%convert_element_type3A_339], %abs3A_305 {add = true} : memref<2048xf32, #tpu.memory_space<vmem>>[vector<16xi32>], vector<16xf32>,
          tpu.vector_store_idx %arg7[%convert_element_type3A_339], %broadcast_in_dim3A_3 masked %lt3A_397 {add = true} : memref<2048xf32, #tpu.memory_space<vmem>>[vector<16xi32>], vector<16xf32>, vector<16xi1>
          tpu.vector_store_idx %arg6[%convert_element_type3A_343], %abs3A_306 {add = true} : memref<2048xf32, #tpu.memory_space<vmem>>[vector<16xi32>], vector<16xf32>,
          tpu.vector_store_idx %arg7[%convert_element_type3A_343], %broadcast_in_dim3A_3 masked %lt3A_400 {add = true} : memref<2048xf32, #tpu.memory_space<vmem>>[vector<16xi32>], vector<16xf32>, vector<16xi1>
          tpu.vector_store_idx %arg6[%convert_element_type3A_347], %abs3A_307 {add = true} : memref<2048xf32, #tpu.memory_space<vmem>>[vector<16xi32>], vector<16xf32>,
          tpu.vector_store_idx %arg7[%convert_element_type3A_347], %broadcast_in_dim3A_3 masked %lt3A_403 {add = true} : memref<2048xf32, #tpu.memory_space<vmem>>[vector<16xi32>], vector<16xf32>, vector<16xi1>
          tpu.vector_store_idx %arg6[%convert_element_type3A_351], %abs3A_308 {add = true} : memref<2048xf32, #tpu.memory_space<vmem>>[vector<16xi32>], vector<16xf32>,
          tpu.vector_store_idx %arg7[%convert_element_type3A_351], %broadcast_in_dim3A_3 masked %lt3A_406 {add = true} : memref<2048xf32, #tpu.memory_space<vmem>>[vector<16xi32>], vector<16xf32>, vector<16xi1>
          tpu.vector_store_idx %arg6[%convert_element_type3A_355], %abs3A_309 {add = true} : memref<2048xf32, #tpu.memory_space<vmem>>[vector<16xi32>], vector<16xf32>,
          tpu.vector_store_idx %arg7[%convert_element_type3A_355], %broadcast_in_dim3A_3 masked %lt3A_409 {add = true} : memref<2048xf32, #tpu.memory_space<vmem>>[vector<16xi32>], vector<16xf32>, vector<16xi1>
          tpu.vector_store_idx %arg6[%convert_element_type3A_359], %abs3A_310 {add = true} : memref<2048xf32, #tpu.memory_space<vmem>>[vector<16xi32>], vector<16xf32>,
          tpu.vector_store_idx %arg7[%convert_element_type3A_359], %broadcast_in_dim3A_3 masked %lt3A_412 {add = true} : memref<2048xf32, #tpu.memory_space<vmem>>[vector<16xi32>], vector<16xf32>, vector<16xi1>
          tpu.vector_store_idx %arg6[%convert_element_type3A_363], %abs3A_311 {add = true} : memref<2048xf32, #tpu.memory_space<vmem>>[vector<16xi32>], vector<16xf32>,
          tpu.vector_store_idx %arg7[%convert_element_type3A_363], %broadcast_in_dim3A_3 masked %lt3A_415 {add = true} : memref<2048xf32, #tpu.memory_space<vmem>>[vector<16xi32>], vector<16xf32>, vector<16xi1>
          tpu.vector_store_idx %arg6[%convert_element_type3A_367], %abs3A_312 {add = true} : memref<2048xf32, #tpu.memory_space<vmem>>[vector<16xi32>], vector<16xf32>,
          tpu.vector_store_idx %arg7[%convert_element_type3A_367], %broadcast_in_dim3A_3 masked %lt3A_418 {add = true} : memref<2048xf32, #tpu.memory_space<vmem>>[vector<16xi32>], vector<16xf32>, vector<16xi1>
          tpu.vector_store_idx %arg6[%convert_element_type3A_371], %abs3A_313 {add = true} : memref<2048xf32, #tpu.memory_space<vmem>>[vector<16xi32>], vector<16xf32>,
          tpu.vector_store_idx %arg7[%convert_element_type3A_371], %broadcast_in_dim3A_3 masked %lt3A_421 {add = true} : memref<2048xf32, #tpu.memory_space<vmem>>[vector<16xi32>], vector<16xf32>, vector<16xi1>
          tpu.vector_store_idx %arg6[%convert_element_type3A_375], %abs3A_314 {add = true} : memref<2048xf32, #tpu.memory_space<vmem>>[vector<16xi32>], vector<16xf32>,
          tpu.vector_store_idx %arg7[%convert_element_type3A_375], %broadcast_in_dim3A_3 masked %lt3A_424 {add = true} : memref<2048xf32, #tpu.memory_space<vmem>>[vector<16xi32>], vector<16xf32>, vector<16xi1>
          tpu.vector_store_idx %arg6[%convert_element_type3A_379], %abs3A_315 {add = true} : memref<2048xf32, #tpu.memory_space<vmem>>[vector<16xi32>], vector<16xf32>,
          tpu.vector_store_idx %arg7[%convert_element_type3A_379], %broadcast_in_dim3A_3 masked %lt3A_427 {add = true} : memref<2048xf32, #tpu.memory_space<vmem>>[vector<16xi32>], vector<16xf32>, vector<16xi1>
        }
        %scan3A_132 = arith.constant 64 : i32
        %dma_wait3A_133 = arith.constant 98304 : i32
        %dma_wait3A_134 = tpu.memref_slice %arg2[%add3A_12, %dma_wait3A_133] : memref<168x147456xf32, #tpu.memory_space<hbm>> -> memref<1x16384xf32, #tpu.memory_space<hbm>>
        %dma_wait3A_135 = tpu.memref_squeeze %dma_wait3A_134 : memref<1x16384xf32, #tpu.memory_space<hbm>> -> memref<16384xf32, #tpu.memory_space<hbm>>
        %dma_wait3A_136 = arith.constant 98304 : i32
        %dma_wait3A_137 = tpu.memref_slice %arg2[%add3A_12, %dma_wait3A_136] : memref<168x147456xf32, #tpu.memory_space<hbm>> -> memref<1x16384xf32, #tpu.memory_space<hbm>>
        %dma_wait3A_138 = tpu.memref_squeeze %dma_wait3A_137 : memref<1x16384xf32, #tpu.memory_space<hbm>> -> memref<16384xf32, #tpu.memory_space<hbm>>
        tpu.wait_dma2 semaphore(%arg9 : memref<!tpu.dma_semaphore, #tpu.memory_space<semaphore_mem>>) src(%dma_wait3A_138 : memref<16384xf32, #tpu.memory_space<hbm>>) dst(%arg4 : memref<16384xf32, #tpu.memory_space<vmem>>)
        %dma_start3A_139 = arith.constant 114688 : i32
        %dma_start3A_140 = tpu.memref_slice %arg2[%add3A_12, %dma_start3A_139] : memref<168x147456xf32, #tpu.memory_space<hbm>> -> memref<1x16384xf32, #tpu.memory_space<hbm>>
        %dma_start3A_141 = tpu.memref_squeeze %dma_start3A_140 : memref<1x16384xf32, #tpu.memory_space<hbm>> -> memref<16384xf32, #tpu.memory_space<hbm>>
        %dma_start3A_142 = arith.constant 114688 : i32
        %dma_start3A_143 = tpu.memref_slice %arg2[%add3A_12, %dma_start3A_142] : memref<168x147456xf32, #tpu.memory_space<hbm>> -> memref<1x16384xf32, #tpu.memory_space<hbm>>
        %dma_start3A_144 = tpu.memref_squeeze %dma_start3A_143 : memref<1x16384xf32, #tpu.memory_space<hbm>> -> memref<16384xf32, #tpu.memory_space<hbm>>
        tpu.enqueue_dma source(%dma_start3A_144 : memref<16384xf32, #tpu.memory_space<hbm>>) target(%arg5 : memref<16384xf32, #tpu.memory_space<vmem>>) target_semaphore(%arg10 : memref<!tpu.dma_semaphore, #tpu.memory_space<semaphore_mem>>)
        %scan3A_145 = arith.constant 0 : i32
        %scan3A_146 = arith.constant 0 : i32
        %scan3A_147 = arith.constant 64 : i32
        %scan3A_148 = arith.addi %scan3A_146, %scan3A_147 : i32
        %scan3A_149 = arith.constant 1 : i32
        scf.for %scan3A_205 = %scan3A_146 to %scan3A_148 step %scan3A_149  : i32 {
          %mul3A_206 = arith.constant 256 : i32
          %mul3A_207 = arith.muli %scan3A_205, %mul3A_206 : i32
          %add3A_208 = arith.constant 0 : i32
          %add3A_209 = arith.addi %mul3A_207, %add3A_208 : i32
          %get3A = arith.index_cast %add3A_209 : i32 to index
          %get3A_210 = tpu.vector_load %arg4[%get3A] {strides = array<i32>} : memref<16384xf32, #tpu.memory_space<vmem>>, vector<16xf32>,
          %mul3A_211 = arith.constant 256 : i32
          %mul3A_212 = arith.muli %scan3A_205, %mul3A_211 : i32
          %add3A_213 = arith.constant 16 : i32
          %add3A_214 = arith.addi %mul3A_212, %add3A_213 : i32
          %get3A_215 = arith.index_cast %add3A_214 : i32 to index
          %get3A_216 = tpu.vector_load %arg4[%get3A_215] {strides = array<i32>} : memref<16384xf32, #tpu.memory_space<vmem>>, vector<16xf32>,
          %mul3A_217 = arith.constant 256 : i32
          %mul3A_218 = arith.muli %scan3A_205, %mul3A_217 : i32
          %add3A_219 = arith.constant 32 : i32
          %add3A_220 = arith.addi %mul3A_218, %add3A_219 : i32
          %get3A_221 = arith.index_cast %add3A_220 : i32 to index
          %get3A_222 = tpu.vector_load %arg4[%get3A_221] {strides = array<i32>} : memref<16384xf32, #tpu.memory_space<vmem>>, vector<16xf32>,
          %mul3A_223 = arith.constant 256 : i32
          %mul3A_224 = arith.muli %scan3A_205, %mul3A_223 : i32
          %add3A_225 = arith.constant 48 : i32
          %add3A_226 = arith.addi %mul3A_224, %add3A_225 : i32
          %get3A_227 = arith.index_cast %add3A_226 : i32 to index
          %get3A_228 = tpu.vector_load %arg4[%get3A_227] {strides = array<i32>} : memref<16384xf32, #tpu.memory_space<vmem>>, vector<16xf32>,
          %mul3A_229 = arith.constant 256 : i32
          %mul3A_230 = arith.muli %scan3A_205, %mul3A_229 : i32
          %add3A_231 = arith.constant 64 : i32
          %add3A_232 = arith.addi %mul3A_230, %add3A_231 : i32
          %get3A_233 = arith.index_cast %add3A_232 : i32 to index
          %get3A_234 = tpu.vector_load %arg4[%get3A_233] {strides = array<i32>} : memref<16384xf32, #tpu.memory_space<vmem>>, vector<16xf32>,
          %mul3A_235 = arith.constant 256 : i32
          %mul3A_236 = arith.muli %scan3A_205, %mul3A_235 : i32
          %add3A_237 = arith.constant 80 : i32
          %add3A_238 = arith.addi %mul3A_236, %add3A_237 : i32
          %get3A_239 = arith.index_cast %add3A_238 : i32 to index
          %get3A_240 = tpu.vector_load %arg4[%get3A_239] {strides = array<i32>} : memref<16384xf32, #tpu.memory_space<vmem>>, vector<16xf32>,
          %mul3A_241 = arith.constant 256 : i32
          %mul3A_242 = arith.muli %scan3A_205, %mul3A_241 : i32
          %add3A_243 = arith.constant 96 : i32
          %add3A_244 = arith.addi %mul3A_242, %add3A_243 : i32
          %get3A_245 = arith.index_cast %add3A_244 : i32 to index
          %get3A_246 = tpu.vector_load %arg4[%get3A_245] {strides = array<i32>} : memref<16384xf32, #tpu.memory_space<vmem>>, vector<16xf32>,
          %mul3A_247 = arith.constant 256 : i32
          %mul3A_248 = arith.muli %scan3A_205, %mul3A_247 : i32
          %add3A_249 = arith.constant 112 : i32
          %add3A_250 = arith.addi %mul3A_248, %add3A_249 : i32
          %get3A_251 = arith.index_cast %add3A_250 : i32 to index
          %get3A_252 = tpu.vector_load %arg4[%get3A_251] {strides = array<i32>} : memref<16384xf32, #tpu.memory_space<vmem>>, vector<16xf32>,
          %mul3A_253 = arith.constant 256 : i32
          %mul3A_254 = arith.muli %scan3A_205, %mul3A_253 : i32
          %add3A_255 = arith.constant 128 : i32
          %add3A_256 = arith.addi %mul3A_254, %add3A_255 : i32
          %get3A_257 = arith.index_cast %add3A_256 : i32 to index
          %get3A_258 = tpu.vector_load %arg4[%get3A_257] {strides = array<i32>} : memref<16384xf32, #tpu.memory_space<vmem>>, vector<16xf32>,
          %mul3A_259 = arith.constant 256 : i32
          %mul3A_260 = arith.muli %scan3A_205, %mul3A_259 : i32
          %add3A_261 = arith.constant 144 : i32
          %add3A_262 = arith.addi %mul3A_260, %add3A_261 : i32
          %get3A_263 = arith.index_cast %add3A_262 : i32 to index
          %get3A_264 = tpu.vector_load %arg4[%get3A_263] {strides = array<i32>} : memref<16384xf32, #tpu.memory_space<vmem>>, vector<16xf32>,
          %mul3A_265 = arith.constant 256 : i32
          %mul3A_266 = arith.muli %scan3A_205, %mul3A_265 : i32
          %add3A_267 = arith.constant 160 : i32
          %add3A_268 = arith.addi %mul3A_266, %add3A_267 : i32
          %get3A_269 = arith.index_cast %add3A_268 : i32 to index
          %get3A_270 = tpu.vector_load %arg4[%get3A_269] {strides = array<i32>} : memref<16384xf32, #tpu.memory_space<vmem>>, vector<16xf32>,
          %mul3A_271 = arith.constant 256 : i32
          %mul3A_272 = arith.muli %scan3A_205, %mul3A_271 : i32
          %add3A_273 = arith.constant 176 : i32
          %add3A_274 = arith.addi %mul3A_272, %add3A_273 : i32
          %get3A_275 = arith.index_cast %add3A_274 : i32 to index
          %get3A_276 = tpu.vector_load %arg4[%get3A_275] {strides = array<i32>} : memref<16384xf32, #tpu.memory_space<vmem>>, vector<16xf32>,
          %mul3A_277 = arith.constant 256 : i32
          %mul3A_278 = arith.muli %scan3A_205, %mul3A_277 : i32
          %add3A_279 = arith.constant 192 : i32
          %add3A_280 = arith.addi %mul3A_278, %add3A_279 : i32
          %get3A_281 = arith.index_cast %add3A_280 : i32 to index
          %get3A_282 = tpu.vector_load %arg4[%get3A_281] {strides = array<i32>} : memref<16384xf32, #tpu.memory_space<vmem>>, vector<16xf32>,
          %mul3A_283 = arith.constant 256 : i32
          %mul3A_284 = arith.muli %scan3A_205, %mul3A_283 : i32
          %add3A_285 = arith.constant 208 : i32
          %add3A_286 = arith.addi %mul3A_284, %add3A_285 : i32
          %get3A_287 = arith.index_cast %add3A_286 : i32 to index
          %get3A_288 = tpu.vector_load %arg4[%get3A_287] {strides = array<i32>} : memref<16384xf32, #tpu.memory_space<vmem>>, vector<16xf32>,
          %mul3A_289 = arith.constant 256 : i32
          %mul3A_290 = arith.muli %scan3A_205, %mul3A_289 : i32
          %add3A_291 = arith.constant 224 : i32
          %add3A_292 = arith.addi %mul3A_290, %add3A_291 : i32
          %get3A_293 = arith.index_cast %add3A_292 : i32 to index
          %get3A_294 = tpu.vector_load %arg4[%get3A_293] {strides = array<i32>} : memref<16384xf32, #tpu.memory_space<vmem>>, vector<16xf32>,
          %mul3A_295 = arith.constant 256 : i32
          %mul3A_296 = arith.muli %scan3A_205, %mul3A_295 : i32
          %add3A_297 = arith.constant 240 : i32
          %add3A_298 = arith.addi %mul3A_296, %add3A_297 : i32
          %get3A_299 = arith.index_cast %add3A_298 : i32 to index
          %get3A_300 = tpu.vector_load %arg4[%get3A_299] {strides = array<i32>} : memref<16384xf32, #tpu.memory_space<vmem>>, vector<16xf32>,
          %abs3A = math.absf %get3A_210 : vector<16xf32>
          %abs3A_301 = math.absf %get3A_216 : vector<16xf32>
          %abs3A_302 = math.absf %get3A_222 : vector<16xf32>
          %abs3A_303 = math.absf %get3A_228 : vector<16xf32>
          %abs3A_304 = math.absf %get3A_234 : vector<16xf32>
          %abs3A_305 = math.absf %get3A_240 : vector<16xf32>
          %abs3A_306 = math.absf %get3A_246 : vector<16xf32>
          %abs3A_307 = math.absf %get3A_252 : vector<16xf32>
          %abs3A_308 = math.absf %get3A_258 : vector<16xf32>
          %abs3A_309 = math.absf %get3A_264 : vector<16xf32>
          %abs3A_310 = math.absf %get3A_270 : vector<16xf32>
          %abs3A_311 = math.absf %get3A_276 : vector<16xf32>
          %abs3A_312 = math.absf %get3A_282 : vector<16xf32>
          %abs3A_313 = math.absf %get3A_288 : vector<16xf32>
          %abs3A_314 = math.absf %get3A_294 : vector<16xf32>
          %abs3A_315 = math.absf %get3A_300 : vector<16xf32>
          %mul3A_316 = arith.constant 2.047500e+03 : f32
          %mul3A_317 = vector.broadcast %mul3A_316 : f32 to vector<16xf32>
          %mul3A_318 = arith.mulf %abs3A, %mul3A_317 : vector<16xf32>
          %convert_element_type3A_319 = arith.fptosi %mul3A_318 : vector<16xf32> to vector<16xi32>
          %mul3A_320 = arith.constant 2.047500e+03 : f32
          %mul3A_321 = vector.broadcast %mul3A_320 : f32 to vector<16xf32>
          %mul3A_322 = arith.mulf %abs3A_301, %mul3A_321 : vector<16xf32>
          %convert_element_type3A_323 = arith.fptosi %mul3A_322 : vector<16xf32> to vector<16xi32>
          %mul3A_324 = arith.constant 2.047500e+03 : f32
          %mul3A_325 = vector.broadcast %mul3A_324 : f32 to vector<16xf32>
          %mul3A_326 = arith.mulf %abs3A_302, %mul3A_325 : vector<16xf32>
          %convert_element_type3A_327 = arith.fptosi %mul3A_326 : vector<16xf32> to vector<16xi32>
          %mul3A_328 = arith.constant 2.047500e+03 : f32
          %mul3A_329 = vector.broadcast %mul3A_328 : f32 to vector<16xf32>
          %mul3A_330 = arith.mulf %abs3A_303, %mul3A_329 : vector<16xf32>
          %convert_element_type3A_331 = arith.fptosi %mul3A_330 : vector<16xf32> to vector<16xi32>
          %mul3A_332 = arith.constant 2.047500e+03 : f32
          %mul3A_333 = vector.broadcast %mul3A_332 : f32 to vector<16xf32>
          %mul3A_334 = arith.mulf %abs3A_304, %mul3A_333 : vector<16xf32>
          %convert_element_type3A_335 = arith.fptosi %mul3A_334 : vector<16xf32> to vector<16xi32>
          %mul3A_336 = arith.constant 2.047500e+03 : f32
          %mul3A_337 = vector.broadcast %mul3A_336 : f32 to vector<16xf32>
          %mul3A_338 = arith.mulf %abs3A_305, %mul3A_337 : vector<16xf32>
          %convert_element_type3A_339 = arith.fptosi %mul3A_338 : vector<16xf32> to vector<16xi32>
          %mul3A_340 = arith.constant 2.047500e+03 : f32
          %mul3A_341 = vector.broadcast %mul3A_340 : f32 to vector<16xf32>
          %mul3A_342 = arith.mulf %abs3A_306, %mul3A_341 : vector<16xf32>
          %convert_element_type3A_343 = arith.fptosi %mul3A_342 : vector<16xf32> to vector<16xi32>
          %mul3A_344 = arith.constant 2.047500e+03 : f32
          %mul3A_345 = vector.broadcast %mul3A_344 : f32 to vector<16xf32>
          %mul3A_346 = arith.mulf %abs3A_307, %mul3A_345 : vector<16xf32>
          %convert_element_type3A_347 = arith.fptosi %mul3A_346 : vector<16xf32> to vector<16xi32>
          %mul3A_348 = arith.constant 2.047500e+03 : f32
          %mul3A_349 = vector.broadcast %mul3A_348 : f32 to vector<16xf32>
          %mul3A_350 = arith.mulf %abs3A_308, %mul3A_349 : vector<16xf32>
          %convert_element_type3A_351 = arith.fptosi %mul3A_350 : vector<16xf32> to vector<16xi32>
          %mul3A_352 = arith.constant 2.047500e+03 : f32
          %mul3A_353 = vector.broadcast %mul3A_352 : f32 to vector<16xf32>
          %mul3A_354 = arith.mulf %abs3A_309, %mul3A_353 : vector<16xf32>
          %convert_element_type3A_355 = arith.fptosi %mul3A_354 : vector<16xf32> to vector<16xi32>
          %mul3A_356 = arith.constant 2.047500e+03 : f32
          %mul3A_357 = vector.broadcast %mul3A_356 : f32 to vector<16xf32>
          %mul3A_358 = arith.mulf %abs3A_310, %mul3A_357 : vector<16xf32>
          %convert_element_type3A_359 = arith.fptosi %mul3A_358 : vector<16xf32> to vector<16xi32>
          %mul3A_360 = arith.constant 2.047500e+03 : f32
          %mul3A_361 = vector.broadcast %mul3A_360 : f32 to vector<16xf32>
          %mul3A_362 = arith.mulf %abs3A_311, %mul3A_361 : vector<16xf32>
          %convert_element_type3A_363 = arith.fptosi %mul3A_362 : vector<16xf32> to vector<16xi32>
          %mul3A_364 = arith.constant 2.047500e+03 : f32
          %mul3A_365 = vector.broadcast %mul3A_364 : f32 to vector<16xf32>
          %mul3A_366 = arith.mulf %abs3A_312, %mul3A_365 : vector<16xf32>
          %convert_element_type3A_367 = arith.fptosi %mul3A_366 : vector<16xf32> to vector<16xi32>
          %mul3A_368 = arith.constant 2.047500e+03 : f32
          %mul3A_369 = vector.broadcast %mul3A_368 : f32 to vector<16xf32>
          %mul3A_370 = arith.mulf %abs3A_313, %mul3A_369 : vector<16xf32>
          %convert_element_type3A_371 = arith.fptosi %mul3A_370 : vector<16xf32> to vector<16xi32>
          %mul3A_372 = arith.constant 2.047500e+03 : f32
          %mul3A_373 = vector.broadcast %mul3A_372 : f32 to vector<16xf32>
          %mul3A_374 = arith.mulf %abs3A_314, %mul3A_373 : vector<16xf32>
          %convert_element_type3A_375 = arith.fptosi %mul3A_374 : vector<16xf32> to vector<16xi32>
          %mul3A_376 = arith.constant 2.047500e+03 : f32
          %mul3A_377 = vector.broadcast %mul3A_376 : f32 to vector<16xf32>
          %mul3A_378 = arith.mulf %abs3A_315, %mul3A_377 : vector<16xf32>
          %convert_element_type3A_379 = arith.fptosi %mul3A_378 : vector<16xf32> to vector<16xi32>
          %lt3A_380 = arith.constant 0.000000e+00 : f32
          %lt3A_381 = vector.broadcast %lt3A_380 : f32 to vector<16xf32>
          %lt3A_382 = arith.cmpf olt, %get3A_210, %lt3A_381 : vector<16xf32>
          %lt3A_383 = arith.constant 0.000000e+00 : f32
          %lt3A_384 = vector.broadcast %lt3A_383 : f32 to vector<16xf32>
          %lt3A_385 = arith.cmpf olt, %get3A_216, %lt3A_384 : vector<16xf32>
          %lt3A_386 = arith.constant 0.000000e+00 : f32
          %lt3A_387 = vector.broadcast %lt3A_386 : f32 to vector<16xf32>
          %lt3A_388 = arith.cmpf olt, %get3A_222, %lt3A_387 : vector<16xf32>
          %lt3A_389 = arith.constant 0.000000e+00 : f32
          %lt3A_390 = vector.broadcast %lt3A_389 : f32 to vector<16xf32>
          %lt3A_391 = arith.cmpf olt, %get3A_228, %lt3A_390 : vector<16xf32>
          %lt3A_392 = arith.constant 0.000000e+00 : f32
          %lt3A_393 = vector.broadcast %lt3A_392 : f32 to vector<16xf32>
          %lt3A_394 = arith.cmpf olt, %get3A_234, %lt3A_393 : vector<16xf32>
          %lt3A_395 = arith.constant 0.000000e+00 : f32
          %lt3A_396 = vector.broadcast %lt3A_395 : f32 to vector<16xf32>
          %lt3A_397 = arith.cmpf olt, %get3A_240, %lt3A_396 : vector<16xf32>
          %lt3A_398 = arith.constant 0.000000e+00 : f32
          %lt3A_399 = vector.broadcast %lt3A_398 : f32 to vector<16xf32>
          %lt3A_400 = arith.cmpf olt, %get3A_246, %lt3A_399 : vector<16xf32>
          %lt3A_401 = arith.constant 0.000000e+00 : f32
          %lt3A_402 = vector.broadcast %lt3A_401 : f32 to vector<16xf32>
          %lt3A_403 = arith.cmpf olt, %get3A_252, %lt3A_402 : vector<16xf32>
          %lt3A_404 = arith.constant 0.000000e+00 : f32
          %lt3A_405 = vector.broadcast %lt3A_404 : f32 to vector<16xf32>
          %lt3A_406 = arith.cmpf olt, %get3A_258, %lt3A_405 : vector<16xf32>
          %lt3A_407 = arith.constant 0.000000e+00 : f32
          %lt3A_408 = vector.broadcast %lt3A_407 : f32 to vector<16xf32>
          %lt3A_409 = arith.cmpf olt, %get3A_264, %lt3A_408 : vector<16xf32>
          %lt3A_410 = arith.constant 0.000000e+00 : f32
          %lt3A_411 = vector.broadcast %lt3A_410 : f32 to vector<16xf32>
          %lt3A_412 = arith.cmpf olt, %get3A_270, %lt3A_411 : vector<16xf32>
          %lt3A_413 = arith.constant 0.000000e+00 : f32
          %lt3A_414 = vector.broadcast %lt3A_413 : f32 to vector<16xf32>
          %lt3A_415 = arith.cmpf olt, %get3A_276, %lt3A_414 : vector<16xf32>
          %lt3A_416 = arith.constant 0.000000e+00 : f32
          %lt3A_417 = vector.broadcast %lt3A_416 : f32 to vector<16xf32>
          %lt3A_418 = arith.cmpf olt, %get3A_282, %lt3A_417 : vector<16xf32>
          %lt3A_419 = arith.constant 0.000000e+00 : f32
          %lt3A_420 = vector.broadcast %lt3A_419 : f32 to vector<16xf32>
          %lt3A_421 = arith.cmpf olt, %get3A_288, %lt3A_420 : vector<16xf32>
          %lt3A_422 = arith.constant 0.000000e+00 : f32
          %lt3A_423 = vector.broadcast %lt3A_422 : f32 to vector<16xf32>
          %lt3A_424 = arith.cmpf olt, %get3A_294, %lt3A_423 : vector<16xf32>
          %lt3A_425 = arith.constant 0.000000e+00 : f32
          %lt3A_426 = vector.broadcast %lt3A_425 : f32 to vector<16xf32>
          %lt3A_427 = arith.cmpf olt, %get3A_300, %lt3A_426 : vector<16xf32>
          tpu.vector_store_idx %arg6[%convert_element_type3A_319], %abs3A {add = true} : memref<2048xf32, #tpu.memory_space<vmem>>[vector<16xi32>], vector<16xf32>,
          tpu.vector_store_idx %arg7[%convert_element_type3A_319], %broadcast_in_dim3A_3 masked %lt3A_382 {add = true} : memref<2048xf32, #tpu.memory_space<vmem>>[vector<16xi32>], vector<16xf32>, vector<16xi1>
          tpu.vector_store_idx %arg6[%convert_element_type3A_323], %abs3A_301 {add = true} : memref<2048xf32, #tpu.memory_space<vmem>>[vector<16xi32>], vector<16xf32>,
          tpu.vector_store_idx %arg7[%convert_element_type3A_323], %broadcast_in_dim3A_3 masked %lt3A_385 {add = true} : memref<2048xf32, #tpu.memory_space<vmem>>[vector<16xi32>], vector<16xf32>, vector<16xi1>
          tpu.vector_store_idx %arg6[%convert_element_type3A_327], %abs3A_302 {add = true} : memref<2048xf32, #tpu.memory_space<vmem>>[vector<16xi32>], vector<16xf32>,
          tpu.vector_store_idx %arg7[%convert_element_type3A_327], %broadcast_in_dim3A_3 masked %lt3A_388 {add = true} : memref<2048xf32, #tpu.memory_space<vmem>>[vector<16xi32>], vector<16xf32>, vector<16xi1>
          tpu.vector_store_idx %arg6[%convert_element_type3A_331], %abs3A_303 {add = true} : memref<2048xf32, #tpu.memory_space<vmem>>[vector<16xi32>], vector<16xf32>,
          tpu.vector_store_idx %arg7[%convert_element_type3A_331], %broadcast_in_dim3A_3 masked %lt3A_391 {add = true} : memref<2048xf32, #tpu.memory_space<vmem>>[vector<16xi32>], vector<16xf32>, vector<16xi1>
          tpu.vector_store_idx %arg6[%convert_element_type3A_335], %abs3A_304 {add = true} : memref<2048xf32, #tpu.memory_space<vmem>>[vector<16xi32>], vector<16xf32>,
          tpu.vector_store_idx %arg7[%convert_element_type3A_335], %broadcast_in_dim3A_3 masked %lt3A_394 {add = true} : memref<2048xf32, #tpu.memory_space<vmem>>[vector<16xi32>], vector<16xf32>, vector<16xi1>
          tpu.vector_store_idx %arg6[%convert_element_type3A_339], %abs3A_305 {add = true} : memref<2048xf32, #tpu.memory_space<vmem>>[vector<16xi32>], vector<16xf32>,
          tpu.vector_store_idx %arg7[%convert_element_type3A_339], %broadcast_in_dim3A_3 masked %lt3A_397 {add = true} : memref<2048xf32, #tpu.memory_space<vmem>>[vector<16xi32>], vector<16xf32>, vector<16xi1>
          tpu.vector_store_idx %arg6[%convert_element_type3A_343], %abs3A_306 {add = true} : memref<2048xf32, #tpu.memory_space<vmem>>[vector<16xi32>], vector<16xf32>,
          tpu.vector_store_idx %arg7[%convert_element_type3A_343], %broadcast_in_dim3A_3 masked %lt3A_400 {add = true} : memref<2048xf32, #tpu.memory_space<vmem>>[vector<16xi32>], vector<16xf32>, vector<16xi1>
          tpu.vector_store_idx %arg6[%convert_element_type3A_347], %abs3A_307 {add = true} : memref<2048xf32, #tpu.memory_space<vmem>>[vector<16xi32>], vector<16xf32>,
          tpu.vector_store_idx %arg7[%convert_element_type3A_347], %broadcast_in_dim3A_3 masked %lt3A_403 {add = true} : memref<2048xf32, #tpu.memory_space<vmem>>[vector<16xi32>], vector<16xf32>, vector<16xi1>
          tpu.vector_store_idx %arg6[%convert_element_type3A_351], %abs3A_308 {add = true} : memref<2048xf32, #tpu.memory_space<vmem>>[vector<16xi32>], vector<16xf32>,
          tpu.vector_store_idx %arg7[%convert_element_type3A_351], %broadcast_in_dim3A_3 masked %lt3A_406 {add = true} : memref<2048xf32, #tpu.memory_space<vmem>>[vector<16xi32>], vector<16xf32>, vector<16xi1>
          tpu.vector_store_idx %arg6[%convert_element_type3A_355], %abs3A_309 {add = true} : memref<2048xf32, #tpu.memory_space<vmem>>[vector<16xi32>], vector<16xf32>,
          tpu.vector_store_idx %arg7[%convert_element_type3A_355], %broadcast_in_dim3A_3 masked %lt3A_409 {add = true} : memref<2048xf32, #tpu.memory_space<vmem>>[vector<16xi32>], vector<16xf32>, vector<16xi1>
          tpu.vector_store_idx %arg6[%convert_element_type3A_359], %abs3A_310 {add = true} : memref<2048xf32, #tpu.memory_space<vmem>>[vector<16xi32>], vector<16xf32>,
          tpu.vector_store_idx %arg7[%convert_element_type3A_359], %broadcast_in_dim3A_3 masked %lt3A_412 {add = true} : memref<2048xf32, #tpu.memory_space<vmem>>[vector<16xi32>], vector<16xf32>, vector<16xi1>
          tpu.vector_store_idx %arg6[%convert_element_type3A_363], %abs3A_311 {add = true} : memref<2048xf32, #tpu.memory_space<vmem>>[vector<16xi32>], vector<16xf32>,
          tpu.vector_store_idx %arg7[%convert_element_type3A_363], %broadcast_in_dim3A_3 masked %lt3A_415 {add = true} : memref<2048xf32, #tpu.memory_space<vmem>>[vector<16xi32>], vector<16xf32>, vector<16xi1>
          tpu.vector_store_idx %arg6[%convert_element_type3A_367], %abs3A_312 {add = true} : memref<2048xf32, #tpu.memory_space<vmem>>[vector<16xi32>], vector<16xf32>,
          tpu.vector_store_idx %arg7[%convert_element_type3A_367], %broadcast_in_dim3A_3 masked %lt3A_418 {add = true} : memref<2048xf32, #tpu.memory_space<vmem>>[vector<16xi32>], vector<16xf32>, vector<16xi1>
          tpu.vector_store_idx %arg6[%convert_element_type3A_371], %abs3A_313 {add = true} : memref<2048xf32, #tpu.memory_space<vmem>>[vector<16xi32>], vector<16xf32>,
          tpu.vector_store_idx %arg7[%convert_element_type3A_371], %broadcast_in_dim3A_3 masked %lt3A_421 {add = true} : memref<2048xf32, #tpu.memory_space<vmem>>[vector<16xi32>], vector<16xf32>, vector<16xi1>
          tpu.vector_store_idx %arg6[%convert_element_type3A_375], %abs3A_314 {add = true} : memref<2048xf32, #tpu.memory_space<vmem>>[vector<16xi32>], vector<16xf32>,
          tpu.vector_store_idx %arg7[%convert_element_type3A_375], %broadcast_in_dim3A_3 masked %lt3A_424 {add = true} : memref<2048xf32, #tpu.memory_space<vmem>>[vector<16xi32>], vector<16xf32>, vector<16xi1>
          tpu.vector_store_idx %arg6[%convert_element_type3A_379], %abs3A_315 {add = true} : memref<2048xf32, #tpu.memory_space<vmem>>[vector<16xi32>], vector<16xf32>,
          tpu.vector_store_idx %arg7[%convert_element_type3A_379], %broadcast_in_dim3A_3 masked %lt3A_427 {add = true} : memref<2048xf32, #tpu.memory_space<vmem>>[vector<16xi32>], vector<16xf32>, vector<16xi1>
        }
        %scan3A_150 = arith.constant 64 : i32
        %dma_wait3A_151 = arith.constant 114688 : i32
        %dma_wait3A_152 = tpu.memref_slice %arg2[%add3A_12, %dma_wait3A_151] : memref<168x147456xf32, #tpu.memory_space<hbm>> -> memref<1x16384xf32, #tpu.memory_space<hbm>>
        %dma_wait3A_153 = tpu.memref_squeeze %dma_wait3A_152 : memref<1x16384xf32, #tpu.memory_space<hbm>> -> memref<16384xf32, #tpu.memory_space<hbm>>
        %dma_wait3A_154 = arith.constant 114688 : i32
        %dma_wait3A_155 = tpu.memref_slice %arg2[%add3A_12, %dma_wait3A_154] : memref<168x147456xf32, #tpu.memory_space<hbm>> -> memref<1x16384xf32, #tpu.memory_space<hbm>>
        %dma_wait3A_156 = tpu.memref_squeeze %dma_wait3A_155 : memref<1x16384xf32, #tpu.memory_space<hbm>> -> memref<16384xf32, #tpu.memory_space<hbm>>
        tpu.wait_dma2 semaphore(%arg10 : memref<!tpu.dma_semaphore, #tpu.memory_space<semaphore_mem>>) src(%dma_wait3A_156 : memref<16384xf32, #tpu.memory_space<hbm>>) dst(%arg5 : memref<16384xf32, #tpu.memory_space<vmem>>)
        %dma_start3A_157 = arith.constant 131072 : i32
        %dma_start3A_158 = tpu.memref_slice %arg2[%add3A_12, %dma_start3A_157] : memref<168x147456xf32, #tpu.memory_space<hbm>> -> memref<1x16384xf32, #tpu.memory_space<hbm>>
        %dma_start3A_159 = tpu.memref_squeeze %dma_start3A_158 : memref<1x16384xf32, #tpu.memory_space<hbm>> -> memref<16384xf32, #tpu.memory_space<hbm>>
        %dma_start3A_160 = arith.constant 131072 : i32
        %dma_start3A_161 = tpu.memref_slice %arg2[%add3A_12, %dma_start3A_160] : memref<168x147456xf32, #tpu.memory_space<hbm>> -> memref<1x16384xf32, #tpu.memory_space<hbm>>
        %dma_start3A_162 = tpu.memref_squeeze %dma_start3A_161 : memref<1x16384xf32, #tpu.memory_space<hbm>> -> memref<16384xf32, #tpu.memory_space<hbm>>
        tpu.enqueue_dma source(%dma_start3A_162 : memref<16384xf32, #tpu.memory_space<hbm>>) target(%arg4 : memref<16384xf32, #tpu.memory_space<vmem>>) target_semaphore(%arg9 : memref<!tpu.dma_semaphore, #tpu.memory_space<semaphore_mem>>)
        %scan3A_163 = arith.constant 0 : i32
        %scan3A_164 = arith.constant 0 : i32
        %scan3A_165 = arith.constant 64 : i32
        %scan3A_166 = arith.addi %scan3A_164, %scan3A_165 : i32
        %scan3A_167 = arith.constant 1 : i32
        scf.for %scan3A_205 = %scan3A_164 to %scan3A_166 step %scan3A_167  : i32 {
          %mul3A_206 = arith.constant 256 : i32
          %mul3A_207 = arith.muli %scan3A_205, %mul3A_206 : i32
          %add3A_208 = arith.constant 0 : i32
          %add3A_209 = arith.addi %mul3A_207, %add3A_208 : i32
          %get3A = arith.index_cast %add3A_209 : i32 to index
          %get3A_210 = tpu.vector_load %arg5[%get3A] {strides = array<i32>} : memref<16384xf32, #tpu.memory_space<vmem>>, vector<16xf32>,
          %mul3A_211 = arith.constant 256 : i32
          %mul3A_212 = arith.muli %scan3A_205, %mul3A_211 : i32
          %add3A_213 = arith.constant 16 : i32
          %add3A_214 = arith.addi %mul3A_212, %add3A_213 : i32
          %get3A_215 = arith.index_cast %add3A_214 : i32 to index
          %get3A_216 = tpu.vector_load %arg5[%get3A_215] {strides = array<i32>} : memref<16384xf32, #tpu.memory_space<vmem>>, vector<16xf32>,
          %mul3A_217 = arith.constant 256 : i32
          %mul3A_218 = arith.muli %scan3A_205, %mul3A_217 : i32
          %add3A_219 = arith.constant 32 : i32
          %add3A_220 = arith.addi %mul3A_218, %add3A_219 : i32
          %get3A_221 = arith.index_cast %add3A_220 : i32 to index
          %get3A_222 = tpu.vector_load %arg5[%get3A_221] {strides = array<i32>} : memref<16384xf32, #tpu.memory_space<vmem>>, vector<16xf32>,
          %mul3A_223 = arith.constant 256 : i32
          %mul3A_224 = arith.muli %scan3A_205, %mul3A_223 : i32
          %add3A_225 = arith.constant 48 : i32
          %add3A_226 = arith.addi %mul3A_224, %add3A_225 : i32
          %get3A_227 = arith.index_cast %add3A_226 : i32 to index
          %get3A_228 = tpu.vector_load %arg5[%get3A_227] {strides = array<i32>} : memref<16384xf32, #tpu.memory_space<vmem>>, vector<16xf32>,
          %mul3A_229 = arith.constant 256 : i32
          %mul3A_230 = arith.muli %scan3A_205, %mul3A_229 : i32
          %add3A_231 = arith.constant 64 : i32
          %add3A_232 = arith.addi %mul3A_230, %add3A_231 : i32
          %get3A_233 = arith.index_cast %add3A_232 : i32 to index
          %get3A_234 = tpu.vector_load %arg5[%get3A_233] {strides = array<i32>} : memref<16384xf32, #tpu.memory_space<vmem>>, vector<16xf32>,
          %mul3A_235 = arith.constant 256 : i32
          %mul3A_236 = arith.muli %scan3A_205, %mul3A_235 : i32
          %add3A_237 = arith.constant 80 : i32
          %add3A_238 = arith.addi %mul3A_236, %add3A_237 : i32
          %get3A_239 = arith.index_cast %add3A_238 : i32 to index
          %get3A_240 = tpu.vector_load %arg5[%get3A_239] {strides = array<i32>} : memref<16384xf32, #tpu.memory_space<vmem>>, vector<16xf32>,
          %mul3A_241 = arith.constant 256 : i32
          %mul3A_242 = arith.muli %scan3A_205, %mul3A_241 : i32
          %add3A_243 = arith.constant 96 : i32
          %add3A_244 = arith.addi %mul3A_242, %add3A_243 : i32
          %get3A_245 = arith.index_cast %add3A_244 : i32 to index
          %get3A_246 = tpu.vector_load %arg5[%get3A_245] {strides = array<i32>} : memref<16384xf32, #tpu.memory_space<vmem>>, vector<16xf32>,
          %mul3A_247 = arith.constant 256 : i32
          %mul3A_248 = arith.muli %scan3A_205, %mul3A_247 : i32
          %add3A_249 = arith.constant 112 : i32
          %add3A_250 = arith.addi %mul3A_248, %add3A_249 : i32
          %get3A_251 = arith.index_cast %add3A_250 : i32 to index
          %get3A_252 = tpu.vector_load %arg5[%get3A_251] {strides = array<i32>} : memref<16384xf32, #tpu.memory_space<vmem>>, vector<16xf32>,
          %mul3A_253 = arith.constant 256 : i32
          %mul3A_254 = arith.muli %scan3A_205, %mul3A_253 : i32
          %add3A_255 = arith.constant 128 : i32
          %add3A_256 = arith.addi %mul3A_254, %add3A_255 : i32
          %get3A_257 = arith.index_cast %add3A_256 : i32 to index
          %get3A_258 = tpu.vector_load %arg5[%get3A_257] {strides = array<i32>} : memref<16384xf32, #tpu.memory_space<vmem>>, vector<16xf32>,
          %mul3A_259 = arith.constant 256 : i32
          %mul3A_260 = arith.muli %scan3A_205, %mul3A_259 : i32
          %add3A_261 = arith.constant 144 : i32
          %add3A_262 = arith.addi %mul3A_260, %add3A_261 : i32
          %get3A_263 = arith.index_cast %add3A_262 : i32 to index
          %get3A_264 = tpu.vector_load %arg5[%get3A_263] {strides = array<i32>} : memref<16384xf32, #tpu.memory_space<vmem>>, vector<16xf32>,
          %mul3A_265 = arith.constant 256 : i32
          %mul3A_266 = arith.muli %scan3A_205, %mul3A_265 : i32
          %add3A_267 = arith.constant 160 : i32
          %add3A_268 = arith.addi %mul3A_266, %add3A_267 : i32
          %get3A_269 = arith.index_cast %add3A_268 : i32 to index
          %get3A_270 = tpu.vector_load %arg5[%get3A_269] {strides = array<i32>} : memref<16384xf32, #tpu.memory_space<vmem>>, vector<16xf32>,
          %mul3A_271 = arith.constant 256 : i32
          %mul3A_272 = arith.muli %scan3A_205, %mul3A_271 : i32
          %add3A_273 = arith.constant 176 : i32
          %add3A_274 = arith.addi %mul3A_272, %add3A_273 : i32
          %get3A_275 = arith.index_cast %add3A_274 : i32 to index
          %get3A_276 = tpu.vector_load %arg5[%get3A_275] {strides = array<i32>} : memref<16384xf32, #tpu.memory_space<vmem>>, vector<16xf32>,
          %mul3A_277 = arith.constant 256 : i32
          %mul3A_278 = arith.muli %scan3A_205, %mul3A_277 : i32
          %add3A_279 = arith.constant 192 : i32
          %add3A_280 = arith.addi %mul3A_278, %add3A_279 : i32
          %get3A_281 = arith.index_cast %add3A_280 : i32 to index
          %get3A_282 = tpu.vector_load %arg5[%get3A_281] {strides = array<i32>} : memref<16384xf32, #tpu.memory_space<vmem>>, vector<16xf32>,
          %mul3A_283 = arith.constant 256 : i32
          %mul3A_284 = arith.muli %scan3A_205, %mul3A_283 : i32
          %add3A_285 = arith.constant 208 : i32
          %add3A_286 = arith.addi %mul3A_284, %add3A_285 : i32
          %get3A_287 = arith.index_cast %add3A_286 : i32 to index
          %get3A_288 = tpu.vector_load %arg5[%get3A_287] {strides = array<i32>} : memref<16384xf32, #tpu.memory_space<vmem>>, vector<16xf32>,
          %mul3A_289 = arith.constant 256 : i32
          %mul3A_290 = arith.muli %scan3A_205, %mul3A_289 : i32
          %add3A_291 = arith.constant 224 : i32
          %add3A_292 = arith.addi %mul3A_290, %add3A_291 : i32
          %get3A_293 = arith.index_cast %add3A_292 : i32 to index
          %get3A_294 = tpu.vector_load %arg5[%get3A_293] {strides = array<i32>} : memref<16384xf32, #tpu.memory_space<vmem>>, vector<16xf32>,
          %mul3A_295 = arith.constant 256 : i32
          %mul3A_296 = arith.muli %scan3A_205, %mul3A_295 : i32
          %add3A_297 = arith.constant 240 : i32
          %add3A_298 = arith.addi %mul3A_296, %add3A_297 : i32
          %get3A_299 = arith.index_cast %add3A_298 : i32 to index
          %get3A_300 = tpu.vector_load %arg5[%get3A_299] {strides = array<i32>} : memref<16384xf32, #tpu.memory_space<vmem>>, vector<16xf32>,
          %abs3A = math.absf %get3A_210 : vector<16xf32>
          %abs3A_301 = math.absf %get3A_216 : vector<16xf32>
          %abs3A_302 = math.absf %get3A_222 : vector<16xf32>
          %abs3A_303 = math.absf %get3A_228 : vector<16xf32>
          %abs3A_304 = math.absf %get3A_234 : vector<16xf32>
          %abs3A_305 = math.absf %get3A_240 : vector<16xf32>
          %abs3A_306 = math.absf %get3A_246 : vector<16xf32>
          %abs3A_307 = math.absf %get3A_252 : vector<16xf32>
          %abs3A_308 = math.absf %get3A_258 : vector<16xf32>
          %abs3A_309 = math.absf %get3A_264 : vector<16xf32>
          %abs3A_310 = math.absf %get3A_270 : vector<16xf32>
          %abs3A_311 = math.absf %get3A_276 : vector<16xf32>
          %abs3A_312 = math.absf %get3A_282 : vector<16xf32>
          %abs3A_313 = math.absf %get3A_288 : vector<16xf32>
          %abs3A_314 = math.absf %get3A_294 : vector<16xf32>
          %abs3A_315 = math.absf %get3A_300 : vector<16xf32>
          %mul3A_316 = arith.constant 2.047500e+03 : f32
          %mul3A_317 = vector.broadcast %mul3A_316 : f32 to vector<16xf32>
          %mul3A_318 = arith.mulf %abs3A, %mul3A_317 : vector<16xf32>
          %convert_element_type3A_319 = arith.fptosi %mul3A_318 : vector<16xf32> to vector<16xi32>
          %mul3A_320 = arith.constant 2.047500e+03 : f32
          %mul3A_321 = vector.broadcast %mul3A_320 : f32 to vector<16xf32>
          %mul3A_322 = arith.mulf %abs3A_301, %mul3A_321 : vector<16xf32>
          %convert_element_type3A_323 = arith.fptosi %mul3A_322 : vector<16xf32> to vector<16xi32>
          %mul3A_324 = arith.constant 2.047500e+03 : f32
          %mul3A_325 = vector.broadcast %mul3A_324 : f32 to vector<16xf32>
          %mul3A_326 = arith.mulf %abs3A_302, %mul3A_325 : vector<16xf32>
          %convert_element_type3A_327 = arith.fptosi %mul3A_326 : vector<16xf32> to vector<16xi32>
          %mul3A_328 = arith.constant 2.047500e+03 : f32
          %mul3A_329 = vector.broadcast %mul3A_328 : f32 to vector<16xf32>
          %mul3A_330 = arith.mulf %abs3A_303, %mul3A_329 : vector<16xf32>
          %convert_element_type3A_331 = arith.fptosi %mul3A_330 : vector<16xf32> to vector<16xi32>
          %mul3A_332 = arith.constant 2.047500e+03 : f32
          %mul3A_333 = vector.broadcast %mul3A_332 : f32 to vector<16xf32>
          %mul3A_334 = arith.mulf %abs3A_304, %mul3A_333 : vector<16xf32>
          %convert_element_type3A_335 = arith.fptosi %mul3A_334 : vector<16xf32> to vector<16xi32>
          %mul3A_336 = arith.constant 2.047500e+03 : f32
          %mul3A_337 = vector.broadcast %mul3A_336 : f32 to vector<16xf32>
          %mul3A_338 = arith.mulf %abs3A_305, %mul3A_337 : vector<16xf32>
          %convert_element_type3A_339 = arith.fptosi %mul3A_338 : vector<16xf32> to vector<16xi32>
          %mul3A_340 = arith.constant 2.047500e+03 : f32
          %mul3A_341 = vector.broadcast %mul3A_340 : f32 to vector<16xf32>
          %mul3A_342 = arith.mulf %abs3A_306, %mul3A_341 : vector<16xf32>
          %convert_element_type3A_343 = arith.fptosi %mul3A_342 : vector<16xf32> to vector<16xi32>
          %mul3A_344 = arith.constant 2.047500e+03 : f32
          %mul3A_345 = vector.broadcast %mul3A_344 : f32 to vector<16xf32>
          %mul3A_346 = arith.mulf %abs3A_307, %mul3A_345 : vector<16xf32>
          %convert_element_type3A_347 = arith.fptosi %mul3A_346 : vector<16xf32> to vector<16xi32>
          %mul3A_348 = arith.constant 2.047500e+03 : f32
          %mul3A_349 = vector.broadcast %mul3A_348 : f32 to vector<16xf32>
          %mul3A_350 = arith.mulf %abs3A_308, %mul3A_349 : vector<16xf32>
          %convert_element_type3A_351 = arith.fptosi %mul3A_350 : vector<16xf32> to vector<16xi32>
          %mul3A_352 = arith.constant 2.047500e+03 : f32
          %mul3A_353 = vector.broadcast %mul3A_352 : f32 to vector<16xf32>
          %mul3A_354 = arith.mulf %abs3A_309, %mul3A_353 : vector<16xf32>
          %convert_element_type3A_355 = arith.fptosi %mul3A_354 : vector<16xf32> to vector<16xi32>
          %mul3A_356 = arith.constant 2.047500e+03 : f32
          %mul3A_357 = vector.broadcast %mul3A_356 : f32 to vector<16xf32>
          %mul3A_358 = arith.mulf %abs3A_310, %mul3A_357 : vector<16xf32>
          %convert_element_type3A_359 = arith.fptosi %mul3A_358 : vector<16xf32> to vector<16xi32>
          %mul3A_360 = arith.constant 2.047500e+03 : f32
          %mul3A_361 = vector.broadcast %mul3A_360 : f32 to vector<16xf32>
          %mul3A_362 = arith.mulf %abs3A_311, %mul3A_361 : vector<16xf32>
          %convert_element_type3A_363 = arith.fptosi %mul3A_362 : vector<16xf32> to vector<16xi32>
          %mul3A_364 = arith.constant 2.047500e+03 : f32
          %mul3A_365 = vector.broadcast %mul3A_364 : f32 to vector<16xf32>
          %mul3A_366 = arith.mulf %abs3A_312, %mul3A_365 : vector<16xf32>
          %convert_element_type3A_367 = arith.fptosi %mul3A_366 : vector<16xf32> to vector<16xi32>
          %mul3A_368 = arith.constant 2.047500e+03 : f32
          %mul3A_369 = vector.broadcast %mul3A_368 : f32 to vector<16xf32>
          %mul3A_370 = arith.mulf %abs3A_313, %mul3A_369 : vector<16xf32>
          %convert_element_type3A_371 = arith.fptosi %mul3A_370 : vector<16xf32> to vector<16xi32>
          %mul3A_372 = arith.constant 2.047500e+03 : f32
          %mul3A_373 = vector.broadcast %mul3A_372 : f32 to vector<16xf32>
          %mul3A_374 = arith.mulf %abs3A_314, %mul3A_373 : vector<16xf32>
          %convert_element_type3A_375 = arith.fptosi %mul3A_374 : vector<16xf32> to vector<16xi32>
          %mul3A_376 = arith.constant 2.047500e+03 : f32
          %mul3A_377 = vector.broadcast %mul3A_376 : f32 to vector<16xf32>
          %mul3A_378 = arith.mulf %abs3A_315, %mul3A_377 : vector<16xf32>
          %convert_element_type3A_379 = arith.fptosi %mul3A_378 : vector<16xf32> to vector<16xi32>
          %lt3A_380 = arith.constant 0.000000e+00 : f32
          %lt3A_381 = vector.broadcast %lt3A_380 : f32 to vector<16xf32>
          %lt3A_382 = arith.cmpf olt, %get3A_210, %lt3A_381 : vector<16xf32>
          %lt3A_383 = arith.constant 0.000000e+00 : f32
          %lt3A_384 = vector.broadcast %lt3A_383 : f32 to vector<16xf32>
          %lt3A_385 = arith.cmpf olt, %get3A_216, %lt3A_384 : vector<16xf32>
          %lt3A_386 = arith.constant 0.000000e+00 : f32
          %lt3A_387 = vector.broadcast %lt3A_386 : f32 to vector<16xf32>
          %lt3A_388 = arith.cmpf olt, %get3A_222, %lt3A_387 : vector<16xf32>
          %lt3A_389 = arith.constant 0.000000e+00 : f32
          %lt3A_390 = vector.broadcast %lt3A_389 : f32 to vector<16xf32>
          %lt3A_391 = arith.cmpf olt, %get3A_228, %lt3A_390 : vector<16xf32>
          %lt3A_392 = arith.constant 0.000000e+00 : f32
          %lt3A_393 = vector.broadcast %lt3A_392 : f32 to vector<16xf32>
          %lt3A_394 = arith.cmpf olt, %get3A_234, %lt3A_393 : vector<16xf32>
          %lt3A_395 = arith.constant 0.000000e+00 : f32
          %lt3A_396 = vector.broadcast %lt3A_395 : f32 to vector<16xf32>
          %lt3A_397 = arith.cmpf olt, %get3A_240, %lt3A_396 : vector<16xf32>
          %lt3A_398 = arith.constant 0.000000e+00 : f32
          %lt3A_399 = vector.broadcast %lt3A_398 : f32 to vector<16xf32>
          %lt3A_400 = arith.cmpf olt, %get3A_246, %lt3A_399 : vector<16xf32>
          %lt3A_401 = arith.constant 0.000000e+00 : f32
          %lt3A_402 = vector.broadcast %lt3A_401 : f32 to vector<16xf32>
          %lt3A_403 = arith.cmpf olt, %get3A_252, %lt3A_402 : vector<16xf32>
          %lt3A_404 = arith.constant 0.000000e+00 : f32
          %lt3A_405 = vector.broadcast %lt3A_404 : f32 to vector<16xf32>
          %lt3A_406 = arith.cmpf olt, %get3A_258, %lt3A_405 : vector<16xf32>
          %lt3A_407 = arith.constant 0.000000e+00 : f32
          %lt3A_408 = vector.broadcast %lt3A_407 : f32 to vector<16xf32>
          %lt3A_409 = arith.cmpf olt, %get3A_264, %lt3A_408 : vector<16xf32>
          %lt3A_410 = arith.constant 0.000000e+00 : f32
          %lt3A_411 = vector.broadcast %lt3A_410 : f32 to vector<16xf32>
          %lt3A_412 = arith.cmpf olt, %get3A_270, %lt3A_411 : vector<16xf32>
          %lt3A_413 = arith.constant 0.000000e+00 : f32
          %lt3A_414 = vector.broadcast %lt3A_413 : f32 to vector<16xf32>
          %lt3A_415 = arith.cmpf olt, %get3A_276, %lt3A_414 : vector<16xf32>
          %lt3A_416 = arith.constant 0.000000e+00 : f32
          %lt3A_417 = vector.broadcast %lt3A_416 : f32 to vector<16xf32>
          %lt3A_418 = arith.cmpf olt, %get3A_282, %lt3A_417 : vector<16xf32>
          %lt3A_419 = arith.constant 0.000000e+00 : f32
          %lt3A_420 = vector.broadcast %lt3A_419 : f32 to vector<16xf32>
          %lt3A_421 = arith.cmpf olt, %get3A_288, %lt3A_420 : vector<16xf32>
          %lt3A_422 = arith.constant 0.000000e+00 : f32
          %lt3A_423 = vector.broadcast %lt3A_422 : f32 to vector<16xf32>
          %lt3A_424 = arith.cmpf olt, %get3A_294, %lt3A_423 : vector<16xf32>
          %lt3A_425 = arith.constant 0.000000e+00 : f32
          %lt3A_426 = vector.broadcast %lt3A_425 : f32 to vector<16xf32>
          %lt3A_427 = arith.cmpf olt, %get3A_300, %lt3A_426 : vector<16xf32>
          tpu.vector_store_idx %arg6[%convert_element_type3A_319], %abs3A {add = true} : memref<2048xf32, #tpu.memory_space<vmem>>[vector<16xi32>], vector<16xf32>,
          tpu.vector_store_idx %arg7[%convert_element_type3A_319], %broadcast_in_dim3A_3 masked %lt3A_382 {add = true} : memref<2048xf32, #tpu.memory_space<vmem>>[vector<16xi32>], vector<16xf32>, vector<16xi1>
          tpu.vector_store_idx %arg6[%convert_element_type3A_323], %abs3A_301 {add = true} : memref<2048xf32, #tpu.memory_space<vmem>>[vector<16xi32>], vector<16xf32>,
          tpu.vector_store_idx %arg7[%convert_element_type3A_323], %broadcast_in_dim3A_3 masked %lt3A_385 {add = true} : memref<2048xf32, #tpu.memory_space<vmem>>[vector<16xi32>], vector<16xf32>, vector<16xi1>
          tpu.vector_store_idx %arg6[%convert_element_type3A_327], %abs3A_302 {add = true} : memref<2048xf32, #tpu.memory_space<vmem>>[vector<16xi32>], vector<16xf32>,
          tpu.vector_store_idx %arg7[%convert_element_type3A_327], %broadcast_in_dim3A_3 masked %lt3A_388 {add = true} : memref<2048xf32, #tpu.memory_space<vmem>>[vector<16xi32>], vector<16xf32>, vector<16xi1>
          tpu.vector_store_idx %arg6[%convert_element_type3A_331], %abs3A_303 {add = true} : memref<2048xf32, #tpu.memory_space<vmem>>[vector<16xi32>], vector<16xf32>,
          tpu.vector_store_idx %arg7[%convert_element_type3A_331], %broadcast_in_dim3A_3 masked %lt3A_391 {add = true} : memref<2048xf32, #tpu.memory_space<vmem>>[vector<16xi32>], vector<16xf32>, vector<16xi1>
          tpu.vector_store_idx %arg6[%convert_element_type3A_335], %abs3A_304 {add = true} : memref<2048xf32, #tpu.memory_space<vmem>>[vector<16xi32>], vector<16xf32>,
          tpu.vector_store_idx %arg7[%convert_element_type3A_335], %broadcast_in_dim3A_3 masked %lt3A_394 {add = true} : memref<2048xf32, #tpu.memory_space<vmem>>[vector<16xi32>], vector<16xf32>, vector<16xi1>
          tpu.vector_store_idx %arg6[%convert_element_type3A_339], %abs3A_305 {add = true} : memref<2048xf32, #tpu.memory_space<vmem>>[vector<16xi32>], vector<16xf32>,
          tpu.vector_store_idx %arg7[%convert_element_type3A_339], %broadcast_in_dim3A_3 masked %lt3A_397 {add = true} : memref<2048xf32, #tpu.memory_space<vmem>>[vector<16xi32>], vector<16xf32>, vector<16xi1>
          tpu.vector_store_idx %arg6[%convert_element_type3A_343], %abs3A_306 {add = true} : memref<2048xf32, #tpu.memory_space<vmem>>[vector<16xi32>], vector<16xf32>,
          tpu.vector_store_idx %arg7[%convert_element_type3A_343], %broadcast_in_dim3A_3 masked %lt3A_400 {add = true} : memref<2048xf32, #tpu.memory_space<vmem>>[vector<16xi32>], vector<16xf32>, vector<16xi1>
          tpu.vector_store_idx %arg6[%convert_element_type3A_347], %abs3A_307 {add = true} : memref<2048xf32, #tpu.memory_space<vmem>>[vector<16xi32>], vector<16xf32>,
          tpu.vector_store_idx %arg7[%convert_element_type3A_347], %broadcast_in_dim3A_3 masked %lt3A_403 {add = true} : memref<2048xf32, #tpu.memory_space<vmem>>[vector<16xi32>], vector<16xf32>, vector<16xi1>
          tpu.vector_store_idx %arg6[%convert_element_type3A_351], %abs3A_308 {add = true} : memref<2048xf32, #tpu.memory_space<vmem>>[vector<16xi32>], vector<16xf32>,
          tpu.vector_store_idx %arg7[%convert_element_type3A_351], %broadcast_in_dim3A_3 masked %lt3A_406 {add = true} : memref<2048xf32, #tpu.memory_space<vmem>>[vector<16xi32>], vector<16xf32>, vector<16xi1>
          tpu.vector_store_idx %arg6[%convert_element_type3A_355], %abs3A_309 {add = true} : memref<2048xf32, #tpu.memory_space<vmem>>[vector<16xi32>], vector<16xf32>,
          tpu.vector_store_idx %arg7[%convert_element_type3A_355], %broadcast_in_dim3A_3 masked %lt3A_409 {add = true} : memref<2048xf32, #tpu.memory_space<vmem>>[vector<16xi32>], vector<16xf32>, vector<16xi1>
          tpu.vector_store_idx %arg6[%convert_element_type3A_359], %abs3A_310 {add = true} : memref<2048xf32, #tpu.memory_space<vmem>>[vector<16xi32>], vector<16xf32>,
          tpu.vector_store_idx %arg7[%convert_element_type3A_359], %broadcast_in_dim3A_3 masked %lt3A_412 {add = true} : memref<2048xf32, #tpu.memory_space<vmem>>[vector<16xi32>], vector<16xf32>, vector<16xi1>
          tpu.vector_store_idx %arg6[%convert_element_type3A_363], %abs3A_311 {add = true} : memref<2048xf32, #tpu.memory_space<vmem>>[vector<16xi32>], vector<16xf32>,
          tpu.vector_store_idx %arg7[%convert_element_type3A_363], %broadcast_in_dim3A_3 masked %lt3A_415 {add = true} : memref<2048xf32, #tpu.memory_space<vmem>>[vector<16xi32>], vector<16xf32>, vector<16xi1>
          tpu.vector_store_idx %arg6[%convert_element_type3A_367], %abs3A_312 {add = true} : memref<2048xf32, #tpu.memory_space<vmem>>[vector<16xi32>], vector<16xf32>,
          tpu.vector_store_idx %arg7[%convert_element_type3A_367], %broadcast_in_dim3A_3 masked %lt3A_418 {add = true} : memref<2048xf32, #tpu.memory_space<vmem>>[vector<16xi32>], vector<16xf32>, vector<16xi1>
          tpu.vector_store_idx %arg6[%convert_element_type3A_371], %abs3A_313 {add = true} : memref<2048xf32, #tpu.memory_space<vmem>>[vector<16xi32>], vector<16xf32>,
          tpu.vector_store_idx %arg7[%convert_element_type3A_371], %broadcast_in_dim3A_3 masked %lt3A_421 {add = true} : memref<2048xf32, #tpu.memory_space<vmem>>[vector<16xi32>], vector<16xf32>, vector<16xi1>
          tpu.vector_store_idx %arg6[%convert_element_type3A_375], %abs3A_314 {add = true} : memref<2048xf32, #tpu.memory_space<vmem>>[vector<16xi32>], vector<16xf32>,
          tpu.vector_store_idx %arg7[%convert_element_type3A_375], %broadcast_in_dim3A_3 masked %lt3A_424 {add = true} : memref<2048xf32, #tpu.memory_space<vmem>>[vector<16xi32>], vector<16xf32>, vector<16xi1>
          tpu.vector_store_idx %arg6[%convert_element_type3A_379], %abs3A_315 {add = true} : memref<2048xf32, #tpu.memory_space<vmem>>[vector<16xi32>], vector<16xf32>,
          tpu.vector_store_idx %arg7[%convert_element_type3A_379], %broadcast_in_dim3A_3 masked %lt3A_427 {add = true} : memref<2048xf32, #tpu.memory_space<vmem>>[vector<16xi32>], vector<16xf32>, vector<16xi1>
        }
        %scan3A_168 = arith.constant 64 : i32
        %dma_wait3A_169 = arith.constant 131072 : i32
        %dma_wait3A_170 = tpu.memref_slice %arg2[%add3A_12, %dma_wait3A_169] : memref<168x147456xf32, #tpu.memory_space<hbm>> -> memref<1x16384xf32, #tpu.memory_space<hbm>>
        %dma_wait3A_171 = tpu.memref_squeeze %dma_wait3A_170 : memref<1x16384xf32, #tpu.memory_space<hbm>> -> memref<16384xf32, #tpu.memory_space<hbm>>
        %dma_wait3A_172 = arith.constant 131072 : i32
        %dma_wait3A_173 = tpu.memref_slice %arg2[%add3A_12, %dma_wait3A_172] : memref<168x147456xf32, #tpu.memory_space<hbm>> -> memref<1x16384xf32, #tpu.memory_space<hbm>>
        %dma_wait3A_174 = tpu.memref_squeeze %dma_wait3A_173 : memref<1x16384xf32, #tpu.memory_space<hbm>> -> memref<16384xf32, #tpu.memory_space<hbm>>
        tpu.wait_dma2 semaphore(%arg9 : memref<!tpu.dma_semaphore, #tpu.memory_space<semaphore_mem>>) src(%dma_wait3A_174 : memref<16384xf32, #tpu.memory_space<hbm>>) dst(%arg4 : memref<16384xf32, #tpu.memory_space<vmem>>)
        %scan3A_175 = arith.constant 0 : i32
        %scan3A_176 = arith.constant 0 : i32
        %scan3A_177 = arith.constant 64 : i32
        %scan3A_178 = arith.addi %scan3A_176, %scan3A_177 : i32
        %scan3A_179 = arith.constant 1 : i32
        scf.for %scan3A_205 = %scan3A_176 to %scan3A_178 step %scan3A_179  : i32 {
          %mul3A_206 = arith.constant 256 : i32
          %mul3A_207 = arith.muli %scan3A_205, %mul3A_206 : i32
          %add3A_208 = arith.constant 0 : i32
          %add3A_209 = arith.addi %mul3A_207, %add3A_208 : i32
          %get3A = arith.index_cast %add3A_209 : i32 to index
          %get3A_210 = tpu.vector_load %arg4[%get3A] {strides = array<i32>} : memref<16384xf32, #tpu.memory_space<vmem>>, vector<16xf32>,
          %mul3A_211 = arith.constant 256 : i32
          %mul3A_212 = arith.muli %scan3A_205, %mul3A_211 : i32
          %add3A_213 = arith.constant 16 : i32
          %add3A_214 = arith.addi %mul3A_212, %add3A_213 : i32
          %get3A_215 = arith.index_cast %add3A_214 : i32 to index
          %get3A_216 = tpu.vector_load %arg4[%get3A_215] {strides = array<i32>} : memref<16384xf32, #tpu.memory_space<vmem>>, vector<16xf32>,
          %mul3A_217 = arith.constant 256 : i32
          %mul3A_218 = arith.muli %scan3A_205, %mul3A_217 : i32
          %add3A_219 = arith.constant 32 : i32
          %add3A_220 = arith.addi %mul3A_218, %add3A_219 : i32
          %get3A_221 = arith.index_cast %add3A_220 : i32 to index
          %get3A_222 = tpu.vector_load %arg4[%get3A_221] {strides = array<i32>} : memref<16384xf32, #tpu.memory_space<vmem>>, vector<16xf32>,
          %mul3A_223 = arith.constant 256 : i32
          %mul3A_224 = arith.muli %scan3A_205, %mul3A_223 : i32
          %add3A_225 = arith.constant 48 : i32
          %add3A_226 = arith.addi %mul3A_224, %add3A_225 : i32
          %get3A_227 = arith.index_cast %add3A_226 : i32 to index
          %get3A_228 = tpu.vector_load %arg4[%get3A_227] {strides = array<i32>} : memref<16384xf32, #tpu.memory_space<vmem>>, vector<16xf32>,
          %mul3A_229 = arith.constant 256 : i32
          %mul3A_230 = arith.muli %scan3A_205, %mul3A_229 : i32
          %add3A_231 = arith.constant 64 : i32
          %add3A_232 = arith.addi %mul3A_230, %add3A_231 : i32
          %get3A_233 = arith.index_cast %add3A_232 : i32 to index
          %get3A_234 = tpu.vector_load %arg4[%get3A_233] {strides = array<i32>} : memref<16384xf32, #tpu.memory_space<vmem>>, vector<16xf32>,
          %mul3A_235 = arith.constant 256 : i32
          %mul3A_236 = arith.muli %scan3A_205, %mul3A_235 : i32
          %add3A_237 = arith.constant 80 : i32
          %add3A_238 = arith.addi %mul3A_236, %add3A_237 : i32
          %get3A_239 = arith.index_cast %add3A_238 : i32 to index
          %get3A_240 = tpu.vector_load %arg4[%get3A_239] {strides = array<i32>} : memref<16384xf32, #tpu.memory_space<vmem>>, vector<16xf32>,
          %mul3A_241 = arith.constant 256 : i32
          %mul3A_242 = arith.muli %scan3A_205, %mul3A_241 : i32
          %add3A_243 = arith.constant 96 : i32
          %add3A_244 = arith.addi %mul3A_242, %add3A_243 : i32
          %get3A_245 = arith.index_cast %add3A_244 : i32 to index
          %get3A_246 = tpu.vector_load %arg4[%get3A_245] {strides = array<i32>} : memref<16384xf32, #tpu.memory_space<vmem>>, vector<16xf32>,
          %mul3A_247 = arith.constant 256 : i32
          %mul3A_248 = arith.muli %scan3A_205, %mul3A_247 : i32
          %add3A_249 = arith.constant 112 : i32
          %add3A_250 = arith.addi %mul3A_248, %add3A_249 : i32
          %get3A_251 = arith.index_cast %add3A_250 : i32 to index
          %get3A_252 = tpu.vector_load %arg4[%get3A_251] {strides = array<i32>} : memref<16384xf32, #tpu.memory_space<vmem>>, vector<16xf32>,
          %mul3A_253 = arith.constant 256 : i32
          %mul3A_254 = arith.muli %scan3A_205, %mul3A_253 : i32
          %add3A_255 = arith.constant 128 : i32
          %add3A_256 = arith.addi %mul3A_254, %add3A_255 : i32
          %get3A_257 = arith.index_cast %add3A_256 : i32 to index
          %get3A_258 = tpu.vector_load %arg4[%get3A_257] {strides = array<i32>} : memref<16384xf32, #tpu.memory_space<vmem>>, vector<16xf32>,
          %mul3A_259 = arith.constant 256 : i32
          %mul3A_260 = arith.muli %scan3A_205, %mul3A_259 : i32
          %add3A_261 = arith.constant 144 : i32
          %add3A_262 = arith.addi %mul3A_260, %add3A_261 : i32
          %get3A_263 = arith.index_cast %add3A_262 : i32 to index
          %get3A_264 = tpu.vector_load %arg4[%get3A_263] {strides = array<i32>} : memref<16384xf32, #tpu.memory_space<vmem>>, vector<16xf32>,
          %mul3A_265 = arith.constant 256 : i32
          %mul3A_266 = arith.muli %scan3A_205, %mul3A_265 : i32
          %add3A_267 = arith.constant 160 : i32
          %add3A_268 = arith.addi %mul3A_266, %add3A_267 : i32
          %get3A_269 = arith.index_cast %add3A_268 : i32 to index
          %get3A_270 = tpu.vector_load %arg4[%get3A_269] {strides = array<i32>} : memref<16384xf32, #tpu.memory_space<vmem>>, vector<16xf32>,
          %mul3A_271 = arith.constant 256 : i32
          %mul3A_272 = arith.muli %scan3A_205, %mul3A_271 : i32
          %add3A_273 = arith.constant 176 : i32
          %add3A_274 = arith.addi %mul3A_272, %add3A_273 : i32
          %get3A_275 = arith.index_cast %add3A_274 : i32 to index
          %get3A_276 = tpu.vector_load %arg4[%get3A_275] {strides = array<i32>} : memref<16384xf32, #tpu.memory_space<vmem>>, vector<16xf32>,
          %mul3A_277 = arith.constant 256 : i32
          %mul3A_278 = arith.muli %scan3A_205, %mul3A_277 : i32
          %add3A_279 = arith.constant 192 : i32
          %add3A_280 = arith.addi %mul3A_278, %add3A_279 : i32
          %get3A_281 = arith.index_cast %add3A_280 : i32 to index
          %get3A_282 = tpu.vector_load %arg4[%get3A_281] {strides = array<i32>} : memref<16384xf32, #tpu.memory_space<vmem>>, vector<16xf32>,
          %mul3A_283 = arith.constant 256 : i32
          %mul3A_284 = arith.muli %scan3A_205, %mul3A_283 : i32
          %add3A_285 = arith.constant 208 : i32
          %add3A_286 = arith.addi %mul3A_284, %add3A_285 : i32
          %get3A_287 = arith.index_cast %add3A_286 : i32 to index
          %get3A_288 = tpu.vector_load %arg4[%get3A_287] {strides = array<i32>} : memref<16384xf32, #tpu.memory_space<vmem>>, vector<16xf32>,
          %mul3A_289 = arith.constant 256 : i32
          %mul3A_290 = arith.muli %scan3A_205, %mul3A_289 : i32
          %add3A_291 = arith.constant 224 : i32
          %add3A_292 = arith.addi %mul3A_290, %add3A_291 : i32
          %get3A_293 = arith.index_cast %add3A_292 : i32 to index
          %get3A_294 = tpu.vector_load %arg4[%get3A_293] {strides = array<i32>} : memref<16384xf32, #tpu.memory_space<vmem>>, vector<16xf32>,
          %mul3A_295 = arith.constant 256 : i32
          %mul3A_296 = arith.muli %scan3A_205, %mul3A_295 : i32
          %add3A_297 = arith.constant 240 : i32
          %add3A_298 = arith.addi %mul3A_296, %add3A_297 : i32
          %get3A_299 = arith.index_cast %add3A_298 : i32 to index
          %get3A_300 = tpu.vector_load %arg4[%get3A_299] {strides = array<i32>} : memref<16384xf32, #tpu.memory_space<vmem>>, vector<16xf32>,
          %abs3A = math.absf %get3A_210 : vector<16xf32>
          %abs3A_301 = math.absf %get3A_216 : vector<16xf32>
          %abs3A_302 = math.absf %get3A_222 : vector<16xf32>
          %abs3A_303 = math.absf %get3A_228 : vector<16xf32>
          %abs3A_304 = math.absf %get3A_234 : vector<16xf32>
          %abs3A_305 = math.absf %get3A_240 : vector<16xf32>
          %abs3A_306 = math.absf %get3A_246 : vector<16xf32>
          %abs3A_307 = math.absf %get3A_252 : vector<16xf32>
          %abs3A_308 = math.absf %get3A_258 : vector<16xf32>
          %abs3A_309 = math.absf %get3A_264 : vector<16xf32>
          %abs3A_310 = math.absf %get3A_270 : vector<16xf32>
          %abs3A_311 = math.absf %get3A_276 : vector<16xf32>
          %abs3A_312 = math.absf %get3A_282 : vector<16xf32>
          %abs3A_313 = math.absf %get3A_288 : vector<16xf32>
          %abs3A_314 = math.absf %get3A_294 : vector<16xf32>
          %abs3A_315 = math.absf %get3A_300 : vector<16xf32>
          %mul3A_316 = arith.constant 2.047500e+03 : f32
          %mul3A_317 = vector.broadcast %mul3A_316 : f32 to vector<16xf32>
          %mul3A_318 = arith.mulf %abs3A, %mul3A_317 : vector<16xf32>
          %convert_element_type3A_319 = arith.fptosi %mul3A_318 : vector<16xf32> to vector<16xi32>
          %mul3A_320 = arith.constant 2.047500e+03 : f32
          %mul3A_321 = vector.broadcast %mul3A_320 : f32 to vector<16xf32>
          %mul3A_322 = arith.mulf %abs3A_301, %mul3A_321 : vector<16xf32>
          %convert_element_type3A_323 = arith.fptosi %mul3A_322 : vector<16xf32> to vector<16xi32>
          %mul3A_324 = arith.constant 2.047500e+03 : f32
          %mul3A_325 = vector.broadcast %mul3A_324 : f32 to vector<16xf32>
          %mul3A_326 = arith.mulf %abs3A_302, %mul3A_325 : vector<16xf32>
          %convert_element_type3A_327 = arith.fptosi %mul3A_326 : vector<16xf32> to vector<16xi32>
          %mul3A_328 = arith.constant 2.047500e+03 : f32
          %mul3A_329 = vector.broadcast %mul3A_328 : f32 to vector<16xf32>
          %mul3A_330 = arith.mulf %abs3A_303, %mul3A_329 : vector<16xf32>
          %convert_element_type3A_331 = arith.fptosi %mul3A_330 : vector<16xf32> to vector<16xi32>
          %mul3A_332 = arith.constant 2.047500e+03 : f32
          %mul3A_333 = vector.broadcast %mul3A_332 : f32 to vector<16xf32>
          %mul3A_334 = arith.mulf %abs3A_304, %mul3A_333 : vector<16xf32>
          %convert_element_type3A_335 = arith.fptosi %mul3A_334 : vector<16xf32> to vector<16xi32>
          %mul3A_336 = arith.constant 2.047500e+03 : f32
          %mul3A_337 = vector.broadcast %mul3A_336 : f32 to vector<16xf32>
          %mul3A_338 = arith.mulf %abs3A_305, %mul3A_337 : vector<16xf32>
          %convert_element_type3A_339 = arith.fptosi %mul3A_338 : vector<16xf32> to vector<16xi32>
          %mul3A_340 = arith.constant 2.047500e+03 : f32
          %mul3A_341 = vector.broadcast %mul3A_340 : f32 to vector<16xf32>
          %mul3A_342 = arith.mulf %abs3A_306, %mul3A_341 : vector<16xf32>
          %convert_element_type3A_343 = arith.fptosi %mul3A_342 : vector<16xf32> to vector<16xi32>
          %mul3A_344 = arith.constant 2.047500e+03 : f32
          %mul3A_345 = vector.broadcast %mul3A_344 : f32 to vector<16xf32>
          %mul3A_346 = arith.mulf %abs3A_307, %mul3A_345 : vector<16xf32>
          %convert_element_type3A_347 = arith.fptosi %mul3A_346 : vector<16xf32> to vector<16xi32>
          %mul3A_348 = arith.constant 2.047500e+03 : f32
          %mul3A_349 = vector.broadcast %mul3A_348 : f32 to vector<16xf32>
          %mul3A_350 = arith.mulf %abs3A_308, %mul3A_349 : vector<16xf32>
          %convert_element_type3A_351 = arith.fptosi %mul3A_350 : vector<16xf32> to vector<16xi32>
          %mul3A_352 = arith.constant 2.047500e+03 : f32
          %mul3A_353 = vector.broadcast %mul3A_352 : f32 to vector<16xf32>
          %mul3A_354 = arith.mulf %abs3A_309, %mul3A_353 : vector<16xf32>
          %convert_element_type3A_355 = arith.fptosi %mul3A_354 : vector<16xf32> to vector<16xi32>
          %mul3A_356 = arith.constant 2.047500e+03 : f32
          %mul3A_357 = vector.broadcast %mul3A_356 : f32 to vector<16xf32>
          %mul3A_358 = arith.mulf %abs3A_310, %mul3A_357 : vector<16xf32>
          %convert_element_type3A_359 = arith.fptosi %mul3A_358 : vector<16xf32> to vector<16xi32>
          %mul3A_360 = arith.constant 2.047500e+03 : f32
          %mul3A_361 = vector.broadcast %mul3A_360 : f32 to vector<16xf32>
          %mul3A_362 = arith.mulf %abs3A_311, %mul3A_361 : vector<16xf32>
          %convert_element_type3A_363 = arith.fptosi %mul3A_362 : vector<16xf32> to vector<16xi32>
          %mul3A_364 = arith.constant 2.047500e+03 : f32
          %mul3A_365 = vector.broadcast %mul3A_364 : f32 to vector<16xf32>
          %mul3A_366 = arith.mulf %abs3A_312, %mul3A_365 : vector<16xf32>
          %convert_element_type3A_367 = arith.fptosi %mul3A_366 : vector<16xf32> to vector<16xi32>
          %mul3A_368 = arith.constant 2.047500e+03 : f32
          %mul3A_369 = vector.broadcast %mul3A_368 : f32 to vector<16xf32>
          %mul3A_370 = arith.mulf %abs3A_313, %mul3A_369 : vector<16xf32>
          %convert_element_type3A_371 = arith.fptosi %mul3A_370 : vector<16xf32> to vector<16xi32>
          %mul3A_372 = arith.constant 2.047500e+03 : f32
          %mul3A_373 = vector.broadcast %mul3A_372 : f32 to vector<16xf32>
          %mul3A_374 = arith.mulf %abs3A_314, %mul3A_373 : vector<16xf32>
          %convert_element_type3A_375 = arith.fptosi %mul3A_374 : vector<16xf32> to vector<16xi32>
          %mul3A_376 = arith.constant 2.047500e+03 : f32
          %mul3A_377 = vector.broadcast %mul3A_376 : f32 to vector<16xf32>
          %mul3A_378 = arith.mulf %abs3A_315, %mul3A_377 : vector<16xf32>
          %convert_element_type3A_379 = arith.fptosi %mul3A_378 : vector<16xf32> to vector<16xi32>
          %lt3A_380 = arith.constant 0.000000e+00 : f32
          %lt3A_381 = vector.broadcast %lt3A_380 : f32 to vector<16xf32>
          %lt3A_382 = arith.cmpf olt, %get3A_210, %lt3A_381 : vector<16xf32>
          %lt3A_383 = arith.constant 0.000000e+00 : f32
          %lt3A_384 = vector.broadcast %lt3A_383 : f32 to vector<16xf32>
          %lt3A_385 = arith.cmpf olt, %get3A_216, %lt3A_384 : vector<16xf32>
          %lt3A_386 = arith.constant 0.000000e+00 : f32
          %lt3A_387 = vector.broadcast %lt3A_386 : f32 to vector<16xf32>
          %lt3A_388 = arith.cmpf olt, %get3A_222, %lt3A_387 : vector<16xf32>
          %lt3A_389 = arith.constant 0.000000e+00 : f32
          %lt3A_390 = vector.broadcast %lt3A_389 : f32 to vector<16xf32>
          %lt3A_391 = arith.cmpf olt, %get3A_228, %lt3A_390 : vector<16xf32>
          %lt3A_392 = arith.constant 0.000000e+00 : f32
          %lt3A_393 = vector.broadcast %lt3A_392 : f32 to vector<16xf32>
          %lt3A_394 = arith.cmpf olt, %get3A_234, %lt3A_393 : vector<16xf32>
          %lt3A_395 = arith.constant 0.000000e+00 : f32
          %lt3A_396 = vector.broadcast %lt3A_395 : f32 to vector<16xf32>
          %lt3A_397 = arith.cmpf olt, %get3A_240, %lt3A_396 : vector<16xf32>
          %lt3A_398 = arith.constant 0.000000e+00 : f32
          %lt3A_399 = vector.broadcast %lt3A_398 : f32 to vector<16xf32>
          %lt3A_400 = arith.cmpf olt, %get3A_246, %lt3A_399 : vector<16xf32>
          %lt3A_401 = arith.constant 0.000000e+00 : f32
          %lt3A_402 = vector.broadcast %lt3A_401 : f32 to vector<16xf32>
          %lt3A_403 = arith.cmpf olt, %get3A_252, %lt3A_402 : vector<16xf32>
          %lt3A_404 = arith.constant 0.000000e+00 : f32
          %lt3A_405 = vector.broadcast %lt3A_404 : f32 to vector<16xf32>
          %lt3A_406 = arith.cmpf olt, %get3A_258, %lt3A_405 : vector<16xf32>
          %lt3A_407 = arith.constant 0.000000e+00 : f32
          %lt3A_408 = vector.broadcast %lt3A_407 : f32 to vector<16xf32>
          %lt3A_409 = arith.cmpf olt, %get3A_264, %lt3A_408 : vector<16xf32>
          %lt3A_410 = arith.constant 0.000000e+00 : f32
          %lt3A_411 = vector.broadcast %lt3A_410 : f32 to vector<16xf32>
          %lt3A_412 = arith.cmpf olt, %get3A_270, %lt3A_411 : vector<16xf32>
          %lt3A_413 = arith.constant 0.000000e+00 : f32
          %lt3A_414 = vector.broadcast %lt3A_413 : f32 to vector<16xf32>
          %lt3A_415 = arith.cmpf olt, %get3A_276, %lt3A_414 : vector<16xf32>
          %lt3A_416 = arith.constant 0.000000e+00 : f32
          %lt3A_417 = vector.broadcast %lt3A_416 : f32 to vector<16xf32>
          %lt3A_418 = arith.cmpf olt, %get3A_282, %lt3A_417 : vector<16xf32>
          %lt3A_419 = arith.constant 0.000000e+00 : f32
          %lt3A_420 = vector.broadcast %lt3A_419 : f32 to vector<16xf32>
          %lt3A_421 = arith.cmpf olt, %get3A_288, %lt3A_420 : vector<16xf32>
          %lt3A_422 = arith.constant 0.000000e+00 : f32
          %lt3A_423 = vector.broadcast %lt3A_422 : f32 to vector<16xf32>
          %lt3A_424 = arith.cmpf olt, %get3A_294, %lt3A_423 : vector<16xf32>
          %lt3A_425 = arith.constant 0.000000e+00 : f32
          %lt3A_426 = vector.broadcast %lt3A_425 : f32 to vector<16xf32>
          %lt3A_427 = arith.cmpf olt, %get3A_300, %lt3A_426 : vector<16xf32>
          tpu.vector_store_idx %arg6[%convert_element_type3A_319], %abs3A {add = true} : memref<2048xf32, #tpu.memory_space<vmem>>[vector<16xi32>], vector<16xf32>,
          tpu.vector_store_idx %arg7[%convert_element_type3A_319], %broadcast_in_dim3A_3 masked %lt3A_382 {add = true} : memref<2048xf32, #tpu.memory_space<vmem>>[vector<16xi32>], vector<16xf32>, vector<16xi1>
          tpu.vector_store_idx %arg6[%convert_element_type3A_323], %abs3A_301 {add = true} : memref<2048xf32, #tpu.memory_space<vmem>>[vector<16xi32>], vector<16xf32>,
          tpu.vector_store_idx %arg7[%convert_element_type3A_323], %broadcast_in_dim3A_3 masked %lt3A_385 {add = true} : memref<2048xf32, #tpu.memory_space<vmem>>[vector<16xi32>], vector<16xf32>, vector<16xi1>
          tpu.vector_store_idx %arg6[%convert_element_type3A_327], %abs3A_302 {add = true} : memref<2048xf32, #tpu.memory_space<vmem>>[vector<16xi32>], vector<16xf32>,
          tpu.vector_store_idx %arg7[%convert_element_type3A_327], %broadcast_in_dim3A_3 masked %lt3A_388 {add = true} : memref<2048xf32, #tpu.memory_space<vmem>>[vector<16xi32>], vector<16xf32>, vector<16xi1>
          tpu.vector_store_idx %arg6[%convert_element_type3A_331], %abs3A_303 {add = true} : memref<2048xf32, #tpu.memory_space<vmem>>[vector<16xi32>], vector<16xf32>,
          tpu.vector_store_idx %arg7[%convert_element_type3A_331], %broadcast_in_dim3A_3 masked %lt3A_391 {add = true} : memref<2048xf32, #tpu.memory_space<vmem>>[vector<16xi32>], vector<16xf32>, vector<16xi1>
          tpu.vector_store_idx %arg6[%convert_element_type3A_335], %abs3A_304 {add = true} : memref<2048xf32, #tpu.memory_space<vmem>>[vector<16xi32>], vector<16xf32>,
          tpu.vector_store_idx %arg7[%convert_element_type3A_335], %broadcast_in_dim3A_3 masked %lt3A_394 {add = true} : memref<2048xf32, #tpu.memory_space<vmem>>[vector<16xi32>], vector<16xf32>, vector<16xi1>
          tpu.vector_store_idx %arg6[%convert_element_type3A_339], %abs3A_305 {add = true} : memref<2048xf32, #tpu.memory_space<vmem>>[vector<16xi32>], vector<16xf32>,
          tpu.vector_store_idx %arg7[%convert_element_type3A_339], %broadcast_in_dim3A_3 masked %lt3A_397 {add = true} : memref<2048xf32, #tpu.memory_space<vmem>>[vector<16xi32>], vector<16xf32>, vector<16xi1>
          tpu.vector_store_idx %arg6[%convert_element_type3A_343], %abs3A_306 {add = true} : memref<2048xf32, #tpu.memory_space<vmem>>[vector<16xi32>], vector<16xf32>,
          tpu.vector_store_idx %arg7[%convert_element_type3A_343], %broadcast_in_dim3A_3 masked %lt3A_400 {add = true} : memref<2048xf32, #tpu.memory_space<vmem>>[vector<16xi32>], vector<16xf32>, vector<16xi1>
          tpu.vector_store_idx %arg6[%convert_element_type3A_347], %abs3A_307 {add = true} : memref<2048xf32, #tpu.memory_space<vmem>>[vector<16xi32>], vector<16xf32>,
          tpu.vector_store_idx %arg7[%convert_element_type3A_347], %broadcast_in_dim3A_3 masked %lt3A_403 {add = true} : memref<2048xf32, #tpu.memory_space<vmem>>[vector<16xi32>], vector<16xf32>, vector<16xi1>
          tpu.vector_store_idx %arg6[%convert_element_type3A_351], %abs3A_308 {add = true} : memref<2048xf32, #tpu.memory_space<vmem>>[vector<16xi32>], vector<16xf32>,
          tpu.vector_store_idx %arg7[%convert_element_type3A_351], %broadcast_in_dim3A_3 masked %lt3A_406 {add = true} : memref<2048xf32, #tpu.memory_space<vmem>>[vector<16xi32>], vector<16xf32>, vector<16xi1>
          tpu.vector_store_idx %arg6[%convert_element_type3A_355], %abs3A_309 {add = true} : memref<2048xf32, #tpu.memory_space<vmem>>[vector<16xi32>], vector<16xf32>,
          tpu.vector_store_idx %arg7[%convert_element_type3A_355], %broadcast_in_dim3A_3 masked %lt3A_409 {add = true} : memref<2048xf32, #tpu.memory_space<vmem>>[vector<16xi32>], vector<16xf32>, vector<16xi1>
          tpu.vector_store_idx %arg6[%convert_element_type3A_359], %abs3A_310 {add = true} : memref<2048xf32, #tpu.memory_space<vmem>>[vector<16xi32>], vector<16xf32>,
          tpu.vector_store_idx %arg7[%convert_element_type3A_359], %broadcast_in_dim3A_3 masked %lt3A_412 {add = true} : memref<2048xf32, #tpu.memory_space<vmem>>[vector<16xi32>], vector<16xf32>, vector<16xi1>
          tpu.vector_store_idx %arg6[%convert_element_type3A_363], %abs3A_311 {add = true} : memref<2048xf32, #tpu.memory_space<vmem>>[vector<16xi32>], vector<16xf32>,
          tpu.vector_store_idx %arg7[%convert_element_type3A_363], %broadcast_in_dim3A_3 masked %lt3A_415 {add = true} : memref<2048xf32, #tpu.memory_space<vmem>>[vector<16xi32>], vector<16xf32>, vector<16xi1>
          tpu.vector_store_idx %arg6[%convert_element_type3A_367], %abs3A_312 {add = true} : memref<2048xf32, #tpu.memory_space<vmem>>[vector<16xi32>], vector<16xf32>,
          tpu.vector_store_idx %arg7[%convert_element_type3A_367], %broadcast_in_dim3A_3 masked %lt3A_418 {add = true} : memref<2048xf32, #tpu.memory_space<vmem>>[vector<16xi32>], vector<16xf32>, vector<16xi1>
          tpu.vector_store_idx %arg6[%convert_element_type3A_371], %abs3A_313 {add = true} : memref<2048xf32, #tpu.memory_space<vmem>>[vector<16xi32>], vector<16xf32>,
          tpu.vector_store_idx %arg7[%convert_element_type3A_371], %broadcast_in_dim3A_3 masked %lt3A_421 {add = true} : memref<2048xf32, #tpu.memory_space<vmem>>[vector<16xi32>], vector<16xf32>, vector<16xi1>
          tpu.vector_store_idx %arg6[%convert_element_type3A_375], %abs3A_314 {add = true} : memref<2048xf32, #tpu.memory_space<vmem>>[vector<16xi32>], vector<16xf32>,
          tpu.vector_store_idx %arg7[%convert_element_type3A_375], %broadcast_in_dim3A_3 masked %lt3A_424 {add = true} : memref<2048xf32, #tpu.memory_space<vmem>>[vector<16xi32>], vector<16xf32>, vector<16xi1>
          tpu.vector_store_idx %arg6[%convert_element_type3A_379], %abs3A_315 {add = true} : memref<2048xf32, #tpu.memory_space<vmem>>[vector<16xi32>], vector<16xf32>,
          tpu.vector_store_idx %arg7[%convert_element_type3A_379], %broadcast_in_dim3A_3 masked %lt3A_427 {add = true} : memref<2048xf32, #tpu.memory_space<vmem>>[vector<16xi32>], vector<16xf32>, vector<16xi1>
        }
        %scan3A_180 = arith.constant 64 : i32
        %scan3A_181 = arith.constant 0.000000e+00 : f32
        %scan3A_182 = arith.constant 0 : i32
        %scan3A_183 = arith.constant 64 : i32
        %scan3A_184 = arith.addi %scan3A_182, %scan3A_183 : i32
        %scan3A_185 = arith.constant 1 : i32
        %scan3A_186:3 = scf.for %scan3A_205 = %scan3A_182 to %scan3A_184 step %scan3A_185 iter_args(%scan3A_206 = %scan3A_181, %scan3A_207 = %broadcast_in_dim3A_1, %scan3A_208 = %broadcast_in_dim3A_1) -> (f32, vector<16xf32>, vector<16xf32>)  : i32 {
          %mul3A_209 = arith.constant 32 : i32
          %mul3A_210 = arith.muli %scan3A_205, %mul3A_209 : i32
          %add3A_211 = arith.constant 0 : i32
          %add3A_212 = arith.addi %mul3A_210, %add3A_211 : i32
          %get3A = arith.index_cast %add3A_212 : i32 to index
          %get3A_213 = tpu.vector_load %arg6[%get3A] {strides = array<i32>} : memref<2048xf32, #tpu.memory_space<vmem>>, vector<16xf32>,
          %mul3A_214 = arith.constant 32 : i32
          %mul3A_215 = arith.muli %scan3A_205, %mul3A_214 : i32
          %add3A_216 = arith.constant 0 : i32
          %add3A_217 = arith.addi %mul3A_215, %add3A_216 : i32
          %get3A_218 = arith.index_cast %add3A_217 : i32 to index
          %get3A_219 = tpu.vector_load %arg7[%get3A_218] {strides = array<i32>} : memref<2048xf32, #tpu.memory_space<vmem>>, vector<16xf32>,
          %broadcast_in_dim3A_220 = arith.constant true
          %broadcast_in_dim3A_221 = vector.broadcast %broadcast_in_dim3A_220 : i1 to vector<16xi1>
          %masked_cumsum3A = tpu.scan <sum>, %get3A_213 masked %broadcast_in_dim3A_221 : vector<16xf32>, vector<16xi1> -> vector<16xf32>
          %add3A_222 = vector.broadcast %scan3A_206 : f32 to vector<16xf32>
          %add3A_223 = arith.addf %add3A_222, %masked_cumsum3A : vector<16xf32>
          %sub3A = arith.subf %add3A_223, %get3A_213 : vector<16xf32>
          %mul3A_224 = arith.constant 32 : i32
          %mul3A_225 = arith.muli %scan3A_205, %mul3A_224 : i32
          %add3A_226 = arith.constant 0 : i32
          %add3A_227 = arith.addi %mul3A_225, %add3A_226 : i32
          %add3A_228 = vector.broadcast %add3A_227 : i32 to vector<16xi32>
          %add3A_229 = arith.addi %add3A_228, %iota3A : vector<16xi32>
          %convert_element_type3A_230 = arith.sitofp %add3A_229 : vector<16xi32> to vector<16xf32>
          %add3A_231 = arith.constant 5.000000e-01 : f32
          %add3A_232 = vector.broadcast %add3A_231 : f32 to vector<16xf32>
          %add3A_233 = arith.addf %convert_element_type3A_230, %add3A_232 : vector<16xf32>
          %mul3A_234 = arith.constant 4.88400517E-4 : f32
          %mul3A_235 = vector.broadcast %mul3A_234 : f32 to vector<16xf32>
          %mul3A_236 = arith.mulf %add3A_233, %mul3A_235 : vector<16xf32>
          %mul3A_237 = arith.mulf %get3A_219, %sub3A : vector<16xf32>
          %add3A_238 = arith.addf %scan3A_207, %mul3A_237 : vector<16xf32>
          %mul3A_239 = arith.mulf %get3A_219, %get3A_213 : vector<16xf32>
          %mul3A_240 = arith.mulf %mul3A_236, %get3A_219 : vector<16xf32>
          %add3A_241 = arith.addf %mul3A_239, %mul3A_240 : vector<16xf32>
          %mul3A_242 = arith.constant 5.000000e-01 : f32
          %mul3A_243 = vector.broadcast %mul3A_242 : f32 to vector<16xf32>
          %mul3A_244 = arith.mulf %mul3A_243, %add3A_241 : vector<16xf32>
          %add3A_245 = arith.addf %add3A_238, %mul3A_244 : vector<16xf32>
          %add3A_246 = arith.addf %scan3A_208, %get3A_219 : vector<16xf32>
          %reduce_sum3A_247 = arith.constant true
          %reduce_sum3A_248 = vector.broadcast %reduce_sum3A_247 : i1 to vector<16xi1>
          %reduce_sum3A_249 = tpu.scan <sum>, %get3A_213 masked %reduce_sum3A_248 : vector<16xf32>, vector<16xi1> -> vector<16xf32>
          %reduce_sum3A_250 = vector.extract %reduce_sum3A_249[15] : f32 from vector<16xf32>
          %add3A_251 = arith.addf %scan3A_206, %reduce_sum3A_250 : f32
          %mul3A_252 = arith.constant 32 : i32
          %mul3A_253 = arith.muli %scan3A_205, %mul3A_252 : i32
          %add3A_254 = arith.constant 16 : i32
          %add3A_255 = arith.addi %mul3A_253, %add3A_254 : i32
          %get3A_256 = arith.index_cast %add3A_255 : i32 to index
          %get3A_257 = tpu.vector_load %arg6[%get3A_256] {strides = array<i32>} : memref<2048xf32, #tpu.memory_space<vmem>>, vector<16xf32>,
          %mul3A_258 = arith.constant 32 : i32
          %mul3A_259 = arith.muli %scan3A_205, %mul3A_258 : i32
          %add3A_260 = arith.constant 16 : i32
          %add3A_261 = arith.addi %mul3A_259, %add3A_260 : i32
          %get3A_262 = arith.index_cast %add3A_261 : i32 to index
          %get3A_263 = tpu.vector_load %arg7[%get3A_262] {strides = array<i32>} : memref<2048xf32, #tpu.memory_space<vmem>>, vector<16xf32>,
          %broadcast_in_dim3A_264 = arith.constant true
          %broadcast_in_dim3A_265 = vector.broadcast %broadcast_in_dim3A_264 : i1 to vector<16xi1>
          %masked_cumsum3A_266 = tpu.scan <sum>, %get3A_257 masked %broadcast_in_dim3A_265 : vector<16xf32>, vector<16xi1> -> vector<16xf32>
          %add3A_267 = vector.broadcast %add3A_251 : f32 to vector<16xf32>
          %add3A_268 = arith.addf %add3A_267, %masked_cumsum3A_266 : vector<16xf32>
          %sub3A_269 = arith.subf %add3A_268, %get3A_257 : vector<16xf32>
          %mul3A_270 = arith.constant 32 : i32
          %mul3A_271 = arith.muli %scan3A_205, %mul3A_270 : i32
          %add3A_272 = arith.constant 16 : i32
          %add3A_273 = arith.addi %mul3A_271, %add3A_272 : i32
          %add3A_274 = vector.broadcast %add3A_273 : i32 to vector<16xi32>
          %add3A_275 = arith.addi %add3A_274, %iota3A : vector<16xi32>
          %convert_element_type3A_276 = arith.sitofp %add3A_275 : vector<16xi32> to vector<16xf32>
          %add3A_277 = arith.constant 5.000000e-01 : f32
          %add3A_278 = vector.broadcast %add3A_277 : f32 to vector<16xf32>
          %add3A_279 = arith.addf %convert_element_type3A_276, %add3A_278 : vector<16xf32>
          %mul3A_280 = arith.constant 4.88400517E-4 : f32
          %mul3A_281 = vector.broadcast %mul3A_280 : f32 to vector<16xf32>
          %mul3A_282 = arith.mulf %add3A_279, %mul3A_281 : vector<16xf32>
          %mul3A_283 = arith.mulf %get3A_263, %sub3A_269 : vector<16xf32>
          %add3A_284 = arith.addf %add3A_245, %mul3A_283 : vector<16xf32>
          %mul3A_285 = arith.mulf %get3A_263, %get3A_257 : vector<16xf32>
          %mul3A_286 = arith.mulf %mul3A_282, %get3A_263 : vector<16xf32>
          %add3A_287 = arith.addf %mul3A_285, %mul3A_286 : vector<16xf32>
          %mul3A_288 = arith.constant 5.000000e-01 : f32
          %mul3A_289 = vector.broadcast %mul3A_288 : f32 to vector<16xf32>
          %mul3A_290 = arith.mulf %mul3A_289, %add3A_287 : vector<16xf32>
          %add3A_291 = arith.addf %add3A_284, %mul3A_290 : vector<16xf32>
          %add3A_292 = arith.addf %add3A_246, %get3A_263 : vector<16xf32>
          %reduce_sum3A_293 = arith.constant true
          %reduce_sum3A_294 = vector.broadcast %reduce_sum3A_293 : i1 to vector<16xi1>
          %reduce_sum3A_295 = tpu.scan <sum>, %get3A_257 masked %reduce_sum3A_294 : vector<16xf32>, vector<16xi1> -> vector<16xf32>
          %reduce_sum3A_296 = vector.extract %reduce_sum3A_295[15] : f32 from vector<16xf32>
          %add3A_297 = arith.addf %add3A_251, %reduce_sum3A_296 : f32
          scf.yield %add3A_297, %add3A_291, %add3A_292 : f32, vector<16xf32>, vector<16xf32>
        }
        %scan3A_187 = arith.constant 64 : i32
        %reduce_sum3A = arith.constant true
        %reduce_sum3A_188 = vector.broadcast %reduce_sum3A : i1 to vector<16xi1>
        %reduce_sum3A_189 = tpu.scan <sum>, %scan3A_186#1 masked %reduce_sum3A_188 : vector<16xf32>, vector<16xi1> -> vector<16xf32>
        %reduce_sum3A_190 = vector.extract %reduce_sum3A_189[15] : f32 from vector<16xf32>
        %reduce_sum3A_191 = arith.constant true
        %reduce_sum3A_192 = vector.broadcast %reduce_sum3A_191 : i1 to vector<16xi1>
        %reduce_sum3A_193 = tpu.scan <sum>, %scan3A_186#2 masked %reduce_sum3A_192 : vector<16xf32>, vector<16xi1> -> vector<16xf32>
        %reduce_sum3A_194 = vector.extract %reduce_sum3A_193[15] : f32 from vector<16xf32>
        %eq3A = arith.constant 0 : i32
        %eq3A_195 = vector.broadcast %eq3A : i32 to vector<16xi32>
        %eq3A_196 = arith.cmpi eq, %iota3A, %eq3A_195 : vector<16xi32>
        %eq3A_197 = arith.constant 1 : i32
        %eq3A_198 = vector.broadcast %eq3A_197 : i32 to vector<16xi32>
        %eq3A_199 = arith.cmpi eq, %iota3A, %eq3A_198 : vector<16xi32>
        %jit3A = arith.constant 0.000000e+00 : f32
        %broadcast_in_dim3A_200 = vector.broadcast %reduce_sum3A_194 : f32 to vector<16xf32>
        %broadcast_in_dim3A_201 = vector.broadcast %jit3A : f32 to vector<16xf32>
        %select_n3A = arith.select %eq3A_199, %broadcast_in_dim3A_200, %broadcast_in_dim3A_201 : vector<16xi1>, vector<16xf32>
        %broadcast_in_dim3A_202 = vector.broadcast %reduce_sum3A_190 : f32 to vector<16xf32>
        %select_n3A_203 = arith.select %eq3A_196, %broadcast_in_dim3A_202, %select_n3A : vector<16xi1>, vector<16xf32>
        %swap3A = arith.constant 0 : index
        %swap3A_204 = tpu.vector_load %arg8[%swap3A] {strides = array<i32>} : memref<16xf32, #tpu.memory_space<vmem>>, vector<16xf32>,
        tpu.vector_store %arg8[%swap3A], %select_n3A_203 {strides = array<i32>} : memref<16xf32, #tpu.memory_space<vmem>>, vector<16xf32>,
        "tpu.region"() ({
          %run_scoped3A = tpu.sem_alloc : memref<!tpu.dma_semaphore, #tpu.memory_space<semaphore_mem>>
          %dma_start3A_205 = arith.constant 0 : i32
          %dma_start3A_206 = tpu.memref_slice %arg3[%add3A_12, %dma_start3A_205] : memref<168x16xf32, #tpu.memory_space<hbm>> -> memref<1x16xf32, #tpu.memory_space<hbm>>
          %dma_start3A_207 = tpu.memref_squeeze %dma_start3A_206 : memref<1x16xf32, #tpu.memory_space<hbm>> -> memref<16xf32, #tpu.memory_space<hbm>>
          %dma_start3A_208 = arith.constant 0 : i32
          %dma_start3A_209 = tpu.memref_slice %arg3[%add3A_12, %dma_start3A_208] : memref<168x16xf32, #tpu.memory_space<hbm>> -> memref<1x16xf32, #tpu.memory_space<hbm>>
          %dma_start3A_210 = tpu.memref_squeeze %dma_start3A_209 : memref<1x16xf32, #tpu.memory_space<hbm>> -> memref<16xf32, #tpu.memory_space<hbm>>
          tpu.enqueue_dma source(%arg8 : memref<16xf32, #tpu.memory_space<vmem>>) target(%dma_start3A_210 : memref<16xf32, #tpu.memory_space<hbm>>) target_semaphore(%run_scoped3A : memref<!tpu.dma_semaphore, #tpu.memory_space<semaphore_mem>>)
          %dma_wait3A_211 = arith.constant 0 : i32
          %dma_wait3A_212 = tpu.memref_slice %arg3[%add3A_12, %dma_wait3A_211] : memref<168x16xf32, #tpu.memory_space<hbm>> -> memref<1x16xf32, #tpu.memory_space<hbm>>
          %dma_wait3A_213 = tpu.memref_squeeze %dma_wait3A_212 : memref<1x16xf32, #tpu.memory_space<hbm>> -> memref<16xf32, #tpu.memory_space<hbm>>
          %dma_wait3A_214 = arith.constant 0 : i32
          %dma_wait3A_215 = tpu.memref_slice %arg3[%add3A_12, %dma_wait3A_214] : memref<168x16xf32, #tpu.memory_space<hbm>> -> memref<1x16xf32, #tpu.memory_space<hbm>>
          %dma_wait3A_216 = tpu.memref_squeeze %dma_wait3A_215 : memref<1x16xf32, #tpu.memory_space<hbm>> -> memref<16xf32, #tpu.memory_space<hbm>>
          tpu.wait_dma2 semaphore(%run_scoped3A : memref<!tpu.dma_semaphore, #tpu.memory_space<semaphore_mem>>) src(%arg8 : memref<16xf32, #tpu.memory_space<vmem>>) dst(%dma_wait3A_216 : memref<16xf32, #tpu.memory_space<hbm>>)
          tpu.yield
        }) : () -> ()
      } else {
      }
    }
    %scan3A_8 = arith.constant 6 : i32
    return
  }
}

module attributes {stable_mosaic.version = 14 : i64} {
  func.func @_dense_body(%arg0: i32, %arg1: i32, %arg2: memref<1x21x96x384xf32, #tpu.memory_space<vmem>>, %arg3: memref<1x1x96x384xi32, #tpu.memory_space<vmem>>, %arg4: memref<21x1xf32, #tpu.memory_space<vmem>>, %arg5: memref<21x3x96x128xf32, #tpu.memory_space<vmem>>, %arg6: memref<1x1x8x128xf32, #tpu.memory_space<vmem>>) attributes {dimension_semantics = [#tpu.dimension_semantics<arbitrary>, #tpu.dimension_semantics<arbitrary>], iteration_bounds = array<i64: 8, 4>, scalar_prefetch = 0 : i64, scratch_operands = 0 : i64, tpu.core_type = #tpu.core_type<tc>, window_params = [{transform_indices = @transform_0, window_bounds = array<i64: 1, 21, 96, 384>}, {transform_indices = @transform_1, window_bounds = array<i64: 1, 1, 96, 384>}, {pipeline_mode = #tpu.pipeline_mode<synchronous>, transform_indices = @transform_2, window_bounds = array<i64: 21, 1>}, {transform_indices = @transform_3, window_bounds = array<i64: 21, 3, 96, 128>}, {transform_indices = @transform_4, window_bounds = array<i64: 1, 1, 8, 128>}]} {
    %get3A = arith.constant 0 : index
    %get3A_0 = arith.constant 0 : index
    %get3A_1 = arith.constant 0 : index
    %get3A_2 = arith.constant 0 : index
    %get3A_3 = vector.load %arg2[%get3A, %get3A_0, %get3A_1, %get3A_2] : memref<1x21x96x384xf32, #tpu.memory_space<vmem>>, vector<1x21x96x384xf32>
    %get3A_4 = vector.shape_cast %get3A_3 : vector<1x21x96x384xf32> to vector<21x96x384xf32>
    %get3A_5 = arith.constant 0 : index
    %get3A_6 = arith.constant 0 : index
    %get3A_7 = arith.constant 0 : index
    %get3A_8 = arith.constant 0 : index
    %get3A_9 = vector.load %arg3[%get3A_5, %get3A_6, %get3A_7, %get3A_8] : memref<1x1x96x384xi32, #tpu.memory_space<vmem>>, vector<1x1x96x384xi32>
    %get3A_10 = vector.shape_cast %get3A_9 : vector<1x1x96x384xi32> to vector<1x96x384xi32>
    %iota3A = tpu.iota {dimensions = array<i32: 0>} : vector<21x96x384xi32>
    %eq3A = vector.broadcast %get3A_10 : vector<1x96x384xi32> to vector<21x96x384xi32>
    %eq3A_11 = arith.cmpi eq, %iota3A, %eq3A : vector<21x96x384xi32>
    %reduce_max3A = arith.constant dense<0xFF800000> : vector<96x384xf32>
    %reduce_max3A_12 = vector.multi_reduction <maximumf>, %get3A_4, %reduce_max3A [0] : vector<21x96x384xf32> to vector<96x384xf32>
    %broadcast_in_dim3A = vector.shape_cast %reduce_max3A_12 : vector<96x384xf32> to vector<1x96x384xf32>
    %sub3A = vector.broadcast %broadcast_in_dim3A : vector<1x96x384xf32> to vector<21x96x384xf32>
    %sub3A_13 = arith.subf %get3A_4, %sub3A : vector<21x96x384xf32>
    %exp3A = math.exp %sub3A_13 : vector<21x96x384xf32>
    %reduce_sum3A = arith.constant dense<0.000000e+00> : vector<96x384xf32>
    %reduce_sum3A_14 = vector.multi_reduction <add>, %exp3A, %reduce_sum3A [0] : vector<21x96x384xf32> to vector<96x384xf32>
    %broadcast_in_dim3A_15 = vector.shape_cast %reduce_sum3A_14 : vector<96x384xf32> to vector<1x96x384xf32>
    %div3A = arith.constant 1.000000e+00 : f32
    %div3A_16 = vector.broadcast %div3A : f32 to vector<1x96x384xf32>
    %div3A_17 = arith.divf %div3A_16, %broadcast_in_dim3A_15 : vector<1x96x384xf32>
    %mul3A = vector.broadcast %div3A_17 : vector<1x96x384xf32> to vector<21x96x384xf32>
    %mul3A_18 = arith.mulf %exp3A, %mul3A : vector<21x96x384xf32>
    %log3A = math.log %broadcast_in_dim3A_15 : vector<1x96x384xf32>
    %add3A = arith.addf %log3A, %broadcast_in_dim3A : vector<1x96x384xf32>
    %sub3A_19 = arith.constant 1.000000e+00 : f32
    %sub3A_20 = vector.broadcast %sub3A_19 : f32 to vector<21x96x384xf32>
    %sub3A_21 = arith.subf %mul3A_18, %sub3A_20 : vector<21x96x384xf32>
    %select_n3A = arith.select %eq3A_11, %sub3A_21, %mul3A_18 : vector<21x96x384xi1>, vector<21x96x384xf32>
    %slice3A = vector.extract_strided_slice %select_n3A {offsets = [0, 0, 0], sizes = [21, 96, 128], strides = [1, 1, 1]} : vector<21x96x384xf32> to vector<21x96x128xf32>
    %swap3A = arith.constant 0 : index
    %swap3A_22 = arith.constant 0 : index
    %swap3A_23 = arith.constant 0 : index
    %swap3A_24 = arith.constant 0 : index
    %swap3A_25 = vector.load %arg5[%swap3A, %swap3A_22, %swap3A_23, %swap3A_24] : memref<21x3x96x128xf32, #tpu.memory_space<vmem>>, vector<21x1x96x128xf32>
    %swap3A_26 = vector.shape_cast %swap3A_25 : vector<21x1x96x128xf32> to vector<21x96x128xf32>
    %swap3A_27 = vector.shape_cast %slice3A : vector<21x96x128xf32> to vector<21x1x96x128xf32>
    tpu.vector_store %arg5[%swap3A, %swap3A_22, %swap3A_23, %swap3A_24], %swap3A_27 {strides = array<i32>} : memref<21x3x96x128xf32, #tpu.memory_space<vmem>>, vector<21x1x96x128xf32>,
    %slice3A_28 = vector.extract_strided_slice %select_n3A {offsets = [0, 0, 128], sizes = [21, 96, 128], strides = [1, 1, 1]} : vector<21x96x384xf32> to vector<21x96x128xf32>
    %swap3A_29 = arith.constant 0 : index
    %swap3A_30 = arith.constant 1 : index
    %swap3A_31 = arith.constant 0 : index
    %swap3A_32 = arith.constant 0 : index
    %swap3A_33 = vector.load %arg5[%swap3A_29, %swap3A_30, %swap3A_31, %swap3A_32] : memref<21x3x96x128xf32, #tpu.memory_space<vmem>>, vector<21x1x96x128xf32>
    %swap3A_34 = vector.shape_cast %swap3A_33 : vector<21x1x96x128xf32> to vector<21x96x128xf32>
    %swap3A_35 = vector.shape_cast %slice3A_28 : vector<21x96x128xf32> to vector<21x1x96x128xf32>
    tpu.vector_store %arg5[%swap3A_29, %swap3A_30, %swap3A_31, %swap3A_32], %swap3A_35 {strides = array<i32>} : memref<21x3x96x128xf32, #tpu.memory_space<vmem>>, vector<21x1x96x128xf32>,
    %slice3A_36 = vector.extract_strided_slice %select_n3A {offsets = [0, 0, 256], sizes = [21, 96, 128], strides = [1, 1, 1]} : vector<21x96x384xf32> to vector<21x96x128xf32>
    %swap3A_37 = arith.constant 0 : index
    %swap3A_38 = arith.constant 2 : index
    %swap3A_39 = arith.constant 0 : index
    %swap3A_40 = arith.constant 0 : index
    %swap3A_41 = vector.load %arg5[%swap3A_37, %swap3A_38, %swap3A_39, %swap3A_40] : memref<21x3x96x128xf32, #tpu.memory_space<vmem>>, vector<21x1x96x128xf32>
    %swap3A_42 = vector.shape_cast %swap3A_41 : vector<21x1x96x128xf32> to vector<21x96x128xf32>
    %swap3A_43 = vector.shape_cast %slice3A_36 : vector<21x96x128xf32> to vector<21x1x96x128xf32>
    tpu.vector_store %arg5[%swap3A_37, %swap3A_38, %swap3A_39, %swap3A_40], %swap3A_43 {strides = array<i32>} : memref<21x3x96x128xf32, #tpu.memory_space<vmem>>, vector<21x1x96x128xf32>,
    %jit3A = arith.constant 0.000000e+00 : f32
    %broadcast_in_dim3A_44 = vector.broadcast %jit3A : f32 to vector<21x96x384xf32>
    %select_n3A_45 = arith.select %eq3A_11, %get3A_4, %broadcast_in_dim3A_44 : vector<21x96x384xi1>, vector<21x96x384xf32>
    %reduce_sum3A_46 = arith.constant dense<0.000000e+00> : vector<96x384xf32>
    %reduce_sum3A_47 = vector.multi_reduction <add>, %select_n3A_45, %reduce_sum3A_46 [0] : vector<21x96x384xf32> to vector<96x384xf32>
    %broadcast_in_dim3A_48 = vector.shape_cast %reduce_sum3A_47 : vector<96x384xf32> to vector<1x96x384xf32>
    %get3A_49 = arith.constant 0 : index
    %get3A_50 = arith.constant 0 : index
    %get3A_51 = vector.load %arg4[%get3A_49, %get3A_50] : memref<21x1xf32, #tpu.memory_space<vmem>>, vector<21x1xf32>
    %reshape3A = vector.shape_cast %get3A_51 : vector<21x1xf32> to vector<21x1x1xf32>
    %jit3A_52 = arith.constant 0.000000e+00 : f32
    %broadcast_in_dim3A_53 = vector.shape_cast %reshape3A : vector<21x1x1xf32> to vector<21x1x1xf32>
    %broadcast_in_dim3A_54 = vector.broadcast %broadcast_in_dim3A_53 : vector<21x1x1xf32> to vector<21x96x384xf32>
    %broadcast_in_dim3A_55 = vector.broadcast %jit3A_52 : f32 to vector<21x96x384xf32>
    %select_n3A_56 = arith.select %eq3A_11, %broadcast_in_dim3A_54, %broadcast_in_dim3A_55 : vector<21x96x384xi1>, vector<21x96x384xf32>
    %reduce_sum3A_57 = arith.constant dense<0.000000e+00> : vector<96x384xf32>
    %reduce_sum3A_58 = vector.multi_reduction <add>, %select_n3A_56, %reduce_sum3A_57 [0] : vector<21x96x384xf32> to vector<96x384xf32>
    %broadcast_in_dim3A_59 = vector.shape_cast %reduce_sum3A_58 : vector<96x384xf32> to vector<1x96x384xf32>
    %sub3A_60 = arith.subf %add3A, %broadcast_in_dim3A_48 : vector<1x96x384xf32>
    %mul3A_61 = arith.mulf %broadcast_in_dim3A_59, %sub3A_60 : vector<1x96x384xf32>
    %reduce_sum3A_62 = vector.shape_cast %mul3A_61 : vector<1x96x384xf32> to vector<1x1x96x384xf32>
    %reduce_sum3A_63 = arith.constant dense<0.000000e+00> : vector<1xf32>
    %reduce_sum3A_64 = vector.multi_reduction <add>, %reduce_sum3A_62, %reduce_sum3A_63 [1, 2, 3] : vector<1x1x96x384xf32> to vector<1xf32>
    %reduce_sum3A_65 = vector.shape_cast %reduce_sum3A_64 : vector<1xf32> to vector<1x1x1x1xf32>
    %reduce_sum3A_66 = vector.extract %reduce_sum3A_65[0, 0, 0, 0] : f32 from vector<1x1x1x1xf32>
    %reduce_sum3A_67 = vector.shape_cast %broadcast_in_dim3A_59 : vector<1x96x384xf32> to vector<1x1x96x384xf32>
    %reduce_sum3A_68 = arith.constant dense<0.000000e+00> : vector<1xf32>
    %reduce_sum3A_69 = vector.multi_reduction <add>, %reduce_sum3A_67, %reduce_sum3A_68 [1, 2, 3] : vector<1x1x96x384xf32> to vector<1xf32>
    %reduce_sum3A_70 = vector.shape_cast %reduce_sum3A_69 : vector<1xf32> to vector<1x1x1x1xf32>
    %reduce_sum3A_71 = vector.extract %reduce_sum3A_70[0, 0, 0, 0] : f32 from vector<1x1x1x1xf32>
    %iota3A_72 = tpu.iota {dimensions = array<i32: 0>} : vector<8x128xi32>
    %iota3A_73 = tpu.iota {dimensions = array<i32: 1>} : vector<8x128xi32>
    %eq3A_74 = arith.constant 0 : i32
    %eq3A_75 = vector.broadcast %eq3A_74 : i32 to vector<8x128xi32>
    %eq3A_76 = arith.cmpi eq, %iota3A_72, %eq3A_75 : vector<8x128xi32>
    %eq3A_77 = arith.constant 0 : i32
    %eq3A_78 = vector.broadcast %eq3A_77 : i32 to vector<8x128xi32>
    %eq3A_79 = arith.cmpi eq, %iota3A_73, %eq3A_78 : vector<8x128xi32>
    %and3A = arith.andi %eq3A_76, %eq3A_79 : vector<8x128xi1>
    %eq3A_80 = arith.constant 0 : i32
    %eq3A_81 = vector.broadcast %eq3A_80 : i32 to vector<8x128xi32>
    %eq3A_82 = arith.cmpi eq, %iota3A_72, %eq3A_81 : vector<8x128xi32>
    %eq3A_83 = arith.constant 1 : i32
    %eq3A_84 = vector.broadcast %eq3A_83 : i32 to vector<8x128xi32>
    %eq3A_85 = arith.cmpi eq, %iota3A_73, %eq3A_84 : vector<8x128xi32>
    %and3A_86 = arith.andi %eq3A_82, %eq3A_85 : vector<8x128xi1>
    %jit3A_87 = arith.constant 0.000000e+00 : f32
    %broadcast_in_dim3A_88 = vector.broadcast %reduce_sum3A_71 : f32 to vector<8x128xf32>
    %broadcast_in_dim3A_89 = vector.broadcast %jit3A_87 : f32 to vector<8x128xf32>
    %select_n3A_90 = arith.select %and3A_86, %broadcast_in_dim3A_88, %broadcast_in_dim3A_89 : vector<8x128xi1>, vector<8x128xf32>
    %broadcast_in_dim3A_91 = vector.broadcast %reduce_sum3A_66 : f32 to vector<8x128xf32>
    %select_n3A_92 = arith.select %and3A, %broadcast_in_dim3A_91, %select_n3A_90 : vector<8x128xi1>, vector<8x128xf32>
    %swap3A_93 = arith.constant 0 : index
    %swap3A_94 = arith.constant 0 : index
    %swap3A_95 = arith.constant 0 : index
    %swap3A_96 = arith.constant 0 : index
    %swap3A_97 = vector.load %arg6[%swap3A_93, %swap3A_94, %swap3A_95, %swap3A_96] : memref<1x1x8x128xf32, #tpu.memory_space<vmem>>, vector<1x1x8x128xf32>
    %swap3A_98 = vector.shape_cast %swap3A_97 : vector<1x1x8x128xf32> to vector<8x128xf32>
    %swap3A_99 = vector.shape_cast %select_n3A_92 : vector<8x128xf32> to vector<1x1x8x128xf32>
    tpu.vector_store %arg6[%swap3A_93, %swap3A_94, %swap3A_95, %swap3A_96], %swap3A_99 {strides = array<i32>} : memref<1x1x8x128xf32, #tpu.memory_space<vmem>>, vector<1x1x8x128xf32>,
    return
  }
  func.func @transform_0(%arg0: i32, %arg1: i32) -> (i32, i32, i32, i32) {
    %add3A = arith.constant 0 : i32
    %add3A_0 = arith.addi %arg0, %add3A : i32
    %c0_i32 = arith.constant 0 : i32
    %c0_i32_1 = arith.constant 0 : i32
    %c0_i32_2 = arith.constant 0 : i32
    return %add3A_0, %c0_i32, %arg1, %c0_i32_1 : i32, i32, i32, i32
  }
  func.func @transform_1(%arg0: i32, %arg1: i32) -> (i32, i32, i32, i32) {
    %add3A = arith.constant 0 : i32
    %add3A_0 = arith.addi %arg0, %add3A : i32
    %c0_i32 = arith.constant 0 : i32
    %c0_i32_1 = arith.constant 0 : i32
    %c0_i32_2 = arith.constant 0 : i32
    return %add3A_0, %c0_i32, %arg1, %c0_i32_1 : i32, i32, i32, i32
  }
  func.func @transform_2(%arg0: i32, %arg1: i32) -> (i32, i32) {
    %c0_i32 = arith.constant 0 : i32
    %c0_i32_0 = arith.constant 0 : i32
    %c0_i32_1 = arith.constant 0 : i32
    return %c0_i32, %c0_i32_0 : i32, i32
  }
  func.func @transform_3(%arg0: i32, %arg1: i32) -> (i32, i32, i32, i32) {
    %c0_i32 = arith.constant 0 : i32
    %c0_i32_0 = arith.constant 0 : i32
    %c0_i32_1 = arith.constant 0 : i32
    return %arg0, %c0_i32, %arg1, %c0_i32_0 : i32, i32, i32, i32
  }
  func.func @transform_4(%arg0: i32, %arg1: i32) -> (i32, i32, i32, i32) {
    %c0_i32 = arith.constant 0 : i32
    %c0_i32_0 = arith.constant 0 : i32
    %c0_i32_1 = arith.constant 0 : i32
    return %arg0, %arg1, %c0_i32, %c0_i32_0 : i32, i32, i32, i32
  }
}

</mosaic_0001>

<sc_bundles>
// kernel: kernel.4.cloned.1.call-start
scs
__scs_entry_jumppad:
0x0: {  	(pc) =	sbr.rel $0x88, $3  }
0x1: {  	(tag) =	ssettag $0x0;
	lr =	simm.s32 $0x1  }
0x2: {  	[smem:$0x3F9E] =	sst lr;
	_ =	strace $0xD0000000  }
0x3: {  	_ = 	snop  }
0x4: {  	_ = 	snop  }
0x5: {  	_ = 	snop  }
0x6: {  	_ = 	snop  }
0x7: {  	_ = 	snop  }
__scs_overlays_trampoline_lowered:
0x8: {  	[smem:$0x3FAD] =	sst s0  }
0x9: {  	[smem:$0x3FAE] =	sst s1  }
0xa: {  	[smem:$0x3FAF] =	sst s2  }
0xb: {  	[smem:$0x3FB0] =	sst s3  }
0xc: {  	[smem:$0x3FB1] =	sst s4  }
0xd: {  	[smem:$0x3FB2] =	sst s5  }
0xe: {  	[smem:$0x3FB3] =	sst s6  }
0xf: {  	[smem:$0x3FB4] =	sst s7  }
0x10: {  	[smem:$0x3FB5] =	sst s8  }
0x11: {  	[smem:$0x3FB6] =	sst s9;
	s0 =	simm.s32 @!p0 $0x0  }
0x12: {  	s1 =	sld [smem:$0x3F9C];
	s0 =	simm.s32 @p0 $0x1  }
0x13: {  	[smem:$0x3FB7] =	sst s0;
	s0 =	simm.s32 @!p1 $0x0  }
0x14: {  	s2 =	sld [smem:$0x3F9B];
	s0 =	simm.s32 @p1 $0x1  }
0x15: {  	[smem:$0x3FB8] =	sst s0;
	s0 =	simm.s32 @!p2 $0x0  }
0x16: {  	s3 =	sld [smem:$0x3FDB];
	s0 =	simm.s32 @p2 $0x1  }
0x17: {  	s4 =	simm.s32 $0x1BF5;
	[smem:$0x3FBA] =	sst s0  }
0x18: {  	s0 =	sld [smem:$0x3F9D];
	_ =	swait.ge [sflag:s4], $0x0  }
0x19: {  	s7 =	sld [smem:$0x3F9E]  }
0x1a: {  	s8 =	sadd.s32 $0xFFFFE003, lr  }
0x1b: {  	s9 =	sadd.s32 $0xFFFFFEF7, lr;
	s5 =	simm.s32 $0xFFFFFFFF;
	p2 =	slt.u32 s8, $0xFFFFF086  }
0x1c: {  	p1 =	slt.u32 s9, $0xF7A;
	s5 =	simm.s32 @!p2 $0x0  }
0x1d: {  	s5 =	simm.s32 @p1 $0x1;
	p0 =	seq.s32 s7, s2  }
0x1e: {  	s7 =	smul.u32 @!p0 $0xF7A, s2;
	p2 =	seq.s32 @!p0 s5, $0x0  }
0x1f: {  	s9 =	smul.u32 $0xF7A, s1;
	s8 =	simm.s32 @!p0 $0x1BF5;
	p2 =	por !p2, p0  }
0x20: {  	[sflag:s8] =	ssyncset.s32 @!p0 $0xFFFFF086;
	s6 =	sadd.s32 @!p0 s3, s7;
	s7 =	simm.s32 @!p0 $0x108  }
0x21: {  	s3 =	sadd.s32 s3, s9;
	s6 =	sadd.s32 @!p0 $0x88, s6;
	s7 =	simm.s32 @p2 $0x1082  }
0x22: {  	[simem:s7], [sflag:s8] =	dma.local @!p0 [hbm:s6], $0xF7A  }
0x23: {  	s9 =	sor.u32 $0xD0000000, s2;
	s6 =	simm.s32 $0x108;
	_ =	swait.ge @!p0 [sflag:s8], $0x0  }
0x24: {  	s3 =	sadd.s32 $0x88, s3;
	s6 =	simm.s32 @!p1 $0x1082;
	[sflag:s4] =	ssyncset.s32 $0xFFFFF086  }
0x25: {  	[simem:s6], [sflag:s4] =	dma.local [hbm:s3], $0xF7A  }
0x26: {  	[smem:$0x3F9E] =	sst s1;
	(tag) =	ssettag s2;
	_ =	strace s9  }
0x27: {  	s1 =	sld [smem:$0x3FAE]  }
0x28: {  	s2 =	sld [smem:$0x3FAF]  }
0x29: {  	s4 =	sld [smem:$0x3FB1]  }
0x2a: {  	p0 =	seq.s32 s5, $0x0;
	s5 =	sld [smem:$0x3FB2]  }
0x2b: {  	s6 =	sld [smem:$0x3FB3]  }
0x2c: {  	s7 =	sld [smem:$0x3FB4]  }
0x2d: {  	s3 =	simm.s32 $0x108;
	s8 =	sld [smem:$0x3FB5]  }
0x2e: {  	s3 =	simm.s32 @!p0 $0x1082;
	s9 =	sld [smem:$0x3FB6]  }
0x2f: {  	lr =	sadd.s32 s0, s3;
	s0 =	sld [smem:$0x3FAD]  }
0x30: {  	s3 =	sld [smem:$0x3FB0]  }
0x31: {  	[smem:$0x3FB9] =	sst s10  }
0x32: {  	s10 =	sld [smem:$0x3FB7];
	_ =	sdelay $0x3  }
0x33: {  	p0 =	seq.s32 s10, $0x1;
	s10 =	sld [smem:$0x3FB9];
	_ =	sdelay $0x3  }
0x34: {  	[smem:$0x3FB9] =	sst s10  }
0x35: {  	s10 =	sld [smem:$0x3FB8];
	_ =	sdelay $0x3  }
0x36: {  	p1 =	seq.s32 s10, $0x1;
	s10 =	sld [smem:$0x3FB9];
	_ =	sdelay $0x3  }
0x37: {  	[smem:$0x3FB9] =	sst s10  }
0x38: {  	s10 =	sld [smem:$0x3FBA]  }
0x39: {  	_ = 	snop;
	(pc) =	sbr.ind lr, $3  }
0x3a: {  	_ = 	snop  }
0x3b: {  	_ = 	snop  }
0x3c: {  	p2 =	seq.s32 s10, $0x1;
	s10 =	sld [smem:$0x3FB9]  }
0x3d: {  	_ =	shalt  }
0x3e: {  	_ =	shalt  }
0x3f: {  	_ =	shalt  }
0x40: {  	_ =	shalt  }
0x41: {  	_ =	shalt  }
0x42: {  	_ =	shalt  }
0x43: {  	_ =	shalt  }
0x44: {  	_ =	shalt  }
0x45: {  	_ =	shalt  }
0x46: {  	_ =	shalt  }
0x47: {  	_ =	shalt  }
0x48: {  	_ =	shalt  }
0x49: {  	_ =	shalt  }
0x4a: {  	_ =	shalt  }
0x4b: {  	_ =	shalt  }
0x4c: {  	_ =	shalt  }
0x4d: {  	_ =	shalt  }
0x4e: {  	_ =	shalt  }
0x4f: {  	_ =	shalt  }
0x50: {  	_ =	shalt  }
0x51: {  	_ =	shalt  }
0x52: {  	_ =	shalt  }
0x53: {  	_ =	shalt  }
0x54: {  	_ =	shalt  }
0x55: {  	_ =	shalt  }
0x56: {  	_ =	shalt  }
0x57: {  	_ =	shalt  }
0x58: {  	_ =	shalt  }
0x59: {  	_ =	shalt  }
0x5a: {  	_ =	shalt  }
0x5b: {  	_ =	shalt  }
0x5c: {  	_ =	shalt  }
0x5d: {  	_ =	shalt  }
0x5e: {  	_ =	shalt  }
0x5f: {  	_ =	shalt  }
0x60: {  	_ =	shalt  }
0x61: {  	_ =	shalt  }
0x62: {  	_ =	shalt  }
0x63: {  	_ =	shalt  }
0x64: {  	_ =	shalt  }
0x65: {  	_ =	shalt  }
0x66: {  	_ =	shalt  }
0x67: {  	_ =	shalt  }
0x68: {  	_ =	shalt  }
0x69: {  	_ =	shalt  }
0x6a: {  	_ =	shalt  }
0x6b: {  	_ =	shalt  }
0x6c: {  	_ =	shalt  }
0x6d: {  	_ =	shalt  }
0x6e: {  	_ =	shalt  }
0x6f: {  	_ =	shalt  }
0x70: {  	_ =	shalt  }
0x71: {  	_ =	shalt  }
0x72: {  	_ =	shalt  }
0x73: {  	_ =	shalt  }
0x74: {  	_ =	shalt  }
0x75: {  	_ =	shalt  }
0x76: {  	_ =	shalt  }
0x77: {  	_ =	shalt  }
0x78: {  	_ =	shalt  }
0x79: {  	_ =	shalt  }
0x7a: {  	_ =	shalt  }
0x7b: {  	_ =	shalt  }
0x7c: {  	_ =	shalt  }
0x7d: {  	_ =	shalt  }
0x7e: {  	_ =	shalt  }
0x7f: {  	_ =	shalt  }
0x80: {  	_ =	shalt  }
0x81: {  	_ =	shalt  }
0x82: {  	_ =	shalt  }
0x83: {  	_ =	shalt  }
0x84: {  	_ =	shalt  }
0x85: {  	_ =	shalt  }
0x86: {  	_ =	shalt  }
0x87: {  	_ =	shalt  }
.Lfunc_end0:
.L_simem_size_0:
called_computation.1_lowered:
.L_overlay_start_0:
0x88: {  	s2 =	sld [smem:$0x3FD9]  }
0x89: {  	s3 =	sld [smem:$0x3FFE];
	_ =	sdelay $0x1  }
0x8a: {  	s1 =	srdreg.scid  }
0x8b: {  	s0 =	sand.u32 $0x1, s1  }
0x8c: {  	s16 =	sshll.u32 s0, $0xA;
	s2 =	sadd.s32 s3, s2  }
0x8d: {  	s2 =	sadd.s32 s2, s16  }
0x8e: {  	[smem:$0x3FC5] =	sst s2  }
0x8f: {  	_ = 	snop  }
0x90: {  	(tm) =	ssettm $0x1  }
0x91: {  	s17 =	sld [smem:$0x3FFB];
	_ =	sdelay $0x3  }
0x92: {  	_ =	strace s17  }
0x93: {  	s2 =	sld [smem:$0x3FFC];
	_ =	sdelay $0x3  }
0x94: {  	_ =	strace s2  }
0x95: {  	s2 =	sld [smem:$0x3FFD];
	_ =	sdelay $0x3  }
0x96: {  	_ =	strace s2  }
0x97: {  	_ =	strace $0x8FFFFFFF  }
0x98: {  	s18 =	sld [smem:$0x3FDB];
	_ =	sdelay $0x1  }
0x99: {  	s19 =	simm.s32 $_scs_section_size  }
0x9a: {  	s4 =	simm.s32 $_size__tile_overlayer_lowered;
	s5 =	simm.s32 $_tile_overlayer_lowered  }
0x9b: {  	s22 =	simm.s32 $0x1BFF;
	s21 =	sshll.u32 s5, $0x1;
	s2 =	sadd.s32 s19, s18  }
0x9c: {  	s6 =	simm.s32 $0x0;
	s20 =	sshll.u32 s4, $0x1;
	s4 =	sadd.s32 s21, s2  }
0x9d: {  	[timem:s6], [sflag:s22] =	dma.local [hbm:s4], s20  }
0x9e: {  	_ =	swait.ge [sflag:s22], s20  }
0x9f: {  	s3 =	ssub.s32 $0x0, s20;
	[sflag:s22] =	ssyncset.done $0x0  }
0xa0: {  	[sflag:s22] =	ssyncadd.s32 s3;
	_ =	sdelay $0x1  }
0xa1: {  	s23 =	simm.s32 $0x1B8B  }
0xa2: {  	_ =	swait.ge [sflag:s23], $0x1  }
0xa3: {  	[sflag:s23] =	ssyncset.done $0x0  }
0xa4: {  	s25 =	simm.s32 $0x1B8E;
	s24 =	sld [smem:$0x3FFE];
	[sflag:s23] =	ssyncadd.s32 $0xFFFFFFFF  }
0xa5: {  	s26 =	simm.s32 $execute0_lowered;
	[smem:$0x3FD2] =	sst s25  }
0xa6: {  	s4 =	sshll.u32 s26, $0x1;
	_ =	strace $0x80000049;
	[dreg:$0x1] =	wrdreg $0xFFFFFFFF  }
0xa7: {  	s28 =	simm.s32 $_size_execute0_lowered;
	s2 =	sadd.s32 s2, s4;
	[dreg:$0x0] =	wrdreg $0x0  }
0xa8: {  	s4 =	sshll.u32 s28, $0x1;
	[dreg:$0x2] =	wrdreg s2  }
0xa9: {  	[dreg:$0x3] =	wrdreg s4  }
0xaa: {  	[dreg:$0x4] =	wrdreg $0xC0  }
0xab: {  	_ =	task [dreg:s6], $0x5FFFF  }
0xac: {  	[dreg:$0x1] =	wrdreg $0xFFFFFFFF  }
0xad: {  	[dreg:$0x0] =	wrdreg $0x60  }
0xae: {  	[dreg:$0x2] =	wrdreg s24  }
0xaf: {  	[dreg:$0x3] =	wrdreg $0x9  }
0xb0: {  	_ =	task.clear_ibuf [dreg:s6], $0x4FFFF;
	_ =	strace $0x90000049  }
0xb1: {  	s29 =	simm.s32 $0x9;
	_ =	strace $0x8000004B  }
0xb2: {  	_ =	swait.ge [sflag:s29], $0x1  }
0xb3: {  	[sflag:s29] =	ssyncadd.s32 $0xFFFFFFFF  }
0xb4: {  	_ =	strace $0x9000004B  }
0xb5: {  	_ =	sfence  }
0xb6: {  	s30 =	sld [smem:$0x0];
	_ =	sdelay $0x2  }
0xb7: {  	s31 =	sshll.u32 s1, $0xD;
	s1 =	sshrl.u32 s1, $0x2  }
0xb8: {  	s3 =	sand.u32 $0x4000, s31;
	s1 =	sadd.s32 s1, s30  }
0xb9: {  	s0 =	sor.u32 s3, s0;
	s1 =	sshll.u32 s1, $0x11  }
0xba: {  	s0 =	sor.u32 s1, s0  }
0xbb: {  	s0 =	sadd.s32 $0x8F2B, s0  }
0xbc: {  	[sflag:s0] =	ssyncadd.remote.s32 $0x1  }
0xbd: {  	_ =	sfence.sel $0xFFFF  }
0xbe: {  	[dreg:$0x0] =	wrdreg $0xFFFFFFFF;
	(pc) =	sbr.abs _section_cstart, $3  }
0xbf: {  	[dreg:$0x1] =	wrdreg $0xFFFFFFFF  }
0xc0: {  	_ =	task.clear_ibuf [dreg:s6], $0x2FFFF;
	_ =	strace $0x9FFFFFFF  }
0xc1: {  	(tm) =	ssettm $0x7FFFFFFF  }
tec
execute0_lowered:
.L_overlay_start_1:
0x0: {  	(tag) =	ssettag $0x1  }
0x1: {  	s0 =	srdreg.scid  }
0x2: {  	s1 =	stileid.u32;
	s2 =	rddreg [dreg:$0x0]  }
0x3: {  	s3 =	simm.s32 $0x0;
	s16 =	simm.s32 $0x80;
	s17 =	simm.s32 $0x400  }
0x4: {  	s18 =	simm.s32 $0x1;
	s19 =	simm.s32 $0x4000;
	s20 =	simm.s32 $0x8000  }
0x5: {  	s21 =	simm.s32 $0x8800;
	s22 =	simm.s32 $0x2;
	s24 =	simm.s32 $0x3  }
0x6: {  	s0 =	sand.u32 $0x1, s0;
	s1 =	sshll.u32 s1, $0x1;
	[smem:$0x7FF] =	sst s3  }
0x7: {  	s23 =	smov.u32 s2;
	s6 =	sadd.s32 $0x2F5000, s2;
	s4 =	sor.u32 s0, s1  }
0x8: {  	s0 =	ssub.s32 $0x2, s0;
	_ =	strace $0x8000004A;
	s1 =	sshll.u32 s4, $0x7  }
.Ltmp0:
0x9: {  	s7 =	sshrl.u32 s0, $0x1;
	s5 =	sand.u32 $0x380, s1;
	(pc) =	sbr.rel .LBB2_1-.Ltmp0, $4  }
0xa: {  	s0 =	ssub.s32 s0, s7;
	s1 =	simm.s32 $0x0;
	s7 =	sor.u32 $0x20000, s5  }
0xb: {  	s8 =	sor.u32 $0x40000, s5;
	s9 =	sor.u32 $0x60000, s5;
	s10 =	sor.u32 $0x80000, s5  }
0xc: {  	v0 =	vimm.f32 $0.0e+00;
	v1 =	vimm.f32 $1.000000000e+00;
	s11 =	sor.u32 $0xA0000, s5;
	s12 =	sor.u32 $0xC0000, s5;
	s0 =	smax.u32 s0, $0x1  }
0xd: {  	v2 =	vlaneseq.u32;
	vm0 =	vcmask $0x704;
	vm1 =	vcmask $0x3F04;
	s13 =	sor.u32 $0xE0000, s5;
	s14 =	sor.u32 $0x100000, s5;
	[dreg:$0x2] =	wrdreg s0  }
.LBB2_27:
0xe: {  	s1 =	rddreg [dreg:$0x3]  }
0xf: {  	s0 =	rddreg [dreg:$0x2];
	s1 =	sadd.s32 $0x1, s1  }
0x10: {  	p0 =	sne.s32 s1, s0  }
.Ltmp1:
0x11: {  	_ = 	snop;
	(pc) =	sbr.rel @!p0 .LBB2_28-.Ltmp1, $1  }
0x12: {  	_ =	sdelay $0x3  }
.LBB2_1:
.Ltmp2:
0x13: {  	(pc) =	sbr.rel .LBB2_2-.Ltmp2, $2  }
0x14: {  	_ =	sdelay $0x2  }
0x15: {  	[dreg:$0x3] =	wrdreg s1;
	s26 =	simm.s32 $0x0  }
.LBB2_26:
0x16: {  	s26 =	sadd.s32 $0x1, s26  }
0x17: {  	p0 =	sne.s32 s26, $0x6  }
.Ltmp3:
0x18: {  	_ = 	snop;
	(pc) =	sbr.rel @!p0 .LBB2_27-.Ltmp3, $1  }
0x19: {  	_ =	sdelay $0x3  }
.LBB2_2:
0x1a: {  	s0 =	sshll.u32 s26, $0x5  }
0x1b: {  	s0 =	sor.u32 s4, s0  }
0x1c: {  	p0 =	sgt.u32 s0, $0xA7  }
.Ltmp4:
0x1d: {  	_ = 	snop;
	(pc) =	sbr.rel @p0 .LBB2_26-.Ltmp4, $1  }
0x1e: {  	_ =	sdelay $0x3  }
0x1f: {  	s28 =	sshrl.u32 s0, $0x3  }
0x20: {  	s29 =	smul.u32 $0x120000, s28;
	_ =	sdelay $0x1  }
0x21: {  	s31 =	sor.u32 s5, s29  }
0x22: {  	s0 =	sshrl.u32 s31, $0x3  }
0x23: {  	s1 =	simm.s32 $0x0;
	s0 =	sadd.s32 s6, s0  }
0x24: {  	[tilespmem:s1], [sflag:$0x1] =	stream.strided.gather [hbm4b:s0+s16], $0x4000, s17, s16, $0x38;
	[tilespmem:$0x9080] =	vst v63  }
0x25: {  	s0 =	simm.s32 $0x0;
	s1 =	simm.s32 $0x100  }
.LBB2_4:
0x26: {  	p0 =	sne.s32 s1, $0x1F00;
	[tilespmem:s0+$0x8830] =	vst v0  }
0x27: {  	[tilespmem:s0+$0x8000] =	vst v0  }
0x28: {  	[tilespmem:s0+$0x8800] =	vst v0  }
.Ltmp5:
0x29: {  	[tilespmem:s0+$0x8010] =	vst v0;
	(pc) =	sbr.rel @p0 .LBB2_4-.Ltmp5, $4  }
0x2a: {  	[tilespmem:s0+$0x8810] =	vst v0  }
0x2b: {  	[tilespmem:s0+$0x8020] =	vst v0  }
0x2c: {  	[tilespmem:s0+$0x8820] =	vst v0  }
0x2d: {  	[tilespmem:s0+$0x8030] =	vst v0;
	s0 =	sshra.s32 s1, $0x2;
	s1 =	sadd.s32 $0x100, s1  }
0x2e: {  	[tilespmem:s0+$0x8830] =	vst v0  }
0x2f: {  	[tilespmem:s0+$0x8000] =	vst v0  }
0x30: {  	[tilespmem:s0+$0x8800] =	vst v0  }
0x31: {  	[tilespmem:s0+$0x8010] =	vst v0  }
0x32: {  	[tilespmem:s0+$0x8810] =	vst v0  }
0x33: {  	[tilespmem:s0+$0x8020] =	vst v0  }
0x34: {  	[tilespmem:s0+$0x8820] =	vst v0  }
0x35: {  	[tilespmem:s0+$0x8030] =	vst v0  }
0x36: {  	s25 =	sadd.s32 s7, s29;
	_ =	swait.ge [sflag:s18], $0x4000  }
0x37: {  	s0 =	sshrl.u32 s25, $0x3;
	[sflag:s18] =	ssyncset.done $0x0  }
0x38: {  	s31 =	simm.s32 $0x0;
	s0 =	sadd.s32 s6, s0;
	[sflag:s18] =	ssyncadd.s32 $0xFFFFC000  }
0x39: {  	[tilespmem:s19], [sflag:$0x2] =	stream.strided.gather [hbm4b:s0+s16], $0x4000, s17, s16, $0x38;
	[tilespmem:$0x9080] =	vst v63  }
0x3a: {  	v3 =	vld [tilespmem:s31+$0xE0]  }
0x3b: {  	v4 =	vld [tilespmem:s31+$0x0]  }
0x3c: {  	v5 =	vld [tilespmem:s31+$0x10]  }
0x3d: {  	v6 =	vld [tilespmem:s31+$0xD0]  }
0x3e: {  	v7 =	vld [tilespmem:s31+$0x20]  }
0x3f: {  	v8 =	vld [tilespmem:s31+$0xC0]  }
0x40: {  	v9 =	vld [tilespmem:s31+$0x30];
	v10 =	vand.u32 $0x7FFFFFFF, v4  }
0x41: {  	v11 =	vld [tilespmem:s31+$0xB0];
	v12 =	vmul.f32 $2.047500000e+03, v10  }
0x42: {  	v13 =	vld [tilespmem:s31+$0x40];
	v14 =	vand.u32 $0x7FFFFFFF, v5  }
0x43: {  	v15 =	vld [tilespmem:s31+$0xA0];
	v16 =	vmul.f32 $2.047500000e+03, v14;
	v12 =	vtrunc.f32 v12  }
0x44: {  	v17 =	vld [tilespmem:s31+$0x50];
	v18 =	vand.u32 $0x7FFFFFFF, v7;
	v12 =	vcvt.f32.s32 v12  }
0x45: {  	v19 =	vld [tilespmem:s31+$0x90];
	vm2 =	vlt.f32 v4, $0.0e+00;
	v20 =	vmul.f32 $2.047500000e+03, v18;
	v16 =	vtrunc.f32 v16  }
0x46: {  	v22 =	vld [tilespmem:s31+$0x80];
	v21 =	vand.u32 $0x7FFFFFFF, v9;
	v16 =	vcvt.f32.s32 v16  }
0x47: {  	v4 =	vld [tilespmem:s31+$0x60];
	vm3 =	vlt.f32 v5, $0.0e+00;
	v23 =	vmul.f32 $2.047500000e+03, v21;
	v20 =	vtrunc.f32 v20  }
0x48: {  	v25 =	vld [tilespmem:s31+$0xF0];
	v24 =	vand.u32 $0x7FFFFFFF, v13;
	v20 =	vcvt.f32.s32 v20  }
0x49: {  	v5 =	vld [tilespmem:s31+$0x70];
	vm4 =	vlt.f32 v7, $0.0e+00;
	v26 =	vmul.f32 $2.047500000e+03, v24;
	v23 =	vtrunc.f32 v23  }
0x4a: {  	v35 =	vand.u32 $0x7FFFFFFF, v17;
	v23 =	vcvt.f32.s32 v23;
	[tilespmem:v12+s20+$0x0] =	vst.idx.add.f32.msk $0xffff, v10  }
0x4b: {  	vm5 =	vlt.f32 v9, $0.0e+00;
	v37 =	vmul.f32 $2.047500000e+03, v35;
	v36 =	vtrunc.f32 v26;
	[tilespmem:v12+s21+$0x0] =	vst.idx.add.f32.msk vm2, v1  }
0x4c: {  	v38 =	vand.u32 $0x7FFFFFFF, v4;
	v10 =	vcvt.f32.s32 v36;
	[tilespmem:v16+s20+$0x0] =	vst.idx.add.f32.msk $0xffff, v14  }
0x4d: {  	v39 =	vtrunc.f32 v37;
	v40 =	vmul.f32 $2.047500000e+03, v38;
	vm2 =	vlt.f32 v13, $0.0e+00;
	[tilespmem:v16+s21+$0x0] =	vst.idx.add.f32.msk vm3, v1  }
0x4e: {  	v41 =	vand.u32 $0x7FFFFFFF, v5;
	v12 =	vcvt.f32.s32 v39;
	[tilespmem:v20+s20+$0x0] =	vst.idx.add.f32.msk $0xffff, v18  }
0x4f: {  	v42 =	vmul.f32 $2.047500000e+03, v41;
	v14 =	vtrunc.f32 v40;
	vm3 =	vlt.f32 v17, $0.0e+00;
	[tilespmem:v20+s21+$0x0] =	vst.idx.add.f32.msk vm4, v1  }
0x50: {  	v43 =	vand.u32 $0x7FFFFFFF, v22;
	v14 =	vcvt.f32.s32 v14;
	[tilespmem:v23+s20+$0x0] =	vst.idx.add.f32.msk $0xffff, v21  }
0x51: {  	v44 =	vmul.f32 $2.047500000e+03, v43;
	vm11 =	vlt.f32 v4, $0.0e+00;
	v16 =	vtrunc.f32 v42;
	[tilespmem:v23+s21+$0x0] =	vst.idx.add.f32.msk vm5, v1  }
0x52: {  	v4 =	vand.u32 $0x7FFFFFFF, v19;
	v16 =	vcvt.f32.s32 v16;
	[tilespmem:v10+s20+$0x0] =	vst.idx.add.f32.msk $0xffff, v24  }
0x53: {  	vm12 =	vlt.f32 v5, $0.0e+00;
	v45 =	vmul.f32 $2.047500000e+03, v4;
	v18 =	vtrunc.f32 v44;
	[tilespmem:v10+s21+$0x0] =	vst.idx.add.f32.msk vm2, v1  }
0x54: {  	v5 =	vand.u32 $0x7FFFFFFF, v15;
	v46 =	vcvt.f32.s32 v18;
	[tilespmem:v12+s20+$0x0] =	vst.idx.add.f32.msk $0xffff, v35  }
0x55: {  	v48 =	vmul.f32 $2.047500000e+03, v5;
	v47 =	vtrunc.f32 v45;
	vm2 =	vlt.f32 v22, $0.0e+00;
	[tilespmem:v12+s21+$0x0] =	vst.idx.add.f32.msk vm3, v1  }
0x56: {  	v49 =	vand.u32 $0x7FFFFFFF, v11;
	v7 =	vcvt.f32.s32 v47;
	[tilespmem:v14+s20+$0x0] =	vst.idx.add.f32.msk $0xffff, v38  }
0x57: {  	v51 =	vmul.f32 $2.047500000e+03, v49;
	v50 =	vtrunc.f32 v48;
	vm3 =	vlt.f32 v19, $0.0e+00;
	[tilespmem:v14+s21+$0x0] =	vst.idx.add.f32.msk vm11, v1  }
0x58: {  	v52 =	vand.u32 $0x7FFFFFFF, v8;
	v9 =	vcvt.f32.s32 v50;
	[tilespmem:v16+s20+$0x0] =	vst.idx.add.f32.msk $0xffff, v41  }
0x59: {  	vm13 =	vlt.f32 v15, $0.0e+00;
	v54 =	vmul.f32 $2.047500000e+03, v52;
	v53 =	vtrunc.f32 v51;
	[tilespmem:v16+s21+$0x0] =	vst.idx.add.f32.msk vm12, v1  }
0x5a: {  	v55 =	vand.u32 $0x7FFFFFFF, v6;
	v13 =	vcvt.f32.s32 v53;
	[tilespmem:v46+s20+$0x0] =	vst.idx.add.f32.msk $0xffff, v43  }
0x5b: {  	vm14 =	vlt.f32 v11, $0.0e+00;
	v57 =	vmul.f32 $2.047500000e+03, v55;
	v56 =	vtrunc.f32 v54;
	[tilespmem:v46+s21+$0x0] =	vst.idx.add.f32.msk vm2, v1  }
0x5c: {  	v58 =	vand.u32 $0x7FFFFFFF, v3;
	v59 =	vcvt.f32.s32 v56;
	[tilespmem:v7+s20+$0x0] =	vst.idx.add.f32.msk $0xffff, v4  }
0x5d: {  	v60 =	vmul.f32 $2.047500000e+03, v58;
	vm2 =	vlt.f32 v8, $0.0e+00;
	v4 =	vtrunc.f32 v57;
	[tilespmem:v7+s21+$0x0] =	vst.idx.add.f32.msk vm3, v1  }
0x5e: {  	v61 =	vand.u32 $0x7FFFFFFF, v25;
	v4 =	vcvt.f32.s32 v4;
	[tilespmem:v9+s20+$0x0] =	vst.idx.add.f32.msk $0xffff, v5  }
0x5f: {  	v62 =	vmul.f32 $2.047500000e+03, v61;
	vm3 =	vlt.f32 v6, $0.0e+00;
	v5 =	vtrunc.f32 v60;
	[tilespmem:v9+s21+$0x0] =	vst.idx.add.f32.msk vm13, v1  }
0x60: {  	v5 =	vcvt.f32.s32 v5;
	[tilespmem:v13+s20+$0x0] =	vst.idx.add.f32.msk $0xffff, v49  }
0x61: {  	vm15 =	vlt.f32 v3, $0.0e+00;
	v63 =	vtrunc.f32 v62;
	[tilespmem:v13+s21+$0x0] =	vst.idx.add.f32.msk vm14, v1  }
0x62: {  	v3 =	vcvt.f32.s32 v63;
	[tilespmem:v59+s20+$0x0] =	vst.idx.add.f32.msk $0xffff, v52  }
0x63: {  	[tilespmem:v59+s21+$0x0] =	vst.idx.add.f32.msk vm2, v1;
	vm2 =	vlt.f32 v25, $0.0e+00  }
0x64: {  	[tilespmem:v4+s20+$0x0] =	vst.idx.add.f32.msk $0xffff, v55  }
0x65: {  	[tilespmem:v4+s21+$0x0] =	vst.idx.add.f32.msk vm3, v1  }
0x66: {  	[tilespmem:v5+s20+$0x0] =	vst.idx.add.f32.msk $0xffff, v58  }
0x67: {  	[tilespmem:v5+s21+$0x0] =	vst.idx.add.f32.msk vm15, v1  }
0x68: {  	s30 =	simm.s32 $0x400;
	[tilespmem:v3+s20+$0x0] =	vst.idx.add.f32.msk $0xffff, v61  }
.LBB2_6:
0x69: {  	s0 =	sshra.s32 s30, $0x2;
	p0 =	sne.s32 s30, $0xFC00;
	s30 =	sadd.s32 $0x400, s30;
	[tilespmem:v3+s21+$0x0] =	vst.idx.add.f32.msk vm2, v1  }
0x6a: {  	v3 =	vld [tilespmem:s0+$0xE0]  }
0x6b: {  	v6 =	vld [tilespmem:s0+$0x0]  }
0x6c: {  	v7 =	vld [tilespmem:s0+$0x10]  }
0x6d: {  	v4 =	vld [tilespmem:s0+$0xD0]  }
0x6e: {  	v8 =	vld [tilespmem:s0+$0x20]  }
0x6f: {  	v5 =	vld [tilespmem:s0+$0xC0]  }
0x70: {  	v9 =	vld [tilespmem:s0+$0x30];
	v10 =	vand.u32 $0x7FFFFFFF, v6  }
0x71: {  	v11 =	vld [tilespmem:s0+$0xB0];
	v12 =	vmul.f32 $2.047500000e+03, v10  }
0x72: {  	v14 =	vand.u32 $0x7FFFFFFF, v7;
	v13 =	vld [tilespmem:s0+$0x40]  }
0x73: {  	v16 =	vmul.f32 $2.047500000e+03, v14;
	v15 =	vld [tilespmem:s0+$0xA0];
	v12 =	vtrunc.f32 v12  }
0x74: {  	v18 =	vand.u32 $0x7FFFFFFF, v8;
	v17 =	vld [tilespmem:s0+$0x50];
	v12 =	vcvt.f32.s32 v12  }
0x75: {  	vm2 =	vlt.f32 v6, $0.0e+00;
	v16 =	vtrunc.f32 v16;
	v20 =	vmul.f32 $2.047500000e+03, v18;
	v19 =	vld [tilespmem:s0+$0x90]  }
0x76: {  	v21 =	vand.u32 $0x7FFFFFFF, v9;
	v16 =	vcvt.f32.s32 v16;
	v6 =	vld [tilespmem:s0+$0x60]  }
0x77: {  	vm3 =	vlt.f32 v7, $0.0e+00;
	v20 =	vtrunc.f32 v20;
	v23 =	vmul.f32 $2.047500000e+03, v21;
	v22 =	vld [tilespmem:s0+$0x80]  }
0x78: {  	v24 =	vand.u32 $0x7FFFFFFF, v13;
	v20 =	vcvt.f32.s32 v20;
	v7 =	vld [tilespmem:s0+$0x70]  }
0x79: {  	vm4 =	vlt.f32 v8, $0.0e+00;
	v23 =	vtrunc.f32 v23;
	v26 =	vmul.f32 $2.047500000e+03, v24;
	v25 =	vld [tilespmem:s0+$0xF0]  }
0x7a: {  	v8 =	vand.u32 $0x7FFFFFFF, v17;
	v23 =	vcvt.f32.s32 v23;
	[tilespmem:v12+s20+$0x0] =	vst.idx.add.f32.msk $0xffff, v10  }
0x7b: {  	vm5 =	vlt.f32 v9, $0.0e+00;
	v10 =	vtrunc.f32 v26;
	v26 =	vmul.f32 $2.047500000e+03, v8;
	[tilespmem:v12+s21+$0x0] =	vst.idx.add.f32.msk vm2, v1  }
0x7c: {  	v9 =	vand.u32 $0x7FFFFFFF, v6;
	v10 =	vcvt.f32.s32 v10;
	[tilespmem:v16+s20+$0x0] =	vst.idx.add.f32.msk $0xffff, v14  }
0x7d: {  	vm2 =	vlt.f32 v13, $0.0e+00;
	v12 =	vtrunc.f32 v26;
	v14 =	vmul.f32 $2.047500000e+03, v9;
	[tilespmem:v16+s21+$0x0] =	vst.idx.add.f32.msk vm3, v1  }
0x7e: {  	v13 =	vand.u32 $0x7FFFFFFF, v7;
	v12 =	vcvt.f32.s32 v12;
	[tilespmem:v20+s20+$0x0] =	vst.idx.add.f32.msk $0xffff, v18  }
0x7f: {  	vm3 =	vlt.f32 v17, $0.0e+00;
	v14 =	vtrunc.f32 v14;
	v16 =	vmul.f32 $2.047500000e+03, v13;
	[tilespmem:v20+s21+$0x0] =	vst.idx.add.f32.msk vm4, v1  }
0x80: {  	v17 =	vand.u32 $0x7FFFFFFF, v22;
	v14 =	vcvt.f32.s32 v14;
	[tilespmem:v23+s20+$0x0] =	vst.idx.add.f32.msk $0xffff, v21  }
0x81: {  	v18 =	vmul.f32 $2.047500000e+03, v17;
	vm4 =	vlt.f32 v6, $0.0e+00;
	v16 =	vtrunc.f32 v16;
	[tilespmem:v23+s21+$0x0] =	vst.idx.add.f32.msk vm5, v1  }
0x82: {  	v6 =	vand.u32 $0x7FFFFFFF, v19;
	v16 =	vcvt.f32.s32 v16;
	[tilespmem:v10+s20+$0x0] =	vst.idx.add.f32.msk $0xffff, v24  }
0x83: {  	v18 =	vtrunc.f32 v18;
	v20 =	vmul.f32 $2.047500000e+03, v6;
	vm5 =	vlt.f32 v7, $0.0e+00;
	[tilespmem:v10+s21+$0x0] =	vst.idx.add.f32.msk vm2, v1  }
0x84: {  	v7 =	vand.u32 $0x7FFFFFFF, v15;
	v10 =	vcvt.f32.s32 v18;
	[tilespmem:v12+s20+$0x0] =	vst.idx.add.f32.msk $0xffff, v8  }
0x85: {  	v18 =	vmul.f32 $2.047500000e+03, v7;
	vm2 =	vlt.f32 v22, $0.0e+00;
	v8 =	vtrunc.f32 v20;
	[tilespmem:v12+s21+$0x0] =	vst.idx.add.f32.msk vm3, v1  }
0x86: {  	v12 =	vand.u32 $0x7FFFFFFF, v11;
	v8 =	vcvt.f32.s32 v8;
	[tilespmem:v14+s20+$0x0] =	vst.idx.add.f32.msk $0xffff, v9  }
0x87: {  	vm3 =	vlt.f32 v19, $0.0e+00;
	v9 =	vtrunc.f32 v18;
	v18 =	vmul.f32 $2.047500000e+03, v12;
	[tilespmem:v14+s21+$0x0] =	vst.idx.add.f32.msk vm4, v1  }
0x88: {  	v14 =	vand.u32 $0x7FFFFFFF, v5;
	v9 =	vcvt.f32.s32 v9;
	[tilespmem:v16+s20+$0x0] =	vst.idx.add.f32.msk $0xffff, v13  }
0x89: {  	vm4 =	vlt.f32 v15, $0.0e+00;
	v13 =	vtrunc.f32 v18;
	v18 =	vmul.f32 $2.047500000e+03, v14;
	[tilespmem:v16+s21+$0x0] =	vst.idx.add.f32.msk vm5, v1  }
0x8a: {  	v15 =	vand.u32 $0x7FFFFFFF, v4;
	v13 =	vcvt.f32.s32 v13;
	[tilespmem:v10+s20+$0x0] =	vst.idx.add.f32.msk $0xffff, v17  }
0x8b: {  	vm5 =	vlt.f32 v11, $0.0e+00;
	v16 =	vtrunc.f32 v18;
	v17 =	vmul.f32 $2.047500000e+03, v15;
	[tilespmem:v10+s21+$0x0] =	vst.idx.add.f32.msk vm2, v1  }
0x8c: {  	v10 =	vand.u32 $0x7FFFFFFF, v3;
	v11 =	vcvt.f32.s32 v16;
	[tilespmem:v8+s20+$0x0] =	vst.idx.add.f32.msk $0xffff, v6  }
0x8d: {  	vm6 =	vlt.f32 v5, $0.0e+00;
	v6 =	vtrunc.f32 v17;
	v16 =	vmul.f32 $2.047500000e+03, v10;
	[tilespmem:v8+s21+$0x0] =	vst.idx.add.f32.msk vm3, v1  }
0x8e: {  	v5 =	vand.u32 $0x7FFFFFFF, v25;
	v6 =	vcvt.f32.s32 v6;
	[tilespmem:v9+s20+$0x0] =	vst.idx.add.f32.msk $0xffff, v7  }
0x8f: {  	v8 =	vmul.f32 $2.047500000e+03, v5;
	vm3 =	vlt.f32 v4, $0.0e+00;
	v7 =	vtrunc.f32 v16;
	[tilespmem:v9+s21+$0x0] =	vst.idx.add.f32.msk vm4, v1  }
0x90: {  	v4 =	vcvt.f32.s32 v7;
	[tilespmem:v13+s20+$0x0] =	vst.idx.add.f32.msk $0xffff, v12  }
0x91: {  	v7 =	vtrunc.f32 v8;
	vm4 =	vlt.f32 v3, $0.0e+00;
	[tilespmem:v13+s21+$0x0] =	vst.idx.add.f32.msk vm5, v1  }
0x92: {  	v3 =	vcvt.f32.s32 v7;
	[tilespmem:v11+s20+$0x0] =	vst.idx.add.f32.msk $0xffff, v14  }
0x93: {  	vm2 =	vlt.f32 v25, $0.0e+00;
	[tilespmem:v11+s21+$0x0] =	vst.idx.add.f32.msk vm6, v1  }
.Ltmp6:
0x94: {  	[tilespmem:v6+s20+$0x0] =	vst.idx.add.f32.msk $0xffff, v15;
	(pc) =	sbr.rel @p0 .LBB2_6-.Ltmp6, $4  }
0x95: {  	[tilespmem:v6+s21+$0x0] =	vst.idx.add.f32.msk vm3, v1  }
0x96: {  	[tilespmem:v4+s20+$0x0] =	vst.idx.add.f32.msk $0xffff, v10  }
0x97: {  	[tilespmem:v4+s21+$0x0] =	vst.idx.add.f32.msk vm4, v1  }
0x98: {  	[tilespmem:v3+s20+$0x0] =	vst.idx.add.f32.msk $0xffff, v5  }
0x99: {  	_ =	sdelay $0x4  }
0x9a: {  	[tilespmem:v3+s21+$0x0] =	vst.idx.add.f32.msk vm2, v1  }
0x9b: {  	s0 =	sadd.s32 s8, s29;
	_ =	swait.ge [sflag:s22], $0x4000  }
0x9c: {  	s1 =	simm.s32 $0x0;
	s0 =	sshrl.u32 s0, $0x3;
	[sflag:s22] =	ssyncset.done $0x0  }
0x9d: {  	s31 =	simm.s32 $0x0;
	s0 =	sadd.s32 s6, s0;
	[sflag:s22] =	ssyncadd.s32 $0xFFFFC000  }
0x9e: {  	[tilespmem:s1], [sflag:$0x1] =	stream.strided.gather [hbm4b:s0+s16], $0x4000, s17, s16, $0x38;
	[tilespmem:$0x9080] =	vst v63  }
0x9f: {  	v3 =	vld [tilespmem:s31+$0x40E0]  }
0xa0: {  	v4 =	vld [tilespmem:s31+$0x4000]  }
0xa1: {  	v5 =	vld [tilespmem:s31+$0x4010]  }
0xa2: {  	v6 =	vld [tilespmem:s31+$0x40D0]  }
0xa3: {  	v7 =	vld [tilespmem:s31+$0x4020]  }
0xa4: {  	v8 =	vld [tilespmem:s31+$0x40C0]  }
0xa5: {  	v9 =	vld [tilespmem:s31+$0x4030];
	v10 =	vand.u32 $0x7FFFFFFF, v4  }
0xa6: {  	v11 =	vld [tilespmem:s31+$0x40B0];
	v12 =	vmul.f32 $2.047500000e+03, v10  }
0xa7: {  	v13 =	vld [tilespmem:s31+$0x4040];
	v14 =	vand.u32 $0x7FFFFFFF, v5  }
0xa8: {  	v15 =	vld [tilespmem:s31+$0x40A0];
	v16 =	vmul.f32 $2.047500000e+03, v14;
	v12 =	vtrunc.f32 v12  }
0xa9: {  	v17 =	vld [tilespmem:s31+$0x4050];
	v18 =	vand.u32 $0x7FFFFFFF, v7;
	v12 =	vcvt.f32.s32 v12  }
0xaa: {  	v19 =	vld [tilespmem:s31+$0x4090];
	vm2 =	vlt.f32 v4, $0.0e+00;
	v20 =	vmul.f32 $2.047500000e+03, v18;
	v16 =	vtrunc.f32 v16  }
0xab: {  	v22 =	vld [tilespmem:s31+$0x4080];
	v21 =	vand.u32 $0x7FFFFFFF, v9;
	v16 =	vcvt.f32.s32 v16  }
0xac: {  	v4 =	vld [tilespmem:s31+$0x4060];
	vm3 =	vlt.f32 v5, $0.0e+00;
	v23 =	vmul.f32 $2.047500000e+03, v21;
	v20 =	vtrunc.f32 v20  }
0xad: {  	v25 =	vld [tilespmem:s31+$0x40F0];
	v24 =	vand.u32 $0x7FFFFFFF, v13;
	v20 =	vcvt.f32.s32 v20  }
0xae: {  	v5 =	vld [tilespmem:s31+$0x4070];
	vm4 =	vlt.f32 v7, $0.0e+00;
	v26 =	vmul.f32 $2.047500000e+03, v24;
	v23 =	vtrunc.f32 v23  }
0xaf: {  	v35 =	vand.u32 $0x7FFFFFFF, v17;
	v23 =	vcvt.f32.s32 v23;
	[tilespmem:v12+s20+$0x0] =	vst.idx.add.f32.msk $0xffff, v10  }
0xb0: {  	vm5 =	vlt.f32 v9, $0.0e+00;
	v37 =	vmul.f32 $2.047500000e+03, v35;
	v36 =	vtrunc.f32 v26;
	[tilespmem:v12+s21+$0x0] =	vst.idx.add.f32.msk vm2, v1  }
0xb1: {  	v38 =	vand.u32 $0x7FFFFFFF, v4;
	v10 =	vcvt.f32.s32 v36;
	[tilespmem:v16+s20+$0x0] =	vst.idx.add.f32.msk $0xffff, v14  }
0xb2: {  	v39 =	vtrunc.f32 v37;
	v40 =	vmul.f32 $2.047500000e+03, v38;
	vm2 =	vlt.f32 v13, $0.0e+00;
	[tilespmem:v16+s21+$0x0] =	vst.idx.add.f32.msk vm3, v1  }
0xb3: {  	v41 =	vand.u32 $0x7FFFFFFF, v5;
	v12 =	vcvt.f32.s32 v39;
	[tilespmem:v20+s20+$0x0] =	vst.idx.add.f32.msk $0xffff, v18  }
0xb4: {  	v42 =	vmul.f32 $2.047500000e+03, v41;
	v14 =	vtrunc.f32 v40;
	vm3 =	vlt.f32 v17, $0.0e+00;
	[tilespmem:v20+s21+$0x0] =	vst.idx.add.f32.msk vm4, v1  }
0xb5: {  	v43 =	vand.u32 $0x7FFFFFFF, v22;
	v14 =	vcvt.f32.s32 v14;
	[tilespmem:v23+s20+$0x0] =	vst.idx.add.f32.msk $0xffff, v21  }
0xb6: {  	v44 =	vmul.f32 $2.047500000e+03, v43;
	vm11 =	vlt.f32 v4, $0.0e+00;
	v16 =	vtrunc.f32 v42;
	[tilespmem:v23+s21+$0x0] =	vst.idx.add.f32.msk vm5, v1  }
0xb7: {  	v4 =	vand.u32 $0x7FFFFFFF, v19;
	v16 =	vcvt.f32.s32 v16;
	[tilespmem:v10+s20+$0x0] =	vst.idx.add.f32.msk $0xffff, v24  }
0xb8: {  	vm12 =	vlt.f32 v5, $0.0e+00;
	v45 =	vmul.f32 $2.047500000e+03, v4;
	v18 =	vtrunc.f32 v44;
	[tilespmem:v10+s21+$0x0] =	vst.idx.add.f32.msk vm2, v1  }
0xb9: {  	v5 =	vand.u32 $0x7FFFFFFF, v15;
	v46 =	vcvt.f32.s32 v18;
	[tilespmem:v12+s20+$0x0] =	vst.idx.add.f32.msk $0xffff, v35  }
0xba: {  	v48 =	vmul.f32 $2.047500000e+03, v5;
	v47 =	vtrunc.f32 v45;
	vm2 =	vlt.f32 v22, $0.0e+00;
	[tilespmem:v12+s21+$0x0] =	vst.idx.add.f32.msk vm3, v1  }
0xbb: {  	v49 =	vand.u32 $0x7FFFFFFF, v11;
	v7 =	vcvt.f32.s32 v47;
	[tilespmem:v14+s20+$0x0] =	vst.idx.add.f32.msk $0xffff, v38  }
0xbc: {  	v51 =	vmul.f32 $2.047500000e+03, v49;
	v50 =	vtrunc.f32 v48;
	vm3 =	vlt.f32 v19, $0.0e+00;
	[tilespmem:v14+s21+$0x0] =	vst.idx.add.f32.msk vm11, v1  }
0xbd: {  	v52 =	vand.u32 $0x7FFFFFFF, v8;
	v9 =	vcvt.f32.s32 v50;
	[tilespmem:v16+s20+$0x0] =	vst.idx.add.f32.msk $0xffff, v41  }
0xbe: {  	vm13 =	vlt.f32 v15, $0.0e+00;
	v54 =	vmul.f32 $2.047500000e+03, v52;
	v53 =	vtrunc.f32 v51;
	[tilespmem:v16+s21+$0x0] =	vst.idx.add.f32.msk vm12, v1  }
0xbf: {  	v55 =	vand.u32 $0x7FFFFFFF, v6;
	v13 =	vcvt.f32.s32 v53;
	[tilespmem:v46+s20+$0x0] =	vst.idx.add.f32.msk $0xffff, v43  }
0xc0: {  	vm14 =	vlt.f32 v11, $0.0e+00;
	v57 =	vmul.f32 $2.047500000e+03, v55;
	v56 =	vtrunc.f32 v54;
	[tilespmem:v46+s21+$0x0] =	vst.idx.add.f32.msk vm2, v1  }
0xc1: {  	v58 =	vand.u32 $0x7FFFFFFF, v3;
	v59 =	vcvt.f32.s32 v56;
	[tilespmem:v7+s20+$0x0] =	vst.idx.add.f32.msk $0xffff, v4  }
0xc2: {  	v60 =	vmul.f32 $2.047500000e+03, v58;
	vm2 =	vlt.f32 v8, $0.0e+00;
	v4 =	vtrunc.f32 v57;
	[tilespmem:v7+s21+$0x0] =	vst.idx.add.f32.msk vm3, v1  }
0xc3: {  	v61 =	vand.u32 $0x7FFFFFFF, v25;
	v4 =	vcvt.f32.s32 v4;
	[tilespmem:v9+s20+$0x0] =	vst.idx.add.f32.msk $0xffff, v5  }
0xc4: {  	v62 =	vmul.f32 $2.047500000e+03, v61;
	vm3 =	vlt.f32 v6, $0.0e+00;
	v5 =	vtrunc.f32 v60;
	[tilespmem:v9+s21+$0x0] =	vst.idx.add.f32.msk vm13, v1  }
0xc5: {  	v5 =	vcvt.f32.s32 v5;
	[tilespmem:v13+s20+$0x0] =	vst.idx.add.f32.msk $0xffff, v49  }
0xc6: {  	vm15 =	vlt.f32 v3, $0.0e+00;
	v63 =	vtrunc.f32 v62;
	[tilespmem:v13+s21+$0x0] =	vst.idx.add.f32.msk vm14, v1  }
0xc7: {  	v3 =	vcvt.f32.s32 v63;
	[tilespmem:v59+s20+$0x0] =	vst.idx.add.f32.msk $0xffff, v52  }
0xc8: {  	[tilespmem:v59+s21+$0x0] =	vst.idx.add.f32.msk vm2, v1;
	vm2 =	vlt.f32 v25, $0.0e+00  }
0xc9: {  	[tilespmem:v4+s20+$0x0] =	vst.idx.add.f32.msk $0xffff, v55  }
0xca: {  	[tilespmem:v4+s21+$0x0] =	vst.idx.add.f32.msk vm3, v1  }
0xcb: {  	[tilespmem:v5+s20+$0x0] =	vst.idx.add.f32.msk $0xffff, v58  }
0xcc: {  	[tilespmem:v5+s21+$0x0] =	vst.idx.add.f32.msk vm15, v1  }
0xcd: {  	s30 =	simm.s32 $0x400;
	[tilespmem:v3+s20+$0x0] =	vst.idx.add.f32.msk $0xffff, v61  }
.LBB2_8:
0xce: {  	s0 =	sshra.s32 s30, $0x2;
	p0 =	sne.s32 s30, $0xFC00;
	s30 =	sadd.s32 $0x400, s30;
	[tilespmem:v3+s21+$0x0] =	vst.idx.add.f32.msk vm2, v1  }
0xcf: {  	v3 =	vld [tilespmem:s0+$0x40E0]  }
0xd0: {  	v6 =	vld [tilespmem:s0+$0x4000]  }
0xd1: {  	v7 =	vld [tilespmem:s0+$0x4010]  }
0xd2: {  	v4 =	vld [tilespmem:s0+$0x40D0]  }
0xd3: {  	v8 =	vld [tilespmem:s0+$0x4020]  }
0xd4: {  	v5 =	vld [tilespmem:s0+$0x40C0]  }
0xd5: {  	v9 =	vld [tilespmem:s0+$0x4030];
	v10 =	vand.u32 $0x7FFFFFFF, v6  }
0xd6: {  	v11 =	vld [tilespmem:s0+$0x40B0];
	v12 =	vmul.f32 $2.047500000e+03, v10  }
0xd7: {  	v14 =	vand.u32 $0x7FFFFFFF, v7;
	v13 =	vld [tilespmem:s0+$0x4040]  }
0xd8: {  	v16 =	vmul.f32 $2.047500000e+03, v14;
	v15 =	vld [tilespmem:s0+$0x40A0];
	v12 =	vtrunc.f32 v12  }
0xd9: {  	v18 =	vand.u32 $0x7FFFFFFF, v8;
	v17 =	vld [tilespmem:s0+$0x4050];
	v12 =	vcvt.f32.s32 v12  }
0xda: {  	vm2 =	vlt.f32 v6, $0.0e+00;
	v16 =	vtrunc.f32 v16;
	v20 =	vmul.f32 $2.047500000e+03, v18;
	v19 =	vld [tilespmem:s0+$0x4090]  }
0xdb: {  	v21 =	vand.u32 $0x7FFFFFFF, v9;
	v16 =	vcvt.f32.s32 v16;
	v6 =	vld [tilespmem:s0+$0x4060]  }
0xdc: {  	vm3 =	vlt.f32 v7, $0.0e+00;
	v20 =	vtrunc.f32 v20;
	v23 =	vmul.f32 $2.047500000e+03, v21;
	v22 =	vld [tilespmem:s0+$0x4080]  }
0xdd: {  	v24 =	vand.u32 $0x7FFFFFFF, v13;
	v20 =	vcvt.f32.s32 v20;
	v7 =	vld [tilespmem:s0+$0x4070]  }
0xde: {  	vm4 =	vlt.f32 v8, $0.0e+00;
	v23 =	vtrunc.f32 v23;
	v26 =	vmul.f32 $2.047500000e+03, v24;
	v25 =	vld [tilespmem:s0+$0x40F0]  }
0xdf: {  	v8 =	vand.u32 $0x7FFFFFFF, v17;
	v23 =	vcvt.f32.s32 v23;
	[tilespmem:v12+s20+$0x0] =	vst.idx.add.f32.msk $0xffff, v10  }
0xe0: {  	vm5 =	vlt.f32 v9, $0.0e+00;
	v10 =	vtrunc.f32 v26;
	v26 =	vmul.f32 $2.047500000e+03, v8;
	[tilespmem:v12+s21+$0x0] =	vst.idx.add.f32.msk vm2, v1  }
0xe1: {  	v9 =	vand.u32 $0x7FFFFFFF, v6;
	v10 =	vcvt.f32.s32 v10;
	[tilespmem:v16+s20+$0x0] =	vst.idx.add.f32.msk $0xffff, v14  }
0xe2: {  	vm2 =	vlt.f32 v13, $0.0e+00;
	v12 =	vtrunc.f32 v26;
	v14 =	vmul.f32 $2.047500000e+03, v9;
	[tilespmem:v16+s21+$0x0] =	vst.idx.add.f32.msk vm3, v1  }
0xe3: {  	v13 =	vand.u32 $0x7FFFFFFF, v7;
	v12 =	vcvt.f32.s32 v12;
	[tilespmem:v20+s20+$0x0] =	vst.idx.add.f32.msk $0xffff, v18  }
0xe4: {  	vm3 =	vlt.f32 v17, $0.0e+00;
	v14 =	vtrunc.f32 v14;
	v16 =	vmul.f32 $2.047500000e+03, v13;
	[tilespmem:v20+s21+$0x0] =	vst.idx.add.f32.msk vm4, v1  }
0xe5: {  	v17 =	vand.u32 $0x7FFFFFFF, v22;
	v14 =	vcvt.f32.s32 v14;
	[tilespmem:v23+s20+$0x0] =	vst.idx.add.f32.msk $0xffff, v21  }
0xe6: {  	v18 =	vmul.f32 $2.047500000e+03, v17;
	vm4 =	vlt.f32 v6, $0.0e+00;
	v16 =	vtrunc.f32 v16;
	[tilespmem:v23+s21+$0x0] =	vst.idx.add.f32.msk vm5, v1  }
0xe7: {  	v6 =	vand.u32 $0x7FFFFFFF, v19;
	v16 =	vcvt.f32.s32 v16;
	[tilespmem:v10+s20+$0x0] =	vst.idx.add.f32.msk $0xffff, v24  }
0xe8: {  	v18 =	vtrunc.f32 v18;
	v20 =	vmul.f32 $2.047500000e+03, v6;
	vm5 =	vlt.f32 v7, $0.0e+00;
	[tilespmem:v10+s21+$0x0] =	vst.idx.add.f32.msk vm2, v1  }
0xe9: {  	v7 =	vand.u32 $0x7FFFFFFF, v15;
	v10 =	vcvt.f32.s32 v18;
	[tilespmem:v12+s20+$0x0] =	vst.idx.add.f32.msk $0xffff, v8  }
0xea: {  	v18 =	vmul.f32 $2.047500000e+03, v7;
	vm2 =	vlt.f32 v22, $0.0e+00;
	v8 =	vtrunc.f32 v20;
	[tilespmem:v12+s21+$0x0] =	vst.idx.add.f32.msk vm3, v1  }
0xeb: {  	v12 =	vand.u32 $0x7FFFFFFF, v11;
	v8 =	vcvt.f32.s32 v8;
	[tilespmem:v14+s20+$0x0] =	vst.idx.add.f32.msk $0xffff, v9  }
0xec: {  	vm3 =	vlt.f32 v19, $0.0e+00;
	v9 =	vtrunc.f32 v18;
	v18 =	vmul.f32 $2.047500000e+03, v12;
	[tilespmem:v14+s21+$0x0] =	vst.idx.add.f32.msk vm4, v1  }
0xed: {  	v14 =	vand.u32 $0x7FFFFFFF, v5;
	v9 =	vcvt.f32.s32 v9;
	[tilespmem:v16+s20+$0x0] =	vst.idx.add.f32.msk $0xffff, v13  }
0xee: {  	vm4 =	vlt.f32 v15, $0.0e+00;
	v13 =	vtrunc.f32 v18;
	v18 =	vmul.f32 $2.047500000e+03, v14;
	[tilespmem:v16+s21+$0x0] =	vst.idx.add.f32.msk vm5, v1  }
0xef: {  	v15 =	vand.u32 $0x7FFFFFFF, v4;
	v13 =	vcvt.f32.s32 v13;
	[tilespmem:v10+s20+$0x0] =	vst.idx.add.f32.msk $0xffff, v17  }
0xf0: {  	vm5 =	vlt.f32 v11, $0.0e+00;
	v16 =	vtrunc.f32 v18;
	v17 =	vmul.f32 $2.047500000e+03, v15;
	[tilespmem:v10+s21+$0x0] =	vst.idx.add.f32.msk vm2, v1  }
0xf1: {  	v10 =	vand.u32 $0x7FFFFFFF, v3;
	v11 =	vcvt.f32.s32 v16;
	[tilespmem:v8+s20+$0x0] =	vst.idx.add.f32.msk $0xffff, v6  }
0xf2: {  	vm6 =	vlt.f32 v5, $0.0e+00;
	v6 =	vtrunc.f32 v17;
	v16 =	vmul.f32 $2.047500000e+03, v10;
	[tilespmem:v8+s21+$0x0] =	vst.idx.add.f32.msk vm3, v1  }
0xf3: {  	v5 =	vand.u32 $0x7FFFFFFF, v25;
	v6 =	vcvt.f32.s32 v6;
	[tilespmem:v9+s20+$0x0] =	vst.idx.add.f32.msk $0xffff, v7  }
0xf4: {  	v8 =	vmul.f32 $2.047500000e+03, v5;
	vm3 =	vlt.f32 v4, $0.0e+00;
	v7 =	vtrunc.f32 v16;
	[tilespmem:v9+s21+$0x0] =	vst.idx.add.f32.msk vm4, v1  }
0xf5: {  	v4 =	vcvt.f32.s32 v7;
	[tilespmem:v13+s20+$0x0] =	vst.idx.add.f32.msk $0xffff, v12  }
0xf6: {  	v7 =	vtrunc.f32 v8;
	vm4 =	vlt.f32 v3, $0.0e+00;
	[tilespmem:v13+s21+$0x0] =	vst.idx.add.f32.msk vm5, v1  }
0xf7: {  	v3 =	vcvt.f32.s32 v7;
	[tilespmem:v11+s20+$0x0] =	vst.idx.add.f32.msk $0xffff, v14  }
0xf8: {  	vm2 =	vlt.f32 v25, $0.0e+00;
	[tilespmem:v11+s21+$0x0] =	vst.idx.add.f32.msk vm6, v1  }
.Ltmp7:
0xf9: {  	[tilespmem:v6+s20+$0x0] =	vst.idx.add.f32.msk $0xffff, v15;
	(pc) =	sbr.rel @p0 .LBB2_8-.Ltmp7, $4  }
0xfa: {  	[tilespmem:v6+s21+$0x0] =	vst.idx.add.f32.msk vm3, v1  }
0xfb: {  	[tilespmem:v4+s20+$0x0] =	vst.idx.add.f32.msk $0xffff, v10  }
0xfc: {  	[tilespmem:v4+s21+$0x0] =	vst.idx.add.f32.msk vm4, v1  }
0xfd: {  	[tilespmem:v3+s20+$0x0] =	vst.idx.add.f32.msk $0xffff, v5  }
0xfe: {  	_ =	sdelay $0x4  }
0xff: {  	[tilespmem:v3+s21+$0x0] =	vst.idx.add.f32.msk vm2, v1  }
0x100: {  	s0 =	sadd.s32 s9, s29;
	_ =	swait.ge [sflag:s18], $0x4000  }
0x101: {  	s0 =	sshrl.u32 s0, $0x3;
	[sflag:s18] =	ssyncset.done $0x0  }
0x102: {  	s31 =	simm.s32 $0x0;
	s0 =	sadd.s32 s6, s0;
	[sflag:s18] =	ssyncadd.s32 $0xFFFFC000  }
0x103: {  	[tilespmem:s19], [sflag:$0x2] =	stream.strided.gather [hbm4b:s0+s16], $0x4000, s17, s16, $0x38;
	[tilespmem:$0x9080] =	vst v63  }
0x104: {  	v3 =	vld [tilespmem:s31+$0xE0]  }
0x105: {  	v4 =	vld [tilespmem:s31+$0x0]  }
0x106: {  	v5 =	vld [tilespmem:s31+$0x10]  }
0x107: {  	v6 =	vld [tilespmem:s31+$0xD0]  }
0x108: {  	v7 =	vld [tilespmem:s31+$0x20]  }
0x109: {  	v8 =	vld [tilespmem:s31+$0xC0]  }
0x10a: {  	v9 =	vld [tilespmem:s31+$0x30];
	v10 =	vand.u32 $0x7FFFFFFF, v4  }
0x10b: {  	v11 =	vld [tilespmem:s31+$0xB0];
	v12 =	vmul.f32 $2.047500000e+03, v10  }
0x10c: {  	v13 =	vld [tilespmem:s31+$0x40];
	v14 =	vand.u32 $0x7FFFFFFF, v5  }
0x10d: {  	v15 =	vld [tilespmem:s31+$0xA0];
	v16 =	vmul.f32 $2.047500000e+03, v14;
	v12 =	vtrunc.f32 v12  }
0x10e: {  	v17 =	vld [tilespmem:s31+$0x50];
	v18 =	vand.u32 $0x7FFFFFFF, v7;
	v12 =	vcvt.f32.s32 v12  }
0x10f: {  	v19 =	vld [tilespmem:s31+$0x90];
	vm2 =	vlt.f32 v4, $0.0e+00;
	v20 =	vmul.f32 $2.047500000e+03, v18;
	v16 =	vtrunc.f32 v16  }
0x110: {  	v22 =	vld [tilespmem:s31+$0x80];
	v21 =	vand.u32 $0x7FFFFFFF, v9;
	v16 =	vcvt.f32.s32 v16  }
0x111: {  	v4 =	vld [tilespmem:s31+$0x60];
	vm3 =	vlt.f32 v5, $0.0e+00;
	v23 =	vmul.f32 $2.047500000e+03, v21;
	v20 =	vtrunc.f32 v20  }
0x112: {  	v25 =	vld [tilespmem:s31+$0xF0];
	v24 =	vand.u32 $0x7FFFFFFF, v13;
	v20 =	vcvt.f32.s32 v20  }
0x113: {  	v5 =	vld [tilespmem:s31+$0x70];
	vm4 =	vlt.f32 v7, $0.0e+00;
	v26 =	vmul.f32 $2.047500000e+03, v24;
	v23 =	vtrunc.f32 v23  }
0x114: {  	v35 =	vand.u32 $0x7FFFFFFF, v17;
	v23 =	vcvt.f32.s32 v23;
	[tilespmem:v12+s20+$0x0] =	vst.idx.add.f32.msk $0xffff, v10  }
0x115: {  	vm5 =	vlt.f32 v9, $0.0e+00;
	v37 =	vmul.f32 $2.047500000e+03, v35;
	v36 =	vtrunc.f32 v26;
	[tilespmem:v12+s21+$0x0] =	vst.idx.add.f32.msk vm2, v1  }
0x116: {  	v38 =	vand.u32 $0x7FFFFFFF, v4;
	v10 =	vcvt.f32.s32 v36;
	[tilespmem:v16+s20+$0x0] =	vst.idx.add.f32.msk $0xffff, v14  }
0x117: {  	v39 =	vtrunc.f32 v37;
	v40 =	vmul.f32 $2.047500000e+03, v38;
	vm2 =	vlt.f32 v13, $0.0e+00;
	[tilespmem:v16+s21+$0x0] =	vst.idx.add.f32.msk vm3, v1  }
0x118: {  	v41 =	vand.u32 $0x7FFFFFFF, v5;
	v12 =	vcvt.f32.s32 v39;
	[tilespmem:v20+s20+$0x0] =	vst.idx.add.f32.msk $0xffff, v18  }
0x119: {  	v42 =	vmul.f32 $2.047500000e+03, v41;
	v14 =	vtrunc.f32 v40;
	vm3 =	vlt.f32 v17, $0.0e+00;
	[tilespmem:v20+s21+$0x0] =	vst.idx.add.f32.msk vm4, v1  }
0x11a: {  	v43 =	vand.u32 $0x7FFFFFFF, v22;
	v14 =	vcvt.f32.s32 v14;
	[tilespmem:v23+s20+$0x0] =	vst.idx.add.f32.msk $0xffff, v21  }
0x11b: {  	v44 =	vmul.f32 $2.047500000e+03, v43;
	vm11 =	vlt.f32 v4, $0.0e+00;
	v16 =	vtrunc.f32 v42;
	[tilespmem:v23+s21+$0x0] =	vst.idx.add.f32.msk vm5, v1  }
0x11c: {  	v4 =	vand.u32 $0x7FFFFFFF, v19;
	v16 =	vcvt.f32.s32 v16;
	[tilespmem:v10+s20+$0x0] =	vst.idx.add.f32.msk $0xffff, v24  }
0x11d: {  	vm12 =	vlt.f32 v5, $0.0e+00;
	v45 =	vmul.f32 $2.047500000e+03, v4;
	v18 =	vtrunc.f32 v44;
	[tilespmem:v10+s21+$0x0] =	vst.idx.add.f32.msk vm2, v1  }
0x11e: {  	v5 =	vand.u32 $0x7FFFFFFF, v15;
	v46 =	vcvt.f32.s32 v18;
	[tilespmem:v12+s20+$0x0] =	vst.idx.add.f32.msk $0xffff, v35  }
0x11f: {  	v48 =	vmul.f32 $2.047500000e+03, v5;
	v47 =	vtrunc.f32 v45;
	vm2 =	vlt.f32 v22, $0.0e+00;
	[tilespmem:v12+s21+$0x0] =	vst.idx.add.f32.msk vm3, v1  }
0x120: {  	v49 =	vand.u32 $0x7FFFFFFF, v11;
	v7 =	vcvt.f32.s32 v47;
	[tilespmem:v14+s20+$0x0] =	vst.idx.add.f32.msk $0xffff, v38  }
0x121: {  	v51 =	vmul.f32 $2.047500000e+03, v49;
	v50 =	vtrunc.f32 v48;
	vm3 =	vlt.f32 v19, $0.0e+00;
	[tilespmem:v14+s21+$0x0] =	vst.idx.add.f32.msk vm11, v1  }
0x122: {  	v52 =	vand.u32 $0x7FFFFFFF, v8;
	v9 =	vcvt.f32.s32 v50;
	[tilespmem:v16+s20+$0x0] =	vst.idx.add.f32.msk $0xffff, v41  }
0x123: {  	vm13 =	vlt.f32 v15, $0.0e+00;
	v54 =	vmul.f32 $2.047500000e+03, v52;
	v53 =	vtrunc.f32 v51;
	[tilespmem:v16+s21+$0x0] =	vst.idx.add.f32.msk vm12, v1  }
0x124: {  	v55 =	vand.u32 $0x7FFFFFFF, v6;
	v13 =	vcvt.f32.s32 v53;
	[tilespmem:v46+s20+$0x0] =	vst.idx.add.f32.msk $0xffff, v43  }
0x125: {  	vm14 =	vlt.f32 v11, $0.0e+00;
	v57 =	vmul.f32 $2.047500000e+03, v55;
	v56 =	vtrunc.f32 v54;
	[tilespmem:v46+s21+$0x0] =	vst.idx.add.f32.msk vm2, v1  }
0x126: {  	v58 =	vand.u32 $0x7FFFFFFF, v3;
	v59 =	vcvt.f32.s32 v56;
	[tilespmem:v7+s20+$0x0] =	vst.idx.add.f32.msk $0xffff, v4  }
0x127: {  	v60 =	vmul.f32 $2.047500000e+03, v58;
	vm2 =	vlt.f32 v8, $0.0e+00;
	v4 =	vtrunc.f32 v57;
	[tilespmem:v7+s21+$0x0] =	vst.idx.add.f32.msk vm3, v1  }
0x128: {  	v61 =	vand.u32 $0x7FFFFFFF, v25;
	v4 =	vcvt.f32.s32 v4;
	[tilespmem:v9+s20+$0x0] =	vst.idx.add.f32.msk $0xffff, v5  }
0x129: {  	v62 =	vmul.f32 $2.047500000e+03, v61;
	vm3 =	vlt.f32 v6, $0.0e+00;
	v5 =	vtrunc.f32 v60;
	[tilespmem:v9+s21+$0x0] =	vst.idx.add.f32.msk vm13, v1  }
0x12a: {  	v5 =	vcvt.f32.s32 v5;
	[tilespmem:v13+s20+$0x0] =	vst.idx.add.f32.msk $0xffff, v49  }
0x12b: {  	vm15 =	vlt.f32 v3, $0.0e+00;
	v63 =	vtrunc.f32 v62;
	[tilespmem:v13+s21+$0x0] =	vst.idx.add.f32.msk vm14, v1  }
0x12c: {  	v3 =	vcvt.f32.s32 v63;
	[tilespmem:v59+s20+$0x0] =	vst.idx.add.f32.msk $0xffff, v52  }
0x12d: {  	[tilespmem:v59+s21+$0x0] =	vst.idx.add.f32.msk vm2, v1;
	vm2 =	vlt.f32 v25, $0.0e+00  }
0x12e: {  	[tilespmem:v4+s20+$0x0] =	vst.idx.add.f32.msk $0xffff, v55  }
0x12f: {  	[tilespmem:v4+s21+$0x0] =	vst.idx.add.f32.msk vm3, v1  }
0x130: {  	[tilespmem:v5+s20+$0x0] =	vst.idx.add.f32.msk $0xffff, v58  }
0x131: {  	[tilespmem:v5+s21+$0x0] =	vst.idx.add.f32.msk vm15, v1  }
0x132: {  	s30 =	simm.s32 $0x400;
	[tilespmem:v3+s20+$0x0] =	vst.idx.add.f32.msk $0xffff, v61  }
.LBB2_10:
0x133: {  	s0 =	sshra.s32 s30, $0x2;
	p0 =	sne.s32 s30, $0xFC00;
	s30 =	sadd.s32 $0x400, s30;
	[tilespmem:v3+s21+$0x0] =	vst.idx.add.f32.msk vm2, v1  }
0x134: {  	v3 =	vld [tilespmem:s0+$0xE0]  }
0x135: {  	v6 =	vld [tilespmem:s0+$0x0]  }
0x136: {  	v7 =	vld [tilespmem:s0+$0x10]  }
0x137: {  	v4 =	vld [tilespmem:s0+$0xD0]  }
0x138: {  	v8 =	vld [tilespmem:s0+$0x20]  }
0x139: {  	v5 =	vld [tilespmem:s0+$0xC0]  }
0x13a: {  	v9 =	vld [tilespmem:s0+$0x30];
	v10 =	vand.u32 $0x7FFFFFFF, v6  }
0x13b: {  	v11 =	vld [tilespmem:s0+$0xB0];
	v12 =	vmul.f32 $2.047500000e+03, v10  }
0x13c: {  	v14 =	vand.u32 $0x7FFFFFFF, v7;
	v13 =	vld [tilespmem:s0+$0x40]  }
0x13d: {  	v16 =	vmul.f32 $2.047500000e+03, v14;
	v15 =	vld [tilespmem:s0+$0xA0];
	v12 =	vtrunc.f32 v12  }
0x13e: {  	v18 =	vand.u32 $0x7FFFFFFF, v8;
	v17 =	vld [tilespmem:s0+$0x50];
	v12 =	vcvt.f32.s32 v12  }
0x13f: {  	vm2 =	vlt.f32 v6, $0.0e+00;
	v16 =	vtrunc.f32 v16;
	v20 =	vmul.f32 $2.047500000e+03, v18;
	v19 =	vld [tilespmem:s0+$0x90]  }
0x140: {  	v21 =	vand.u32 $0x7FFFFFFF, v9;
	v16 =	vcvt.f32.s32 v16;
	v6 =	vld [tilespmem:s0+$0x60]  }
0x141: {  	vm3 =	vlt.f32 v7, $0.0e+00;
	v20 =	vtrunc.f32 v20;
	v23 =	vmul.f32 $2.047500000e+03, v21;
	v22 =	vld [tilespmem:s0+$0x80]  }
0x142: {  	v24 =	vand.u32 $0x7FFFFFFF, v13;
	v20 =	vcvt.f32.s32 v20;
	v7 =	vld [tilespmem:s0+$0x70]  }
0x143: {  	vm4 =	vlt.f32 v8, $0.0e+00;
	v23 =	vtrunc.f32 v23;
	v26 =	vmul.f32 $2.047500000e+03, v24;
	v25 =	vld [tilespmem:s0+$0xF0]  }
0x144: {  	v8 =	vand.u32 $0x7FFFFFFF, v17;
	v23 =	vcvt.f32.s32 v23;
	[tilespmem:v12+s20+$0x0] =	vst.idx.add.f32.msk $0xffff, v10  }
0x145: {  	vm5 =	vlt.f32 v9, $0.0e+00;
	v10 =	vtrunc.f32 v26;
	v26 =	vmul.f32 $2.047500000e+03, v8;
	[tilespmem:v12+s21+$0x0] =	vst.idx.add.f32.msk vm2, v1  }
0x146: {  	v9 =	vand.u32 $0x7FFFFFFF, v6;
	v10 =	vcvt.f32.s32 v10;
	[tilespmem:v16+s20+$0x0] =	vst.idx.add.f32.msk $0xffff, v14  }
0x147: {  	vm2 =	vlt.f32 v13, $0.0e+00;
	v12 =	vtrunc.f32 v26;
	v14 =	vmul.f32 $2.047500000e+03, v9;
	[tilespmem:v16+s21+$0x0] =	vst.idx.add.f32.msk vm3, v1  }
0x148: {  	v13 =	vand.u32 $0x7FFFFFFF, v7;
	v12 =	vcvt.f32.s32 v12;
	[tilespmem:v20+s20+$0x0] =	vst.idx.add.f32.msk $0xffff, v18  }
0x149: {  	vm3 =	vlt.f32 v17, $0.0e+00;
	v14 =	vtrunc.f32 v14;
	v16 =	vmul.f32 $2.047500000e+03, v13;
	[tilespmem:v20+s21+$0x0] =	vst.idx.add.f32.msk vm4, v1  }
0x14a: {  	v17 =	vand.u32 $0x7FFFFFFF, v22;
	v14 =	vcvt.f32.s32 v14;
	[tilespmem:v23+s20+$0x0] =	vst.idx.add.f32.msk $0xffff, v21  }
0x14b: {  	v18 =	vmul.f32 $2.047500000e+03, v17;
	vm4 =	vlt.f32 v6, $0.0e+00;
	v16 =	vtrunc.f32 v16;
	[tilespmem:v23+s21+$0x0] =	vst.idx.add.f32.msk vm5, v1  }
0x14c: {  	v6 =	vand.u32 $0x7FFFFFFF, v19;
	v16 =	vcvt.f32.s32 v16;
	[tilespmem:v10+s20+$0x0] =	vst.idx.add.f32.msk $0xffff, v24  }
0x14d: {  	v18 =	vtrunc.f32 v18;
	v20 =	vmul.f32 $2.047500000e+03, v6;
	vm5 =	vlt.f32 v7, $0.0e+00;
	[tilespmem:v10+s21+$0x0] =	vst.idx.add.f32.msk vm2, v1  }
0x14e: {  	v7 =	vand.u32 $0x7FFFFFFF, v15;
	v10 =	vcvt.f32.s32 v18;
	[tilespmem:v12+s20+$0x0] =	vst.idx.add.f32.msk $0xffff, v8  }
0x14f: {  	v18 =	vmul.f32 $2.047500000e+03, v7;
	vm2 =	vlt.f32 v22, $0.0e+00;
	v8 =	vtrunc.f32 v20;
	[tilespmem:v12+s21+$0x0] =	vst.idx.add.f32.msk vm3, v1  }
0x150: {  	v12 =	vand.u32 $0x7FFFFFFF, v11;
	v8 =	vcvt.f32.s32 v8;
	[tilespmem:v14+s20+$0x0] =	vst.idx.add.f32.msk $0xffff, v9  }
0x151: {  	vm3 =	vlt.f32 v19, $0.0e+00;
	v9 =	vtrunc.f32 v18;
	v18 =	vmul.f32 $2.047500000e+03, v12;
	[tilespmem:v14+s21+$0x0] =	vst.idx.add.f32.msk vm4, v1  }
0x152: {  	v14 =	vand.u32 $0x7FFFFFFF, v5;
	v9 =	vcvt.f32.s32 v9;
	[tilespmem:v16+s20+$0x0] =	vst.idx.add.f32.msk $0xffff, v13  }
0x153: {  	vm4 =	vlt.f32 v15, $0.0e+00;
	v13 =	vtrunc.f32 v18;
	v18 =	vmul.f32 $2.047500000e+03, v14;
	[tilespmem:v16+s21+$0x0] =	vst.idx.add.f32.msk vm5, v1  }
0x154: {  	v15 =	vand.u32 $0x7FFFFFFF, v4;
	v13 =	vcvt.f32.s32 v13;
	[tilespmem:v10+s20+$0x0] =	vst.idx.add.f32.msk $0xffff, v17  }
0x155: {  	vm5 =	vlt.f32 v11, $0.0e+00;
	v16 =	vtrunc.f32 v18;
	v17 =	vmul.f32 $2.047500000e+03, v15;
	[tilespmem:v10+s21+$0x0] =	vst.idx.add.f32.msk vm2, v1  }
0x156: {  	v10 =	vand.u32 $0x7FFFFFFF, v3;
	v11 =	vcvt.f32.s32 v16;
	[tilespmem:v8+s20+$0x0] =	vst.idx.add.f32.msk $0xffff, v6  }
0x157: {  	vm6 =	vlt.f32 v5, $0.0e+00;
	v6 =	vtrunc.f32 v17;
	v16 =	vmul.f32 $2.047500000e+03, v10;
	[tilespmem:v8+s21+$0x0] =	vst.idx.add.f32.msk vm3, v1  }
0x158: {  	v5 =	vand.u32 $0x7FFFFFFF, v25;
	v6 =	vcvt.f32.s32 v6;
	[tilespmem:v9+s20+$0x0] =	vst.idx.add.f32.msk $0xffff, v7  }
0x159: {  	v8 =	vmul.f32 $2.047500000e+03, v5;
	vm3 =	vlt.f32 v4, $0.0e+00;
	v7 =	vtrunc.f32 v16;
	[tilespmem:v9+s21+$0x0] =	vst.idx.add.f32.msk vm4, v1  }
0x15a: {  	v4 =	vcvt.f32.s32 v7;
	[tilespmem:v13+s20+$0x0] =	vst.idx.add.f32.msk $0xffff, v12  }
0x15b: {  	v7 =	vtrunc.f32 v8;
	vm4 =	vlt.f32 v3, $0.0e+00;
	[tilespmem:v13+s21+$0x0] =	vst.idx.add.f32.msk vm5, v1  }
0x15c: {  	v3 =	vcvt.f32.s32 v7;
	[tilespmem:v11+s20+$0x0] =	vst.idx.add.f32.msk $0xffff, v14  }
0x15d: {  	vm2 =	vlt.f32 v25, $0.0e+00;
	[tilespmem:v11+s21+$0x0] =	vst.idx.add.f32.msk vm6, v1  }
.Ltmp8:
0x15e: {  	[tilespmem:v6+s20+$0x0] =	vst.idx.add.f32.msk $0xffff, v15;
	(pc) =	sbr.rel @p0 .LBB2_10-.Ltmp8, $4  }
0x15f: {  	[tilespmem:v6+s21+$0x0] =	vst.idx.add.f32.msk vm3, v1  }
0x160: {  	[tilespmem:v4+s20+$0x0] =	vst.idx.add.f32.msk $0xffff, v10  }
0x161: {  	[tilespmem:v4+s21+$0x0] =	vst.idx.add.f32.msk vm4, v1  }
0x162: {  	[tilespmem:v3+s20+$0x0] =	vst.idx.add.f32.msk $0xffff, v5  }
0x163: {  	_ =	sdelay $0x4  }
0x164: {  	[tilespmem:v3+s21+$0x0] =	vst.idx.add.f32.msk vm2, v1  }
0x165: {  	s0 =	sadd.s32 s10, s29;
	_ =	swait.ge [sflag:s22], $0x4000  }
0x166: {  	s1 =	simm.s32 $0x0;
	s0 =	sshrl.u32 s0, $0x3;
	[sflag:s22] =	ssyncset.done $0x0  }
0x167: {  	s31 =	simm.s32 $0x0;
	s0 =	sadd.s32 s6, s0;
	[sflag:s22] =	ssyncadd.s32 $0xFFFFC000  }
0x168: {  	[tilespmem:s1], [sflag:$0x1] =	stream.strided.gather [hbm4b:s0+s16], $0x4000, s17, s16, $0x38;
	[tilespmem:$0x9080] =	vst v63  }
0x169: {  	v3 =	vld [tilespmem:s31+$0x40E0]  }
0x16a: {  	v4 =	vld [tilespmem:s31+$0x4000]  }
0x16b: {  	v5 =	vld [tilespmem:s31+$0x4010]  }
0x16c: {  	v6 =	vld [tilespmem:s31+$0x40D0]  }
0x16d: {  	v7 =	vld [tilespmem:s31+$0x4020]  }
0x16e: {  	v8 =	vld [tilespmem:s31+$0x40C0]  }
0x16f: {  	v9 =	vld [tilespmem:s31+$0x4030];
	v10 =	vand.u32 $0x7FFFFFFF, v4  }
0x170: {  	v11 =	vld [tilespmem:s31+$0x40B0];
	v12 =	vmul.f32 $2.047500000e+03, v10  }
0x171: {  	v13 =	vld [tilespmem:s31+$0x4040];
	v14 =	vand.u32 $0x7FFFFFFF, v5  }
0x172: {  	v15 =	vld [tilespmem:s31+$0x40A0];
	v16 =	vmul.f32 $2.047500000e+03, v14;
	v12 =	vtrunc.f32 v12  }
0x173: {  	v17 =	vld [tilespmem:s31+$0x4050];
	v18 =	vand.u32 $0x7FFFFFFF, v7;
	v12 =	vcvt.f32.s32 v12  }
0x174: {  	v19 =	vld [tilespmem:s31+$0x4090];
	vm2 =	vlt.f32 v4, $0.0e+00;
	v20 =	vmul.f32 $2.047500000e+03, v18;
	v16 =	vtrunc.f32 v16  }
0x175: {  	v22 =	vld [tilespmem:s31+$0x4080];
	v21 =	vand.u32 $0x7FFFFFFF, v9;
	v16 =	vcvt.f32.s32 v16  }
0x176: {  	v4 =	vld [tilespmem:s31+$0x4060];
	vm3 =	vlt.f32 v5, $0.0e+00;
	v23 =	vmul.f32 $2.047500000e+03, v21;
	v20 =	vtrunc.f32 v20  }
0x177: {  	v25 =	vld [tilespmem:s31+$0x40F0];
	v24 =	vand.u32 $0x7FFFFFFF, v13;
	v20 =	vcvt.f32.s32 v20  }
0x178: {  	v5 =	vld [tilespmem:s31+$0x4070];
	vm4 =	vlt.f32 v7, $0.0e+00;
	v26 =	vmul.f32 $2.047500000e+03, v24;
	v23 =	vtrunc.f32 v23  }
0x179: {  	v35 =	vand.u32 $0x7FFFFFFF, v17;
	v23 =	vcvt.f32.s32 v23;
	[tilespmem:v12+s20+$0x0] =	vst.idx.add.f32.msk $0xffff, v10  }
0x17a: {  	vm5 =	vlt.f32 v9, $0.0e+00;
	v37 =	vmul.f32 $2.047500000e+03, v35;
	v36 =	vtrunc.f32 v26;
	[tilespmem:v12+s21+$0x0] =	vst.idx.add.f32.msk vm2, v1  }
0x17b: {  	v38 =	vand.u32 $0x7FFFFFFF, v4;
	v10 =	vcvt.f32.s32 v36;
	[tilespmem:v16+s20+$0x0] =	vst.idx.add.f32.msk $0xffff, v14  }
0x17c: {  	v39 =	vtrunc.f32 v37;
	v40 =	vmul.f32 $2.047500000e+03, v38;
	vm2 =	vlt.f32 v13, $0.0e+00;
	[tilespmem:v16+s21+$0x0] =	vst.idx.add.f32.msk vm3, v1  }
0x17d: {  	v41 =	vand.u32 $0x7FFFFFFF, v5;
	v12 =	vcvt.f32.s32 v39;
	[tilespmem:v20+s20+$0x0] =	vst.idx.add.f32.msk $0xffff, v18  }
0x17e: {  	v42 =	vmul.f32 $2.047500000e+03, v41;
	v14 =	vtrunc.f32 v40;
	vm3 =	vlt.f32 v17, $0.0e+00;
	[tilespmem:v20+s21+$0x0] =	vst.idx.add.f32.msk vm4, v1  }
0x17f: {  	v43 =	vand.u32 $0x7FFFFFFF, v22;
	v14 =	vcvt.f32.s32 v14;
	[tilespmem:v23+s20+$0x0] =	vst.idx.add.f32.msk $0xffff, v21  }
0x180: {  	v44 =	vmul.f32 $2.047500000e+03, v43;
	vm11 =	vlt.f32 v4, $0.0e+00;
	v16 =	vtrunc.f32 v42;
	[tilespmem:v23+s21+$0x0] =	vst.idx.add.f32.msk vm5, v1  }
0x181: {  	v4 =	vand.u32 $0x7FFFFFFF, v19;
	v16 =	vcvt.f32.s32 v16;
	[tilespmem:v10+s20+$0x0] =	vst.idx.add.f32.msk $0xffff, v24  }
0x182: {  	vm12 =	vlt.f32 v5, $0.0e+00;
	v45 =	vmul.f32 $2.047500000e+03, v4;
	v18 =	vtrunc.f32 v44;
	[tilespmem:v10+s21+$0x0] =	vst.idx.add.f32.msk vm2, v1  }
0x183: {  	v5 =	vand.u32 $0x7FFFFFFF, v15;
	v46 =	vcvt.f32.s32 v18;
	[tilespmem:v12+s20+$0x0] =	vst.idx.add.f32.msk $0xffff, v35  }
0x184: {  	v48 =	vmul.f32 $2.047500000e+03, v5;
	v47 =	vtrunc.f32 v45;
	vm2 =	vlt.f32 v22, $0.0e+00;
	[tilespmem:v12+s21+$0x0] =	vst.idx.add.f32.msk vm3, v1  }
0x185: {  	v49 =	vand.u32 $0x7FFFFFFF, v11;
	v7 =	vcvt.f32.s32 v47;
	[tilespmem:v14+s20+$0x0] =	vst.idx.add.f32.msk $0xffff, v38  }
0x186: {  	v51 =	vmul.f32 $2.047500000e+03, v49;
	v50 =	vtrunc.f32 v48;
	vm3 =	vlt.f32 v19, $0.0e+00;
	[tilespmem:v14+s21+$0x0] =	vst.idx.add.f32.msk vm11, v1  }
0x187: {  	v52 =	vand.u32 $0x7FFFFFFF, v8;
	v9 =	vcvt.f32.s32 v50;
	[tilespmem:v16+s20+$0x0] =	vst.idx.add.f32.msk $0xffff, v41  }
0x188: {  	vm13 =	vlt.f32 v15, $0.0e+00;
	v54 =	vmul.f32 $2.047500000e+03, v52;
	v53 =	vtrunc.f32 v51;
	[tilespmem:v16+s21+$0x0] =	vst.idx.add.f32.msk vm12, v1  }
0x189: {  	v55 =	vand.u32 $0x7FFFFFFF, v6;
	v13 =	vcvt.f32.s32 v53;
	[tilespmem:v46+s20+$0x0] =	vst.idx.add.f32.msk $0xffff, v43  }
0x18a: {  	vm14 =	vlt.f32 v11, $0.0e+00;
	v57 =	vmul.f32 $2.047500000e+03, v55;
	v56 =	vtrunc.f32 v54;
	[tilespmem:v46+s21+$0x0] =	vst.idx.add.f32.msk vm2, v1  }
0x18b: {  	v58 =	vand.u32 $0x7FFFFFFF, v3;
	v59 =	vcvt.f32.s32 v56;
	[tilespmem:v7+s20+$0x0] =	vst.idx.add.f32.msk $0xffff, v4  }
0x18c: {  	v60 =	vmul.f32 $2.047500000e+03, v58;
	vm2 =	vlt.f32 v8, $0.0e+00;
	v4 =	vtrunc.f32 v57;
	[tilespmem:v7+s21+$0x0] =	vst.idx.add.f32.msk vm3, v1  }
0x18d: {  	v61 =	vand.u32 $0x7FFFFFFF, v25;
	v4 =	vcvt.f32.s32 v4;
	[tilespmem:v9+s20+$0x0] =	vst.idx.add.f32.msk $0xffff, v5  }
0x18e: {  	v62 =	vmul.f32 $2.047500000e+03, v61;
	vm3 =	vlt.f32 v6, $0.0e+00;
	v5 =	vtrunc.f32 v60;
	[tilespmem:v9+s21+$0x0] =	vst.idx.add.f32.msk vm13, v1  }
0x18f: {  	v5 =	vcvt.f32.s32 v5;
	[tilespmem:v13+s20+$0x0] =	vst.idx.add.f32.msk $0xffff, v49  }
0x190: {  	vm15 =	vlt.f32 v3, $0.0e+00;
	v63 =	vtrunc.f32 v62;
	[tilespmem:v13+s21+$0x0] =	vst.idx.add.f32.msk vm14, v1  }
0x191: {  	v3 =	vcvt.f32.s32 v63;
	[tilespmem:v59+s20+$0x0] =	vst.idx.add.f32.msk $0xffff, v52  }
0x192: {  	[tilespmem:v59+s21+$0x0] =	vst.idx.add.f32.msk vm2, v1;
	vm2 =	vlt.f32 v25, $0.0e+00  }
0x193: {  	[tilespmem:v4+s20+$0x0] =	vst.idx.add.f32.msk $0xffff, v55  }
0x194: {  	[tilespmem:v4+s21+$0x0] =	vst.idx.add.f32.msk vm3, v1  }
0x195: {  	[tilespmem:v5+s20+$0x0] =	vst.idx.add.f32.msk $0xffff, v58  }
0x196: {  	[tilespmem:v5+s21+$0x0] =	vst.idx.add.f32.msk vm15, v1  }
0x197: {  	s30 =	simm.s32 $0x400;
	[tilespmem:v3+s20+$0x0] =	vst.idx.add.f32.msk $0xffff, v61  }
.LBB2_12:
0x198: {  	s0 =	sshra.s32 s30, $0x2;
	p0 =	sne.s32 s30, $0xFC00;
	s30 =	sadd.s32 $0x400, s30;
	[tilespmem:v3+s21+$0x0] =	vst.idx.add.f32.msk vm2, v1  }
0x199: {  	v3 =	vld [tilespmem:s0+$0x40E0]  }
0x19a: {  	v6 =	vld [tilespmem:s0+$0x4000]  }
0x19b: {  	v7 =	vld [tilespmem:s0+$0x4010]  }
0x19c: {  	v4 =	vld [tilespmem:s0+$0x40D0]  }
0x19d: {  	v8 =	vld [tilespmem:s0+$0x4020]  }
0x19e: {  	v5 =	vld [tilespmem:s0+$0x40C0]  }
0x19f: {  	v9 =	vld [tilespmem:s0+$0x4030];
	v10 =	vand.u32 $0x7FFFFFFF, v6  }
0x1a0: {  	v11 =	vld [tilespmem:s0+$0x40B0];
	v12 =	vmul.f32 $2.047500000e+03, v10  }
0x1a1: {  	v14 =	vand.u32 $0x7FFFFFFF, v7;
	v13 =	vld [tilespmem:s0+$0x4040]  }
0x1a2: {  	v16 =	vmul.f32 $2.047500000e+03, v14;
	v15 =	vld [tilespmem:s0+$0x40A0];
	v12 =	vtrunc.f32 v12  }
0x1a3: {  	v18 =	vand.u32 $0x7FFFFFFF, v8;
	v17 =	vld [tilespmem:s0+$0x4050];
	v12 =	vcvt.f32.s32 v12  }
0x1a4: {  	vm2 =	vlt.f32 v6, $0.0e+00;
	v16 =	vtrunc.f32 v16;
	v20 =	vmul.f32 $2.047500000e+03, v18;
	v19 =	vld [tilespmem:s0+$0x4090]  }
0x1a5: {  	v21 =	vand.u32 $0x7FFFFFFF, v9;
	v16 =	vcvt.f32.s32 v16;
	v6 =	vld [tilespmem:s0+$0x4060]  }
0x1a6: {  	vm3 =	vlt.f32 v7, $0.0e+00;
	v20 =	vtrunc.f32 v20;
	v23 =	vmul.f32 $2.047500000e+03, v21;
	v22 =	vld [tilespmem:s0+$0x4080]  }
0x1a7: {  	v24 =	vand.u32 $0x7FFFFFFF, v13;
	v20 =	vcvt.f32.s32 v20;
	v7 =	vld [tilespmem:s0+$0x4070]  }
0x1a8: {  	vm4 =	vlt.f32 v8, $0.0e+00;
	v23 =	vtrunc.f32 v23;
	v26 =	vmul.f32 $2.047500000e+03, v24;
	v25 =	vld [tilespmem:s0+$0x40F0]  }
0x1a9: {  	v8 =	vand.u32 $0x7FFFFFFF, v17;
	v23 =	vcvt.f32.s32 v23;
	[tilespmem:v12+s20+$0x0] =	vst.idx.add.f32.msk $0xffff, v10  }
0x1aa: {  	vm5 =	vlt.f32 v9, $0.0e+00;
	v10 =	vtrunc.f32 v26;
	v26 =	vmul.f32 $2.047500000e+03, v8;
	[tilespmem:v12+s21+$0x0] =	vst.idx.add.f32.msk vm2, v1  }
0x1ab: {  	v9 =	vand.u32 $0x7FFFFFFF, v6;
	v10 =	vcvt.f32.s32 v10;
	[tilespmem:v16+s20+$0x0] =	vst.idx.add.f32.msk $0xffff, v14  }
0x1ac: {  	vm2 =	vlt.f32 v13, $0.0e+00;
	v12 =	vtrunc.f32 v26;
	v14 =	vmul.f32 $2.047500000e+03, v9;
	[tilespmem:v16+s21+$0x0] =	vst.idx.add.f32.msk vm3, v1  }
0x1ad: {  	v13 =	vand.u32 $0x7FFFFFFF, v7;
	v12 =	vcvt.f32.s32 v12;
	[tilespmem:v20+s20+$0x0] =	vst.idx.add.f32.msk $0xffff, v18  }
0x1ae: {  	vm3 =	vlt.f32 v17, $0.0e+00;
	v14 =	vtrunc.f32 v14;
	v16 =	vmul.f32 $2.047500000e+03, v13;
	[tilespmem:v20+s21+$0x0] =	vst.idx.add.f32.msk vm4, v1  }
0x1af: {  	v17 =	vand.u32 $0x7FFFFFFF, v22;
	v14 =	vcvt.f32.s32 v14;
	[tilespmem:v23+s20+$0x0] =	vst.idx.add.f32.msk $0xffff, v21  }
0x1b0: {  	v18 =	vmul.f32 $2.047500000e+03, v17;
	vm4 =	vlt.f32 v6, $0.0e+00;
	v16 =	vtrunc.f32 v16;
	[tilespmem:v23+s21+$0x0] =	vst.idx.add.f32.msk vm5, v1  }
0x1b1: {  	v6 =	vand.u32 $0x7FFFFFFF, v19;
	v16 =	vcvt.f32.s32 v16;
	[tilespmem:v10+s20+$0x0] =	vst.idx.add.f32.msk $0xffff, v24  }
0x1b2: {  	v18 =	vtrunc.f32 v18;
	v20 =	vmul.f32 $2.047500000e+03, v6;
	vm5 =	vlt.f32 v7, $0.0e+00;
	[tilespmem:v10+s21+$0x0] =	vst.idx.add.f32.msk vm2, v1  }
0x1b3: {  	v7 =	vand.u32 $0x7FFFFFFF, v15;
	v10 =	vcvt.f32.s32 v18;
	[tilespmem:v12+s20+$0x0] =	vst.idx.add.f32.msk $0xffff, v8  }
0x1b4: {  	v18 =	vmul.f32 $2.047500000e+03, v7;
	vm2 =	vlt.f32 v22, $0.0e+00;
	v8 =	vtrunc.f32 v20;
	[tilespmem:v12+s21+$0x0] =	vst.idx.add.f32.msk vm3, v1  }
0x1b5: {  	v12 =	vand.u32 $0x7FFFFFFF, v11;
	v8 =	vcvt.f32.s32 v8;
	[tilespmem:v14+s20+$0x0] =	vst.idx.add.f32.msk $0xffff, v9  }
0x1b6: {  	vm3 =	vlt.f32 v19, $0.0e+00;
	v9 =	vtrunc.f32 v18;
	v18 =	vmul.f32 $2.047500000e+03, v12;
	[tilespmem:v14+s21+$0x0] =	vst.idx.add.f32.msk vm4, v1  }
0x1b7: {  	v14 =	vand.u32 $0x7FFFFFFF, v5;
	v9 =	vcvt.f32.s32 v9;
	[tilespmem:v16+s20+$0x0] =	vst.idx.add.f32.msk $0xffff, v13  }
0x1b8: {  	vm4 =	vlt.f32 v15, $0.0e+00;
	v13 =	vtrunc.f32 v18;
	v18 =	vmul.f32 $2.047500000e+03, v14;
	[tilespmem:v16+s21+$0x0] =	vst.idx.add.f32.msk vm5, v1  }
0x1b9: {  	v15 =	vand.u32 $0x7FFFFFFF, v4;
	v13 =	vcvt.f32.s32 v13;
	[tilespmem:v10+s20+$0x0] =	vst.idx.add.f32.msk $0xffff, v17  }
0x1ba: {  	vm5 =	vlt.f32 v11, $0.0e+00;
	v16 =	vtrunc.f32 v18;
	v17 =	vmul.f32 $2.047500000e+03, v15;
	[tilespmem:v10+s21+$0x0] =	vst.idx.add.f32.msk vm2, v1  }
0x1bb: {  	v10 =	vand.u32 $0x7FFFFFFF, v3;
	v11 =	vcvt.f32.s32 v16;
	[tilespmem:v8+s20+$0x0] =	vst.idx.add.f32.msk $0xffff, v6  }
0x1bc: {  	vm6 =	vlt.f32 v5, $0.0e+00;
	v6 =	vtrunc.f32 v17;
	v16 =	vmul.f32 $2.047500000e+03, v10;
	[tilespmem:v8+s21+$0x0] =	vst.idx.add.f32.msk vm3, v1  }
0x1bd: {  	v5 =	vand.u32 $0x7FFFFFFF, v25;
	v6 =	vcvt.f32.s32 v6;
	[tilespmem:v9+s20+$0x0] =	vst.idx.add.f32.msk $0xffff, v7  }
0x1be: {  	v8 =	vmul.f32 $2.047500000e+03, v5;
	vm3 =	vlt.f32 v4, $0.0e+00;
	v7 =	vtrunc.f32 v16;
	[tilespmem:v9+s21+$0x0] =	vst.idx.add.f32.msk vm4, v1  }
0x1bf: {  	v4 =	vcvt.f32.s32 v7;
	[tilespmem:v13+s20+$0x0] =	vst.idx.add.f32.msk $0xffff, v12  }
0x1c0: {  	v7 =	vtrunc.f32 v8;
	vm4 =	vlt.f32 v3, $0.0e+00;
	[tilespmem:v13+s21+$0x0] =	vst.idx.add.f32.msk vm5, v1  }
0x1c1: {  	v3 =	vcvt.f32.s32 v7;
	[tilespmem:v11+s20+$0x0] =	vst.idx.add.f32.msk $0xffff, v14  }
0x1c2: {  	vm2 =	vlt.f32 v25, $0.0e+00;
	[tilespmem:v11+s21+$0x0] =	vst.idx.add.f32.msk vm6, v1  }
.Ltmp9:
0x1c3: {  	[tilespmem:v6+s20+$0x0] =	vst.idx.add.f32.msk $0xffff, v15;
	(pc) =	sbr.rel @p0 .LBB2_12-.Ltmp9, $4  }
0x1c4: {  	[tilespmem:v6+s21+$0x0] =	vst.idx.add.f32.msk vm3, v1  }
0x1c5: {  	[tilespmem:v4+s20+$0x0] =	vst.idx.add.f32.msk $0xffff, v10  }
0x1c6: {  	[tilespmem:v4+s21+$0x0] =	vst.idx.add.f32.msk vm4, v1  }
0x1c7: {  	[tilespmem:v3+s20+$0x0] =	vst.idx.add.f32.msk $0xffff, v5  }
0x1c8: {  	_ =	sdelay $0x4  }
0x1c9: {  	[tilespmem:v3+s21+$0x0] =	vst.idx.add.f32.msk vm2, v1  }
0x1ca: {  	s0 =	sadd.s32 s11, s29;
	_ =	swait.ge [sflag:s18], $0x4000  }
0x1cb: {  	s0 =	sshrl.u32 s0, $0x3;
	[sflag:s18] =	ssyncset.done $0x0  }
0x1cc: {  	s31 =	simm.s32 $0x0;
	s0 =	sadd.s32 s6, s0;
	[sflag:s18] =	ssyncadd.s32 $0xFFFFC000  }
0x1cd: {  	[tilespmem:s19], [sflag:$0x2] =	stream.strided.gather [hbm4b:s0+s16], $0x4000, s17, s16, $0x38;
	[tilespmem:$0x9080] =	vst v63  }
0x1ce: {  	v3 =	vld [tilespmem:s31+$0xE0]  }
0x1cf: {  	v4 =	vld [tilespmem:s31+$0x0]  }
0x1d0: {  	v5 =	vld [tilespmem:s31+$0x10]  }
0x1d1: {  	v6 =	vld [tilespmem:s31+$0xD0]  }
0x1d2: {  	v7 =	vld [tilespmem:s31+$0x20]  }
0x1d3: {  	v8 =	vld [tilespmem:s31+$0xC0]  }
0x1d4: {  	v9 =	vld [tilespmem:s31+$0x30];
	v10 =	vand.u32 $0x7FFFFFFF, v4  }
0x1d5: {  	v11 =	vld [tilespmem:s31+$0xB0];
	v12 =	vmul.f32 $2.047500000e+03, v10  }
0x1d6: {  	v13 =	vld [tilespmem:s31+$0x40];
	v14 =	vand.u32 $0x7FFFFFFF, v5  }
0x1d7: {  	v15 =	vld [tilespmem:s31+$0xA0];
	v16 =	vmul.f32 $2.047500000e+03, v14;
	v12 =	vtrunc.f32 v12  }
0x1d8: {  	v17 =	vld [tilespmem:s31+$0x50];
	v18 =	vand.u32 $0x7FFFFFFF, v7;
	v12 =	vcvt.f32.s32 v12  }
0x1d9: {  	v19 =	vld [tilespmem:s31+$0x90];
	vm2 =	vlt.f32 v4, $0.0e+00;
	v20 =	vmul.f32 $2.047500000e+03, v18;
	v16 =	vtrunc.f32 v16  }
0x1da: {  	v22 =	vld [tilespmem:s31+$0x80];
	v21 =	vand.u32 $0x7FFFFFFF, v9;
	v16 =	vcvt.f32.s32 v16  }
0x1db: {  	v4 =	vld [tilespmem:s31+$0x60];
	vm3 =	vlt.f32 v5, $0.0e+00;
	v23 =	vmul.f32 $2.047500000e+03, v21;
	v20 =	vtrunc.f32 v20  }
0x1dc: {  	v25 =	vld [tilespmem:s31+$0xF0];
	v24 =	vand.u32 $0x7FFFFFFF, v13;
	v20 =	vcvt.f32.s32 v20  }
0x1dd: {  	v5 =	vld [tilespmem:s31+$0x70];
	vm4 =	vlt.f32 v7, $0.0e+00;
	v26 =	vmul.f32 $2.047500000e+03, v24;
	v23 =	vtrunc.f32 v23  }
0x1de: {  	v35 =	vand.u32 $0x7FFFFFFF, v17;
	v23 =	vcvt.f32.s32 v23;
	[tilespmem:v12+s20+$0x0] =	vst.idx.add.f32.msk $0xffff, v10  }
0x1df: {  	vm5 =	vlt.f32 v9, $0.0e+00;
	v37 =	vmul.f32 $2.047500000e+03, v35;
	v36 =	vtrunc.f32 v26;
	[tilespmem:v12+s21+$0x0] =	vst.idx.add.f32.msk vm2, v1  }
0x1e0: {  	v38 =	vand.u32 $0x7FFFFFFF, v4;
	v10 =	vcvt.f32.s32 v36;
	[tilespmem:v16+s20+$0x0] =	vst.idx.add.f32.msk $0xffff, v14  }
0x1e1: {  	v39 =	vtrunc.f32 v37;
	v40 =	vmul.f32 $2.047500000e+03, v38;
	vm2 =	vlt.f32 v13, $0.0e+00;
	[tilespmem:v16+s21+$0x0] =	vst.idx.add.f32.msk vm3, v1  }
0x1e2: {  	v41 =	vand.u32 $0x7FFFFFFF, v5;
	v12 =	vcvt.f32.s32 v39;
	[tilespmem:v20+s20+$0x0] =	vst.idx.add.f32.msk $0xffff, v18  }
0x1e3: {  	v42 =	vmul.f32 $2.047500000e+03, v41;
	v14 =	vtrunc.f32 v40;
	vm3 =	vlt.f32 v17, $0.0e+00;
	[tilespmem:v20+s21+$0x0] =	vst.idx.add.f32.msk vm4, v1  }
0x1e4: {  	v43 =	vand.u32 $0x7FFFFFFF, v22;
	v14 =	vcvt.f32.s32 v14;
	[tilespmem:v23+s20+$0x0] =	vst.idx.add.f32.msk $0xffff, v21  }
0x1e5: {  	v44 =	vmul.f32 $2.047500000e+03, v43;
	vm11 =	vlt.f32 v4, $0.0e+00;
	v16 =	vtrunc.f32 v42;
	[tilespmem:v23+s21+$0x0] =	vst.idx.add.f32.msk vm5, v1  }
0x1e6: {  	v4 =	vand.u32 $0x7FFFFFFF, v19;
	v16 =	vcvt.f32.s32 v16;
	[tilespmem:v10+s20+$0x0] =	vst.idx.add.f32.msk $0xffff, v24  }
0x1e7: {  	vm12 =	vlt.f32 v5, $0.0e+00;
	v45 =	vmul.f32 $2.047500000e+03, v4;
	v18 =	vtrunc.f32 v44;
	[tilespmem:v10+s21+$0x0] =	vst.idx.add.f32.msk vm2, v1  }
0x1e8: {  	v5 =	vand.u32 $0x7FFFFFFF, v15;
	v46 =	vcvt.f32.s32 v18;
	[tilespmem:v12+s20+$0x0] =	vst.idx.add.f32.msk $0xffff, v35  }
0x1e9: {  	v48 =	vmul.f32 $2.047500000e+03, v5;
	v47 =	vtrunc.f32 v45;
	vm2 =	vlt.f32 v22, $0.0e+00;
	[tilespmem:v12+s21+$0x0] =	vst.idx.add.f32.msk vm3, v1  }
0x1ea: {  	v49 =	vand.u32 $0x7FFFFFFF, v11;
	v7 =	vcvt.f32.s32 v47;
	[tilespmem:v14+s20+$0x0] =	vst.idx.add.f32.msk $0xffff, v38  }
0x1eb: {  	v51 =	vmul.f32 $2.047500000e+03, v49;
	v50 =	vtrunc.f32 v48;
	vm3 =	vlt.f32 v19, $0.0e+00;
	[tilespmem:v14+s21+$0x0] =	vst.idx.add.f32.msk vm11, v1  }
0x1ec: {  	v52 =	vand.u32 $0x7FFFFFFF, v8;
	v9 =	vcvt.f32.s32 v50;
	[tilespmem:v16+s20+$0x0] =	vst.idx.add.f32.msk $0xffff, v41  }
0x1ed: {  	vm13 =	vlt.f32 v15, $0.0e+00;
	v54 =	vmul.f32 $2.047500000e+03, v52;
	v53 =	vtrunc.f32 v51;
	[tilespmem:v16+s21+$0x0] =	vst.idx.add.f32.msk vm12, v1  }
0x1ee: {  	v55 =	vand.u32 $0x7FFFFFFF, v6;
	v13 =	vcvt.f32.s32 v53;
	[tilespmem:v46+s20+$0x0] =	vst.idx.add.f32.msk $0xffff, v43  }
0x1ef: {  	vm14 =	vlt.f32 v11, $0.0e+00;
	v57 =	vmul.f32 $2.047500000e+03, v55;
	v56 =	vtrunc.f32 v54;
	[tilespmem:v46+s21+$0x0] =	vst.idx.add.f32.msk vm2, v1  }
0x1f0: {  	v58 =	vand.u32 $0x7FFFFFFF, v3;
	v59 =	vcvt.f32.s32 v56;
	[tilespmem:v7+s20+$0x0] =	vst.idx.add.f32.msk $0xffff, v4  }
0x1f1: {  	v60 =	vmul.f32 $2.047500000e+03, v58;
	vm2 =	vlt.f32 v8, $0.0e+00;
	v4 =	vtrunc.f32 v57;
	[tilespmem:v7+s21+$0x0] =	vst.idx.add.f32.msk vm3, v1  }
0x1f2: {  	v61 =	vand.u32 $0x7FFFFFFF, v25;
	v4 =	vcvt.f32.s32 v4;
	[tilespmem:v9+s20+$0x0] =	vst.idx.add.f32.msk $0xffff, v5  }
0x1f3: {  	v62 =	vmul.f32 $2.047500000e+03, v61;
	vm3 =	vlt.f32 v6, $0.0e+00;
	v5 =	vtrunc.f32 v60;
	[tilespmem:v9+s21+$0x0] =	vst.idx.add.f32.msk vm13, v1  }
0x1f4: {  	v5 =	vcvt.f32.s32 v5;
	[tilespmem:v13+s20+$0x0] =	vst.idx.add.f32.msk $0xffff, v49  }
0x1f5: {  	vm15 =	vlt.f32 v3, $0.0e+00;
	v63 =	vtrunc.f32 v62;
	[tilespmem:v13+s21+$0x0] =	vst.idx.add.f32.msk vm14, v1  }
0x1f6: {  	v3 =	vcvt.f32.s32 v63;
	[tilespmem:v59+s20+$0x0] =	vst.idx.add.f32.msk $0xffff, v52  }
0x1f7: {  	[tilespmem:v59+s21+$0x0] =	vst.idx.add.f32.msk vm2, v1;
	vm2 =	vlt.f32 v25, $0.0e+00  }
0x1f8: {  	[tilespmem:v4+s20+$0x0] =	vst.idx.add.f32.msk $0xffff, v55  }
0x1f9: {  	[tilespmem:v4+s21+$0x0] =	vst.idx.add.f32.msk vm3, v1  }
0x1fa: {  	[tilespmem:v5+s20+$0x0] =	vst.idx.add.f32.msk $0xffff, v58  }
0x1fb: {  	[tilespmem:v5+s21+$0x0] =	vst.idx.add.f32.msk vm15, v1  }
0x1fc: {  	s30 =	simm.s32 $0x400;
	[tilespmem:v3+s20+$0x0] =	vst.idx.add.f32.msk $0xffff, v61  }
.LBB2_14:
0x1fd: {  	s0 =	sshra.s32 s30, $0x2;
	p0 =	sne.s32 s30, $0xFC00;
	s30 =	sadd.s32 $0x400, s30;
	[tilespmem:v3+s21+$0x0] =	vst.idx.add.f32.msk vm2, v1  }
0x1fe: {  	v3 =	vld [tilespmem:s0+$0xE0]  }
0x1ff: {  	v6 =	vld [tilespmem:s0+$0x0]  }
0x200: {  	v7 =	vld [tilespmem:s0+$0x10]  }
0x201: {  	v4 =	vld [tilespmem:s0+$0xD0]  }
0x202: {  	v8 =	vld [tilespmem:s0+$0x20]  }
0x203: {  	v5 =	vld [tilespmem:s0+$0xC0]  }
0x204: {  	v9 =	vld [tilespmem:s0+$0x30];
	v10 =	vand.u32 $0x7FFFFFFF, v6  }
0x205: {  	v11 =	vld [tilespmem:s0+$0xB0];
	v12 =	vmul.f32 $2.047500000e+03, v10  }
0x206: {  	v14 =	vand.u32 $0x7FFFFFFF, v7;
	v13 =	vld [tilespmem:s0+$0x40]  }
0x207: {  	v16 =	vmul.f32 $2.047500000e+03, v14;
	v15 =	vld [tilespmem:s0+$0xA0];
	v12 =	vtrunc.f32 v12  }
0x208: {  	v18 =	vand.u32 $0x7FFFFFFF, v8;
	v17 =	vld [tilespmem:s0+$0x50];
	v12 =	vcvt.f32.s32 v12  }
0x209: {  	vm2 =	vlt.f32 v6, $0.0e+00;
	v16 =	vtrunc.f32 v16;
	v20 =	vmul.f32 $2.047500000e+03, v18;
	v19 =	vld [tilespmem:s0+$0x90]  }
0x20a: {  	v21 =	vand.u32 $0x7FFFFFFF, v9;
	v16 =	vcvt.f32.s32 v16;
	v6 =	vld [tilespmem:s0+$0x60]  }
0x20b: {  	vm3 =	vlt.f32 v7, $0.0e+00;
	v20 =	vtrunc.f32 v20;
	v23 =	vmul.f32 $2.047500000e+03, v21;
	v22 =	vld [tilespmem:s0+$0x80]  }
0x20c: {  	v24 =	vand.u32 $0x7FFFFFFF, v13;
	v20 =	vcvt.f32.s32 v20;
	v7 =	vld [tilespmem:s0+$0x70]  }
0x20d: {  	vm4 =	vlt.f32 v8, $0.0e+00;
	v23 =	vtrunc.f32 v23;
	v26 =	vmul.f32 $2.047500000e+03, v24;
	v25 =	vld [tilespmem:s0+$0xF0]  }
0x20e: {  	v8 =	vand.u32 $0x7FFFFFFF, v17;
	v23 =	vcvt.f32.s32 v23;
	[tilespmem:v12+s20+$0x0] =	vst.idx.add.f32.msk $0xffff, v10  }
0x20f: {  	vm5 =	vlt.f32 v9, $0.0e+00;
	v10 =	vtrunc.f32 v26;
	v26 =	vmul.f32 $2.047500000e+03, v8;
	[tilespmem:v12+s21+$0x0] =	vst.idx.add.f32.msk vm2, v1  }
0x210: {  	v9 =	vand.u32 $0x7FFFFFFF, v6;
	v10 =	vcvt.f32.s32 v10;
	[tilespmem:v16+s20+$0x0] =	vst.idx.add.f32.msk $0xffff, v14  }
0x211: {  	vm2 =	vlt.f32 v13, $0.0e+00;
	v12 =	vtrunc.f32 v26;
	v14 =	vmul.f32 $2.047500000e+03, v9;
	[tilespmem:v16+s21+$0x0] =	vst.idx.add.f32.msk vm3, v1  }
0x212: {  	v13 =	vand.u32 $0x7FFFFFFF, v7;
	v12 =	vcvt.f32.s32 v12;
	[tilespmem:v20+s20+$0x0] =	vst.idx.add.f32.msk $0xffff, v18  }
0x213: {  	vm3 =	vlt.f32 v17, $0.0e+00;
	v14 =	vtrunc.f32 v14;
	v16 =	vmul.f32 $2.047500000e+03, v13;
	[tilespmem:v20+s21+$0x0] =	vst.idx.add.f32.msk vm4, v1  }
0x214: {  	v17 =	vand.u32 $0x7FFFFFFF, v22;
	v14 =	vcvt.f32.s32 v14;
	[tilespmem:v23+s20+$0x0] =	vst.idx.add.f32.msk $0xffff, v21  }
0x215: {  	v18 =	vmul.f32 $2.047500000e+03, v17;
	vm4 =	vlt.f32 v6, $0.0e+00;
	v16 =	vtrunc.f32 v16;
	[tilespmem:v23+s21+$0x0] =	vst.idx.add.f32.msk vm5, v1  }
0x216: {  	v6 =	vand.u32 $0x7FFFFFFF, v19;
	v16 =	vcvt.f32.s32 v16;
	[tilespmem:v10+s20+$0x0] =	vst.idx.add.f32.msk $0xffff, v24  }
0x217: {  	v18 =	vtrunc.f32 v18;
	v20 =	vmul.f32 $2.047500000e+03, v6;
	vm5 =	vlt.f32 v7, $0.0e+00;
	[tilespmem:v10+s21+$0x0] =	vst.idx.add.f32.msk vm2, v1  }
0x218: {  	v7 =	vand.u32 $0x7FFFFFFF, v15;
	v10 =	vcvt.f32.s32 v18;
	[tilespmem:v12+s20+$0x0] =	vst.idx.add.f32.msk $0xffff, v8  }
0x219: {  	v18 =	vmul.f32 $2.047500000e+03, v7;
	vm2 =	vlt.f32 v22, $0.0e+00;
	v8 =	vtrunc.f32 v20;
	[tilespmem:v12+s21+$0x0] =	vst.idx.add.f32.msk vm3, v1  }
0x21a: {  	v12 =	vand.u32 $0x7FFFFFFF, v11;
	v8 =	vcvt.f32.s32 v8;
	[tilespmem:v14+s20+$0x0] =	vst.idx.add.f32.msk $0xffff, v9  }
0x21b: {  	vm3 =	vlt.f32 v19, $0.0e+00;
	v9 =	vtrunc.f32 v18;
	v18 =	vmul.f32 $2.047500000e+03, v12;
	[tilespmem:v14+s21+$0x0] =	vst.idx.add.f32.msk vm4, v1  }
0x21c: {  	v14 =	vand.u32 $0x7FFFFFFF, v5;
	v9 =	vcvt.f32.s32 v9;
	[tilespmem:v16+s20+$0x0] =	vst.idx.add.f32.msk $0xffff, v13  }
0x21d: {  	vm4 =	vlt.f32 v15, $0.0e+00;
	v13 =	vtrunc.f32 v18;
	v18 =	vmul.f32 $2.047500000e+03, v14;
	[tilespmem:v16+s21+$0x0] =	vst.idx.add.f32.msk vm5, v1  }
0x21e: {  	v15 =	vand.u32 $0x7FFFFFFF, v4;
	v13 =	vcvt.f32.s32 v13;
	[tilespmem:v10+s20+$0x0] =	vst.idx.add.f32.msk $0xffff, v17  }
0x21f: {  	vm5 =	vlt.f32 v11, $0.0e+00;
	v16 =	vtrunc.f32 v18;
	v17 =	vmul.f32 $2.047500000e+03, v15;
	[tilespmem:v10+s21+$0x0] =	vst.idx.add.f32.msk vm2, v1  }
0x220: {  	v10 =	vand.u32 $0x7FFFFFFF, v3;
	v11 =	vcvt.f32.s32 v16;
	[tilespmem:v8+s20+$0x0] =	vst.idx.add.f32.msk $0xffff, v6  }
0x221: {  	vm6 =	vlt.f32 v5, $0.0e+00;
	v6 =	vtrunc.f32 v17;
	v16 =	vmul.f32 $2.047500000e+03, v10;
	[tilespmem:v8+s21+$0x0] =	vst.idx.add.f32.msk vm3, v1  }
0x222: {  	v5 =	vand.u32 $0x7FFFFFFF, v25;
	v6 =	vcvt.f32.s32 v6;
	[tilespmem:v9+s20+$0x0] =	vst.idx.add.f32.msk $0xffff, v7  }
0x223: {  	v8 =	vmul.f32 $2.047500000e+03, v5;
	vm3 =	vlt.f32 v4, $0.0e+00;
	v7 =	vtrunc.f32 v16;
	[tilespmem:v9+s21+$0x0] =	vst.idx.add.f32.msk vm4, v1  }
0x224: {  	v4 =	vcvt.f32.s32 v7;
	[tilespmem:v13+s20+$0x0] =	vst.idx.add.f32.msk $0xffff, v12  }
0x225: {  	v7 =	vtrunc.f32 v8;
	vm4 =	vlt.f32 v3, $0.0e+00;
	[tilespmem:v13+s21+$0x0] =	vst.idx.add.f32.msk vm5, v1  }
0x226: {  	v3 =	vcvt.f32.s32 v7;
	[tilespmem:v11+s20+$0x0] =	vst.idx.add.f32.msk $0xffff, v14  }
0x227: {  	vm2 =	vlt.f32 v25, $0.0e+00;
	[tilespmem:v11+s21+$0x0] =	vst.idx.add.f32.msk vm6, v1  }
.Ltmp10:
0x228: {  	[tilespmem:v6+s20+$0x0] =	vst.idx.add.f32.msk $0xffff, v15;
	(pc) =	sbr.rel @p0 .LBB2_14-.Ltmp10, $4  }
0x229: {  	[tilespmem:v6+s21+$0x0] =	vst.idx.add.f32.msk vm3, v1  }
0x22a: {  	[tilespmem:v4+s20+$0x0] =	vst.idx.add.f32.msk $0xffff, v10  }
0x22b: {  	[tilespmem:v4+s21+$0x0] =	vst.idx.add.f32.msk vm4, v1  }
0x22c: {  	[tilespmem:v3+s20+$0x0] =	vst.idx.add.f32.msk $0xffff, v5  }
0x22d: {  	_ =	sdelay $0x4  }
0x22e: {  	[tilespmem:v3+s21+$0x0] =	vst.idx.add.f32.msk vm2, v1  }
0x22f: {  	s0 =	sadd.s32 s12, s29;
	_ =	swait.ge [sflag:s22], $0x4000  }
0x230: {  	s1 =	simm.s32 $0x0;
	s0 =	sshrl.u32 s0, $0x3;
	[sflag:s22] =	ssyncset.done $0x0  }
0x231: {  	s31 =	simm.s32 $0x0;
	s0 =	sadd.s32 s6, s0;
	[sflag:s22] =	ssyncadd.s32 $0xFFFFC000  }
0x232: {  	[tilespmem:s1], [sflag:$0x1] =	stream.strided.gather [hbm4b:s0+s16], $0x4000, s17, s16, $0x38;
	[tilespmem:$0x9080] =	vst v63  }
0x233: {  	v3 =	vld [tilespmem:s31+$0x40E0]  }
0x234: {  	v4 =	vld [tilespmem:s31+$0x4000]  }
0x235: {  	v5 =	vld [tilespmem:s31+$0x4010]  }
0x236: {  	v6 =	vld [tilespmem:s31+$0x40D0]  }
0x237: {  	v7 =	vld [tilespmem:s31+$0x4020]  }
0x238: {  	v8 =	vld [tilespmem:s31+$0x40C0]  }
0x239: {  	v9 =	vld [tilespmem:s31+$0x4030];
	v10 =	vand.u32 $0x7FFFFFFF, v4  }
0x23a: {  	v11 =	vld [tilespmem:s31+$0x40B0];
	v12 =	vmul.f32 $2.047500000e+03, v10  }
0x23b: {  	v13 =	vld [tilespmem:s31+$0x4040];
	v14 =	vand.u32 $0x7FFFFFFF, v5  }
0x23c: {  	v15 =	vld [tilespmem:s31+$0x40A0];
	v16 =	vmul.f32 $2.047500000e+03, v14;
	v12 =	vtrunc.f32 v12  }
0x23d: {  	v17 =	vld [tilespmem:s31+$0x4050];
	v18 =	vand.u32 $0x7FFFFFFF, v7;
	v12 =	vcvt.f32.s32 v12  }
0x23e: {  	v19 =	vld [tilespmem:s31+$0x4090];
	vm2 =	vlt.f32 v4, $0.0e+00;
	v20 =	vmul.f32 $2.047500000e+03, v18;
	v16 =	vtrunc.f32 v16  }
0x23f: {  	v22 =	vld [tilespmem:s31+$0x4080];
	v21 =	vand.u32 $0x7FFFFFFF, v9;
	v16 =	vcvt.f32.s32 v16  }
0x240: {  	v4 =	vld [tilespmem:s31+$0x4060];
	vm3 =	vlt.f32 v5, $0.0e+00;
	v23 =	vmul.f32 $2.047500000e+03, v21;
	v20 =	vtrunc.f32 v20  }
0x241: {  	v25 =	vld [tilespmem:s31+$0x40F0];
	v24 =	vand.u32 $0x7FFFFFFF, v13;
	v20 =	vcvt.f32.s32 v20  }
0x242: {  	v5 =	vld [tilespmem:s31+$0x4070];
	vm4 =	vlt.f32 v7, $0.0e+00;
	v26 =	vmul.f32 $2.047500000e+03, v24;
	v23 =	vtrunc.f32 v23  }
0x243: {  	v35 =	vand.u32 $0x7FFFFFFF, v17;
	v23 =	vcvt.f32.s32 v23;
	[tilespmem:v12+s20+$0x0] =	vst.idx.add.f32.msk $0xffff, v10  }
0x244: {  	vm5 =	vlt.f32 v9, $0.0e+00;
	v37 =	vmul.f32 $2.047500000e+03, v35;
	v36 =	vtrunc.f32 v26;
	[tilespmem:v12+s21+$0x0] =	vst.idx.add.f32.msk vm2, v1  }
0x245: {  	v38 =	vand.u32 $0x7FFFFFFF, v4;
	v10 =	vcvt.f32.s32 v36;
	[tilespmem:v16+s20+$0x0] =	vst.idx.add.f32.msk $0xffff, v14  }
0x246: {  	v39 =	vtrunc.f32 v37;
	v40 =	vmul.f32 $2.047500000e+03, v38;
	vm2 =	vlt.f32 v13, $0.0e+00;
	[tilespmem:v16+s21+$0x0] =	vst.idx.add.f32.msk vm3, v1  }
0x247: {  	v41 =	vand.u32 $0x7FFFFFFF, v5;
	v12 =	vcvt.f32.s32 v39;
	[tilespmem:v20+s20+$0x0] =	vst.idx.add.f32.msk $0xffff, v18  }
0x248: {  	v42 =	vmul.f32 $2.047500000e+03, v41;
	v14 =	vtrunc.f32 v40;
	vm3 =	vlt.f32 v17, $0.0e+00;
	[tilespmem:v20+s21+$0x0] =	vst.idx.add.f32.msk vm4, v1  }
0x249: {  	v43 =	vand.u32 $0x7FFFFFFF, v22;
	v14 =	vcvt.f32.s32 v14;
	[tilespmem:v23+s20+$0x0] =	vst.idx.add.f32.msk $0xffff, v21  }
0x24a: {  	v44 =	vmul.f32 $2.047500000e+03, v43;
	vm11 =	vlt.f32 v4, $0.0e+00;
	v16 =	vtrunc.f32 v42;
	[tilespmem:v23+s21+$0x0] =	vst.idx.add.f32.msk vm5, v1  }
0x24b: {  	v4 =	vand.u32 $0x7FFFFFFF, v19;
	v16 =	vcvt.f32.s32 v16;
	[tilespmem:v10+s20+$0x0] =	vst.idx.add.f32.msk $0xffff, v24  }
0x24c: {  	vm12 =	vlt.f32 v5, $0.0e+00;
	v45 =	vmul.f32 $2.047500000e+03, v4;
	v18 =	vtrunc.f32 v44;
	[tilespmem:v10+s21+$0x0] =	vst.idx.add.f32.msk vm2, v1  }
0x24d: {  	v5 =	vand.u32 $0x7FFFFFFF, v15;
	v46 =	vcvt.f32.s32 v18;
	[tilespmem:v12+s20+$0x0] =	vst.idx.add.f32.msk $0xffff, v35  }
0x24e: {  	v48 =	vmul.f32 $2.047500000e+03, v5;
	v47 =	vtrunc.f32 v45;
	vm2 =	vlt.f32 v22, $0.0e+00;
	[tilespmem:v12+s21+$0x0] =	vst.idx.add.f32.msk vm3, v1  }
0x24f: {  	v49 =	vand.u32 $0x7FFFFFFF, v11;
	v7 =	vcvt.f32.s32 v47;
	[tilespmem:v14+s20+$0x0] =	vst.idx.add.f32.msk $0xffff, v38  }
0x250: {  	v51 =	vmul.f32 $2.047500000e+03, v49;
	v50 =	vtrunc.f32 v48;
	vm3 =	vlt.f32 v19, $0.0e+00;
	[tilespmem:v14+s21+$0x0] =	vst.idx.add.f32.msk vm11, v1  }
0x251: {  	v52 =	vand.u32 $0x7FFFFFFF, v8;
	v9 =	vcvt.f32.s32 v50;
	[tilespmem:v16+s20+$0x0] =	vst.idx.add.f32.msk $0xffff, v41  }
0x252: {  	vm13 =	vlt.f32 v15, $0.0e+00;
	v54 =	vmul.f32 $2.047500000e+03, v52;
	v53 =	vtrunc.f32 v51;
	[tilespmem:v16+s21+$0x0] =	vst.idx.add.f32.msk vm12, v1  }
0x253: {  	v55 =	vand.u32 $0x7FFFFFFF, v6;
	v13 =	vcvt.f32.s32 v53;
	[tilespmem:v46+s20+$0x0] =	vst.idx.add.f32.msk $0xffff, v43  }
0x254: {  	vm14 =	vlt.f32 v11, $0.0e+00;
	v57 =	vmul.f32 $2.047500000e+03, v55;
	v56 =	vtrunc.f32 v54;
	[tilespmem:v46+s21+$0x0] =	vst.idx.add.f32.msk vm2, v1  }
0x255: {  	v58 =	vand.u32 $0x7FFFFFFF, v3;
	v59 =	vcvt.f32.s32 v56;
	[tilespmem:v7+s20+$0x0] =	vst.idx.add.f32.msk $0xffff, v4  }
0x256: {  	v60 =	vmul.f32 $2.047500000e+03, v58;
	vm2 =	vlt.f32 v8, $0.0e+00;
	v4 =	vtrunc.f32 v57;
	[tilespmem:v7+s21+$0x0] =	vst.idx.add.f32.msk vm3, v1  }
0x257: {  	v61 =	vand.u32 $0x7FFFFFFF, v25;
	v4 =	vcvt.f32.s32 v4;
	[tilespmem:v9+s20+$0x0] =	vst.idx.add.f32.msk $0xffff, v5  }
0x258: {  	v62 =	vmul.f32 $2.047500000e+03, v61;
	vm3 =	vlt.f32 v6, $0.0e+00;
	v5 =	vtrunc.f32 v60;
	[tilespmem:v9+s21+$0x0] =	vst.idx.add.f32.msk vm13, v1  }
0x259: {  	v5 =	vcvt.f32.s32 v5;
	[tilespmem:v13+s20+$0x0] =	vst.idx.add.f32.msk $0xffff, v49  }
0x25a: {  	vm15 =	vlt.f32 v3, $0.0e+00;
	v63 =	vtrunc.f32 v62;
	[tilespmem:v13+s21+$0x0] =	vst.idx.add.f32.msk vm14, v1  }
0x25b: {  	v3 =	vcvt.f32.s32 v63;
	[tilespmem:v59+s20+$0x0] =	vst.idx.add.f32.msk $0xffff, v52  }
0x25c: {  	[tilespmem:v59+s21+$0x0] =	vst.idx.add.f32.msk vm2, v1;
	vm2 =	vlt.f32 v25, $0.0e+00  }
0x25d: {  	[tilespmem:v4+s20+$0x0] =	vst.idx.add.f32.msk $0xffff, v55  }
0x25e: {  	[tilespmem:v4+s21+$0x0] =	vst.idx.add.f32.msk vm3, v1  }
0x25f: {  	[tilespmem:v5+s20+$0x0] =	vst.idx.add.f32.msk $0xffff, v58  }
0x260: {  	[tilespmem:v5+s21+$0x0] =	vst.idx.add.f32.msk vm15, v1  }
0x261: {  	s30 =	simm.s32 $0x400;
	[tilespmem:v3+s20+$0x0] =	vst.idx.add.f32.msk $0xffff, v61  }
.LBB2_16:
0x262: {  	s0 =	sshra.s32 s30, $0x2;
	p0 =	sne.s32 s30, $0xFC00;
	s30 =	sadd.s32 $0x400, s30;
	[tilespmem:v3+s21+$0x0] =	vst.idx.add.f32.msk vm2, v1  }
0x263: {  	v3 =	vld [tilespmem:s0+$0x40E0]  }
0x264: {  	v6 =	vld [tilespmem:s0+$0x4000]  }
0x265: {  	v7 =	vld [tilespmem:s0+$0x4010]  }
0x266: {  	v4 =	vld [tilespmem:s0+$0x40D0]  }
0x267: {  	v8 =	vld [tilespmem:s0+$0x4020]  }
0x268: {  	v5 =	vld [tilespmem:s0+$0x40C0]  }
0x269: {  	v9 =	vld [tilespmem:s0+$0x4030];
	v10 =	vand.u32 $0x7FFFFFFF, v6  }
0x26a: {  	v11 =	vld [tilespmem:s0+$0x40B0];
	v12 =	vmul.f32 $2.047500000e+03, v10  }
0x26b: {  	v14 =	vand.u32 $0x7FFFFFFF, v7;
	v13 =	vld [tilespmem:s0+$0x4040]  }
0x26c: {  	v16 =	vmul.f32 $2.047500000e+03, v14;
	v15 =	vld [tilespmem:s0+$0x40A0];
	v12 =	vtrunc.f32 v12  }
0x26d: {  	v18 =	vand.u32 $0x7FFFFFFF, v8;
	v17 =	vld [tilespmem:s0+$0x4050];
	v12 =	vcvt.f32.s32 v12  }
0x26e: {  	vm2 =	vlt.f32 v6, $0.0e+00;
	v16 =	vtrunc.f32 v16;
	v20 =	vmul.f32 $2.047500000e+03, v18;
	v19 =	vld [tilespmem:s0+$0x4090]  }
0x26f: {  	v21 =	vand.u32 $0x7FFFFFFF, v9;
	v16 =	vcvt.f32.s32 v16;
	v6 =	vld [tilespmem:s0+$0x4060]  }
0x270: {  	vm3 =	vlt.f32 v7, $0.0e+00;
	v20 =	vtrunc.f32 v20;
	v23 =	vmul.f32 $2.047500000e+03, v21;
	v22 =	vld [tilespmem:s0+$0x4080]  }
0x271: {  	v24 =	vand.u32 $0x7FFFFFFF, v13;
	v20 =	vcvt.f32.s32 v20;
	v7 =	vld [tilespmem:s0+$0x4070]  }
0x272: {  	vm4 =	vlt.f32 v8, $0.0e+00;
	v23 =	vtrunc.f32 v23;
	v26 =	vmul.f32 $2.047500000e+03, v24;
	v25 =	vld [tilespmem:s0+$0x40F0]  }
0x273: {  	v8 =	vand.u32 $0x7FFFFFFF, v17;
	v23 =	vcvt.f32.s32 v23;
	[tilespmem:v12+s20+$0x0] =	vst.idx.add.f32.msk $0xffff, v10  }
0x274: {  	vm5 =	vlt.f32 v9, $0.0e+00;
	v10 =	vtrunc.f32 v26;
	v26 =	vmul.f32 $2.047500000e+03, v8;
	[tilespmem:v12+s21+$0x0] =	vst.idx.add.f32.msk vm2, v1  }
0x275: {  	v9 =	vand.u32 $0x7FFFFFFF, v6;
	v10 =	vcvt.f32.s32 v10;
	[tilespmem:v16+s20+$0x0] =	vst.idx.add.f32.msk $0xffff, v14  }
0x276: {  	vm2 =	vlt.f32 v13, $0.0e+00;
	v12 =	vtrunc.f32 v26;
	v14 =	vmul.f32 $2.047500000e+03, v9;
	[tilespmem:v16+s21+$0x0] =	vst.idx.add.f32.msk vm3, v1  }
0x277: {  	v13 =	vand.u32 $0x7FFFFFFF, v7;
	v12 =	vcvt.f32.s32 v12;
	[tilespmem:v20+s20+$0x0] =	vst.idx.add.f32.msk $0xffff, v18  }
0x278: {  	vm3 =	vlt.f32 v17, $0.0e+00;
	v14 =	vtrunc.f32 v14;
	v16 =	vmul.f32 $2.047500000e+03, v13;
	[tilespmem:v20+s21+$0x0] =	vst.idx.add.f32.msk vm4, v1  }
0x279: {  	v17 =	vand.u32 $0x7FFFFFFF, v22;
	v14 =	vcvt.f32.s32 v14;
	[tilespmem:v23+s20+$0x0] =	vst.idx.add.f32.msk $0xffff, v21  }
0x27a: {  	v18 =	vmul.f32 $2.047500000e+03, v17;
	vm4 =	vlt.f32 v6, $0.0e+00;
	v16 =	vtrunc.f32 v16;
	[tilespmem:v23+s21+$0x0] =	vst.idx.add.f32.msk vm5, v1  }
0x27b: {  	v6 =	vand.u32 $0x7FFFFFFF, v19;
	v16 =	vcvt.f32.s32 v16;
	[tilespmem:v10+s20+$0x0] =	vst.idx.add.f32.msk $0xffff, v24  }
0x27c: {  	v18 =	vtrunc.f32 v18;
	v20 =	vmul.f32 $2.047500000e+03, v6;
	vm5 =	vlt.f32 v7, $0.0e+00;
	[tilespmem:v10+s21+$0x0] =	vst.idx.add.f32.msk vm2, v1  }
0x27d: {  	v7 =	vand.u32 $0x7FFFFFFF, v15;
	v10 =	vcvt.f32.s32 v18;
	[tilespmem:v12+s20+$0x0] =	vst.idx.add.f32.msk $0xffff, v8  }
0x27e: {  	v18 =	vmul.f32 $2.047500000e+03, v7;
	vm2 =	vlt.f32 v22, $0.0e+00;
	v8 =	vtrunc.f32 v20;
	[tilespmem:v12+s21+$0x0] =	vst.idx.add.f32.msk vm3, v1  }
0x27f: {  	v12 =	vand.u32 $0x7FFFFFFF, v11;
	v8 =	vcvt.f32.s32 v8;
	[tilespmem:v14+s20+$0x0] =	vst.idx.add.f32.msk $0xffff, v9  }
0x280: {  	vm3 =	vlt.f32 v19, $0.0e+00;
	v9 =	vtrunc.f32 v18;
	v18 =	vmul.f32 $2.047500000e+03, v12;
	[tilespmem:v14+s21+$0x0] =	vst.idx.add.f32.msk vm4, v1  }
0x281: {  	v14 =	vand.u32 $0x7FFFFFFF, v5;
	v9 =	vcvt.f32.s32 v9;
	[tilespmem:v16+s20+$0x0] =	vst.idx.add.f32.msk $0xffff, v13  }
0x282: {  	vm4 =	vlt.f32 v15, $0.0e+00;
	v13 =	vtrunc.f32 v18;
	v18 =	vmul.f32 $2.047500000e+03, v14;
	[tilespmem:v16+s21+$0x0] =	vst.idx.add.f32.msk vm5, v1  }
0x283: {  	v15 =	vand.u32 $0x7FFFFFFF, v4;
	v13 =	vcvt.f32.s32 v13;
	[tilespmem:v10+s20+$0x0] =	vst.idx.add.f32.msk $0xffff, v17  }
0x284: {  	vm5 =	vlt.f32 v11, $0.0e+00;
	v16 =	vtrunc.f32 v18;
	v17 =	vmul.f32 $2.047500000e+03, v15;
	[tilespmem:v10+s21+$0x0] =	vst.idx.add.f32.msk vm2, v1  }
0x285: {  	v10 =	vand.u32 $0x7FFFFFFF, v3;
	v11 =	vcvt.f32.s32 v16;
	[tilespmem:v8+s20+$0x0] =	vst.idx.add.f32.msk $0xffff, v6  }
0x286: {  	vm6 =	vlt.f32 v5, $0.0e+00;
	v6 =	vtrunc.f32 v17;
	v16 =	vmul.f32 $2.047500000e+03, v10;
	[tilespmem:v8+s21+$0x0] =	vst.idx.add.f32.msk vm3, v1  }
0x287: {  	v5 =	vand.u32 $0x7FFFFFFF, v25;
	v6 =	vcvt.f32.s32 v6;
	[tilespmem:v9+s20+$0x0] =	vst.idx.add.f32.msk $0xffff, v7  }
0x288: {  	v8 =	vmul.f32 $2.047500000e+03, v5;
	vm3 =	vlt.f32 v4, $0.0e+00;
	v7 =	vtrunc.f32 v16;
	[tilespmem:v9+s21+$0x0] =	vst.idx.add.f32.msk vm4, v1  }
0x289: {  	v4 =	vcvt.f32.s32 v7;
	[tilespmem:v13+s20+$0x0] =	vst.idx.add.f32.msk $0xffff, v12  }
0x28a: {  	v7 =	vtrunc.f32 v8;
	vm4 =	vlt.f32 v3, $0.0e+00;
	[tilespmem:v13+s21+$0x0] =	vst.idx.add.f32.msk vm5, v1  }
0x28b: {  	v3 =	vcvt.f32.s32 v7;
	[tilespmem:v11+s20+$0x0] =	vst.idx.add.f32.msk $0xffff, v14  }
0x28c: {  	vm2 =	vlt.f32 v25, $0.0e+00;
	[tilespmem:v11+s21+$0x0] =	vst.idx.add.f32.msk vm6, v1  }
.Ltmp11:
0x28d: {  	[tilespmem:v6+s20+$0x0] =	vst.idx.add.f32.msk $0xffff, v15;
	(pc) =	sbr.rel @p0 .LBB2_16-.Ltmp11, $4  }
0x28e: {  	[tilespmem:v6+s21+$0x0] =	vst.idx.add.f32.msk vm3, v1  }
0x28f: {  	[tilespmem:v4+s20+$0x0] =	vst.idx.add.f32.msk $0xffff, v10  }
0x290: {  	[tilespmem:v4+s21+$0x0] =	vst.idx.add.f32.msk vm4, v1  }
0x291: {  	[tilespmem:v3+s20+$0x0] =	vst.idx.add.f32.msk $0xffff, v5  }
0x292: {  	_ =	sdelay $0x4  }
0x293: {  	[tilespmem:v3+s21+$0x0] =	vst.idx.add.f32.msk vm2, v1  }
0x294: {  	s0 =	sadd.s32 s13, s29;
	_ =	swait.ge [sflag:s18], $0x4000  }
0x295: {  	s0 =	sshrl.u32 s0, $0x3;
	[sflag:s18] =	ssyncset.done $0x0  }
0x296: {  	s31 =	simm.s32 $0x0;
	s0 =	sadd.s32 s6, s0;
	[sflag:s18] =	ssyncadd.s32 $0xFFFFC000  }
0x297: {  	[tilespmem:s19], [sflag:$0x2] =	stream.strided.gather [hbm4b:s0+s16], $0x4000, s17, s16, $0x38;
	[tilespmem:$0x9080] =	vst v63  }
0x298: {  	v3 =	vld [tilespmem:s31+$0xE0]  }
0x299: {  	v4 =	vld [tilespmem:s31+$0x0]  }
0x29a: {  	v5 =	vld [tilespmem:s31+$0x10]  }
0x29b: {  	v6 =	vld [tilespmem:s31+$0xD0]  }
0x29c: {  	v7 =	vld [tilespmem:s31+$0x20]  }
0x29d: {  	v8 =	vld [tilespmem:s31+$0xC0]  }
0x29e: {  	v9 =	vld [tilespmem:s31+$0x30];
	v10 =	vand.u32 $0x7FFFFFFF, v4  }
0x29f: {  	v11 =	vld [tilespmem:s31+$0xB0];
	v12 =	vmul.f32 $2.047500000e+03, v10  }
0x2a0: {  	v13 =	vld [tilespmem:s31+$0x40];
	v14 =	vand.u32 $0x7FFFFFFF, v5  }
0x2a1: {  	v15 =	vld [tilespmem:s31+$0xA0];
	v16 =	vmul.f32 $2.047500000e+03, v14;
	v12 =	vtrunc.f32 v12  }
0x2a2: {  	v17 =	vld [tilespmem:s31+$0x50];
	v18 =	vand.u32 $0x7FFFFFFF, v7;
	v12 =	vcvt.f32.s32 v12  }
0x2a3: {  	v19 =	vld [tilespmem:s31+$0x90];
	vm2 =	vlt.f32 v4, $0.0e+00;
	v20 =	vmul.f32 $2.047500000e+03, v18;
	v16 =	vtrunc.f32 v16  }
0x2a4: {  	v22 =	vld [tilespmem:s31+$0x80];
	v21 =	vand.u32 $0x7FFFFFFF, v9;
	v16 =	vcvt.f32.s32 v16  }
0x2a5: {  	v4 =	vld [tilespmem:s31+$0x60];
	vm3 =	vlt.f32 v5, $0.0e+00;
	v23 =	vmul.f32 $2.047500000e+03, v21;
	v20 =	vtrunc.f32 v20  }
0x2a6: {  	v25 =	vld [tilespmem:s31+$0xF0];
	v24 =	vand.u32 $0x7FFFFFFF, v13;
	v20 =	vcvt.f32.s32 v20  }
0x2a7: {  	v5 =	vld [tilespmem:s31+$0x70];
	vm4 =	vlt.f32 v7, $0.0e+00;
	v26 =	vmul.f32 $2.047500000e+03, v24;
	v23 =	vtrunc.f32 v23  }
0x2a8: {  	v35 =	vand.u32 $0x7FFFFFFF, v17;
	v23 =	vcvt.f32.s32 v23;
	[tilespmem:v12+s20+$0x0] =	vst.idx.add.f32.msk $0xffff, v10  }
0x2a9: {  	vm5 =	vlt.f32 v9, $0.0e+00;
	v37 =	vmul.f32 $2.047500000e+03, v35;
	v36 =	vtrunc.f32 v26;
	[tilespmem:v12+s21+$0x0] =	vst.idx.add.f32.msk vm2, v1  }
0x2aa: {  	v38 =	vand.u32 $0x7FFFFFFF, v4;
	v10 =	vcvt.f32.s32 v36;
	[tilespmem:v16+s20+$0x0] =	vst.idx.add.f32.msk $0xffff, v14  }
0x2ab: {  	v39 =	vtrunc.f32 v37;
	v40 =	vmul.f32 $2.047500000e+03, v38;
	vm2 =	vlt.f32 v13, $0.0e+00;
	[tilespmem:v16+s21+$0x0] =	vst.idx.add.f32.msk vm3, v1  }
0x2ac: {  	v41 =	vand.u32 $0x7FFFFFFF, v5;
	v12 =	vcvt.f32.s32 v39;
	[tilespmem:v20+s20+$0x0] =	vst.idx.add.f32.msk $0xffff, v18  }
0x2ad: {  	v42 =	vmul.f32 $2.047500000e+03, v41;
	v14 =	vtrunc.f32 v40;
	vm3 =	vlt.f32 v17, $0.0e+00;
	[tilespmem:v20+s21+$0x0] =	vst.idx.add.f32.msk vm4, v1  }
0x2ae: {  	v43 =	vand.u32 $0x7FFFFFFF, v22;
	v14 =	vcvt.f32.s32 v14;
	[tilespmem:v23+s20+$0x0] =	vst.idx.add.f32.msk $0xffff, v21  }
0x2af: {  	v44 =	vmul.f32 $2.047500000e+03, v43;
	vm11 =	vlt.f32 v4, $0.0e+00;
	v16 =	vtrunc.f32 v42;
	[tilespmem:v23+s21+$0x0] =	vst.idx.add.f32.msk vm5, v1  }
0x2b0: {  	v4 =	vand.u32 $0x7FFFFFFF, v19;
	v16 =	vcvt.f32.s32 v16;
	[tilespmem:v10+s20+$0x0] =	vst.idx.add.f32.msk $0xffff, v24  }
0x2b1: {  	vm12 =	vlt.f32 v5, $0.0e+00;
	v45 =	vmul.f32 $2.047500000e+03, v4;
	v18 =	vtrunc.f32 v44;
	[tilespmem:v10+s21+$0x0] =	vst.idx.add.f32.msk vm2, v1  }
0x2b2: {  	v5 =	vand.u32 $0x7FFFFFFF, v15;
	v46 =	vcvt.f32.s32 v18;
	[tilespmem:v12+s20+$0x0] =	vst.idx.add.f32.msk $0xffff, v35  }
0x2b3: {  	v48 =	vmul.f32 $2.047500000e+03, v5;
	v47 =	vtrunc.f32 v45;
	vm2 =	vlt.f32 v22, $0.0e+00;
	[tilespmem:v12+s21+$0x0] =	vst.idx.add.f32.msk vm3, v1  }
0x2b4: {  	v49 =	vand.u32 $0x7FFFFFFF, v11;
	v7 =	vcvt.f32.s32 v47;
	[tilespmem:v14+s20+$0x0] =	vst.idx.add.f32.msk $0xffff, v38  }
0x2b5: {  	v51 =	vmul.f32 $2.047500000e+03, v49;
	v50 =	vtrunc.f32 v48;
	vm3 =	vlt.f32 v19, $0.0e+00;
	[tilespmem:v14+s21+$0x0] =	vst.idx.add.f32.msk vm11, v1  }
0x2b6: {  	v52 =	vand.u32 $0x7FFFFFFF, v8;
	v9 =	vcvt.f32.s32 v50;
	[tilespmem:v16+s20+$0x0] =	vst.idx.add.f32.msk $0xffff, v41  }
0x2b7: {  	vm13 =	vlt.f32 v15, $0.0e+00;
	v54 =	vmul.f32 $2.047500000e+03, v52;
	v53 =	vtrunc.f32 v51;
	[tilespmem:v16+s21+$0x0] =	vst.idx.add.f32.msk vm12, v1  }
0x2b8: {  	v55 =	vand.u32 $0x7FFFFFFF, v6;
	v13 =	vcvt.f32.s32 v53;
	[tilespmem:v46+s20+$0x0] =	vst.idx.add.f32.msk $0xffff, v43  }
0x2b9: {  	vm14 =	vlt.f32 v11, $0.0e+00;
	v57 =	vmul.f32 $2.047500000e+03, v55;
	v56 =	vtrunc.f32 v54;
	[tilespmem:v46+s21+$0x0] =	vst.idx.add.f32.msk vm2, v1  }
0x2ba: {  	v58 =	vand.u32 $0x7FFFFFFF, v3;
	v59 =	vcvt.f32.s32 v56;
	[tilespmem:v7+s20+$0x0] =	vst.idx.add.f32.msk $0xffff, v4  }
0x2bb: {  	v60 =	vmul.f32 $2.047500000e+03, v58;
	vm2 =	vlt.f32 v8, $0.0e+00;
	v4 =	vtrunc.f32 v57;
	[tilespmem:v7+s21+$0x0] =	vst.idx.add.f32.msk vm3, v1  }
0x2bc: {  	v61 =	vand.u32 $0x7FFFFFFF, v25;
	v4 =	vcvt.f32.s32 v4;
	[tilespmem:v9+s20+$0x0] =	vst.idx.add.f32.msk $0xffff, v5  }
0x2bd: {  	v62 =	vmul.f32 $2.047500000e+03, v61;
	vm3 =	vlt.f32 v6, $0.0e+00;
	v5 =	vtrunc.f32 v60;
	[tilespmem:v9+s21+$0x0] =	vst.idx.add.f32.msk vm13, v1  }
0x2be: {  	v5 =	vcvt.f32.s32 v5;
	[tilespmem:v13+s20+$0x0] =	vst.idx.add.f32.msk $0xffff, v49  }
0x2bf: {  	vm15 =	vlt.f32 v3, $0.0e+00;
	v63 =	vtrunc.f32 v62;
	[tilespmem:v13+s21+$0x0] =	vst.idx.add.f32.msk vm14, v1  }
0x2c0: {  	v3 =	vcvt.f32.s32 v63;
	[tilespmem:v59+s20+$0x0] =	vst.idx.add.f32.msk $0xffff, v52  }
0x2c1: {  	[tilespmem:v59+s21+$0x0] =	vst.idx.add.f32.msk vm2, v1;
	vm2 =	vlt.f32 v25, $0.0e+00  }
0x2c2: {  	[tilespmem:v4+s20+$0x0] =	vst.idx.add.f32.msk $0xffff, v55  }
0x2c3: {  	[tilespmem:v4+s21+$0x0] =	vst.idx.add.f32.msk vm3, v1  }
0x2c4: {  	[tilespmem:v5+s20+$0x0] =	vst.idx.add.f32.msk $0xffff, v58  }
0x2c5: {  	[tilespmem:v5+s21+$0x0] =	vst.idx.add.f32.msk vm15, v1  }
0x2c6: {  	s30 =	simm.s32 $0x400;
	[tilespmem:v3+s20+$0x0] =	vst.idx.add.f32.msk $0xffff, v61  }
.LBB2_18:
0x2c7: {  	s0 =	sshra.s32 s30, $0x2;
	p0 =	sne.s32 s30, $0xFC00;
	s30 =	sadd.s32 $0x400, s30;
	[tilespmem:v3+s21+$0x0] =	vst.idx.add.f32.msk vm2, v1  }
0x2c8: {  	v3 =	vld [tilespmem:s0+$0xE0]  }
0x2c9: {  	v6 =	vld [tilespmem:s0+$0x0]  }
0x2ca: {  	v7 =	vld [tilespmem:s0+$0x10]  }
0x2cb: {  	v4 =	vld [tilespmem:s0+$0xD0]  }
0x2cc: {  	v8 =	vld [tilespmem:s0+$0x20]  }
0x2cd: {  	v5 =	vld [tilespmem:s0+$0xC0]  }
0x2ce: {  	v9 =	vld [tilespmem:s0+$0x30];
	v10 =	vand.u32 $0x7FFFFFFF, v6  }
0x2cf: {  	v11 =	vld [tilespmem:s0+$0xB0];
	v12 =	vmul.f32 $2.047500000e+03, v10  }
0x2d0: {  	v14 =	vand.u32 $0x7FFFFFFF, v7;
	v13 =	vld [tilespmem:s0+$0x40]  }
0x2d1: {  	v16 =	vmul.f32 $2.047500000e+03, v14;
	v15 =	vld [tilespmem:s0+$0xA0];
	v12 =	vtrunc.f32 v12  }
0x2d2: {  	v18 =	vand.u32 $0x7FFFFFFF, v8;
	v17 =	vld [tilespmem:s0+$0x50];
	v12 =	vcvt.f32.s32 v12  }
0x2d3: {  	vm2 =	vlt.f32 v6, $0.0e+00;
	v16 =	vtrunc.f32 v16;
	v20 =	vmul.f32 $2.047500000e+03, v18;
	v19 =	vld [tilespmem:s0+$0x90]  }
0x2d4: {  	v21 =	vand.u32 $0x7FFFFFFF, v9;
	v16 =	vcvt.f32.s32 v16;
	v6 =	vld [tilespmem:s0+$0x60]  }
0x2d5: {  	vm3 =	vlt.f32 v7, $0.0e+00;
	v20 =	vtrunc.f32 v20;
	v23 =	vmul.f32 $2.047500000e+03, v21;
	v22 =	vld [tilespmem:s0+$0x80]  }
0x2d6: {  	v24 =	vand.u32 $0x7FFFFFFF, v13;
	v20 =	vcvt.f32.s32 v20;
	v7 =	vld [tilespmem:s0+$0x70]  }
0x2d7: {  	vm4 =	vlt.f32 v8, $0.0e+00;
	v23 =	vtrunc.f32 v23;
	v26 =	vmul.f32 $2.047500000e+03, v24;
	v25 =	vld [tilespmem:s0+$0xF0]  }
0x2d8: {  	v8 =	vand.u32 $0x7FFFFFFF, v17;
	v23 =	vcvt.f32.s32 v23;
	[tilespmem:v12+s20+$0x0] =	vst.idx.add.f32.msk $0xffff, v10  }
0x2d9: {  	vm5 =	vlt.f32 v9, $0.0e+00;
	v10 =	vtrunc.f32 v26;
	v26 =	vmul.f32 $2.047500000e+03, v8;
	[tilespmem:v12+s21+$0x0] =	vst.idx.add.f32.msk vm2, v1  }
0x2da: {  	v9 =	vand.u32 $0x7FFFFFFF, v6;
	v10 =	vcvt.f32.s32 v10;
	[tilespmem:v16+s20+$0x0] =	vst.idx.add.f32.msk $0xffff, v14  }
0x2db: {  	vm2 =	vlt.f32 v13, $0.0e+00;
	v12 =	vtrunc.f32 v26;
	v14 =	vmul.f32 $2.047500000e+03, v9;
	[tilespmem:v16+s21+$0x0] =	vst.idx.add.f32.msk vm3, v1  }
0x2dc: {  	v13 =	vand.u32 $0x7FFFFFFF, v7;
	v12 =	vcvt.f32.s32 v12;
	[tilespmem:v20+s20+$0x0] =	vst.idx.add.f32.msk $0xffff, v18  }
0x2dd: {  	vm3 =	vlt.f32 v17, $0.0e+00;
	v14 =	vtrunc.f32 v14;
	v16 =	vmul.f32 $2.047500000e+03, v13;
	[tilespmem:v20+s21+$0x0] =	vst.idx.add.f32.msk vm4, v1  }
0x2de: {  	v17 =	vand.u32 $0x7FFFFFFF, v22;
	v14 =	vcvt.f32.s32 v14;
	[tilespmem:v23+s20+$0x0] =	vst.idx.add.f32.msk $0xffff, v21  }
0x2df: {  	v18 =	vmul.f32 $2.047500000e+03, v17;
	vm4 =	vlt.f32 v6, $0.0e+00;
	v16 =	vtrunc.f32 v16;
	[tilespmem:v23+s21+$0x0] =	vst.idx.add.f32.msk vm5, v1  }
0x2e0: {  	v6 =	vand.u32 $0x7FFFFFFF, v19;
	v16 =	vcvt.f32.s32 v16;
	[tilespmem:v10+s20+$0x0] =	vst.idx.add.f32.msk $0xffff, v24  }
0x2e1: {  	v18 =	vtrunc.f32 v18;
	v20 =	vmul.f32 $2.047500000e+03, v6;
	vm5 =	vlt.f32 v7, $0.0e+00;
	[tilespmem:v10+s21+$0x0] =	vst.idx.add.f32.msk vm2, v1  }
0x2e2: {  	v7 =	vand.u32 $0x7FFFFFFF, v15;
	v10 =	vcvt.f32.s32 v18;
	[tilespmem:v12+s20+$0x0] =	vst.idx.add.f32.msk $0xffff, v8  }
0x2e3: {  	v18 =	vmul.f32 $2.047500000e+03, v7;
	vm2 =	vlt.f32 v22, $0.0e+00;
	v8 =	vtrunc.f32 v20;
	[tilespmem:v12+s21+$0x0] =	vst.idx.add.f32.msk vm3, v1  }
0x2e4: {  	v12 =	vand.u32 $0x7FFFFFFF, v11;
	v8 =	vcvt.f32.s32 v8;
	[tilespmem:v14+s20+$0x0] =	vst.idx.add.f32.msk $0xffff, v9  }
0x2e5: {  	vm3 =	vlt.f32 v19, $0.0e+00;
	v9 =	vtrunc.f32 v18;
	v18 =	vmul.f32 $2.047500000e+03, v12;
	[tilespmem:v14+s21+$0x0] =	vst.idx.add.f32.msk vm4, v1  }
0x2e6: {  	v14 =	vand.u32 $0x7FFFFFFF, v5;
	v9 =	vcvt.f32.s32 v9;
	[tilespmem:v16+s20+$0x0] =	vst.idx.add.f32.msk $0xffff, v13  }
0x2e7: {  	vm4 =	vlt.f32 v15, $0.0e+00;
	v13 =	vtrunc.f32 v18;
	v18 =	vmul.f32 $2.047500000e+03, v14;
	[tilespmem:v16+s21+$0x0] =	vst.idx.add.f32.msk vm5, v1  }
0x2e8: {  	v15 =	vand.u32 $0x7FFFFFFF, v4;
	v13 =	vcvt.f32.s32 v13;
	[tilespmem:v10+s20+$0x0] =	vst.idx.add.f32.msk $0xffff, v17  }
0x2e9: {  	vm5 =	vlt.f32 v11, $0.0e+00;
	v16 =	vtrunc.f32 v18;
	v17 =	vmul.f32 $2.047500000e+03, v15;
	[tilespmem:v10+s21+$0x0] =	vst.idx.add.f32.msk vm2, v1  }
0x2ea: {  	v10 =	vand.u32 $0x7FFFFFFF, v3;
	v11 =	vcvt.f32.s32 v16;
	[tilespmem:v8+s20+$0x0] =	vst.idx.add.f32.msk $0xffff, v6  }
0x2eb: {  	vm6 =	vlt.f32 v5, $0.0e+00;
	v6 =	vtrunc.f32 v17;
	v16 =	vmul.f32 $2.047500000e+03, v10;
	[tilespmem:v8+s21+$0x0] =	vst.idx.add.f32.msk vm3, v1  }
0x2ec: {  	v5 =	vand.u32 $0x7FFFFFFF, v25;
	v6 =	vcvt.f32.s32 v6;
	[tilespmem:v9+s20+$0x0] =	vst.idx.add.f32.msk $0xffff, v7  }
0x2ed: {  	v8 =	vmul.f32 $2.047500000e+03, v5;
	vm3 =	vlt.f32 v4, $0.0e+00;
	v7 =	vtrunc.f32 v16;
	[tilespmem:v9+s21+$0x0] =	vst.idx.add.f32.msk vm4, v1  }
0x2ee: {  	v4 =	vcvt.f32.s32 v7;
	[tilespmem:v13+s20+$0x0] =	vst.idx.add.f32.msk $0xffff, v12  }
0x2ef: {  	v7 =	vtrunc.f32 v8;
	vm4 =	vlt.f32 v3, $0.0e+00;
	[tilespmem:v13+s21+$0x0] =	vst.idx.add.f32.msk vm5, v1  }
0x2f0: {  	v3 =	vcvt.f32.s32 v7;
	[tilespmem:v11+s20+$0x0] =	vst.idx.add.f32.msk $0xffff, v14  }
0x2f1: {  	vm2 =	vlt.f32 v25, $0.0e+00;
	[tilespmem:v11+s21+$0x0] =	vst.idx.add.f32.msk vm6, v1  }
.Ltmp12:
0x2f2: {  	[tilespmem:v6+s20+$0x0] =	vst.idx.add.f32.msk $0xffff, v15;
	(pc) =	sbr.rel @p0 .LBB2_18-.Ltmp12, $4  }
0x2f3: {  	[tilespmem:v6+s21+$0x0] =	vst.idx.add.f32.msk vm3, v1  }
0x2f4: {  	[tilespmem:v4+s20+$0x0] =	vst.idx.add.f32.msk $0xffff, v10  }
0x2f5: {  	[tilespmem:v4+s21+$0x0] =	vst.idx.add.f32.msk vm4, v1  }
0x2f6: {  	[tilespmem:v3+s20+$0x0] =	vst.idx.add.f32.msk $0xffff, v5  }
0x2f7: {  	_ =	sdelay $0x4  }
0x2f8: {  	[tilespmem:v3+s21+$0x0] =	vst.idx.add.f32.msk vm2, v1  }
0x2f9: {  	s0 =	sadd.s32 s14, s29;
	_ =	swait.ge [sflag:s22], $0x4000  }
0x2fa: {  	s1 =	simm.s32 $0x0;
	s0 =	sshrl.u32 s0, $0x3;
	[sflag:s22] =	ssyncset.done $0x0  }
0x2fb: {  	s31 =	simm.s32 $0x0;
	s0 =	sadd.s32 s6, s0;
	[sflag:s22] =	ssyncadd.s32 $0xFFFFC000  }
0x2fc: {  	[tilespmem:s1], [sflag:$0x1] =	stream.strided.gather [hbm4b:s0+s16], $0x4000, s17, s16, $0x38;
	[tilespmem:$0x9080] =	vst v63  }
0x2fd: {  	v3 =	vld [tilespmem:s31+$0x40E0]  }
0x2fe: {  	v4 =	vld [tilespmem:s31+$0x4000]  }
0x2ff: {  	v5 =	vld [tilespmem:s31+$0x4010]  }
0x300: {  	v6 =	vld [tilespmem:s31+$0x40D0]  }
0x301: {  	v7 =	vld [tilespmem:s31+$0x4020]  }
0x302: {  	v8 =	vld [tilespmem:s31+$0x40C0]  }
0x303: {  	v9 =	vld [tilespmem:s31+$0x4030];
	v10 =	vand.u32 $0x7FFFFFFF, v4  }
0x304: {  	v11 =	vld [tilespmem:s31+$0x40B0];
	v12 =	vmul.f32 $2.047500000e+03, v10  }
0x305: {  	v13 =	vld [tilespmem:s31+$0x4040];
	v14 =	vand.u32 $0x7FFFFFFF, v5  }
0x306: {  	v15 =	vld [tilespmem:s31+$0x40A0];
	v16 =	vmul.f32 $2.047500000e+03, v14;
	v12 =	vtrunc.f32 v12  }
0x307: {  	v17 =	vld [tilespmem:s31+$0x4050];
	v18 =	vand.u32 $0x7FFFFFFF, v7;
	v12 =	vcvt.f32.s32 v12  }
0x308: {  	v19 =	vld [tilespmem:s31+$0x4090];
	vm2 =	vlt.f32 v4, $0.0e+00;
	v20 =	vmul.f32 $2.047500000e+03, v18;
	v16 =	vtrunc.f32 v16  }
0x309: {  	v22 =	vld [tilespmem:s31+$0x4080];
	v21 =	vand.u32 $0x7FFFFFFF, v9;
	v16 =	vcvt.f32.s32 v16  }
0x30a: {  	v4 =	vld [tilespmem:s31+$0x4060];
	vm3 =	vlt.f32 v5, $0.0e+00;
	v23 =	vmul.f32 $2.047500000e+03, v21;
	v20 =	vtrunc.f32 v20  }
0x30b: {  	v25 =	vld [tilespmem:s31+$0x40F0];
	v24 =	vand.u32 $0x7FFFFFFF, v13;
	v20 =	vcvt.f32.s32 v20  }
0x30c: {  	v5 =	vld [tilespmem:s31+$0x4070];
	vm4 =	vlt.f32 v7, $0.0e+00;
	v26 =	vmul.f32 $2.047500000e+03, v24;
	v23 =	vtrunc.f32 v23  }
0x30d: {  	v35 =	vand.u32 $0x7FFFFFFF, v17;
	v23 =	vcvt.f32.s32 v23;
	[tilespmem:v12+s20+$0x0] =	vst.idx.add.f32.msk $0xffff, v10  }
0x30e: {  	vm5 =	vlt.f32 v9, $0.0e+00;
	v37 =	vmul.f32 $2.047500000e+03, v35;
	v36 =	vtrunc.f32 v26;
	[tilespmem:v12+s21+$0x0] =	vst.idx.add.f32.msk vm2, v1  }
0x30f: {  	v38 =	vand.u32 $0x7FFFFFFF, v4;
	v10 =	vcvt.f32.s32 v36;
	[tilespmem:v16+s20+$0x0] =	vst.idx.add.f32.msk $0xffff, v14  }
0x310: {  	v39 =	vtrunc.f32 v37;
	v40 =	vmul.f32 $2.047500000e+03, v38;
	vm2 =	vlt.f32 v13, $0.0e+00;
	[tilespmem:v16+s21+$0x0] =	vst.idx.add.f32.msk vm3, v1  }
0x311: {  	v41 =	vand.u32 $0x7FFFFFFF, v5;
	v12 =	vcvt.f32.s32 v39;
	[tilespmem:v20+s20+$0x0] =	vst.idx.add.f32.msk $0xffff, v18  }
0x312: {  	v42 =	vmul.f32 $2.047500000e+03, v41;
	v14 =	vtrunc.f32 v40;
	vm3 =	vlt.f32 v17, $0.0e+00;
	[tilespmem:v20+s21+$0x0] =	vst.idx.add.f32.msk vm4, v1  }
0x313: {  	v43 =	vand.u32 $0x7FFFFFFF, v22;
	v14 =	vcvt.f32.s32 v14;
	[tilespmem:v23+s20+$0x0] =	vst.idx.add.f32.msk $0xffff, v21  }
0x314: {  	v44 =	vmul.f32 $2.047500000e+03, v43;
	vm11 =	vlt.f32 v4, $0.0e+00;
	v16 =	vtrunc.f32 v42;
	[tilespmem:v23+s21+$0x0] =	vst.idx.add.f32.msk vm5, v1  }
0x315: {  	v4 =	vand.u32 $0x7FFFFFFF, v19;
	v16 =	vcvt.f32.s32 v16;
	[tilespmem:v10+s20+$0x0] =	vst.idx.add.f32.msk $0xffff, v24  }
0x316: {  	vm12 =	vlt.f32 v5, $0.0e+00;
	v45 =	vmul.f32 $2.047500000e+03, v4;
	v18 =	vtrunc.f32 v44;
	[tilespmem:v10+s21+$0x0] =	vst.idx.add.f32.msk vm2, v1  }
0x317: {  	v5 =	vand.u32 $0x7FFFFFFF, v15;
	v46 =	vcvt.f32.s32 v18;
	[tilespmem:v12+s20+$0x0] =	vst.idx.add.f32.msk $0xffff, v35  }
0x318: {  	v48 =	vmul.f32 $2.047500000e+03, v5;
	v47 =	vtrunc.f32 v45;
	vm2 =	vlt.f32 v22, $0.0e+00;
	[tilespmem:v12+s21+$0x0] =	vst.idx.add.f32.msk vm3, v1  }
0x319: {  	v49 =	vand.u32 $0x7FFFFFFF, v11;
	v7 =	vcvt.f32.s32 v47;
	[tilespmem:v14+s20+$0x0] =	vst.idx.add.f32.msk $0xffff, v38  }
0x31a: {  	v51 =	vmul.f32 $2.047500000e+03, v49;
	v50 =	vtrunc.f32 v48;
	vm3 =	vlt.f32 v19, $0.0e+00;
	[tilespmem:v14+s21+$0x0] =	vst.idx.add.f32.msk vm11, v1  }
0x31b: {  	v52 =	vand.u32 $0x7FFFFFFF, v8;
	v9 =	vcvt.f32.s32 v50;
	[tilespmem:v16+s20+$0x0] =	vst.idx.add.f32.msk $0xffff, v41  }
0x31c: {  	vm13 =	vlt.f32 v15, $0.0e+00;
	v54 =	vmul.f32 $2.047500000e+03, v52;
	v53 =	vtrunc.f32 v51;
	[tilespmem:v16+s21+$0x0] =	vst.idx.add.f32.msk vm12, v1  }
0x31d: {  	v55 =	vand.u32 $0x7FFFFFFF, v6;
	v13 =	vcvt.f32.s32 v53;
	[tilespmem:v46+s20+$0x0] =	vst.idx.add.f32.msk $0xffff, v43  }
0x31e: {  	vm14 =	vlt.f32 v11, $0.0e+00;
	v57 =	vmul.f32 $2.047500000e+03, v55;
	v56 =	vtrunc.f32 v54;
	[tilespmem:v46+s21+$0x0] =	vst.idx.add.f32.msk vm2, v1  }
0x31f: {  	v58 =	vand.u32 $0x7FFFFFFF, v3;
	v59 =	vcvt.f32.s32 v56;
	[tilespmem:v7+s20+$0x0] =	vst.idx.add.f32.msk $0xffff, v4  }
0x320: {  	v60 =	vmul.f32 $2.047500000e+03, v58;
	vm2 =	vlt.f32 v8, $0.0e+00;
	v4 =	vtrunc.f32 v57;
	[tilespmem:v7+s21+$0x0] =	vst.idx.add.f32.msk vm3, v1  }
0x321: {  	v61 =	vand.u32 $0x7FFFFFFF, v25;
	v4 =	vcvt.f32.s32 v4;
	[tilespmem:v9+s20+$0x0] =	vst.idx.add.f32.msk $0xffff, v5  }
0x322: {  	v62 =	vmul.f32 $2.047500000e+03, v61;
	vm3 =	vlt.f32 v6, $0.0e+00;
	v5 =	vtrunc.f32 v60;
	[tilespmem:v9+s21+$0x0] =	vst.idx.add.f32.msk vm13, v1  }
0x323: {  	v5 =	vcvt.f32.s32 v5;
	[tilespmem:v13+s20+$0x0] =	vst.idx.add.f32.msk $0xffff, v49  }
0x324: {  	vm15 =	vlt.f32 v3, $0.0e+00;
	v63 =	vtrunc.f32 v62;
	[tilespmem:v13+s21+$0x0] =	vst.idx.add.f32.msk vm14, v1  }
0x325: {  	v3 =	vcvt.f32.s32 v63;
	[tilespmem:v59+s20+$0x0] =	vst.idx.add.f32.msk $0xffff, v52  }
0x326: {  	[tilespmem:v59+s21+$0x0] =	vst.idx.add.f32.msk vm2, v1;
	vm2 =	vlt.f32 v25, $0.0e+00  }
0x327: {  	[tilespmem:v4+s20+$0x0] =	vst.idx.add.f32.msk $0xffff, v55  }
0x328: {  	[tilespmem:v4+s21+$0x0] =	vst.idx.add.f32.msk vm3, v1  }
0x329: {  	[tilespmem:v5+s20+$0x0] =	vst.idx.add.f32.msk $0xffff, v58  }
0x32a: {  	[tilespmem:v5+s21+$0x0] =	vst.idx.add.f32.msk vm15, v1  }
0x32b: {  	s29 =	simm.s32 $0x400;
	[tilespmem:v3+s20+$0x0] =	vst.idx.add.f32.msk $0xffff, v61  }
.LBB2_20:
0x32c: {  	s0 =	sshra.s32 s29, $0x2;
	p0 =	sne.s32 s29, $0xFC00;
	s29 =	sadd.s32 $0x400, s29;
	[tilespmem:v3+s21+$0x0] =	vst.idx.add.f32.msk vm2, v1  }
0x32d: {  	v3 =	vld [tilespmem:s0+$0x40E0]  }
0x32e: {  	v6 =	vld [tilespmem:s0+$0x4000]  }
0x32f: {  	v7 =	vld [tilespmem:s0+$0x4010]  }
0x330: {  	v4 =	vld [tilespmem:s0+$0x40D0]  }
0x331: {  	v8 =	vld [tilespmem:s0+$0x4020]  }
0x332: {  	v5 =	vld [tilespmem:s0+$0x40C0]  }
0x333: {  	v9 =	vld [tilespmem:s0+$0x4030];
	v10 =	vand.u32 $0x7FFFFFFF, v6  }
0x334: {  	v11 =	vld [tilespmem:s0+$0x40B0];
	v12 =	vmul.f32 $2.047500000e+03, v10  }
0x335: {  	v14 =	vand.u32 $0x7FFFFFFF, v7;
	v13 =	vld [tilespmem:s0+$0x4040]  }
0x336: {  	v16 =	vmul.f32 $2.047500000e+03, v14;
	v15 =	vld [tilespmem:s0+$0x40A0];
	v12 =	vtrunc.f32 v12  }
0x337: {  	v18 =	vand.u32 $0x7FFFFFFF, v8;
	v17 =	vld [tilespmem:s0+$0x4050];
	v12 =	vcvt.f32.s32 v12  }
0x338: {  	vm2 =	vlt.f32 v6, $0.0e+00;
	v16 =	vtrunc.f32 v16;
	v20 =	vmul.f32 $2.047500000e+03, v18;
	v19 =	vld [tilespmem:s0+$0x4090]  }
0x339: {  	v21 =	vand.u32 $0x7FFFFFFF, v9;
	v16 =	vcvt.f32.s32 v16;
	v6 =	vld [tilespmem:s0+$0x4060]  }
0x33a: {  	vm3 =	vlt.f32 v7, $0.0e+00;
	v20 =	vtrunc.f32 v20;
	v23 =	vmul.f32 $2.047500000e+03, v21;
	v22 =	vld [tilespmem:s0+$0x4080]  }
0x33b: {  	v24 =	vand.u32 $0x7FFFFFFF, v13;
	v20 =	vcvt.f32.s32 v20;
	v7 =	vld [tilespmem:s0+$0x4070]  }
0x33c: {  	vm4 =	vlt.f32 v8, $0.0e+00;
	v23 =	vtrunc.f32 v23;
	v26 =	vmul.f32 $2.047500000e+03, v24;
	v25 =	vld [tilespmem:s0+$0x40F0]  }
0x33d: {  	v8 =	vand.u32 $0x7FFFFFFF, v17;
	v23 =	vcvt.f32.s32 v23;
	[tilespmem:v12+s20+$0x0] =	vst.idx.add.f32.msk $0xffff, v10  }
0x33e: {  	vm5 =	vlt.f32 v9, $0.0e+00;
	v10 =	vtrunc.f32 v26;
	v26 =	vmul.f32 $2.047500000e+03, v8;
	[tilespmem:v12+s21+$0x0] =	vst.idx.add.f32.msk vm2, v1  }
0x33f: {  	v9 =	vand.u32 $0x7FFFFFFF, v6;
	v10 =	vcvt.f32.s32 v10;
	[tilespmem:v16+s20+$0x0] =	vst.idx.add.f32.msk $0xffff, v14  }
0x340: {  	vm2 =	vlt.f32 v13, $0.0e+00;
	v12 =	vtrunc.f32 v26;
	v14 =	vmul.f32 $2.047500000e+03, v9;
	[tilespmem:v16+s21+$0x0] =	vst.idx.add.f32.msk vm3, v1  }
0x341: {  	v13 =	vand.u32 $0x7FFFFFFF, v7;
	v12 =	vcvt.f32.s32 v12;
	[tilespmem:v20+s20+$0x0] =	vst.idx.add.f32.msk $0xffff, v18  }
0x342: {  	vm3 =	vlt.f32 v17, $0.0e+00;
	v14 =	vtrunc.f32 v14;
	v16 =	vmul.f32 $2.047500000e+03, v13;
	[tilespmem:v20+s21+$0x0] =	vst.idx.add.f32.msk vm4, v1  }
0x343: {  	v17 =	vand.u32 $0x7FFFFFFF, v22;
	v14 =	vcvt.f32.s32 v14;
	[tilespmem:v23+s20+$0x0] =	vst.idx.add.f32.msk $0xffff, v21  }
0x344: {  	v18 =	vmul.f32 $2.047500000e+03, v17;
	vm4 =	vlt.f32 v6, $0.0e+00;
	v16 =	vtrunc.f32 v16;
	[tilespmem:v23+s21+$0x0] =	vst.idx.add.f32.msk vm5, v1  }
0x345: {  	v6 =	vand.u32 $0x7FFFFFFF, v19;
	v16 =	vcvt.f32.s32 v16;
	[tilespmem:v10+s20+$0x0] =	vst.idx.add.f32.msk $0xffff, v24  }
0x346: {  	v18 =	vtrunc.f32 v18;
	v20 =	vmul.f32 $2.047500000e+03, v6;
	vm5 =	vlt.f32 v7, $0.0e+00;
	[tilespmem:v10+s21+$0x0] =	vst.idx.add.f32.msk vm2, v1  }
0x347: {  	v7 =	vand.u32 $0x7FFFFFFF, v15;
	v10 =	vcvt.f32.s32 v18;
	[tilespmem:v12+s20+$0x0] =	vst.idx.add.f32.msk $0xffff, v8  }
0x348: {  	v18 =	vmul.f32 $2.047500000e+03, v7;
	vm2 =	vlt.f32 v22, $0.0e+00;
	v8 =	vtrunc.f32 v20;
	[tilespmem:v12+s21+$0x0] =	vst.idx.add.f32.msk vm3, v1  }
0x349: {  	v12 =	vand.u32 $0x7FFFFFFF, v11;
	v8 =	vcvt.f32.s32 v8;
	[tilespmem:v14+s20+$0x0] =	vst.idx.add.f32.msk $0xffff, v9  }
0x34a: {  	vm3 =	vlt.f32 v19, $0.0e+00;
	v9 =	vtrunc.f32 v18;
	v18 =	vmul.f32 $2.047500000e+03, v12;
	[tilespmem:v14+s21+$0x0] =	vst.idx.add.f32.msk vm4, v1  }
0x34b: {  	v14 =	vand.u32 $0x7FFFFFFF, v5;
	v9 =	vcvt.f32.s32 v9;
	[tilespmem:v16+s20+$0x0] =	vst.idx.add.f32.msk $0xffff, v13  }
0x34c: {  	vm4 =	vlt.f32 v15, $0.0e+00;
	v13 =	vtrunc.f32 v18;
	v18 =	vmul.f32 $2.047500000e+03, v14;
	[tilespmem:v16+s21+$0x0] =	vst.idx.add.f32.msk vm5, v1  }
0x34d: {  	v15 =	vand.u32 $0x7FFFFFFF, v4;
	v13 =	vcvt.f32.s32 v13;
	[tilespmem:v10+s20+$0x0] =	vst.idx.add.f32.msk $0xffff, v17  }
0x34e: {  	vm5 =	vlt.f32 v11, $0.0e+00;
	v16 =	vtrunc.f32 v18;
	v17 =	vmul.f32 $2.047500000e+03, v15;
	[tilespmem:v10+s21+$0x0] =	vst.idx.add.f32.msk vm2, v1  }
0x34f: {  	v10 =	vand.u32 $0x7FFFFFFF, v3;
	v11 =	vcvt.f32.s32 v16;
	[tilespmem:v8+s20+$0x0] =	vst.idx.add.f32.msk $0xffff, v6  }
0x350: {  	vm6 =	vlt.f32 v5, $0.0e+00;
	v6 =	vtrunc.f32 v17;
	v16 =	vmul.f32 $2.047500000e+03, v10;
	[tilespmem:v8+s21+$0x0] =	vst.idx.add.f32.msk vm3, v1  }
0x351: {  	v5 =	vand.u32 $0x7FFFFFFF, v25;
	v6 =	vcvt.f32.s32 v6;
	[tilespmem:v9+s20+$0x0] =	vst.idx.add.f32.msk $0xffff, v7  }
0x352: {  	v8 =	vmul.f32 $2.047500000e+03, v5;
	vm3 =	vlt.f32 v4, $0.0e+00;
	v7 =	vtrunc.f32 v16;
	[tilespmem:v9+s21+$0x0] =	vst.idx.add.f32.msk vm4, v1  }
0x353: {  	v4 =	vcvt.f32.s32 v7;
	[tilespmem:v13+s20+$0x0] =	vst.idx.add.f32.msk $0xffff, v12  }
0x354: {  	v7 =	vtrunc.f32 v8;
	vm4 =	vlt.f32 v3, $0.0e+00;
	[tilespmem:v13+s21+$0x0] =	vst.idx.add.f32.msk vm5, v1  }
0x355: {  	v3 =	vcvt.f32.s32 v7;
	[tilespmem:v11+s20+$0x0] =	vst.idx.add.f32.msk $0xffff, v14  }
0x356: {  	vm2 =	vlt.f32 v25, $0.0e+00;
	[tilespmem:v11+s21+$0x0] =	vst.idx.add.f32.msk vm6, v1  }
.Ltmp13:
0x357: {  	[tilespmem:v6+s20+$0x0] =	vst.idx.add.f32.msk $0xffff, v15;
	(pc) =	sbr.rel @p0 .LBB2_20-.Ltmp13, $4  }
0x358: {  	[tilespmem:v6+s21+$0x0] =	vst.idx.add.f32.msk vm3, v1  }
0x359: {  	[tilespmem:v4+s20+$0x0] =	vst.idx.add.f32.msk $0xffff, v10  }
0x35a: {  	[tilespmem:v4+s21+$0x0] =	vst.idx.add.f32.msk vm4, v1  }
0x35b: {  	[tilespmem:v3+s20+$0x0] =	vst.idx.add.f32.msk $0xffff, v5  }
0x35c: {  	_ =	sdelay $0x4  }
0x35d: {  	[tilespmem:v3+s21+$0x0] =	vst.idx.add.f32.msk vm2, v1  }
0x35e: {  	_ =	swait.ge [sflag:s18], $0x4000  }
0x35f: {  	[sflag:s18] =	ssyncset.done $0x0  }
0x360: {  	s0 =	simm.s32 $0x0;
	[sflag:s18] =	ssyncadd.s32 $0xFFFFC000  }
0x361: {  	v3 =	vld [tilespmem:s0+$0xE0]  }
0x362: {  	v4 =	vld [tilespmem:s0+$0x0]  }
0x363: {  	v5 =	vld [tilespmem:s0+$0x10]  }
0x364: {  	v6 =	vld [tilespmem:s0+$0xD0]  }
0x365: {  	v7 =	vld [tilespmem:s0+$0x20]  }
0x366: {  	v8 =	vld [tilespmem:s0+$0xC0]  }
0x367: {  	v9 =	vld [tilespmem:s0+$0x30];
	v10 =	vand.u32 $0x7FFFFFFF, v4  }
0x368: {  	v11 =	vld [tilespmem:s0+$0xB0];
	v12 =	vmul.f32 $2.047500000e+03, v10  }
0x369: {  	v13 =	vld [tilespmem:s0+$0x40];
	v14 =	vand.u32 $0x7FFFFFFF, v5  }
0x36a: {  	v15 =	vld [tilespmem:s0+$0xA0];
	v16 =	vmul.f32 $2.047500000e+03, v14;
	v12 =	vtrunc.f32 v12  }
0x36b: {  	v17 =	vld [tilespmem:s0+$0x50];
	v18 =	vand.u32 $0x7FFFFFFF, v7;
	v12 =	vcvt.f32.s32 v12  }
0x36c: {  	v19 =	vld [tilespmem:s0+$0x90];
	vm2 =	vlt.f32 v4, $0.0e+00;
	v20 =	vmul.f32 $2.047500000e+03, v18;
	v16 =	vtrunc.f32 v16  }
0x36d: {  	v22 =	vld [tilespmem:s0+$0x80];
	v21 =	vand.u32 $0x7FFFFFFF, v9;
	v16 =	vcvt.f32.s32 v16  }
0x36e: {  	v4 =	vld [tilespmem:s0+$0x60];
	vm3 =	vlt.f32 v5, $0.0e+00;
	v23 =	vmul.f32 $2.047500000e+03, v21;
	v20 =	vtrunc.f32 v20  }
0x36f: {  	v25 =	vld [tilespmem:s0+$0xF0];
	v24 =	vand.u32 $0x7FFFFFFF, v13;
	v20 =	vcvt.f32.s32 v20  }
0x370: {  	v5 =	vld [tilespmem:s0+$0x70];
	vm4 =	vlt.f32 v7, $0.0e+00;
	v26 =	vmul.f32 $2.047500000e+03, v24;
	v23 =	vtrunc.f32 v23  }
0x371: {  	v35 =	vand.u32 $0x7FFFFFFF, v17;
	v23 =	vcvt.f32.s32 v23;
	[tilespmem:v12+s20+$0x0] =	vst.idx.add.f32.msk $0xffff, v10  }
0x372: {  	vm5 =	vlt.f32 v9, $0.0e+00;
	v37 =	vmul.f32 $2.047500000e+03, v35;
	v36 =	vtrunc.f32 v26;
	[tilespmem:v12+s21+$0x0] =	vst.idx.add.f32.msk vm2, v1  }
0x373: {  	v38 =	vand.u32 $0x7FFFFFFF, v4;
	v10 =	vcvt.f32.s32 v36;
	[tilespmem:v16+s20+$0x0] =	vst.idx.add.f32.msk $0xffff, v14  }
0x374: {  	v39 =	vtrunc.f32 v37;
	v40 =	vmul.f32 $2.047500000e+03, v38;
	vm2 =	vlt.f32 v13, $0.0e+00;
	[tilespmem:v16+s21+$0x0] =	vst.idx.add.f32.msk vm3, v1  }
0x375: {  	v41 =	vand.u32 $0x7FFFFFFF, v5;
	v12 =	vcvt.f32.s32 v39;
	[tilespmem:v20+s20+$0x0] =	vst.idx.add.f32.msk $0xffff, v18  }
0x376: {  	v42 =	vmul.f32 $2.047500000e+03, v41;
	v14 =	vtrunc.f32 v40;
	vm3 =	vlt.f32 v17, $0.0e+00;
	[tilespmem:v20+s21+$0x0] =	vst.idx.add.f32.msk vm4, v1  }
0x377: {  	v43 =	vand.u32 $0x7FFFFFFF, v22;
	v14 =	vcvt.f32.s32 v14;
	[tilespmem:v23+s20+$0x0] =	vst.idx.add.f32.msk $0xffff, v21  }
0x378: {  	v44 =	vmul.f32 $2.047500000e+03, v43;
	vm11 =	vlt.f32 v4, $0.0e+00;
	v16 =	vtrunc.f32 v42;
	[tilespmem:v23+s21+$0x0] =	vst.idx.add.f32.msk vm5, v1  }
0x379: {  	v4 =	vand.u32 $0x7FFFFFFF, v19;
	v16 =	vcvt.f32.s32 v16;
	[tilespmem:v10+s20+$0x0] =	vst.idx.add.f32.msk $0xffff, v24  }
0x37a: {  	vm12 =	vlt.f32 v5, $0.0e+00;
	v45 =	vmul.f32 $2.047500000e+03, v4;
	v18 =	vtrunc.f32 v44;
	[tilespmem:v10+s21+$0x0] =	vst.idx.add.f32.msk vm2, v1  }
0x37b: {  	v5 =	vand.u32 $0x7FFFFFFF, v15;
	v46 =	vcvt.f32.s32 v18;
	[tilespmem:v12+s20+$0x0] =	vst.idx.add.f32.msk $0xffff, v35  }
0x37c: {  	v48 =	vmul.f32 $2.047500000e+03, v5;
	v47 =	vtrunc.f32 v45;
	vm2 =	vlt.f32 v22, $0.0e+00;
	[tilespmem:v12+s21+$0x0] =	vst.idx.add.f32.msk vm3, v1  }
0x37d: {  	v49 =	vand.u32 $0x7FFFFFFF, v11;
	v7 =	vcvt.f32.s32 v47;
	[tilespmem:v14+s20+$0x0] =	vst.idx.add.f32.msk $0xffff, v38  }
0x37e: {  	v51 =	vmul.f32 $2.047500000e+03, v49;
	v50 =	vtrunc.f32 v48;
	vm3 =	vlt.f32 v19, $0.0e+00;
	[tilespmem:v14+s21+$0x0] =	vst.idx.add.f32.msk vm11, v1  }
0x37f: {  	v52 =	vand.u32 $0x7FFFFFFF, v8;
	v9 =	vcvt.f32.s32 v50;
	[tilespmem:v16+s20+$0x0] =	vst.idx.add.f32.msk $0xffff, v41  }
0x380: {  	vm13 =	vlt.f32 v15, $0.0e+00;
	v54 =	vmul.f32 $2.047500000e+03, v52;
	v53 =	vtrunc.f32 v51;
	[tilespmem:v16+s21+$0x0] =	vst.idx.add.f32.msk vm12, v1  }
0x381: {  	v55 =	vand.u32 $0x7FFFFFFF, v6;
	v13 =	vcvt.f32.s32 v53;
	[tilespmem:v46+s20+$0x0] =	vst.idx.add.f32.msk $0xffff, v43  }
0x382: {  	vm14 =	vlt.f32 v11, $0.0e+00;
	v57 =	vmul.f32 $2.047500000e+03, v55;
	v56 =	vtrunc.f32 v54;
	[tilespmem:v46+s21+$0x0] =	vst.idx.add.f32.msk vm2, v1  }
0x383: {  	v58 =	vand.u32 $0x7FFFFFFF, v3;
	v59 =	vcvt.f32.s32 v56;
	[tilespmem:v7+s20+$0x0] =	vst.idx.add.f32.msk $0xffff, v4  }
0x384: {  	v60 =	vmul.f32 $2.047500000e+03, v58;
	vm2 =	vlt.f32 v8, $0.0e+00;
	v4 =	vtrunc.f32 v57;
	[tilespmem:v7+s21+$0x0] =	vst.idx.add.f32.msk vm3, v1  }
0x385: {  	v61 =	vand.u32 $0x7FFFFFFF, v25;
	v4 =	vcvt.f32.s32 v4;
	[tilespmem:v9+s20+$0x0] =	vst.idx.add.f32.msk $0xffff, v5  }
0x386: {  	v62 =	vmul.f32 $2.047500000e+03, v61;
	vm3 =	vlt.f32 v6, $0.0e+00;
	v5 =	vtrunc.f32 v60;
	[tilespmem:v9+s21+$0x0] =	vst.idx.add.f32.msk vm13, v1  }
0x387: {  	v5 =	vcvt.f32.s32 v5;
	[tilespmem:v13+s20+$0x0] =	vst.idx.add.f32.msk $0xffff, v49  }
0x388: {  	vm15 =	vlt.f32 v3, $0.0e+00;
	v63 =	vtrunc.f32 v62;
	[tilespmem:v13+s21+$0x0] =	vst.idx.add.f32.msk vm14, v1  }
0x389: {  	v3 =	vcvt.f32.s32 v63;
	[tilespmem:v59+s20+$0x0] =	vst.idx.add.f32.msk $0xffff, v52  }
0x38a: {  	[tilespmem:v59+s21+$0x0] =	vst.idx.add.f32.msk vm2, v1;
	vm2 =	vlt.f32 v25, $0.0e+00  }
0x38b: {  	[tilespmem:v4+s20+$0x0] =	vst.idx.add.f32.msk $0xffff, v55  }
0x38c: {  	[tilespmem:v4+s21+$0x0] =	vst.idx.add.f32.msk vm3, v1  }
0x38d: {  	[tilespmem:v5+s20+$0x0] =	vst.idx.add.f32.msk $0xffff, v58  }
0x38e: {  	[tilespmem:v5+s21+$0x0] =	vst.idx.add.f32.msk vm15, v1  }
0x38f: {  	s29 =	simm.s32 $0x0;
	s30 =	simm.s32 $0x400;
	[tilespmem:v3+s20+$0x0] =	vst.idx.add.f32.msk $0xffff, v61  }
.LBB2_22:
0x390: {  	s0 =	sshra.s32 s30, $0x2;
	p0 =	sne.s32 s30, $0xFC00;
	s30 =	sadd.s32 $0x400, s30;
	[tilespmem:v3+s21+$0x0] =	vst.idx.add.f32.msk vm2, v1  }
0x391: {  	v3 =	vld [tilespmem:s0+$0xE0]  }
0x392: {  	v6 =	vld [tilespmem:s0+$0x0]  }
0x393: {  	v7 =	vld [tilespmem:s0+$0x10]  }
0x394: {  	v4 =	vld [tilespmem:s0+$0xD0]  }
0x395: {  	v8 =	vld [tilespmem:s0+$0x20]  }
0x396: {  	v5 =	vld [tilespmem:s0+$0xC0]  }
0x397: {  	v9 =	vld [tilespmem:s0+$0x30];
	v10 =	vand.u32 $0x7FFFFFFF, v6  }
0x398: {  	v11 =	vld [tilespmem:s0+$0xB0];
	v12 =	vmul.f32 $2.047500000e+03, v10  }
0x399: {  	v14 =	vand.u32 $0x7FFFFFFF, v7;
	v13 =	vld [tilespmem:s0+$0x40]  }
0x39a: {  	v16 =	vmul.f32 $2.047500000e+03, v14;
	v15 =	vld [tilespmem:s0+$0xA0];
	v12 =	vtrunc.f32 v12  }
0x39b: {  	v18 =	vand.u32 $0x7FFFFFFF, v8;
	v17 =	vld [tilespmem:s0+$0x50];
	v12 =	vcvt.f32.s32 v12  }
0x39c: {  	vm2 =	vlt.f32 v6, $0.0e+00;
	v16 =	vtrunc.f32 v16;
	v20 =	vmul.f32 $2.047500000e+03, v18;
	v19 =	vld [tilespmem:s0+$0x90]  }
0x39d: {  	v21 =	vand.u32 $0x7FFFFFFF, v9;
	v16 =	vcvt.f32.s32 v16;
	v6 =	vld [tilespmem:s0+$0x60]  }
0x39e: {  	vm3 =	vlt.f32 v7, $0.0e+00;
	v20 =	vtrunc.f32 v20;
	v23 =	vmul.f32 $2.047500000e+03, v21;
	v22 =	vld [tilespmem:s0+$0x80]  }
0x39f: {  	v24 =	vand.u32 $0x7FFFFFFF, v13;
	v20 =	vcvt.f32.s32 v20;
	v7 =	vld [tilespmem:s0+$0x70]  }
0x3a0: {  	vm4 =	vlt.f32 v8, $0.0e+00;
	v23 =	vtrunc.f32 v23;
	v26 =	vmul.f32 $2.047500000e+03, v24;
	v25 =	vld [tilespmem:s0+$0xF0]  }
0x3a1: {  	v8 =	vand.u32 $0x7FFFFFFF, v17;
	v23 =	vcvt.f32.s32 v23;
	[tilespmem:v12+s20+$0x0] =	vst.idx.add.f32.msk $0xffff, v10  }
0x3a2: {  	vm5 =	vlt.f32 v9, $0.0e+00;
	v10 =	vtrunc.f32 v26;
	v26 =	vmul.f32 $2.047500000e+03, v8;
	[tilespmem:v12+s21+$0x0] =	vst.idx.add.f32.msk vm2, v1  }
0x3a3: {  	v9 =	vand.u32 $0x7FFFFFFF, v6;
	v10 =	vcvt.f32.s32 v10;
	[tilespmem:v16+s20+$0x0] =	vst.idx.add.f32.msk $0xffff, v14  }
0x3a4: {  	vm2 =	vlt.f32 v13, $0.0e+00;
	v12 =	vtrunc.f32 v26;
	v14 =	vmul.f32 $2.047500000e+03, v9;
	[tilespmem:v16+s21+$0x0] =	vst.idx.add.f32.msk vm3, v1  }
0x3a5: {  	v13 =	vand.u32 $0x7FFFFFFF, v7;
	v12 =	vcvt.f32.s32 v12;
	[tilespmem:v20+s20+$0x0] =	vst.idx.add.f32.msk $0xffff, v18  }
0x3a6: {  	vm3 =	vlt.f32 v17, $0.0e+00;
	v14 =	vtrunc.f32 v14;
	v16 =	vmul.f32 $2.047500000e+03, v13;
	[tilespmem:v20+s21+$0x0] =	vst.idx.add.f32.msk vm4, v1  }
0x3a7: {  	v17 =	vand.u32 $0x7FFFFFFF, v22;
	v14 =	vcvt.f32.s32 v14;
	[tilespmem:v23+s20+$0x0] =	vst.idx.add.f32.msk $0xffff, v21  }
0x3a8: {  	v18 =	vmul.f32 $2.047500000e+03, v17;
	vm4 =	vlt.f32 v6, $0.0e+00;
	v16 =	vtrunc.f32 v16;
	[tilespmem:v23+s21+$0x0] =	vst.idx.add.f32.msk vm5, v1  }
0x3a9: {  	v6 =	vand.u32 $0x7FFFFFFF, v19;
	v16 =	vcvt.f32.s32 v16;
	[tilespmem:v10+s20+$0x0] =	vst.idx.add.f32.msk $0xffff, v24  }
0x3aa: {  	v18 =	vtrunc.f32 v18;
	v20 =	vmul.f32 $2.047500000e+03, v6;
	vm5 =	vlt.f32 v7, $0.0e+00;
	[tilespmem:v10+s21+$0x0] =	vst.idx.add.f32.msk vm2, v1  }
0x3ab: {  	v7 =	vand.u32 $0x7FFFFFFF, v15;
	v10 =	vcvt.f32.s32 v18;
	[tilespmem:v12+s20+$0x0] =	vst.idx.add.f32.msk $0xffff, v8  }
0x3ac: {  	v18 =	vmul.f32 $2.047500000e+03, v7;
	vm2 =	vlt.f32 v22, $0.0e+00;
	v8 =	vtrunc.f32 v20;
	[tilespmem:v12+s21+$0x0] =	vst.idx.add.f32.msk vm3, v1  }
0x3ad: {  	v12 =	vand.u32 $0x7FFFFFFF, v11;
	v8 =	vcvt.f32.s32 v8;
	[tilespmem:v14+s20+$0x0] =	vst.idx.add.f32.msk $0xffff, v9  }
0x3ae: {  	vm3 =	vlt.f32 v19, $0.0e+00;
	v9 =	vtrunc.f32 v18;
	v18 =	vmul.f32 $2.047500000e+03, v12;
	[tilespmem:v14+s21+$0x0] =	vst.idx.add.f32.msk vm4, v1  }
0x3af: {  	v14 =	vand.u32 $0x7FFFFFFF, v5;
	v9 =	vcvt.f32.s32 v9;
	[tilespmem:v16+s20+$0x0] =	vst.idx.add.f32.msk $0xffff, v13  }
0x3b0: {  	vm4 =	vlt.f32 v15, $0.0e+00;
	v13 =	vtrunc.f32 v18;
	v18 =	vmul.f32 $2.047500000e+03, v14;
	[tilespmem:v16+s21+$0x0] =	vst.idx.add.f32.msk vm5, v1  }
0x3b1: {  	v15 =	vand.u32 $0x7FFFFFFF, v4;
	v13 =	vcvt.f32.s32 v13;
	[tilespmem:v10+s20+$0x0] =	vst.idx.add.f32.msk $0xffff, v17  }
0x3b2: {  	vm5 =	vlt.f32 v11, $0.0e+00;
	v16 =	vtrunc.f32 v18;
	v17 =	vmul.f32 $2.047500000e+03, v15;
	[tilespmem:v10+s21+$0x0] =	vst.idx.add.f32.msk vm2, v1  }
0x3b3: {  	v10 =	vand.u32 $0x7FFFFFFF, v3;
	v11 =	vcvt.f32.s32 v16;
	[tilespmem:v8+s20+$0x0] =	vst.idx.add.f32.msk $0xffff, v6  }
0x3b4: {  	vm6 =	vlt.f32 v5, $0.0e+00;
	v6 =	vtrunc.f32 v17;
	v16 =	vmul.f32 $2.047500000e+03, v10;
	[tilespmem:v8+s21+$0x0] =	vst.idx.add.f32.msk vm3, v1  }
0x3b5: {  	v5 =	vand.u32 $0x7FFFFFFF, v25;
	v6 =	vcvt.f32.s32 v6;
	[tilespmem:v9+s20+$0x0] =	vst.idx.add.f32.msk $0xffff, v7  }
0x3b6: {  	v8 =	vmul.f32 $2.047500000e+03, v5;
	vm3 =	vlt.f32 v4, $0.0e+00;
	v7 =	vtrunc.f32 v16;
	[tilespmem:v9+s21+$0x0] =	vst.idx.add.f32.msk vm4, v1  }
0x3b7: {  	v4 =	vcvt.f32.s32 v7;
	[tilespmem:v13+s20+$0x0] =	vst.idx.add.f32.msk $0xffff, v12  }
0x3b8: {  	v7 =	vtrunc.f32 v8;
	vm4 =	vlt.f32 v3, $0.0e+00;
	[tilespmem:v13+s21+$0x0] =	vst.idx.add.f32.msk vm5, v1  }
0x3b9: {  	v3 =	vcvt.f32.s32 v7;
	[tilespmem:v11+s20+$0x0] =	vst.idx.add.f32.msk $0xffff, v14  }
0x3ba: {  	vm2 =	vlt.f32 v25, $0.0e+00;
	[tilespmem:v11+s21+$0x0] =	vst.idx.add.f32.msk vm6, v1  }
.Ltmp14:
0x3bb: {  	[tilespmem:v6+s20+$0x0] =	vst.idx.add.f32.msk $0xffff, v15;
	(pc) =	sbr.rel @p0 .LBB2_22-.Ltmp14, $4  }
0x3bc: {  	[tilespmem:v6+s21+$0x0] =	vst.idx.add.f32.msk vm3, v1  }
0x3bd: {  	[tilespmem:v4+s20+$0x0] =	vst.idx.add.f32.msk $0xffff, v10  }
0x3be: {  	[tilespmem:v4+s21+$0x0] =	vst.idx.add.f32.msk vm4, v1  }
0x3bf: {  	[tilespmem:v3+s20+$0x0] =	vst.idx.add.f32.msk $0xffff, v5  }
0x3c0: {  	_ =	sdelay $0x4  }
0x3c1: {  	[tilespmem:v3+s21+$0x0] =	vst.idx.add.f32.msk vm2, v1;
	s0 =	simm.s32 $0x8010  }
0x3c2: {  	v10 =	vld [tilespmem:s0+$0xFFFFFFF0];
	_ =	sdelay $0x4  }
0x3c3: {  	v12 =	vld [tilespmem:s0+$0x0];
	(xrf2) =	vadd.scan.msk.f32 $0xffff, v10;
	_ =	sdelay $0x4  }
0x3c4: {  	(xrf2) =	vadd.scan.msk.f32 $0xffff, v12  }
0x3c5: {  	s25 =	simm.s32 $0x8030  }
0x3c6: {  	v23 =	vld [tilespmem:s25+$0xFFFFFFF0];
	_ =	sdelay $0x2  }
0x3c7: {  	s1 =	simm.s32 $0x8810;
	v4 =	vld [tilespmem:s25+$0x0];
	v11, _, _ =	vpop (xrf2)  }
0x3c8: {  	v13 =	vld [tilespmem:s1+$0xFFFFFFF0];
	(v2sf) =	vpush v11, $0xF  }
0x3c9: {  	(xrf2) =	vadd.scan.msk.f32 $0xffff, v23  }
0x3ca: {  	v16 =	vld [tilespmem:s1+$0x0];
	_ =	sdelay $0x1  }
0x3cb: {  	v18 =	vimm.f32 $0.0e+00;
	v15, _, _ =	vpop (xrf2);
	(xrf2) =	vadd.scan.msk.f32 $0xffff, v4  }
0x3cc: {  	s3 =	simm.s32 $0x8050;
	v3 =	vadd.f32 v13, v18  }
0x3cd: {  	s15 =	simm.s32 $0x10;
	v5 =	vld [tilespmem:s3+$0xFFFFFFF0];
	(v2sf) =	vpush v15, $0xF  }
0x3ce: {  	v6 =	vor.u32 s15, v2;
	v7 =	vadd.f32 v16, v3;
	v3 =	vld [tilespmem:s3+$0x0]  }
0x3cf: {  	s2 =	simm.s32 $0x8830;
	v14 =	vor.u32 s29, v2;
	v17 =	vcvt.s32.f32 v6  }
0x3d0: {  	v9 =	vld [tilespmem:s2+$0xFFFFFFF0];
	v14 =	vcvt.s32.f32 v14  }
0x3d1: {  	v17 =	vadd.f32 $5.000000000e-01, v17  }
0x3d2: {  	v8 =	vld [tilespmem:s2+$0x0];
	s25 =	simm.s32 $0x30;
	v14 =	vadd.f32 $5.000000000e-01, v14;
	v19, _, _ =	vpop (xrf2);
	(xrf2) =	vadd.scan.msk.f32 $0xffff, v5  }
0x3d3: {  	s15 =	simm.s32 $0x8850;
	v20 =	vor.u32 s25, v2;
	(v2sf) =	vpush v19, $0xF;
	(xrf2) =	vadd.scan.msk.f32 $0xffff, v3  }
0x3d4: {  	s2 =	simm.f32 $0.0e+00;
	v6 =	vld [tilespmem:s15+$0xFFFFFFF0];
	v20 =	vcvt.s32.f32 v20;
	v14 =	vmul.f32 $4.884005170e-04, v14  }
0x3d5: {  	v24 =	vmul.f32 $4.884005170e-04, v17;
	v21 =	vadd.f32 v9, v7;
	v11 =	vadd.f32 s2, v11;
	v17, _, _ =	vpop (xrf2)  }
0x3d6: {  	v20 =	vadd.f32 $5.000000000e-01, v20;
	v25 =	vmul.f32 v13, v14;
	v7 =	vld [tilespmem:s15+$0x0];
	s15 =	spop (v2sf);
	(v2sf) =	vpush v17, $0xF  }
0x3d7: {  	s31 =	simm.s32 $0x20;
	s3 =	simm.s32 $0x50;
	v21 =	vadd.f32 v8, v21;
	v11 =	vsub.f32 v11, v10;
	v10 =	vmul.f32 v13, v10  }
0x3d8: {  	v27 =	vor.u32 s31, v2;
	s25 =	simm.s32 $0x8070;
	v14 =	vmul.f32 $4.884005170e-04, v20;
	v22 =	vor.u32 s3, v2;
	s0 =	sadd.f32 s15, s2  }
0x3d9: {  	v22 =	vcvt.s32.f32 v22;
	v21 =	vadd.f32 v6, v21;
	v20 =	vadd.f32 v25, v10;
	v10 =	vld [tilespmem:s25+$0xFFFFFFF0]  }
0x3da: {  	s30 =	simm.s32 $0x8870;
	v27 =	vcvt.s32.f32 v27;
	v13 =	vmul.f32 v11, v13;
	v15 =	vadd.f32 s0, v15  }
0x3db: {  	v24 =	vmul.f32 v16, v24;
	v22 =	vadd.f32 $5.000000000e-01, v22;
	v26 =	vadd.f32 v7, v21;
	v11 =	vld [tilespmem:s30+$0xFFFFFFF0]  }
0x3dc: {  	v25 =	vmul.f32 v16, v12;
	v13 =	vadd.f32 v13, v18;
	v18, _, _ =	vpop (xrf2);
	s2 =	simm.s32 $0x70;
	s29 =	spop (v2sf);
	v28 =	vsub.f32 v15, v12;
	v12 =	vld [tilespmem:s25+$0x0]  }
0x3dd: {  	v30 =	vmul.f32 $5.000000000e-01, v20;
	v20, _, _ =	vpop (xrf2);
	(v2sf) =	vpush v18, $0xF;
	v21 =	vor.u32 s2, v2;
	s3 =	sadd.f32 s29, s0  }
0x3de: {  	v24 =	vadd.f32 v24, v25;
	(xrf2) =	vadd.scan.msk.f32 $0xffff, v10;
	(v2sf) =	vpush v20, $0xF;
	v25 =	vcvt.s32.f32 v21;
	v15 =	vld [tilespmem:s30+$0x0]  }
0x3df: {  	v29 =	vadd.f32 s3, v19;
	v19 =	vmul.f32 $4.884005170e-04, v22;
	v22 =	vadd.f32 $5.000000000e-01, v27  }
0x3e0: {  	v13 =	vadd.f32 v13, v30;
	v25 =	vadd.f32 $5.000000000e-01, v25;
	v27 =	vmul.f32 v28, v16  }
0x3e1: {  	v24 =	vmul.f32 $5.000000000e-01, v24;
	v26 =	vadd.f32 v11, v26;
	v63 =	vmul.f32 $4.884005170e-04, v22;
	(xrf2) =	vadd.scan.msk.f32 $0xffff, v12  }
0x3e2: {  	s31 =	simm.s32 $0x40;
	s1 =	simm.s32 $0x80;
	s25 =	spop (v2sf);
	v21 =	vsub.f32 v29, v23;
	v16 =	vmul.f32 $4.884005170e-04, v25;
	v22 =	vadd.f32 v27, v13  }
0x3e3: {  	s29 =	simm.s32 $0x60;
	s0 =	simm.s32 $0x8090;
	s15 =	sadd.f32 s25, s3;
	v23 =	vmul.f32 v9, v23;
	v25 =	vmul.f32 v9, v63;
	v13 =	vadd.f32 v15, v26  }
.LBB2_24:
0x3e4: {  	p0 =	sne.s32 s1, $0x7E0;
	v22 =	vadd.f32 v22, v24;
	v26 =	vmov v10;
	v10 =	vld [tilespmem:s0+$0xFFFFFFF0];
	v27 =	vmov v15;
	s25 =	smov.u32 s1;
	s1 =	sadd.s32 $0x20, s1  }
0x3e5: {  	v15 =	vmul.f32 v21, v9;
	v9 =	vmovc v6;
	v6 =	vmovc v11;
	s2 =	sadd.s32 $0x10, s25;
	v24 =	vld [tilespmem:s0+$0x0];
	v21 =	vadd.f32 v25, v23;
	v23 =	vadd.f32 s15, v17;
	s3 =	spop (v2sf)  }
0x3e6: {  	s30 =	sadd.s32 $0x20, s30;
	v28 =	vmul.f32 v8, v4;
	v29 =	vmul.f32 v8, v14;
	v14 =	vmovc v19;
	v17 =	vmovc v20;
	v25 =	vor.u32 s2, v2;
	s2 =	sadd.f32 s3, s15  }
0x3e7: {  	v30 =	vor.u32 s31, v2;
	s31 =	smov.u32 s29;
	s29 =	smov.u32 s25;
	v22 =	vadd.f32 v15, v22;
	v11 =	vld [tilespmem:s30+$0xFFFFFFF0];
	v23 =	vsub.f32 v23, v4;
	v4 =	vmovc v3;
	v3 =	vmovc v12  }
0x3e8: {  	v30 =	vcvt.s32.f32 v30;
	v28 =	vadd.f32 v29, v28;
	v31 =	vadd.f32 s2, v18;
	v18, _, _ =	vpop (xrf2)  }
0x3e9: {  	v19 =	vmovc v16;
	v25 =	vcvt.s32.f32 v25;
	v29 =	vmul.f32 $5.000000000e-01, v21;
	v15 =	vld [tilespmem:s30+$0x0];
	(xrf2) =	vadd.scan.msk.f32 $0xffff, v10;
	(v2sf) =	vpush v18, $0xF  }
.Ltmp15:
0x3ea: {  	v16 =	vadd.f32 $5.000000000e-01, v30;
	v21 =	vsub.f32 v31, v5;
	v12 =	vmov v24;
	(pc) =	sbr.rel @p0 .LBB2_24-.Ltmp15, $4  }
0x3eb: {  	v22 =	vadd.f32 v22, v29;
	v23 =	vmul.f32 v23, v8;
	v24 =	vadd.f32 $5.000000000e-01, v25;
	v20, _, _ =	vpop (xrf2)  }
0x3ec: {  	v8 =	vmovc v7;
	v25 =	vmul.f32 $4.884005170e-04, v16;
	v13 =	vadd.f32 v11, v13;
	(xrf2) =	vadd.scan.msk.f32 $0xffff, v12;
	(v2sf) =	vpush v20, $0xF  }
0x3ed: {  	v7 =	vmovc v27;
	v22 =	vadd.f32 v23, v22;
	v16 =	vmul.f32 $4.884005170e-04, v24;
	v24 =	vmul.f32 $5.000000000e-01, v28;
	s3 =	spop (v2sf)  }
0x3ee: {  	s0 =	sadd.s32 $0x20, s0;
	v23 =	vmul.f32 v9, v5;
	v5 =	vmovc v26;
	v25 =	vmul.f32 v9, v25;
	v13 =	vadd.f32 v15, v13;
	s15 =	sadd.f32 s3, s2  }
0x3ef: {  	_ =	sdelay $0x3  }
0x3f0: {  	v22 =	vadd.f32 v22, v24;
	v36, _, _ =	vpop (xrf2)  }
0x3f1: {  	v9 =	vmul.f32 v21, v9;
	v35 =	vor.u32 s31, v2;
	s0 =	spop (v2sf);
	(v2sf) =	vpush v36, $0xF  }
0x3f2: {  	v37 =	vmul.f32 v8, v4;
	v34 =	vadd.f32 v25, v23;
	v17 =	vadd.f32 s15, v17  }
0x3f3: {  	v14 =	vmul.f32 v8, v14;
	v23 =	vcvt.s32.f32 v35  }
0x3f4: {  	v9 =	vadd.f32 v9, v22;
	v38 =	vsub.f32 v17, v4;
	v39 =	vmul.f32 $5.000000000e-01, v34  }
0x3f5: {  	s0 =	sadd.f32 s0, s15;
	v40 =	vadd.f32 $5.000000000e-01, v23  }
0x3f6: {  	v14 =	vadd.f32 v14, v37;
	v9 =	vadd.f32 v9, v39;
	v4 =	vmul.f32 v38, v8  }
0x3f7: {  	v18 =	vadd.f32 s0, v18;
	v41 =	vmul.f32 $4.884005170e-04, v40  }
0x3f8: {  	v43 =	vmul.f32 v6, v5;
	v14 =	vmul.f32 $5.000000000e-01, v14;
	v4 =	vadd.f32 v4, v9;
	s1 =	spop (v2sf)  }
0x3f9: {  	v47 =	vor.u32 s29, v2;
	v42 =	vsub.f32 v18, v5;
	v8 =	vmul.f32 v6, v41;
	s0 =	sadd.f32 s1, s0  }
0x3fa: {  	v4 =	vadd.f32 v4, v14;
	v14 =	vcvt.s32.f32 v47  }
0x3fb: {  	v44 =	vmul.f32 v42, v6;
	v5 =	vadd.f32 v8, v43;
	v45 =	vadd.f32 s0, v20  }
0x3fc: {  	v46 =	vmul.f32 v7, v3;
	v48 =	vmul.f32 v7, v19;
	v49 =	vadd.f32 $5.000000000e-01, v14;
	s25 =	spop (v2sf)  }
0x3fd: {  	v4 =	vadd.f32 v44, v4;
	v5 =	vmul.f32 $5.000000000e-01, v5;
	s0 =	sadd.f32 s25, s0;
	v3 =	vsub.f32 v45, v3  }
0x3fe: {  	v50 =	vadd.f32 v48, v46;
	v6 =	vmul.f32 $4.884005170e-04, v49  }
0x3ff: {  	v4 =	vadd.f32 v4, v5;
	v51 =	vadd.f32 s0, v36;
	v3 =	vmul.f32 v3, v7  }
0x400: {  	v53 =	vmul.f32 v11, v10;
	v6 =	vmul.f32 v11, v6;
	s29 =	spop (v2sf)  }
0x401: {  	v52 =	vmul.f32 $5.000000000e-01, v50;
	v5 =	vsub.f32 v51, v10;
	v3 =	vadd.f32 v3, v4;
	s0 =	sadd.f32 s29, s0  }
0x402: {  	v54, _, _ =	vpop (xrf2);
	v56 =	vadd.f32 v6, v53  }
0x403: {  	v55 =	vmul.f32 v5, v11;
	v3 =	vadd.f32 v3, v52;
	v57 =	vadd.f32 s0, v54  }
0x404: {  	v58 =	vmul.f32 v15, v12;
	v59 =	vmul.f32 v15, v16  }
0x405: {  	v5 =	vmul.f32 $5.000000000e-01, v56;
	v3 =	vadd.f32 v55, v3;
	v60 =	vsub.f32 v57, v12;
	_ =	sdelay $0x1  }
0x406: {  	v61 =	vadd.f32 v59, v58;
	v3 =	vadd.f32 v3, v5;
	v4 =	vmul.f32 v60, v15;
	_ =	sdelay $0x1  }
0x407: {  	v62 =	vmul.f32 $5.000000000e-01, v61;
	v3 =	vadd.f32 v4, v3;
	_ =	sdelay $0x1  }
0x408: {  	v3 =	vadd.f32 v3, v62;
	_ =	sdelay $0x1  }
0x409: {  	(xrf2) =	vadd.scan.msk.f32 $0xffff, v3  }
0x40a: {  	(v2sf) =	vpush v54, $0xF;
	(xrf2) =	vadd.scan.msk.f32 $0xffff, v13;
	_ =	sdelay $0x8  }
0x40b: {  	v3, _, _ =	vpop (xrf2)  }
0x40c: {  	v63, _, _ =	vpop (xrf2)  }
0x40d: {  	v4 =	vbroadcast v63, $0xF  }
0x40e: {  	s30 =	sshll.u32 s28, $0xA;
	v3 =	vbroadcast v3, $0xF  }
0x40f: {  	s0 =	sor.u32 s5, s30;
	v4 =	vnsel vm0, $0x0, v4  }
0x410: {  	s2 =	simm.s32 $0x9000;
	s1 =	simm.s32 $0x0;
	s0 =	sshrl.u32 s0, $0x3;
	v3 =	vsel vm1, v4, v3  }
.Ltmp16:
0x411: {  	s0 =	sadd.s32 s23, s0;
	s31 =	spop (v2sf);
	[tilespmem:$0x9000] =	vst v3;
	(pc) =	sbr.rel .LBB2_26-.Ltmp16, $4  }
0x412: {  	[hbm4b:s0+s1] =	stream.linear.scatter [tilespmem:s2], [sflag:$0x3], $0x80, $0x38;
	[tilespmem:$0x9080] =	vst v63  }
0x413: {  	_ =	swait.ge [sflag:s24], $0x80  }
0x414: {  	[sflag:s24] =	ssyncset.done $0x0  }
0x415: {  	[sflag:s24] =	ssyncadd.s32 $0xFFFFFF80  }
.LBB2_28:
0x416: {  	_ =	sfence.sel $0x180000  }
0x417: {  	[bflag:$0x0] =	sbarrier.arrive $0xFFFF  }
0x418: {  	_ =	strace $0x9000004A  }
0x419: {  	s0 =	stileid.u32;
	[bflag:$0x2] =	sbarrier.arrive $0xFFFF  }
0x41a: {  	p0 =	sne.s32 s0, $0x0;
	s0 =	rddreg [dreg:$0x1]  }
0x41b: {  	s0 =	sadd.s32 @!p0 $0x100000, s0  }
0x41c: {  	[sflag:s0] =	ssyncadd.tile.s32 @!p0 $0x1;
	_ =	shalt  }
.Lfunc_end2:
_tile_overlayer_lowered:
.L_overlay_start_2:
0x41d: {  	(tag) =	ssettag $0x2  }
0x41e: {  	s0 =	rddreg [dreg:$0x0];
	s2 =	stileid.u32  }
0x41f: {  	s1 =	rddreg [dreg:$0x1];
	p0 =	sne.s32 s2, $0x0  }
0x420: {  	s3 =	rddreg [dreg:$0x2];
	[bflag:$0x3] =	sbarrier.arrive $0xFFFF;
	s2 =	simm.s32 @!p0 $0x1C03  }
0x421: {  	[timem:s3], [sflag:s2] =	dma.local @!p0 [hbm:s0], s1  }
0x422: {  	s0 =	simm.s32 @!p0 $0x3  }
0x423: {  	_ =	swait.ge @!p0 [sflag:s0], s1  }
0x424: {  	s1 =	ssub.s32 @!p0 $0x0, s1;
	[sflag:s0] =	ssyncset.done @!p0 $0x0  }
0x425: {  	[sflag:s0] =	ssyncadd.s32 @!p0 s1  }
0x426: {  	[bflag:$0x3] =	sbarrier.arrive $0xFFFF  }
0x427: {  	_ =	shalt  }

// kernel: sparse-core-data-format-call.cloned.1.call-start
scs
called_computation_lowered:
.L_overlay_start_0:
0x0: {  	s1 =	sld [smem:$0x3FD9]  }
0x1: {  	s2 =	sld [smem:$0x3FFE];
	_ =	sdelay $0x1  }
0x2: {  	s3 =	srdreg.scid  }
0x3: {  	s0 =	sand.u32 $0x1, s3  }
0x4: {  	s17 =	sshll.u32 s0, $0xA;
	s1 =	sadd.s32 s2, s1  }
0x5: {  	s1 =	sadd.s32 s1, s17  }
0x6: {  	[smem:$0x3FC5] =	sst s1  }
0x7: {  	_ = 	snop  }
0x8: {  	(tm) =	ssettm $0x1  }
0x9: {  	s18 =	sld [smem:$0x3FFB];
	_ =	sdelay $0x3  }
0xa: {  	_ =	strace s18  }
0xb: {  	s1 =	sld [smem:$0x3FFC];
	_ =	sdelay $0x3  }
0xc: {  	_ =	strace s1  }
0xd: {  	s1 =	sld [smem:$0x3FFD];
	_ =	sdelay $0x3  }
0xe: {  	_ =	strace s1  }
0xf: {  	_ =	strace $0x8FFFFFFF  }
0x10: {  	s19 =	sld [smem:$0x3FDB];
	_ =	sdelay $0x1  }
0x11: {  	s20 =	simm.s32 $_scs_section_size  }
0x12: {  	s4 =	simm.s32 $_size__tile_overlayer_lowered;
	s5 =	simm.s32 $_tile_overlayer_lowered  }
0x13: {  	s23 =	simm.s32 $0x1BFF;
	s22 =	sshll.u32 s5, $0x1;
	s1 =	sadd.s32 s20, s19  }
0x14: {  	s6 =	simm.s32 $0x0;
	s21 =	sshll.u32 s4, $0x1;
	s4 =	sadd.s32 s22, s1  }
0x15: {  	[timem:s6], [sflag:s23] =	dma.local [hbm:s4], s21  }
0x16: {  	_ =	swait.ge [sflag:s23], s21  }
0x17: {  	s2 =	ssub.s32 $0x0, s21;
	[sflag:s23] =	ssyncset.done $0x0  }
0x18: {  	[sflag:s23] =	ssyncadd.s32 s2;
	_ =	sdelay $0x1  }
0x19: {  	s24 =	simm.s32 $0x1B8B  }
0x1a: {  	_ =	swait.ge [sflag:s24], $0x1  }
0x1b: {  	[sflag:s24] =	ssyncset.done $0x0  }
0x1c: {  	s26 =	simm.s32 $0x1B8E;
	s25 =	sld [smem:$0x3FFE];
	[sflag:s24] =	ssyncadd.s32 $0xFFFFFFFF  }
0x1d: {  	s27 =	simm.s32 $execute0_lowered;
	[smem:$0x3FD2] =	sst s26  }
0x1e: {  	s4 =	sshll.u32 s27, $0x1;
	_ =	strace $0x80000046;
	[dreg:$0x1] =	wrdreg $0xFFFFFFFF  }
0x1f: {  	s28 =	simm.s32 $_size_execute0_lowered;
	s1 =	sadd.s32 s1, s4;
	[dreg:$0x0] =	wrdreg $0x0  }
0x20: {  	s4 =	sshll.u32 s28, $0x1;
	[dreg:$0x2] =	wrdreg s1  }
0x21: {  	[dreg:$0x3] =	wrdreg s4  }
0x22: {  	[dreg:$0x4] =	wrdreg $0xC0  }
0x23: {  	_ =	task [dreg:s6], $0x5FFFF  }
0x24: {  	[dreg:$0x1] =	wrdreg $0xFFFFFFFF  }
0x25: {  	[dreg:$0x0] =	wrdreg $0x60  }
0x26: {  	[dreg:$0x2] =	wrdreg s25  }
0x27: {  	[dreg:$0x3] =	wrdreg $0x9  }
0x28: {  	_ =	task.clear_ibuf [dreg:s6], $0x4FFFF;
	_ =	strace $0x90000046  }
0x29: {  	s29 =	simm.s32 $0x9;
	_ =	strace $0x80000048  }
0x2a: {  	_ =	swait.ge [sflag:s29], $0x1  }
0x2b: {  	[sflag:s29] =	ssyncadd.s32 $0xFFFFFFFF  }
0x2c: {  	_ =	strace $0x90000048  }
0x2d: {  	_ =	sfence  }
0x2e: {  	s30 =	sld [smem:$0x0];
	_ =	sdelay $0x2  }
0x2f: {  	s31 =	sshll.u32 s3, $0xD;
	s3 =	sshrl.u32 s3, $0x2  }
0x30: {  	s2 =	sand.u32 $0x4000, s31;
	s1 =	sadd.s32 s3, s30  }
0x31: {  	s0 =	sor.u32 s2, s0;
	s1 =	sshll.u32 s1, $0x11  }
0x32: {  	s0 =	sor.u32 s1, s0  }
0x33: {  	s0 =	sadd.s32 $0x8F2B, s0  }
0x34: {  	[sflag:s0] =	ssyncadd.remote.s32 $0x1  }
0x35: {  	_ =	sfence.sel $0xFFFF  }
0x36: {  	[dreg:$0x0] =	wrdreg $0xFFFFFFFF;
	(pc) =	sbr.abs _section_cstart, $3  }
0x37: {  	[dreg:$0x1] =	wrdreg $0xFFFFFFFF  }
0x38: {  	_ =	task.clear_ibuf [dreg:s6], $0x2FFFF;
	_ =	strace $0x9FFFFFFF  }
0x39: {  	(tm) =	ssettm $0x7FFFFFFF  }
tec
execute0_lowered:
.L_overlay_start_1:
0x0: {  	(tag) =	ssettag $0x1  }
0x1: {  	s2 =	rddreg [dreg:$0x0]  }
0x2: {  	s1 =	stileid.u32;
	s3 =	srdreg.scid  }
0x3: {  	s0 =	rddreg [dreg:$0x1];
	_ =	strace $0x80000047;
	s8 =	simm.s32 $0x2  }
0x4: {  	s15 =	simm.s32 $0x0;
	p0 =	por $0x0, $0x0;
	s9 =	simm.s32 $0x80  }
0x5: {  	s10 =	simm.s32 $0x400;
	s16 =	simm.s32 $0x0;
	s17 =	simm.s32 $0x0  }
0x6: {  	s11 =	simm.s32 $0x0;
	s4 =	sshll.u32 s3, $0x4;
	s3 =	sand.u32 $0x3, s1  }
.Ltmp0:
0x7: {  	s14 =	simm.s32 $0x0;
	s5 =	ssub.s32 $0x18, s3;
	(pc) =	sbr.rel .LBB1_1-.Ltmp0, $4  }
0x8: {  	s6 =	sadd.s32 $0x2F5000, s2;
	s4 =	sand.u32 $0x10, s4;
	s5 =	sshrl.u32 s5, $0x2  }
0x9: {  	s7 =	sor.u32 s1, s4;
	s4 =	simm.s32 $0x1;
	s5 =	smul.u32 $0x9, s5  }
0xa: {  	s13 =	smov.u32 s3;
	[sflag:s4] =	ssyncpa.u1 $0x0;
	s7 =	sshrl.u32 s7, $0x2  }
0xb: {  	[sflag:s8] =	ssyncpa.u1 $0x0;
	s12 =	smov.u32 s7;
	s8 =	sadd.s32 $0x1, s5  }
.LBB1_4:
0xc: {  	_ =	sdelay $0x3  }
0xd: {  	[tilespmem:v0+s19+$0xFFFFFFA0 ss:$0x1] =	vst.idx.msk $0xffff, v6  }
0xe: {  	v56 =	vld.idx.msk [tilespmem:v1+s20+$0x30 ss:$0x1], $0xffff;
	[tilespmem:v0+s19+$0xFFFFFFB0 ss:$0x1] =	vst.idx.msk $0xffff, v4  }
0xf: {  	v57 =	vld.idx.msk [tilespmem:v1+s20+$0xFFFFFFC0 ss:$0x1], $0xffff;
	[tilespmem:v0+s19+$0xFFFFFFC0 ss:$0x1] =	vst.idx.msk $0xffff, v2  }
0x10: {  	v58 =	vld.idx.msk [tilespmem:v1+s20+$0xFFFFFFD0 ss:$0x1], $0xffff;
	[tilespmem:v0+s19+$0xFFFFFFD0 ss:$0x1] =	vst.idx.msk $0xffff, v3  }
0x11: {  	v59 =	vld.idx.msk [tilespmem:v1+s20+$0xFFFFFFE0 ss:$0x1], $0xffff;
	[tilespmem:v0+s19+$0xFFFFFFE0 ss:$0x1] =	vst.idx.msk $0xffff, v5  }
0x12: {  	v60 =	vld.idx.msk [tilespmem:v1+s20+$0xFFFFFFF0 ss:$0x1], $0xffff;
	[tilespmem:v0+s19+$0xFFFFFFF0 ss:$0x1] =	vst.idx.msk $0xffff, v7  }
0x13: {  	v61 =	vld.idx.msk [tilespmem:v1+s20+$0x0 ss:$0x1], $0xffff;
	[tilespmem:v0+s20+$0x0 ss:$0x1] =	vst.idx.msk $0xffff, v56  }
0x14: {  	v62 =	vld.idx.msk [tilespmem:v1+s20+$0x10 ss:$0x1], $0xffff;
	[tilespmem:v0+s20+$0xFFFFFF90 ss:$0x1] =	vst.idx.msk $0xffff, v57  }
0x15: {  	v63 =	vld.idx.msk [tilespmem:v1+s20+$0x20 ss:$0x1], $0xffff;
	[tilespmem:v0+s20+$0xFFFFFFA0 ss:$0x1] =	vst.idx.msk $0xffff, v58  }
0x16: {  	s17 =	smul.u32 $0x24000, s17;
	[tilespmem:v0+s20+$0xFFFFFFB0 ss:$0x1] =	vst.idx.msk $0xffff, v59  }
0x17: {  	[tilespmem:v0+s20+$0xFFFFFFC0 ss:$0x1] =	vst.idx.msk $0xffff, v60  }
0x18: {  	s15 =	sshll.u32 s15, $0x7;
	s16 =	sshll.u32 s16, $0x4;
	s17 =	sadd.s32 s6, s17;
	[tilespmem:v0+s20+$0xFFFFFFD0 ss:$0x1] =	vst.idx.msk $0xffff, v61  }
0x19: {  	s16 =	sand.u32 $0x70, s16;
	s15 =	sadd.s32 s15, s17;
	[tilespmem:v0+s20+$0xFFFFFFE0 ss:$0x1] =	vst.idx.msk $0xffff, v62  }
0x1a: {  	s15 =	sadd.s32 s16, s15;
	[tilespmem:v0+s20+$0xFFFFFFF0 ss:$0x1] =	vst.idx.msk $0xffff, v63  }
0x1b: {  	[hbm4b:s15+s9] =	stream.strided.scatter [tilespmem:s18], [sflag:$0x2], $0x4000, s10, s9, $0x38;
	[tilespmem:$0x10000] =	vst v63  }
.LBB1_5:
0x1c: {  	s18 =	sadd.s32 $0x80, s11  }
0x1d: {  	s15 =	sadd.s32 $0x8, s12;
	s19 =	smov.u32 s12;
	p2 =	sgt.s32 s18, $0x47F  }
0x1e: {  	s19 =	smov.u32 @p2 s15  }
0x1f: {  	s21 =	smov.u32 s13;
	s15 =	sadd.s32 $0x4, s13;
	p3 =	sgt.s32 s19, $0x7  }
0x20: {  	s21 =	smov.u32 @p3 s15  }
0x21: {  	s18 =	simm.s32 @p2 $0x0;
	p2 =	sgt.s32 s21, $0x14  }
0x22: {  	p1 =	slt.u32 s14, $0x2;
	s21 =	smov.u32 @p2 s3;
	p2 =	sne.s32 s14, s8  }
.Ltmp1:
0x23: {  	s20 =	simm.s32 @!p1 $0x2;
	(pc) =	sbr.rel @!p2 .LBB1_6-.Ltmp1, $4  }
0x24: {  	s16 =	smov.u32 s12;
	s17 =	smov.u32 s13;
	_ =	swait.ge @!p1 [sflag:s20], $0x4000  }
0x25: {  	p0 =	por !p0, !p0;
	[sflag:s20] =	ssyncset.done @!p1 $0x0;
	s19 =	smov.u32 @p3 s7  }
0x26: {  	s15 =	smov.u32 s11;
	[sflag:s20] =	ssyncadd.s32 @!p1 $0xFFFFC000;
	s11 =	smov.u32 s18  }
0x27: {  	s12 =	smov.u32 s19;
	s14 =	sadd.s32 $0x1, s14;
	s13 =	smov.u32 s21  }
.LBB1_1:
0x28: {  	p1 =	sge.u32 s14, s5  }
0x29: {  	s18 =	sand.u32 @!p1 $0x1FFFFFF, s11  }
0x2a: {  	s19 =	smulhi.u32 @!p1 $0xE38E39, s18;
	_ =	sdelay $0x1  }
0x2b: {  	s20 =	smul.u32 @!p1 $0x24000, s13;
	s19 =	sshrl.u32 @!p1 s19, $0x2  }
0x2c: {  	s19 =	smul.u32 @!p1 $0x480, s19  }
0x2d: {  	s31 =	sadd.s32 $0xFFFFFFFF, s14;
	s21 =	smul.u32 @!p1 $0x4800, s12  }
0x2e: {  	s20 =	sadd.s32 @!p1 s2, s20;
	s18 =	ssub.s32 @!p1 s18, s19;
	s19 =	sxor.u32 @!p1 $0xFFFFFFFF, s14  }
0x2f: {  	s20 =	sadd.s32 @!p1 s21, s20;
	s19 =	sshll.u32 @!p1 s19, $0xE;
	s18 =	sshll.u32 @!p1 s18, $0x4  }
0x30: {  	s19 =	sand.u32 @!p1 $0x4000, s19;
	s18 =	sadd.s32 @!p1 s18, s20;
	s20 =	simm.s32 @!p1 $0x0  }
0x31: {  	[tilespmem:s19], [sflag:$0x1] =	stream.linear.gather @!p1 [hbm4b:s18+s20], $0x4000, $0x38;
	[tilespmem:$0x10000] =	vst v63  }
0x32: {  	p1 =	sge.u32 s31, s5  }
.Ltmp2:
0x33: {  	_ = 	snop;
	(pc) =	sbr.rel @p1 .LBB1_5-.Ltmp2, $1  }
0x34: {  	_ =	sdelay $0x3  }
0x35: {  	s18 =	simm.s32 $0x1  }
0x36: {  	s18 =	simm.s32 @!p0 $0x0  }
0x37: {  	s18 =	sshll.u32 s18, $0xE  }
0x38: {  	s19 =	sor.u32 $0x40, s18  }
0x39: {  	v1 =	vmov s19;
	_ =	sdelay $0x1  }
0x3a: {  	_ =	swait.ge [sflag:s4], $0x4000  }
0x3b: {  	[sflag:s4] =	ssyncset.done $0x0  }
0x3c: {  	[sflag:s4] =	ssyncadd.s32 $0xFFFFC000;
	s19 =	simm.s32 $0x0  }
0x3d: {  	s18 =	sor.u32 $0x8070, s18;
	v7 =	vld.idx.msk [tilespmem:v1+s19+$0x30 ss:$0x1], $0xffff  }
0x3e: {  	v0 =	vmov s18;
	v8 =	vld.idx.msk [tilespmem:v1+s19+$0xFFFFFFC0 ss:$0x1], $0xffff  }
0x3f: {  	v6 =	vld.idx.msk [tilespmem:v1+s19+$0xFFFFFFD0 ss:$0x1], $0xffff  }
0x40: {  	v4 =	vld.idx.msk [tilespmem:v1+s19+$0xFFFFFFE0 ss:$0x1], $0xffff  }
0x41: {  	v2 =	vld.idx.msk [tilespmem:v1+s19+$0xFFFFFFF0 ss:$0x1], $0xffff  }
0x42: {  	s31 =	sshll.u32 s14, $0xE;
	v3 =	vld.idx.msk [tilespmem:v1+s19+$0x0 ss:$0x1], $0xffff  }
0x43: {  	s18 =	sand.u32 $0x4000, s31;
	v5 =	vld.idx.msk [tilespmem:v1+s19+$0x10 ss:$0x1], $0xffff;
	[tilespmem:v0+s19+$0x0 ss:$0x1] =	vst.idx.msk $0xffff, v7  }
0x44: {  	s20 =	simm.s32 $0x80;
	s21 =	simm.s32 $0x400;
	s18 =	sor.u32 $0x8000, s18;
	[tilespmem:v0+s19+$0xFFFFFF90 ss:$0x1] =	vst.idx.msk $0xffff, v8;
	v7 =	vld.idx.msk [tilespmem:v1+s19+$0x20 ss:$0x1], $0xffff  }
.LBB1_3:
0x45: {  	p1 =	sne.s32 s21, $0xFE00;
	v8 =	vld.idx.msk [tilespmem:v1+s20+$0x30 ss:$0x1], $0xffff;
	[tilespmem:v0+s19+$0xFFFFFFA0 ss:$0x1] =	vst.idx.msk $0xffff, v6  }
0x46: {  	v9 =	vld.idx.msk [tilespmem:v1+s20+$0xFFFFFFC0 ss:$0x1], $0xffff;
	[tilespmem:v0+s19+$0xFFFFFFB0 ss:$0x1] =	vst.idx.msk $0xffff, v4  }
0x47: {  	v6 =	vld.idx.msk [tilespmem:v1+s20+$0xFFFFFFD0 ss:$0x1], $0xffff;
	[tilespmem:v0+s19+$0xFFFFFFC0 ss:$0x1] =	vst.idx.msk $0xffff, v2  }
.Ltmp3:
0x48: {  	v4 =	vld.idx.msk [tilespmem:v1+s20+$0xFFFFFFE0 ss:$0x1], $0xffff;
	[tilespmem:v0+s19+$0xFFFFFFD0 ss:$0x1] =	vst.idx.msk $0xffff, v3;
	(pc) =	sbr.rel @p1 .LBB1_3-.Ltmp3, $4  }
0x49: {  	v2 =	vld.idx.msk [tilespmem:v1+s20+$0xFFFFFFF0 ss:$0x1], $0xffff;
	[tilespmem:v0+s19+$0xFFFFFFE0 ss:$0x1] =	vst.idx.msk $0xffff, v5  }
0x4a: {  	v3 =	vld.idx.msk [tilespmem:v1+s20+$0x0 ss:$0x1], $0xffff;
	[tilespmem:v0+s19+$0xFFFFFFF0 ss:$0x1] =	vst.idx.msk $0xffff, v7;
	s19 =	smov.u32 s20  }
0x4b: {  	v5 =	vld.idx.msk [tilespmem:v1+s19+$0x10 ss:$0x1], $0xffff;
	[tilespmem:v0+s19+$0x0 ss:$0x1] =	vst.idx.msk $0xffff, v8  }
0x4c: {  	s20 =	sshra.s32 s21, $0x2;
	s21 =	sadd.s32 $0x200, s21;
	[tilespmem:v0+s19+$0xFFFFFF90 ss:$0x1] =	vst.idx.msk $0xffff, v9;
	v7 =	vld.idx.msk [tilespmem:v1+s19+$0x20 ss:$0x1], $0xffff  }
.Ltmp4:
0x4d: {  	_ = 	snop;
	(pc) =	sbr.rel .LBB1_4-.Ltmp4, $1  }
0x4e: {  	_ =	sdelay $0x3  }
.LBB1_6:
0x4f: {  	_ =	sfence.sel $0x180000  }
0x50: {  	s2 =	simm.s32 $0x1;
	[bflag:$0x0] =	sbarrier.arrive $0xFFFF  }
0x51: {  	s31 =	simm.s32 $0x2;
	[sflag:s2] =	ssyncpa.u1 $0x1  }
0x52: {  	[sflag:s31] =	ssyncpa.u1 $0x1  }
0x53: {  	p0 =	sne.s32 s1, $0x0;
	_ =	strace $0x90000047  }
0x54: {  	s0 =	sadd.s32 @!p0 $0x100000, s0;
	[bflag:$0x2] =	sbarrier.arrive $0xFFFF  }
0x55: {  	[sflag:s0] =	ssyncadd.tile.s32 @!p0 $0x1;
	_ =	shalt  }
.Lfunc_end1:
_tile_overlayer_lowered:
.L_overlay_start_2:
0x56: {  	(tag) =	ssettag $0x2  }
0x57: {  	s0 =	rddreg [dreg:$0x0];
	s2 =	stileid.u32  }
0x58: {  	s1 =	rddreg [dreg:$0x1];
	p0 =	sne.s32 s2, $0x0  }
0x59: {  	s3 =	rddreg [dreg:$0x2];
	[bflag:$0x3] =	sbarrier.arrive $0xFFFF;
	s2 =	simm.s32 @!p0 $0x1C01  }
0x5a: {  	[timem:s3], [sflag:s2] =	dma.local @!p0 [hbm:s0], s1  }
0x5b: {  	s0 =	simm.s32 @!p0 $0x1  }
0x5c: {  	_ =	swait.ge @!p0 [sflag:s0], s1  }
0x5d: {  	s1 =	ssub.s32 @!p0 $0x0, s1;
	[sflag:s0] =	ssyncset.done @!p0 $0x0  }
0x5e: {  	[sflag:s0] =	ssyncadd.s32 @!p0 s1  }
0x5f: {  	[bflag:$0x3] =	sbarrier.arrive $0xFFFF  }
0x60: {  	_ =	shalt  }

</sc_bundles>
